<compile_context>
chip_gen: v7x
topology: tpu7x:2x2x1
jax: 0.10.2.dev20260603
libtpu: 0.0.44.dev20260713+nightly
codegen_flags: <defaults>
</compile_context>

<pallas_src>
import functools

import jax
import jax.numpy as jnp
from jax import lax
from jax.experimental import pallas as pl
from jax.experimental.pallas import tpu as pltpu
from jax.experimental.pallas import tpu_sc as plsc

S = 16384
HL = 1024
HR = 256
W = HL + 2 * HR
L = 16

NC = 2
NS = 16
NW = NC * NS
BW = S // NW
RPC = 16
NCH = BW // RPC


@functools.partial(
    pl.kernel,
    mesh=plsc.VectorSubcoreMesh(core_axis_name="c", subcore_axis_name="s"),
    compiler_params=pltpu.CompilerParams(needs_layout_passes=False),
    out_type=jax.ShapeDtypeStruct((S, W), jnp.float32),
    scratch_types=[
        pltpu.SMEM((BW,), jnp.int32),
        pltpu.SMEM((BW,), jnp.int32),
        pltpu.SMEM((BW,), jnp.int32),
        pltpu.VMEM((BW,), jnp.int32),
        pltpu.VMEM((5 * HL,), jnp.float32),
        pltpu.VMEM((50 * HR,), jnp.float32),
        pltpu.VMEM((50 * HR,), jnp.float32),
        pltpu.VMEM((RPC, W), jnp.float32),
        pltpu.VMEM((RPC, W), jnp.float32),
        pltpu.SemaphoreType.DMA,
        pltpu.SemaphoreType.DMA,
        pltpu.SemaphoreType.DMA,
    ],
)
def _sc_embed(pk_i_hbm, lab_w_hbm, row_w_hbm,
              col_w_hbm, out_hbm, lab_i, row_i, col_i, idx_v, lab_w_v,
              row_w_v, col_w_v, buf0, buf1, ssem0, ssem1, stsem):
    wid = lax.axis_index("s") * NC + lax.axis_index("c")
    iota = lax.iota(jnp.int32, L)

    i1 = pltpu.async_copy(pk_i_hbm.at[wid], idx_v, stsem)
    t1 = pltpu.async_copy(lab_w_hbm, lab_w_v, stsem)
    t2 = pltpu.async_copy(row_w_hbm, row_w_v, stsem)
    t3 = pltpu.async_copy(col_w_hbm, col_w_v, stsem)
    i1.wait()

    @plsc.parallel_loop(0, BW // L, unroll=2)
    def vbody(vc):
        v = idx_v[pl.ds(vc * L, L)]
        for r in range(L):
            s = jnp.sum(jnp.where(iota == r, v, 0))
            lab_i[vc * L + r] = s >> 12
            row_i[vc * L + r] = (s >> 6) & 0x3F
            col_i[vc * L + r] = s & 0x3F

    t1.wait()
    t2.wait()
    t3.wait()

    PD = 8

    def assemble(c, buf):
        @plsc.parallel_loop(0, RPC, unroll=1)
        def rowbody(r):
            i = c * RPC + r
            ls = lab_i[i] * HL
            rs = row_i[i] * HR
            cs = col_i[i] * HR
            groups = (
                [(lab_w_v, ls + L * k, L * k) for k in range(HL // L)]
                + [(row_w_v, rs + L * k, HL + L * k)
                   for k in range(HR // L)]
                + [(col_w_v, cs + L * k, HL + HR + L * k)
                   for k in range(HR // L)])
            n = len(groups)
            loaded = [ref[pl.ds(base, L)] for ref, base, _ in groups[:PD]]
            for gi in range(PD, n):
                _, _, off = groups[gi - PD]
                buf[r, pl.ds(off, L)] = loaded[gi - PD]
                ref, base, _ = groups[gi]
                loaded.append(ref[pl.ds(base, L)])
            for gi in range(n - PD, n):
                _, _, off = groups[gi]
                buf[r, pl.ds(off, L)] = loaded[gi]

    H = RPC // 2

    def wr(buf, c, sem):
        pltpu.async_copy(
            buf.at[pl.ds(0, H)],
            out_hbm.at[pl.ds(wid * BW + c * RPC, H)], sem)
        pltpu.async_copy(
            buf.at[pl.ds(H, H)],
            out_hbm.at[pl.ds(wid * BW + c * RPC + H, H)], sem)

    def wr_wait(buf, c, sem):
        pltpu.make_async_copy(
            buf.at[pl.ds(0, H)],
            out_hbm.at[pl.ds(wid * BW + c * RPC, H)], sem).wait()
        pltpu.make_async_copy(
            buf.at[pl.ds(H, H)],
            out_hbm.at[pl.ds(wid * BW + c * RPC + H, H)], sem).wait()

    def body(g, carry):
        c0 = 2 * g
        c1 = c0 + 1

        @pl.when(g > 0)
        def _():
            wr_wait(buf0, c0 - 2, ssem0)

        assemble(c0, buf0)
        wr(buf0, c0, ssem0)

        @pl.when(g > 0)
        def _():
            wr_wait(buf1, c1 - 2, ssem1)

        assemble(c1, buf1)
        wr(buf1, c1, ssem1)
        return carry

    lax.fori_loop(0, NCH // 2, body, 0)
    wr_wait(buf0, NCH - 2, ssem0)
    wr_wait(buf1, NCH - 1, ssem1)


def kernel(label, label_logits, row_id, column_id, epoch, label_emb_w,
           row_emb_w, col_emb_w):
    del label_logits, epoch
    pk_i = ((label.astype(jnp.int32) << 12)
            | (row_id.astype(jnp.int32) << 6)
            | column_id.astype(jnp.int32)).reshape(NW, BW)
    return _sc_embed(pk_i, label_emb_w.reshape(-1),
                     row_emb_w.reshape(-1), col_emb_w.reshape(-1))

# --- scband reference (transcript-rebuilt; emitter-appended) ---
"""Pipeline reference for scband-reembeddings-12008728559657 (READ-ONLY COPY).

The authoritative reference and input builder live on the scoring server;
editing this copy changes nothing except your own understanding.
"""

import jax, jax.numpy as jnp
import numpy as np

S = 16384
H = 1024

def setup_inputs(seed: int = 0) -> dict:
    key = jax.random.key(seed)
    ks = jax.random.split(key, 7)
    label = jax.random.randint(ks[0], (S,), 0, 5)
    label_logits = jax.random.normal(ks[1], (S, 5), dtype=jnp.float32)
    row_id = jax.random.randint(ks[2], (S,), 0, 50)
    column_id = jax.random.randint(ks[3], (S,), 0, 50)
    epoch = 10  # < begin_epoch (150) -> hard-embedding branch, matching eval/early-training behavior
    label_emb_w = jax.random.normal(ks[4], (5, H), dtype=jnp.float32) * 0.02
    row_emb_w = jax.random.normal(ks[5], (50, H // 4), dtype=jnp.float32) * 0.02
    col_emb_w = jax.random.normal(ks[6], (50, H // 4), dtype=jnp.float32) * 0.02
    return {
        "label": label,
        "label_logits": label_logits,
        "row_id": row_id,
        "column_id": column_id,
        "epoch": epoch,
        "label_emb_w": label_emb_w,
        "row_emb_w": row_emb_w,
        "col_emb_w": col_emb_w,
    }

def reference(label, label_logits, row_id, column_id, epoch, label_emb_w, row_emb_w, col_emb_w):
    begin_epoch = 150
    # epoch (10) < begin_epoch, so the soft/hard mixing branch is NOT taken
    # (identical to torch forward in eval mode or early epochs):
    label_embedding = jnp.take(label_emb_w, label, axis=0)
    # use_special=True path: gather row/column embeddings and concat
    row_embedding = jnp.take(row_emb_w, row_id, axis=0)
    column_embedding = jnp.take(col_emb_w, column_id, axis=0)
    final_embeddings = jnp.concatenate([label_embedding, row_embedding, column_embedding], axis=-1)
    return final_embeddings

if __name__ == "__main__":
    import jax
    _d = setup_inputs()
    print(jax.jit(kernel)(*tuple(_d.values())))

</pallas_src>

<mosaic_0001>
#map = affine_map<(d0, d1) -> (0, 0)>
#map1 = affine_map<(d0, d1) -> (0)>
module attributes {stable_mosaic.version = 14 : i64} {
  func.func @_sc_embed(%arg0: i32, %arg1: i32, %arg2: memref<32x512xi32, #tpu.memory_space<hbm>>, %arg3: memref<5120xf32, #tpu.memory_space<hbm>>, %arg4: memref<12800xf32, #tpu.memory_space<hbm>>, %arg5: memref<12800xf32, #tpu.memory_space<hbm>>, %arg6: memref<16384x1536xf32, #tpu.memory_space<hbm>>, %arg7: memref<512xi32, #tpu.memory_space<smem>>, %arg8: memref<512xi32, #tpu.memory_space<smem>>, %arg9: memref<512xi32, #tpu.memory_space<smem>>, %arg10: memref<512xi32, #tpu.memory_space<vmem>>, %arg11: memref<5120xf32, #tpu.memory_space<vmem>>, %arg12: memref<12800xf32, #tpu.memory_space<vmem>>, %arg13: memref<12800xf32, #tpu.memory_space<vmem>>, %arg14: memref<16x1536xf32, #tpu.memory_space<vmem>>, %arg15: memref<16x1536xf32, #tpu.memory_space<vmem>>, %arg16: memref<!tpu.dma_semaphore, #tpu.memory_space<semaphore_mem>>, %arg17: memref<!tpu.dma_semaphore, #tpu.memory_space<semaphore_mem>>, %arg18: memref<!tpu.dma_semaphore, #tpu.memory_space<semaphore_mem>>) attributes {dimension_semantics = [#tpu.dimension_semantics<core_parallel>, #tpu.dimension_semantics<subcore_parallel>], iteration_bounds = array<i64: 2, 16>, scalar_prefetch = 0 : i64, scratch_operands = 12 : i64, tpu.core_type = #tpu.core_type<sc_vector_subcore>, window_params = [{transform_indices = #map}, {transform_indices = #map1}, {transform_indices = #map1}, {transform_indices = #map1}, {transform_indices = #map}]} {
    %mul3A = arith.constant 2 : i32
    %mul3A_0 = arith.muli %arg1, %mul3A : i32
    %add3A = arith.addi %mul3A_0, %arg0 : i32
    %iota3A = tpu.iota {dimensions = array<i32: 0>} : vector<16xi32>
    %dma_start3A = arith.constant 0 : i32
    %dma_start3A_1 = tpu.memref_slice %arg2[%add3A, %dma_start3A] : memref<32x512xi32, #tpu.memory_space<hbm>> -> memref<1x512xi32, #tpu.memory_space<hbm>>
    %dma_start3A_2 = tpu.memref_squeeze %dma_start3A_1 : memref<1x512xi32, #tpu.memory_space<hbm>> -> memref<512xi32, #tpu.memory_space<hbm>>
    %dma_start3A_3 = arith.constant 0 : i32
    %dma_start3A_4 = tpu.memref_slice %arg2[%add3A, %dma_start3A_3] : memref<32x512xi32, #tpu.memory_space<hbm>> -> memref<1x512xi32, #tpu.memory_space<hbm>>
    %dma_start3A_5 = tpu.memref_squeeze %dma_start3A_4 : memref<1x512xi32, #tpu.memory_space<hbm>> -> memref<512xi32, #tpu.memory_space<hbm>>
    tpu.enqueue_dma source(%dma_start3A_5 : memref<512xi32, #tpu.memory_space<hbm>>) target(%arg10 : memref<512xi32, #tpu.memory_space<vmem>>) target_semaphore(%arg18 : memref<!tpu.dma_semaphore, #tpu.memory_space<semaphore_mem>>)
    tpu.enqueue_dma source(%arg3 : memref<5120xf32, #tpu.memory_space<hbm>>) target(%arg11 : memref<5120xf32, #tpu.memory_space<vmem>>) target_semaphore(%arg18 : memref<!tpu.dma_semaphore, #tpu.memory_space<semaphore_mem>>)
    tpu.enqueue_dma source(%arg4 : memref<12800xf32, #tpu.memory_space<hbm>>) target(%arg12 : memref<12800xf32, #tpu.memory_space<vmem>>) target_semaphore(%arg18 : memref<!tpu.dma_semaphore, #tpu.memory_space<semaphore_mem>>)
    tpu.enqueue_dma source(%arg5 : memref<12800xf32, #tpu.memory_space<hbm>>) target(%arg13 : memref<12800xf32, #tpu.memory_space<vmem>>) target_semaphore(%arg18 : memref<!tpu.dma_semaphore, #tpu.memory_space<semaphore_mem>>)
    %dma_wait3A = arith.constant 0 : i32
    %dma_wait3A_6 = tpu.memref_slice %arg2[%add3A, %dma_wait3A] : memref<32x512xi32, #tpu.memory_space<hbm>> -> memref<1x512xi32, #tpu.memory_space<hbm>>
    %dma_wait3A_7 = tpu.memref_squeeze %dma_wait3A_6 : memref<1x512xi32, #tpu.memory_space<hbm>> -> memref<512xi32, #tpu.memory_space<hbm>>
    %dma_wait3A_8 = arith.constant 0 : i32
    %dma_wait3A_9 = tpu.memref_slice %arg2[%add3A, %dma_wait3A_8] : memref<32x512xi32, #tpu.memory_space<hbm>> -> memref<1x512xi32, #tpu.memory_space<hbm>>
    %dma_wait3A_10 = tpu.memref_squeeze %dma_wait3A_9 : memref<1x512xi32, #tpu.memory_space<hbm>> -> memref<512xi32, #tpu.memory_space<hbm>>
    tpu.wait_dma2 semaphore(%arg18 : memref<!tpu.dma_semaphore, #tpu.memory_space<semaphore_mem>>) src(%dma_wait3A_10 : memref<512xi32, #tpu.memory_space<hbm>>) dst(%arg10 : memref<512xi32, #tpu.memory_space<vmem>>)
    %parallel_loop3A = arith.constant 0 : i32
    %parallel_loop3A_11 = arith.constant 32 : i32
    %parallel_loop3A_12 = arith.constant 1 : i32
    scf.for %parallel_loop3A_78 = %parallel_loop3A to %parallel_loop3A_11 step %parallel_loop3A_12  : i32 {
      %parallel_loop3A_79 = arith.constant 16 : i32
      %parallel_loop3A_80 = arith.muli %parallel_loop3A_78, %parallel_loop3A_79 : i32
      %parallel_loop3A_81 = arith.index_cast %parallel_loop3A_80 : i32 to index
      %parallel_loop3A_82 = tpu.vector_load %arg10[%parallel_loop3A_81] {strides = array<i32>} : memref<512xi32, #tpu.memory_space<vmem>>, vector<16xi32>,
      %parallel_loop3A_83 = arith.constant 0 : i32
      %parallel_loop3A_84 = vector.broadcast %parallel_loop3A_83 : i32 to vector<16xi32>
      %parallel_loop3A_85 = arith.cmpi eq, %iota3A, %parallel_loop3A_84 : vector<16xi32>
      %parallel_loop3A_86 = arith.constant 0 : i32
      %parallel_loop3A_87 = vector.broadcast %parallel_loop3A_86 : i32 to vector<16xi32>
      %parallel_loop3A_88 = arith.select %parallel_loop3A_85, %parallel_loop3A_82, %parallel_loop3A_87 : vector<16xi1>, vector<16xi32>
      %parallel_loop3A_89 = arith.constant true
      %parallel_loop3A_90 = vector.broadcast %parallel_loop3A_89 : i1 to vector<16xi1>
      %parallel_loop3A_91 = tpu.scan <sum>, %parallel_loop3A_88 masked %parallel_loop3A_90 : vector<16xi32>, vector<16xi1> -> vector<16xi32>
      %parallel_loop3A_92 = vector.extract %parallel_loop3A_91[15] : i32 from vector<16xi32>
      %parallel_loop3A_93 = arith.constant 12 : i32
      %parallel_loop3A_94 = arith.shrsi %parallel_loop3A_92, %parallel_loop3A_93 : i32
      %parallel_loop3A_95 = arith.constant 16 : i32
      %parallel_loop3A_96 = arith.muli %parallel_loop3A_78, %parallel_loop3A_95 : i32
      %parallel_loop3A_97 = arith.constant 0 : i32
      %parallel_loop3A_98 = arith.addi %parallel_loop3A_96, %parallel_loop3A_97 : i32
      %parallel_loop3A_99 = arith.index_cast %parallel_loop3A_98 : i32 to index
      %parallel_loop3A_100 = memref.load %arg7[%parallel_loop3A_99] : memref<512xi32, #tpu.memory_space<smem>>
      memref.store %parallel_loop3A_94, %arg7[%parallel_loop3A_99] : memref<512xi32, #tpu.memory_space<smem>>
      %parallel_loop3A_101 = arith.constant 6 : i32
      %parallel_loop3A_102 = arith.shrsi %parallel_loop3A_92, %parallel_loop3A_101 : i32
      %parallel_loop3A_103 = arith.constant 63 : i32
      %parallel_loop3A_104 = arith.andi %parallel_loop3A_102, %parallel_loop3A_103 : i32
      %parallel_loop3A_105 = arith.constant 16 : i32
      %parallel_loop3A_106 = arith.muli %parallel_loop3A_78, %parallel_loop3A_105 : i32
      %parallel_loop3A_107 = arith.constant 0 : i32
      %parallel_loop3A_108 = arith.addi %parallel_loop3A_106, %parallel_loop3A_107 : i32
      %parallel_loop3A_109 = arith.index_cast %parallel_loop3A_108 : i32 to index
      %parallel_loop3A_110 = memref.load %arg8[%parallel_loop3A_109] : memref<512xi32, #tpu.memory_space<smem>>
      memref.store %parallel_loop3A_104, %arg8[%parallel_loop3A_109] : memref<512xi32, #tpu.memory_space<smem>>
      %parallel_loop3A_111 = arith.constant 63 : i32
      %parallel_loop3A_112 = arith.andi %parallel_loop3A_92, %parallel_loop3A_111 : i32
      %parallel_loop3A_113 = arith.constant 16 : i32
      %parallel_loop3A_114 = arith.muli %parallel_loop3A_78, %parallel_loop3A_113 : i32
      %parallel_loop3A_115 = arith.constant 0 : i32
      %parallel_loop3A_116 = arith.addi %parallel_loop3A_114, %parallel_loop3A_115 : i32
      %parallel_loop3A_117 = arith.index_cast %parallel_loop3A_116 : i32 to index
      %parallel_loop3A_118 = memref.load %arg9[%parallel_loop3A_117] : memref<512xi32, #tpu.memory_space<smem>>
      memref.store %parallel_loop3A_112, %arg9[%parallel_loop3A_117] : memref<512xi32, #tpu.memory_space<smem>>
      %parallel_loop3A_119 = arith.constant 1 : i32
      %parallel_loop3A_120 = vector.broadcast %parallel_loop3A_119 : i32 to vector<16xi32>
      %parallel_loop3A_121 = arith.cmpi eq, %iota3A, %parallel_loop3A_120 : vector<16xi32>
      %parallel_loop3A_122 = arith.constant 0 : i32
      %parallel_loop3A_123 = vector.broadcast %parallel_loop3A_122 : i32 to vector<16xi32>
      %parallel_loop3A_124 = arith.select %parallel_loop3A_121, %parallel_loop3A_82, %parallel_loop3A_123 : vector<16xi1>, vector<16xi32>
      %parallel_loop3A_125 = arith.constant true
      %parallel_loop3A_126 = vector.broadcast %parallel_loop3A_125 : i1 to vector<16xi1>
      %parallel_loop3A_127 = tpu.scan <sum>, %parallel_loop3A_124 masked %parallel_loop3A_126 : vector<16xi32>, vector<16xi1> -> vector<16xi32>
      %parallel_loop3A_128 = vector.extract %parallel_loop3A_127[15] : i32 from vector<16xi32>
      %parallel_loop3A_129 = arith.constant 12 : i32
      %parallel_loop3A_130 = arith.shrsi %parallel_loop3A_128, %parallel_loop3A_129 : i32
      %parallel_loop3A_131 = arith.constant 16 : i32
      %parallel_loop3A_132 = arith.muli %parallel_loop3A_78, %parallel_loop3A_131 : i32
      %parallel_loop3A_133 = arith.constant 1 : i32
      %parallel_loop3A_134 = arith.addi %parallel_loop3A_132, %parallel_loop3A_133 : i32
      %parallel_loop3A_135 = arith.index_cast %parallel_loop3A_134 : i32 to index
      %parallel_loop3A_136 = memref.load %arg7[%parallel_loop3A_135] : memref<512xi32, #tpu.memory_space<smem>>
      memref.store %parallel_loop3A_130, %arg7[%parallel_loop3A_135] : memref<512xi32, #tpu.memory_space<smem>>
      %parallel_loop3A_137 = arith.constant 6 : i32
      %parallel_loop3A_138 = arith.shrsi %parallel_loop3A_128, %parallel_loop3A_137 : i32
      %parallel_loop3A_139 = arith.constant 63 : i32
      %parallel_loop3A_140 = arith.andi %parallel_loop3A_138, %parallel_loop3A_139 : i32
      %parallel_loop3A_141 = arith.constant 16 : i32
      %parallel_loop3A_142 = arith.muli %parallel_loop3A_78, %parallel_loop3A_141 : i32
      %parallel_loop3A_143 = arith.constant 1 : i32
      %parallel_loop3A_144 = arith.addi %parallel_loop3A_142, %parallel_loop3A_143 : i32
      %parallel_loop3A_145 = arith.index_cast %parallel_loop3A_144 : i32 to index
      %parallel_loop3A_146 = memref.load %arg8[%parallel_loop3A_145] : memref<512xi32, #tpu.memory_space<smem>>
      memref.store %parallel_loop3A_140, %arg8[%parallel_loop3A_145] : memref<512xi32, #tpu.memory_space<smem>>
      %parallel_loop3A_147 = arith.constant 63 : i32
      %parallel_loop3A_148 = arith.andi %parallel_loop3A_128, %parallel_loop3A_147 : i32
      %parallel_loop3A_149 = arith.constant 16 : i32
      %parallel_loop3A_150 = arith.muli %parallel_loop3A_78, %parallel_loop3A_149 : i32
      %parallel_loop3A_151 = arith.constant 1 : i32
      %parallel_loop3A_152 = arith.addi %parallel_loop3A_150, %parallel_loop3A_151 : i32
      %parallel_loop3A_153 = arith.index_cast %parallel_loop3A_152 : i32 to index
      %parallel_loop3A_154 = memref.load %arg9[%parallel_loop3A_153] : memref<512xi32, #tpu.memory_space<smem>>
      memref.store %parallel_loop3A_148, %arg9[%parallel_loop3A_153] : memref<512xi32, #tpu.memory_space<smem>>
      %parallel_loop3A_155 = arith.constant 2 : i32
      %parallel_loop3A_156 = vector.broadcast %parallel_loop3A_155 : i32 to vector<16xi32>
      %parallel_loop3A_157 = arith.cmpi eq, %iota3A, %parallel_loop3A_156 : vector<16xi32>
      %parallel_loop3A_158 = arith.constant 0 : i32
      %parallel_loop3A_159 = vector.broadcast %parallel_loop3A_158 : i32 to vector<16xi32>
      %parallel_loop3A_160 = arith.select %parallel_loop3A_157, %parallel_loop3A_82, %parallel_loop3A_159 : vector<16xi1>, vector<16xi32>
      %parallel_loop3A_161 = arith.constant true
      %parallel_loop3A_162 = vector.broadcast %parallel_loop3A_161 : i1 to vector<16xi1>
      %parallel_loop3A_163 = tpu.scan <sum>, %parallel_loop3A_160 masked %parallel_loop3A_162 : vector<16xi32>, vector<16xi1> -> vector<16xi32>
      %parallel_loop3A_164 = vector.extract %parallel_loop3A_163[15] : i32 from vector<16xi32>
      %parallel_loop3A_165 = arith.constant 12 : i32
      %parallel_loop3A_166 = arith.shrsi %parallel_loop3A_164, %parallel_loop3A_165 : i32
      %parallel_loop3A_167 = arith.constant 16 : i32
      %parallel_loop3A_168 = arith.muli %parallel_loop3A_78, %parallel_loop3A_167 : i32
      %parallel_loop3A_169 = arith.constant 2 : i32
      %parallel_loop3A_170 = arith.addi %parallel_loop3A_168, %parallel_loop3A_169 : i32
      %parallel_loop3A_171 = arith.index_cast %parallel_loop3A_170 : i32 to index
      %parallel_loop3A_172 = memref.load %arg7[%parallel_loop3A_171] : memref<512xi32, #tpu.memory_space<smem>>
      memref.store %parallel_loop3A_166, %arg7[%parallel_loop3A_171] : memref<512xi32, #tpu.memory_space<smem>>
      %parallel_loop3A_173 = arith.constant 6 : i32
      %parallel_loop3A_174 = arith.shrsi %parallel_loop3A_164, %parallel_loop3A_173 : i32
      %parallel_loop3A_175 = arith.constant 63 : i32
      %parallel_loop3A_176 = arith.andi %parallel_loop3A_174, %parallel_loop3A_175 : i32
      %parallel_loop3A_177 = arith.constant 16 : i32
      %parallel_loop3A_178 = arith.muli %parallel_loop3A_78, %parallel_loop3A_177 : i32
      %parallel_loop3A_179 = arith.constant 2 : i32
      %parallel_loop3A_180 = arith.addi %parallel_loop3A_178, %parallel_loop3A_179 : i32
      %parallel_loop3A_181 = arith.index_cast %parallel_loop3A_180 : i32 to index
      %parallel_loop3A_182 = memref.load %arg8[%parallel_loop3A_181] : memref<512xi32, #tpu.memory_space<smem>>
      memref.store %parallel_loop3A_176, %arg8[%parallel_loop3A_181] : memref<512xi32, #tpu.memory_space<smem>>
      %parallel_loop3A_183 = arith.constant 63 : i32
      %parallel_loop3A_184 = arith.andi %parallel_loop3A_164, %parallel_loop3A_183 : i32
      %parallel_loop3A_185 = arith.constant 16 : i32
      %parallel_loop3A_186 = arith.muli %parallel_loop3A_78, %parallel_loop3A_185 : i32
      %parallel_loop3A_187 = arith.constant 2 : i32
      %parallel_loop3A_188 = arith.addi %parallel_loop3A_186, %parallel_loop3A_187 : i32
      %parallel_loop3A_189 = arith.index_cast %parallel_loop3A_188 : i32 to index
      %parallel_loop3A_190 = memref.load %arg9[%parallel_loop3A_189] : memref<512xi32, #tpu.memory_space<smem>>
      memref.store %parallel_loop3A_184, %arg9[%parallel_loop3A_189] : memref<512xi32, #tpu.memory_space<smem>>
      %parallel_loop3A_191 = arith.constant 3 : i32
      %parallel_loop3A_192 = vector.broadcast %parallel_loop3A_191 : i32 to vector<16xi32>
      %parallel_loop3A_193 = arith.cmpi eq, %iota3A, %parallel_loop3A_192 : vector<16xi32>
      %parallel_loop3A_194 = arith.constant 0 : i32
      %parallel_loop3A_195 = vector.broadcast %parallel_loop3A_194 : i32 to vector<16xi32>
      %parallel_loop3A_196 = arith.select %parallel_loop3A_193, %parallel_loop3A_82, %parallel_loop3A_195 : vector<16xi1>, vector<16xi32>
      %parallel_loop3A_197 = arith.constant true
      %parallel_loop3A_198 = vector.broadcast %parallel_loop3A_197 : i1 to vector<16xi1>
      %parallel_loop3A_199 = tpu.scan <sum>, %parallel_loop3A_196 masked %parallel_loop3A_198 : vector<16xi32>, vector<16xi1> -> vector<16xi32>
      %parallel_loop3A_200 = vector.extract %parallel_loop3A_199[15] : i32 from vector<16xi32>
      %parallel_loop3A_201 = arith.constant 12 : i32
      %parallel_loop3A_202 = arith.shrsi %parallel_loop3A_200, %parallel_loop3A_201 : i32
      %parallel_loop3A_203 = arith.constant 16 : i32
      %parallel_loop3A_204 = arith.muli %parallel_loop3A_78, %parallel_loop3A_203 : i32
      %parallel_loop3A_205 = arith.constant 3 : i32
      %parallel_loop3A_206 = arith.addi %parallel_loop3A_204, %parallel_loop3A_205 : i32
      %parallel_loop3A_207 = arith.index_cast %parallel_loop3A_206 : i32 to index
      %parallel_loop3A_208 = memref.load %arg7[%parallel_loop3A_207] : memref<512xi32, #tpu.memory_space<smem>>
      memref.store %parallel_loop3A_202, %arg7[%parallel_loop3A_207] : memref<512xi32, #tpu.memory_space<smem>>
      %parallel_loop3A_209 = arith.constant 6 : i32
      %parallel_loop3A_210 = arith.shrsi %parallel_loop3A_200, %parallel_loop3A_209 : i32
      %parallel_loop3A_211 = arith.constant 63 : i32
      %parallel_loop3A_212 = arith.andi %parallel_loop3A_210, %parallel_loop3A_211 : i32
      %parallel_loop3A_213 = arith.constant 16 : i32
      %parallel_loop3A_214 = arith.muli %parallel_loop3A_78, %parallel_loop3A_213 : i32
      %parallel_loop3A_215 = arith.constant 3 : i32
      %parallel_loop3A_216 = arith.addi %parallel_loop3A_214, %parallel_loop3A_215 : i32
      %parallel_loop3A_217 = arith.index_cast %parallel_loop3A_216 : i32 to index
      %parallel_loop3A_218 = memref.load %arg8[%parallel_loop3A_217] : memref<512xi32, #tpu.memory_space<smem>>
      memref.store %parallel_loop3A_212, %arg8[%parallel_loop3A_217] : memref<512xi32, #tpu.memory_space<smem>>
      %parallel_loop3A_219 = arith.constant 63 : i32
      %parallel_loop3A_220 = arith.andi %parallel_loop3A_200, %parallel_loop3A_219 : i32
      %parallel_loop3A_221 = arith.constant 16 : i32
      %parallel_loop3A_222 = arith.muli %parallel_loop3A_78, %parallel_loop3A_221 : i32
      %parallel_loop3A_223 = arith.constant 3 : i32
      %parallel_loop3A_224 = arith.addi %parallel_loop3A_222, %parallel_loop3A_223 : i32
      %parallel_loop3A_225 = arith.index_cast %parallel_loop3A_224 : i32 to index
      %parallel_loop3A_226 = memref.load %arg9[%parallel_loop3A_225] : memref<512xi32, #tpu.memory_space<smem>>
      memref.store %parallel_loop3A_220, %arg9[%parallel_loop3A_225] : memref<512xi32, #tpu.memory_space<smem>>
      %parallel_loop3A_227 = arith.constant 4 : i32
      %parallel_loop3A_228 = vector.broadcast %parallel_loop3A_227 : i32 to vector<16xi32>
      %parallel_loop3A_229 = arith.cmpi eq, %iota3A, %parallel_loop3A_228 : vector<16xi32>
      %parallel_loop3A_230 = arith.constant 0 : i32
      %parallel_loop3A_231 = vector.broadcast %parallel_loop3A_230 : i32 to vector<16xi32>
      %parallel_loop3A_232 = arith.select %parallel_loop3A_229, %parallel_loop3A_82, %parallel_loop3A_231 : vector<16xi1>, vector<16xi32>
      %parallel_loop3A_233 = arith.constant true
      %parallel_loop3A_234 = vector.broadcast %parallel_loop3A_233 : i1 to vector<16xi1>
      %parallel_loop3A_235 = tpu.scan <sum>, %parallel_loop3A_232 masked %parallel_loop3A_234 : vector<16xi32>, vector<16xi1> -> vector<16xi32>
      %parallel_loop3A_236 = vector.extract %parallel_loop3A_235[15] : i32 from vector<16xi32>
      %parallel_loop3A_237 = arith.constant 12 : i32
      %parallel_loop3A_238 = arith.shrsi %parallel_loop3A_236, %parallel_loop3A_237 : i32
      %parallel_loop3A_239 = arith.constant 16 : i32
      %parallel_loop3A_240 = arith.muli %parallel_loop3A_78, %parallel_loop3A_239 : i32
      %parallel_loop3A_241 = arith.constant 4 : i32
      %parallel_loop3A_242 = arith.addi %parallel_loop3A_240, %parallel_loop3A_241 : i32
      %parallel_loop3A_243 = arith.index_cast %parallel_loop3A_242 : i32 to index
      %parallel_loop3A_244 = memref.load %arg7[%parallel_loop3A_243] : memref<512xi32, #tpu.memory_space<smem>>
      memref.store %parallel_loop3A_238, %arg7[%parallel_loop3A_243] : memref<512xi32, #tpu.memory_space<smem>>
      %parallel_loop3A_245 = arith.constant 6 : i32
      %parallel_loop3A_246 = arith.shrsi %parallel_loop3A_236, %parallel_loop3A_245 : i32
      %parallel_loop3A_247 = arith.constant 63 : i32
      %parallel_loop3A_248 = arith.andi %parallel_loop3A_246, %parallel_loop3A_247 : i32
      %parallel_loop3A_249 = arith.constant 16 : i32
      %parallel_loop3A_250 = arith.muli %parallel_loop3A_78, %parallel_loop3A_249 : i32
      %parallel_loop3A_251 = arith.constant 4 : i32
      %parallel_loop3A_252 = arith.addi %parallel_loop3A_250, %parallel_loop3A_251 : i32
      %parallel_loop3A_253 = arith.index_cast %parallel_loop3A_252 : i32 to index
      %parallel_loop3A_254 = memref.load %arg8[%parallel_loop3A_253] : memref<512xi32, #tpu.memory_space<smem>>
      memref.store %parallel_loop3A_248, %arg8[%parallel_loop3A_253] : memref<512xi32, #tpu.memory_space<smem>>
      %parallel_loop3A_255 = arith.constant 63 : i32
      %parallel_loop3A_256 = arith.andi %parallel_loop3A_236, %parallel_loop3A_255 : i32
      %parallel_loop3A_257 = arith.constant 16 : i32
      %parallel_loop3A_258 = arith.muli %parallel_loop3A_78, %parallel_loop3A_257 : i32
      %parallel_loop3A_259 = arith.constant 4 : i32
      %parallel_loop3A_260 = arith.addi %parallel_loop3A_258, %parallel_loop3A_259 : i32
      %parallel_loop3A_261 = arith.index_cast %parallel_loop3A_260 : i32 to index
      %parallel_loop3A_262 = memref.load %arg9[%parallel_loop3A_261] : memref<512xi32, #tpu.memory_space<smem>>
      memref.store %parallel_loop3A_256, %arg9[%parallel_loop3A_261] : memref<512xi32, #tpu.memory_space<smem>>
      %parallel_loop3A_263 = arith.constant 5 : i32
      %parallel_loop3A_264 = vector.broadcast %parallel_loop3A_263 : i32 to vector<16xi32>
      %parallel_loop3A_265 = arith.cmpi eq, %iota3A, %parallel_loop3A_264 : vector<16xi32>
      %parallel_loop3A_266 = arith.constant 0 : i32
      %parallel_loop3A_267 = vector.broadcast %parallel_loop3A_266 : i32 to vector<16xi32>
      %parallel_loop3A_268 = arith.select %parallel_loop3A_265, %parallel_loop3A_82, %parallel_loop3A_267 : vector<16xi1>, vector<16xi32>
      %parallel_loop3A_269 = arith.constant true
      %parallel_loop3A_270 = vector.broadcast %parallel_loop3A_269 : i1 to vector<16xi1>
      %parallel_loop3A_271 = tpu.scan <sum>, %parallel_loop3A_268 masked %parallel_loop3A_270 : vector<16xi32>, vector<16xi1> -> vector<16xi32>
      %parallel_loop3A_272 = vector.extract %parallel_loop3A_271[15] : i32 from vector<16xi32>
      %parallel_loop3A_273 = arith.constant 12 : i32
      %parallel_loop3A_274 = arith.shrsi %parallel_loop3A_272, %parallel_loop3A_273 : i32
      %parallel_loop3A_275 = arith.constant 16 : i32
      %parallel_loop3A_276 = arith.muli %parallel_loop3A_78, %parallel_loop3A_275 : i32
      %parallel_loop3A_277 = arith.constant 5 : i32
      %parallel_loop3A_278 = arith.addi %parallel_loop3A_276, %parallel_loop3A_277 : i32
      %parallel_loop3A_279 = arith.index_cast %parallel_loop3A_278 : i32 to index
      %parallel_loop3A_280 = memref.load %arg7[%parallel_loop3A_279] : memref<512xi32, #tpu.memory_space<smem>>
      memref.store %parallel_loop3A_274, %arg7[%parallel_loop3A_279] : memref<512xi32, #tpu.memory_space<smem>>
      %parallel_loop3A_281 = arith.constant 6 : i32
      %parallel_loop3A_282 = arith.shrsi %parallel_loop3A_272, %parallel_loop3A_281 : i32
      %parallel_loop3A_283 = arith.constant 63 : i32
      %parallel_loop3A_284 = arith.andi %parallel_loop3A_282, %parallel_loop3A_283 : i32
      %parallel_loop3A_285 = arith.constant 16 : i32
      %parallel_loop3A_286 = arith.muli %parallel_loop3A_78, %parallel_loop3A_285 : i32
      %parallel_loop3A_287 = arith.constant 5 : i32
      %parallel_loop3A_288 = arith.addi %parallel_loop3A_286, %parallel_loop3A_287 : i32
      %parallel_loop3A_289 = arith.index_cast %parallel_loop3A_288 : i32 to index
      %parallel_loop3A_290 = memref.load %arg8[%parallel_loop3A_289] : memref<512xi32, #tpu.memory_space<smem>>
      memref.store %parallel_loop3A_284, %arg8[%parallel_loop3A_289] : memref<512xi32, #tpu.memory_space<smem>>
      %parallel_loop3A_291 = arith.constant 63 : i32
      %parallel_loop3A_292 = arith.andi %parallel_loop3A_272, %parallel_loop3A_291 : i32
      %parallel_loop3A_293 = arith.constant 16 : i32
      %parallel_loop3A_294 = arith.muli %parallel_loop3A_78, %parallel_loop3A_293 : i32
      %parallel_loop3A_295 = arith.constant 5 : i32
      %parallel_loop3A_296 = arith.addi %parallel_loop3A_294, %parallel_loop3A_295 : i32
      %parallel_loop3A_297 = arith.index_cast %parallel_loop3A_296 : i32 to index
      %parallel_loop3A_298 = memref.load %arg9[%parallel_loop3A_297] : memref<512xi32, #tpu.memory_space<smem>>
      memref.store %parallel_loop3A_292, %arg9[%parallel_loop3A_297] : memref<512xi32, #tpu.memory_space<smem>>
      %parallel_loop3A_299 = arith.constant 6 : i32
      %parallel_loop3A_300 = vector.broadcast %parallel_loop3A_299 : i32 to vector<16xi32>
      %parallel_loop3A_301 = arith.cmpi eq, %iota3A, %parallel_loop3A_300 : vector<16xi32>
      %parallel_loop3A_302 = arith.constant 0 : i32
      %parallel_loop3A_303 = vector.broadcast %parallel_loop3A_302 : i32 to vector<16xi32>
      %parallel_loop3A_304 = arith.select %parallel_loop3A_301, %parallel_loop3A_82, %parallel_loop3A_303 : vector<16xi1>, vector<16xi32>
      %parallel_loop3A_305 = arith.constant true
      %parallel_loop3A_306 = vector.broadcast %parallel_loop3A_305 : i1 to vector<16xi1>
      %parallel_loop3A_307 = tpu.scan <sum>, %parallel_loop3A_304 masked %parallel_loop3A_306 : vector<16xi32>, vector<16xi1> -> vector<16xi32>
      %parallel_loop3A_308 = vector.extract %parallel_loop3A_307[15] : i32 from vector<16xi32>
      %parallel_loop3A_309 = arith.constant 12 : i32
      %parallel_loop3A_310 = arith.shrsi %parallel_loop3A_308, %parallel_loop3A_309 : i32
      %parallel_loop3A_311 = arith.constant 16 : i32
      %parallel_loop3A_312 = arith.muli %parallel_loop3A_78, %parallel_loop3A_311 : i32
      %parallel_loop3A_313 = arith.constant 6 : i32
      %parallel_loop3A_314 = arith.addi %parallel_loop3A_312, %parallel_loop3A_313 : i32
      %parallel_loop3A_315 = arith.index_cast %parallel_loop3A_314 : i32 to index
      %parallel_loop3A_316 = memref.load %arg7[%parallel_loop3A_315] : memref<512xi32, #tpu.memory_space<smem>>
      memref.store %parallel_loop3A_310, %arg7[%parallel_loop3A_315] : memref<512xi32, #tpu.memory_space<smem>>
      %parallel_loop3A_317 = arith.constant 6 : i32
      %parallel_loop3A_318 = arith.shrsi %parallel_loop3A_308, %parallel_loop3A_317 : i32
      %parallel_loop3A_319 = arith.constant 63 : i32
      %parallel_loop3A_320 = arith.andi %parallel_loop3A_318, %parallel_loop3A_319 : i32
      %parallel_loop3A_321 = arith.constant 16 : i32
      %parallel_loop3A_322 = arith.muli %parallel_loop3A_78, %parallel_loop3A_321 : i32
      %parallel_loop3A_323 = arith.constant 6 : i32
      %parallel_loop3A_324 = arith.addi %parallel_loop3A_322, %parallel_loop3A_323 : i32
      %parallel_loop3A_325 = arith.index_cast %parallel_loop3A_324 : i32 to index
      %parallel_loop3A_326 = memref.load %arg8[%parallel_loop3A_325] : memref<512xi32, #tpu.memory_space<smem>>
      memref.store %parallel_loop3A_320, %arg8[%parallel_loop3A_325] : memref<512xi32, #tpu.memory_space<smem>>
      %parallel_loop3A_327 = arith.constant 63 : i32
      %parallel_loop3A_328 = arith.andi %parallel_loop3A_308, %parallel_loop3A_327 : i32
      %parallel_loop3A_329 = arith.constant 16 : i32
      %parallel_loop3A_330 = arith.muli %parallel_loop3A_78, %parallel_loop3A_329 : i32
      %parallel_loop3A_331 = arith.constant 6 : i32
      %parallel_loop3A_332 = arith.addi %parallel_loop3A_330, %parallel_loop3A_331 : i32
      %parallel_loop3A_333 = arith.index_cast %parallel_loop3A_332 : i32 to index
      %parallel_loop3A_334 = memref.load %arg9[%parallel_loop3A_333] : memref<512xi32, #tpu.memory_space<smem>>
      memref.store %parallel_loop3A_328, %arg9[%parallel_loop3A_333] : memref<512xi32, #tpu.memory_space<smem>>
      %parallel_loop3A_335 = arith.constant 7 : i32
      %parallel_loop3A_336 = vector.broadcast %parallel_loop3A_335 : i32 to vector<16xi32>
      %parallel_loop3A_337 = arith.cmpi eq, %iota3A, %parallel_loop3A_336 : vector<16xi32>
      %parallel_loop3A_338 = arith.constant 0 : i32
      %parallel_loop3A_339 = vector.broadcast %parallel_loop3A_338 : i32 to vector<16xi32>
      %parallel_loop3A_340 = arith.select %parallel_loop3A_337, %parallel_loop3A_82, %parallel_loop3A_339 : vector<16xi1>, vector<16xi32>
      %parallel_loop3A_341 = arith.constant true
      %parallel_loop3A_342 = vector.broadcast %parallel_loop3A_341 : i1 to vector<16xi1>
      %parallel_loop3A_343 = tpu.scan <sum>, %parallel_loop3A_340 masked %parallel_loop3A_342 : vector<16xi32>, vector<16xi1> -> vector<16xi32>
      %parallel_loop3A_344 = vector.extract %parallel_loop3A_343[15] : i32 from vector<16xi32>
      %parallel_loop3A_345 = arith.constant 12 : i32
      %parallel_loop3A_346 = arith.shrsi %parallel_loop3A_344, %parallel_loop3A_345 : i32
      %parallel_loop3A_347 = arith.constant 16 : i32
      %parallel_loop3A_348 = arith.muli %parallel_loop3A_78, %parallel_loop3A_347 : i32
      %parallel_loop3A_349 = arith.constant 7 : i32
      %parallel_loop3A_350 = arith.addi %parallel_loop3A_348, %parallel_loop3A_349 : i32
      %parallel_loop3A_351 = arith.index_cast %parallel_loop3A_350 : i32 to index
      %parallel_loop3A_352 = memref.load %arg7[%parallel_loop3A_351] : memref<512xi32, #tpu.memory_space<smem>>
      memref.store %parallel_loop3A_346, %arg7[%parallel_loop3A_351] : memref<512xi32, #tpu.memory_space<smem>>
      %parallel_loop3A_353 = arith.constant 6 : i32
      %parallel_loop3A_354 = arith.shrsi %parallel_loop3A_344, %parallel_loop3A_353 : i32
      %parallel_loop3A_355 = arith.constant 63 : i32
      %parallel_loop3A_356 = arith.andi %parallel_loop3A_354, %parallel_loop3A_355 : i32
      %parallel_loop3A_357 = arith.constant 16 : i32
      %parallel_loop3A_358 = arith.muli %parallel_loop3A_78, %parallel_loop3A_357 : i32
      %parallel_loop3A_359 = arith.constant 7 : i32
      %parallel_loop3A_360 = arith.addi %parallel_loop3A_358, %parallel_loop3A_359 : i32
      %parallel_loop3A_361 = arith.index_cast %parallel_loop3A_360 : i32 to index
      %parallel_loop3A_362 = memref.load %arg8[%parallel_loop3A_361] : memref<512xi32, #tpu.memory_space<smem>>
      memref.store %parallel_loop3A_356, %arg8[%parallel_loop3A_361] : memref<512xi32, #tpu.memory_space<smem>>
      %parallel_loop3A_363 = arith.constant 63 : i32
      %parallel_loop3A_364 = arith.andi %parallel_loop3A_344, %parallel_loop3A_363 : i32
      %parallel_loop3A_365 = arith.constant 16 : i32
      %parallel_loop3A_366 = arith.muli %parallel_loop3A_78, %parallel_loop3A_365 : i32
      %parallel_loop3A_367 = arith.constant 7 : i32
      %parallel_loop3A_368 = arith.addi %parallel_loop3A_366, %parallel_loop3A_367 : i32
      %parallel_loop3A_369 = arith.index_cast %parallel_loop3A_368 : i32 to index
      %parallel_loop3A_370 = memref.load %arg9[%parallel_loop3A_369] : memref<512xi32, #tpu.memory_space<smem>>
      memref.store %parallel_loop3A_364, %arg9[%parallel_loop3A_369] : memref<512xi32, #tpu.memory_space<smem>>
      %parallel_loop3A_371 = arith.constant 8 : i32
      %parallel_loop3A_372 = vector.broadcast %parallel_loop3A_371 : i32 to vector<16xi32>
      %parallel_loop3A_373 = arith.cmpi eq, %iota3A, %parallel_loop3A_372 : vector<16xi32>
      %parallel_loop3A_374 = arith.constant 0 : i32
      %parallel_loop3A_375 = vector.broadcast %parallel_loop3A_374 : i32 to vector<16xi32>
      %parallel_loop3A_376 = arith.select %parallel_loop3A_373, %parallel_loop3A_82, %parallel_loop3A_375 : vector<16xi1>, vector<16xi32>
      %parallel_loop3A_377 = arith.constant true
      %parallel_loop3A_378 = vector.broadcast %parallel_loop3A_377 : i1 to vector<16xi1>
      %parallel_loop3A_379 = tpu.scan <sum>, %parallel_loop3A_376 masked %parallel_loop3A_378 : vector<16xi32>, vector<16xi1> -> vector<16xi32>
      %parallel_loop3A_380 = vector.extract %parallel_loop3A_379[15] : i32 from vector<16xi32>
      %parallel_loop3A_381 = arith.constant 12 : i32
      %parallel_loop3A_382 = arith.shrsi %parallel_loop3A_380, %parallel_loop3A_381 : i32
      %parallel_loop3A_383 = arith.constant 16 : i32
      %parallel_loop3A_384 = arith.muli %parallel_loop3A_78, %parallel_loop3A_383 : i32
      %parallel_loop3A_385 = arith.constant 8 : i32
      %parallel_loop3A_386 = arith.addi %parallel_loop3A_384, %parallel_loop3A_385 : i32
      %parallel_loop3A_387 = arith.index_cast %parallel_loop3A_386 : i32 to index
      %parallel_loop3A_388 = memref.load %arg7[%parallel_loop3A_387] : memref<512xi32, #tpu.memory_space<smem>>
      memref.store %parallel_loop3A_382, %arg7[%parallel_loop3A_387] : memref<512xi32, #tpu.memory_space<smem>>
      %parallel_loop3A_389 = arith.constant 6 : i32
      %parallel_loop3A_390 = arith.shrsi %parallel_loop3A_380, %parallel_loop3A_389 : i32
      %parallel_loop3A_391 = arith.constant 63 : i32
      %parallel_loop3A_392 = arith.andi %parallel_loop3A_390, %parallel_loop3A_391 : i32
      %parallel_loop3A_393 = arith.constant 16 : i32
      %parallel_loop3A_394 = arith.muli %parallel_loop3A_78, %parallel_loop3A_393 : i32
      %parallel_loop3A_395 = arith.constant 8 : i32
      %parallel_loop3A_396 = arith.addi %parallel_loop3A_394, %parallel_loop3A_395 : i32
      %parallel_loop3A_397 = arith.index_cast %parallel_loop3A_396 : i32 to index
      %parallel_loop3A_398 = memref.load %arg8[%parallel_loop3A_397] : memref<512xi32, #tpu.memory_space<smem>>
      memref.store %parallel_loop3A_392, %arg8[%parallel_loop3A_397] : memref<512xi32, #tpu.memory_space<smem>>
      %parallel_loop3A_399 = arith.constant 63 : i32
      %parallel_loop3A_400 = arith.andi %parallel_loop3A_380, %parallel_loop3A_399 : i32
      %parallel_loop3A_401 = arith.constant 16 : i32
      %parallel_loop3A_402 = arith.muli %parallel_loop3A_78, %parallel_loop3A_401 : i32
      %parallel_loop3A_403 = arith.constant 8 : i32
      %parallel_loop3A_404 = arith.addi %parallel_loop3A_402, %parallel_loop3A_403 : i32
      %parallel_loop3A_405 = arith.index_cast %parallel_loop3A_404 : i32 to index
      %parallel_loop3A_406 = memref.load %arg9[%parallel_loop3A_405] : memref<512xi32, #tpu.memory_space<smem>>
      memref.store %parallel_loop3A_400, %arg9[%parallel_loop3A_405] : memref<512xi32, #tpu.memory_space<smem>>
      %parallel_loop3A_407 = arith.constant 9 : i32
      %parallel_loop3A_408 = vector.broadcast %parallel_loop3A_407 : i32 to vector<16xi32>
      %parallel_loop3A_409 = arith.cmpi eq, %iota3A, %parallel_loop3A_408 : vector<16xi32>
      %parallel_loop3A_410 = arith.constant 0 : i32
      %parallel_loop3A_411 = vector.broadcast %parallel_loop3A_410 : i32 to vector<16xi32>
      %parallel_loop3A_412 = arith.select %parallel_loop3A_409, %parallel_loop3A_82, %parallel_loop3A_411 : vector<16xi1>, vector<16xi32>
      %parallel_loop3A_413 = arith.constant true
      %parallel_loop3A_414 = vector.broadcast %parallel_loop3A_413 : i1 to vector<16xi1>
      %parallel_loop3A_415 = tpu.scan <sum>, %parallel_loop3A_412 masked %parallel_loop3A_414 : vector<16xi32>, vector<16xi1> -> vector<16xi32>
      %parallel_loop3A_416 = vector.extract %parallel_loop3A_415[15] : i32 from vector<16xi32>
      %parallel_loop3A_417 = arith.constant 12 : i32
      %parallel_loop3A_418 = arith.shrsi %parallel_loop3A_416, %parallel_loop3A_417 : i32
      %parallel_loop3A_419 = arith.constant 16 : i32
      %parallel_loop3A_420 = arith.muli %parallel_loop3A_78, %parallel_loop3A_419 : i32
      %parallel_loop3A_421 = arith.constant 9 : i32
      %parallel_loop3A_422 = arith.addi %parallel_loop3A_420, %parallel_loop3A_421 : i32
      %parallel_loop3A_423 = arith.index_cast %parallel_loop3A_422 : i32 to index
      %parallel_loop3A_424 = memref.load %arg7[%parallel_loop3A_423] : memref<512xi32, #tpu.memory_space<smem>>
      memref.store %parallel_loop3A_418, %arg7[%parallel_loop3A_423] : memref<512xi32, #tpu.memory_space<smem>>
      %parallel_loop3A_425 = arith.constant 6 : i32
      %parallel_loop3A_426 = arith.shrsi %parallel_loop3A_416, %parallel_loop3A_425 : i32
      %parallel_loop3A_427 = arith.constant 63 : i32
      %parallel_loop3A_428 = arith.andi %parallel_loop3A_426, %parallel_loop3A_427 : i32
      %parallel_loop3A_429 = arith.constant 16 : i32
      %parallel_loop3A_430 = arith.muli %parallel_loop3A_78, %parallel_loop3A_429 : i32
      %parallel_loop3A_431 = arith.constant 9 : i32
      %parallel_loop3A_432 = arith.addi %parallel_loop3A_430, %parallel_loop3A_431 : i32
      %parallel_loop3A_433 = arith.index_cast %parallel_loop3A_432 : i32 to index
      %parallel_loop3A_434 = memref.load %arg8[%parallel_loop3A_433] : memref<512xi32, #tpu.memory_space<smem>>
      memref.store %parallel_loop3A_428, %arg8[%parallel_loop3A_433] : memref<512xi32, #tpu.memory_space<smem>>
      %parallel_loop3A_435 = arith.constant 63 : i32
      %parallel_loop3A_436 = arith.andi %parallel_loop3A_416, %parallel_loop3A_435 : i32
      %parallel_loop3A_437 = arith.constant 16 : i32
      %parallel_loop3A_438 = arith.muli %parallel_loop3A_78, %parallel_loop3A_437 : i32
      %parallel_loop3A_439 = arith.constant 9 : i32
      %parallel_loop3A_440 = arith.addi %parallel_loop3A_438, %parallel_loop3A_439 : i32
      %parallel_loop3A_441 = arith.index_cast %parallel_loop3A_440 : i32 to index
      %parallel_loop3A_442 = memref.load %arg9[%parallel_loop3A_441] : memref<512xi32, #tpu.memory_space<smem>>
      memref.store %parallel_loop3A_436, %arg9[%parallel_loop3A_441] : memref<512xi32, #tpu.memory_space<smem>>
      %parallel_loop3A_443 = arith.constant 10 : i32
      %parallel_loop3A_444 = vector.broadcast %parallel_loop3A_443 : i32 to vector<16xi32>
      %parallel_loop3A_445 = arith.cmpi eq, %iota3A, %parallel_loop3A_444 : vector<16xi32>
      %parallel_loop3A_446 = arith.constant 0 : i32
      %parallel_loop3A_447 = vector.broadcast %parallel_loop3A_446 : i32 to vector<16xi32>
      %parallel_loop3A_448 = arith.select %parallel_loop3A_445, %parallel_loop3A_82, %parallel_loop3A_447 : vector<16xi1>, vector<16xi32>
      %parallel_loop3A_449 = arith.constant true
      %parallel_loop3A_450 = vector.broadcast %parallel_loop3A_449 : i1 to vector<16xi1>
      %parallel_loop3A_451 = tpu.scan <sum>, %parallel_loop3A_448 masked %parallel_loop3A_450 : vector<16xi32>, vector<16xi1> -> vector<16xi32>
      %parallel_loop3A_452 = vector.extract %parallel_loop3A_451[15] : i32 from vector<16xi32>
      %parallel_loop3A_453 = arith.constant 12 : i32
      %parallel_loop3A_454 = arith.shrsi %parallel_loop3A_452, %parallel_loop3A_453 : i32
      %parallel_loop3A_455 = arith.constant 16 : i32
      %parallel_loop3A_456 = arith.muli %parallel_loop3A_78, %parallel_loop3A_455 : i32
      %parallel_loop3A_457 = arith.constant 10 : i32
      %parallel_loop3A_458 = arith.addi %parallel_loop3A_456, %parallel_loop3A_457 : i32
      %parallel_loop3A_459 = arith.index_cast %parallel_loop3A_458 : i32 to index
      %parallel_loop3A_460 = memref.load %arg7[%parallel_loop3A_459] : memref<512xi32, #tpu.memory_space<smem>>
      memref.store %parallel_loop3A_454, %arg7[%parallel_loop3A_459] : memref<512xi32, #tpu.memory_space<smem>>
      %parallel_loop3A_461 = arith.constant 6 : i32
      %parallel_loop3A_462 = arith.shrsi %parallel_loop3A_452, %parallel_loop3A_461 : i32
      %parallel_loop3A_463 = arith.constant 63 : i32
      %parallel_loop3A_464 = arith.andi %parallel_loop3A_462, %parallel_loop3A_463 : i32
      %parallel_loop3A_465 = arith.constant 16 : i32
      %parallel_loop3A_466 = arith.muli %parallel_loop3A_78, %parallel_loop3A_465 : i32
      %parallel_loop3A_467 = arith.constant 10 : i32
      %parallel_loop3A_468 = arith.addi %parallel_loop3A_466, %parallel_loop3A_467 : i32
      %parallel_loop3A_469 = arith.index_cast %parallel_loop3A_468 : i32 to index
      %parallel_loop3A_470 = memref.load %arg8[%parallel_loop3A_469] : memref<512xi32, #tpu.memory_space<smem>>
      memref.store %parallel_loop3A_464, %arg8[%parallel_loop3A_469] : memref<512xi32, #tpu.memory_space<smem>>
      %parallel_loop3A_471 = arith.constant 63 : i32
      %parallel_loop3A_472 = arith.andi %parallel_loop3A_452, %parallel_loop3A_471 : i32
      %parallel_loop3A_473 = arith.constant 16 : i32
      %parallel_loop3A_474 = arith.muli %parallel_loop3A_78, %parallel_loop3A_473 : i32
      %parallel_loop3A_475 = arith.constant 10 : i32
      %parallel_loop3A_476 = arith.addi %parallel_loop3A_474, %parallel_loop3A_475 : i32
      %parallel_loop3A_477 = arith.index_cast %parallel_loop3A_476 : i32 to index
      %parallel_loop3A_478 = memref.load %arg9[%parallel_loop3A_477] : memref<512xi32, #tpu.memory_space<smem>>
      memref.store %parallel_loop3A_472, %arg9[%parallel_loop3A_477] : memref<512xi32, #tpu.memory_space<smem>>
      %parallel_loop3A_479 = arith.constant 11 : i32
      %parallel_loop3A_480 = vector.broadcast %parallel_loop3A_479 : i32 to vector<16xi32>
      %parallel_loop3A_481 = arith.cmpi eq, %iota3A, %parallel_loop3A_480 : vector<16xi32>
      %parallel_loop3A_482 = arith.constant 0 : i32
      %parallel_loop3A_483 = vector.broadcast %parallel_loop3A_482 : i32 to vector<16xi32>
      %parallel_loop3A_484 = arith.select %parallel_loop3A_481, %parallel_loop3A_82, %parallel_loop3A_483 : vector<16xi1>, vector<16xi32>
      %parallel_loop3A_485 = arith.constant true
      %parallel_loop3A_486 = vector.broadcast %parallel_loop3A_485 : i1 to vector<16xi1>
      %parallel_loop3A_487 = tpu.scan <sum>, %parallel_loop3A_484 masked %parallel_loop3A_486 : vector<16xi32>, vector<16xi1> -> vector<16xi32>
      %parallel_loop3A_488 = vector.extract %parallel_loop3A_487[15] : i32 from vector<16xi32>
      %parallel_loop3A_489 = arith.constant 12 : i32
      %parallel_loop3A_490 = arith.shrsi %parallel_loop3A_488, %parallel_loop3A_489 : i32
      %parallel_loop3A_491 = arith.constant 16 : i32
      %parallel_loop3A_492 = arith.muli %parallel_loop3A_78, %parallel_loop3A_491 : i32
      %parallel_loop3A_493 = arith.constant 11 : i32
      %parallel_loop3A_494 = arith.addi %parallel_loop3A_492, %parallel_loop3A_493 : i32
      %parallel_loop3A_495 = arith.index_cast %parallel_loop3A_494 : i32 to index
      %parallel_loop3A_496 = memref.load %arg7[%parallel_loop3A_495] : memref<512xi32, #tpu.memory_space<smem>>
      memref.store %parallel_loop3A_490, %arg7[%parallel_loop3A_495] : memref<512xi32, #tpu.memory_space<smem>>
      %parallel_loop3A_497 = arith.constant 6 : i32
      %parallel_loop3A_498 = arith.shrsi %parallel_loop3A_488, %parallel_loop3A_497 : i32
      %parallel_loop3A_499 = arith.constant 63 : i32
      %parallel_loop3A_500 = arith.andi %parallel_loop3A_498, %parallel_loop3A_499 : i32
      %parallel_loop3A_501 = arith.constant 16 : i32
      %parallel_loop3A_502 = arith.muli %parallel_loop3A_78, %parallel_loop3A_501 : i32
      %parallel_loop3A_503 = arith.constant 11 : i32
      %parallel_loop3A_504 = arith.addi %parallel_loop3A_502, %parallel_loop3A_503 : i32
      %parallel_loop3A_505 = arith.index_cast %parallel_loop3A_504 : i32 to index
      %parallel_loop3A_506 = memref.load %arg8[%parallel_loop3A_505] : memref<512xi32, #tpu.memory_space<smem>>
      memref.store %parallel_loop3A_500, %arg8[%parallel_loop3A_505] : memref<512xi32, #tpu.memory_space<smem>>
      %parallel_loop3A_507 = arith.constant 63 : i32
      %parallel_loop3A_508 = arith.andi %parallel_loop3A_488, %parallel_loop3A_507 : i32
      %parallel_loop3A_509 = arith.constant 16 : i32
      %parallel_loop3A_510 = arith.muli %parallel_loop3A_78, %parallel_loop3A_509 : i32
      %parallel_loop3A_511 = arith.constant 11 : i32
      %parallel_loop3A_512 = arith.addi %parallel_loop3A_510, %parallel_loop3A_511 : i32
      %parallel_loop3A_513 = arith.index_cast %parallel_loop3A_512 : i32 to index
      %parallel_loop3A_514 = memref.load %arg9[%parallel_loop3A_513] : memref<512xi32, #tpu.memory_space<smem>>
      memref.store %parallel_loop3A_508, %arg9[%parallel_loop3A_513] : memref<512xi32, #tpu.memory_space<smem>>
      %parallel_loop3A_515 = arith.constant 12 : i32
      %parallel_loop3A_516 = vector.broadcast %parallel_loop3A_515 : i32 to vector<16xi32>
      %parallel_loop3A_517 = arith.cmpi eq, %iota3A, %parallel_loop3A_516 : vector<16xi32>
      %parallel_loop3A_518 = arith.constant 0 : i32
      %parallel_loop3A_519 = vector.broadcast %parallel_loop3A_518 : i32 to vector<16xi32>
      %parallel_loop3A_520 = arith.select %parallel_loop3A_517, %parallel_loop3A_82, %parallel_loop3A_519 : vector<16xi1>, vector<16xi32>
      %parallel_loop3A_521 = arith.constant true
      %parallel_loop3A_522 = vector.broadcast %parallel_loop3A_521 : i1 to vector<16xi1>
      %parallel_loop3A_523 = tpu.scan <sum>, %parallel_loop3A_520 masked %parallel_loop3A_522 : vector<16xi32>, vector<16xi1> -> vector<16xi32>
      %parallel_loop3A_524 = vector.extract %parallel_loop3A_523[15] : i32 from vector<16xi32>
      %parallel_loop3A_525 = arith.constant 12 : i32
      %parallel_loop3A_526 = arith.shrsi %parallel_loop3A_524, %parallel_loop3A_525 : i32
      %parallel_loop3A_527 = arith.constant 16 : i32
      %parallel_loop3A_528 = arith.muli %parallel_loop3A_78, %parallel_loop3A_527 : i32
      %parallel_loop3A_529 = arith.constant 12 : i32
      %parallel_loop3A_530 = arith.addi %parallel_loop3A_528, %parallel_loop3A_529 : i32
      %parallel_loop3A_531 = arith.index_cast %parallel_loop3A_530 : i32 to index
      %parallel_loop3A_532 = memref.load %arg7[%parallel_loop3A_531] : memref<512xi32, #tpu.memory_space<smem>>
      memref.store %parallel_loop3A_526, %arg7[%parallel_loop3A_531] : memref<512xi32, #tpu.memory_space<smem>>
      %parallel_loop3A_533 = arith.constant 6 : i32
      %parallel_loop3A_534 = arith.shrsi %parallel_loop3A_524, %parallel_loop3A_533 : i32
      %parallel_loop3A_535 = arith.constant 63 : i32
      %parallel_loop3A_536 = arith.andi %parallel_loop3A_534, %parallel_loop3A_535 : i32
      %parallel_loop3A_537 = arith.constant 16 : i32
      %parallel_loop3A_538 = arith.muli %parallel_loop3A_78, %parallel_loop3A_537 : i32
      %parallel_loop3A_539 = arith.constant 12 : i32
      %parallel_loop3A_540 = arith.addi %parallel_loop3A_538, %parallel_loop3A_539 : i32
      %parallel_loop3A_541 = arith.index_cast %parallel_loop3A_540 : i32 to index
      %parallel_loop3A_542 = memref.load %arg8[%parallel_loop3A_541] : memref<512xi32, #tpu.memory_space<smem>>
      memref.store %parallel_loop3A_536, %arg8[%parallel_loop3A_541] : memref<512xi32, #tpu.memory_space<smem>>
      %parallel_loop3A_543 = arith.constant 63 : i32
      %parallel_loop3A_544 = arith.andi %parallel_loop3A_524, %parallel_loop3A_543 : i32
      %parallel_loop3A_545 = arith.constant 16 : i32
      %parallel_loop3A_546 = arith.muli %parallel_loop3A_78, %parallel_loop3A_545 : i32
      %parallel_loop3A_547 = arith.constant 12 : i32
      %parallel_loop3A_548 = arith.addi %parallel_loop3A_546, %parallel_loop3A_547 : i32
      %parallel_loop3A_549 = arith.index_cast %parallel_loop3A_548 : i32 to index
      %parallel_loop3A_550 = memref.load %arg9[%parallel_loop3A_549] : memref<512xi32, #tpu.memory_space<smem>>
      memref.store %parallel_loop3A_544, %arg9[%parallel_loop3A_549] : memref<512xi32, #tpu.memory_space<smem>>
      %parallel_loop3A_551 = arith.constant 13 : i32
      %parallel_loop3A_552 = vector.broadcast %parallel_loop3A_551 : i32 to vector<16xi32>
      %parallel_loop3A_553 = arith.cmpi eq, %iota3A, %parallel_loop3A_552 : vector<16xi32>
      %parallel_loop3A_554 = arith.constant 0 : i32
      %parallel_loop3A_555 = vector.broadcast %parallel_loop3A_554 : i32 to vector<16xi32>
      %parallel_loop3A_556 = arith.select %parallel_loop3A_553, %parallel_loop3A_82, %parallel_loop3A_555 : vector<16xi1>, vector<16xi32>
      %parallel_loop3A_557 = arith.constant true
      %parallel_loop3A_558 = vector.broadcast %parallel_loop3A_557 : i1 to vector<16xi1>
      %parallel_loop3A_559 = tpu.scan <sum>, %parallel_loop3A_556 masked %parallel_loop3A_558 : vector<16xi32>, vector<16xi1> -> vector<16xi32>
      %parallel_loop3A_560 = vector.extract %parallel_loop3A_559[15] : i32 from vector<16xi32>
      %parallel_loop3A_561 = arith.constant 12 : i32
      %parallel_loop3A_562 = arith.shrsi %parallel_loop3A_560, %parallel_loop3A_561 : i32
      %parallel_loop3A_563 = arith.constant 16 : i32
      %parallel_loop3A_564 = arith.muli %parallel_loop3A_78, %parallel_loop3A_563 : i32
      %parallel_loop3A_565 = arith.constant 13 : i32
      %parallel_loop3A_566 = arith.addi %parallel_loop3A_564, %parallel_loop3A_565 : i32
      %parallel_loop3A_567 = arith.index_cast %parallel_loop3A_566 : i32 to index
      %parallel_loop3A_568 = memref.load %arg7[%parallel_loop3A_567] : memref<512xi32, #tpu.memory_space<smem>>
      memref.store %parallel_loop3A_562, %arg7[%parallel_loop3A_567] : memref<512xi32, #tpu.memory_space<smem>>
      %parallel_loop3A_569 = arith.constant 6 : i32
      %parallel_loop3A_570 = arith.shrsi %parallel_loop3A_560, %parallel_loop3A_569 : i32
      %parallel_loop3A_571 = arith.constant 63 : i32
      %parallel_loop3A_572 = arith.andi %parallel_loop3A_570, %parallel_loop3A_571 : i32
      %parallel_loop3A_573 = arith.constant 16 : i32
      %parallel_loop3A_574 = arith.muli %parallel_loop3A_78, %parallel_loop3A_573 : i32
      %parallel_loop3A_575 = arith.constant 13 : i32
      %parallel_loop3A_576 = arith.addi %parallel_loop3A_574, %parallel_loop3A_575 : i32
      %parallel_loop3A_577 = arith.index_cast %parallel_loop3A_576 : i32 to index
      %parallel_loop3A_578 = memref.load %arg8[%parallel_loop3A_577] : memref<512xi32, #tpu.memory_space<smem>>
      memref.store %parallel_loop3A_572, %arg8[%parallel_loop3A_577] : memref<512xi32, #tpu.memory_space<smem>>
      %parallel_loop3A_579 = arith.constant 63 : i32
      %parallel_loop3A_580 = arith.andi %parallel_loop3A_560, %parallel_loop3A_579 : i32
      %parallel_loop3A_581 = arith.constant 16 : i32
      %parallel_loop3A_582 = arith.muli %parallel_loop3A_78, %parallel_loop3A_581 : i32
      %parallel_loop3A_583 = arith.constant 13 : i32
      %parallel_loop3A_584 = arith.addi %parallel_loop3A_582, %parallel_loop3A_583 : i32
      %parallel_loop3A_585 = arith.index_cast %parallel_loop3A_584 : i32 to index
      %parallel_loop3A_586 = memref.load %arg9[%parallel_loop3A_585] : memref<512xi32, #tpu.memory_space<smem>>
      memref.store %parallel_loop3A_580, %arg9[%parallel_loop3A_585] : memref<512xi32, #tpu.memory_space<smem>>
      %parallel_loop3A_587 = arith.constant 14 : i32
      %parallel_loop3A_588 = vector.broadcast %parallel_loop3A_587 : i32 to vector<16xi32>
      %parallel_loop3A_589 = arith.cmpi eq, %iota3A, %parallel_loop3A_588 : vector<16xi32>
      %parallel_loop3A_590 = arith.constant 0 : i32
      %parallel_loop3A_591 = vector.broadcast %parallel_loop3A_590 : i32 to vector<16xi32>
      %parallel_loop3A_592 = arith.select %parallel_loop3A_589, %parallel_loop3A_82, %parallel_loop3A_591 : vector<16xi1>, vector<16xi32>
      %parallel_loop3A_593 = arith.constant true
      %parallel_loop3A_594 = vector.broadcast %parallel_loop3A_593 : i1 to vector<16xi1>
      %parallel_loop3A_595 = tpu.scan <sum>, %parallel_loop3A_592 masked %parallel_loop3A_594 : vector<16xi32>, vector<16xi1> -> vector<16xi32>
      %parallel_loop3A_596 = vector.extract %parallel_loop3A_595[15] : i32 from vector<16xi32>
      %parallel_loop3A_597 = arith.constant 12 : i32
      %parallel_loop3A_598 = arith.shrsi %parallel_loop3A_596, %parallel_loop3A_597 : i32
      %parallel_loop3A_599 = arith.constant 16 : i32
      %parallel_loop3A_600 = arith.muli %parallel_loop3A_78, %parallel_loop3A_599 : i32
      %parallel_loop3A_601 = arith.constant 14 : i32
      %parallel_loop3A_602 = arith.addi %parallel_loop3A_600, %parallel_loop3A_601 : i32
      %parallel_loop3A_603 = arith.index_cast %parallel_loop3A_602 : i32 to index
      %parallel_loop3A_604 = memref.load %arg7[%parallel_loop3A_603] : memref<512xi32, #tpu.memory_space<smem>>
      memref.store %parallel_loop3A_598, %arg7[%parallel_loop3A_603] : memref<512xi32, #tpu.memory_space<smem>>
      %parallel_loop3A_605 = arith.constant 6 : i32
      %parallel_loop3A_606 = arith.shrsi %parallel_loop3A_596, %parallel_loop3A_605 : i32
      %parallel_loop3A_607 = arith.constant 63 : i32
      %parallel_loop3A_608 = arith.andi %parallel_loop3A_606, %parallel_loop3A_607 : i32
      %parallel_loop3A_609 = arith.constant 16 : i32
      %parallel_loop3A_610 = arith.muli %parallel_loop3A_78, %parallel_loop3A_609 : i32
      %parallel_loop3A_611 = arith.constant 14 : i32
      %parallel_loop3A_612 = arith.addi %parallel_loop3A_610, %parallel_loop3A_611 : i32
      %parallel_loop3A_613 = arith.index_cast %parallel_loop3A_612 : i32 to index
      %parallel_loop3A_614 = memref.load %arg8[%parallel_loop3A_613] : memref<512xi32, #tpu.memory_space<smem>>
      memref.store %parallel_loop3A_608, %arg8[%parallel_loop3A_613] : memref<512xi32, #tpu.memory_space<smem>>
      %parallel_loop3A_615 = arith.constant 63 : i32
      %parallel_loop3A_616 = arith.andi %parallel_loop3A_596, %parallel_loop3A_615 : i32
      %parallel_loop3A_617 = arith.constant 16 : i32
      %parallel_loop3A_618 = arith.muli %parallel_loop3A_78, %parallel_loop3A_617 : i32
      %parallel_loop3A_619 = arith.constant 14 : i32
      %parallel_loop3A_620 = arith.addi %parallel_loop3A_618, %parallel_loop3A_619 : i32
      %parallel_loop3A_621 = arith.index_cast %parallel_loop3A_620 : i32 to index
      %parallel_loop3A_622 = memref.load %arg9[%parallel_loop3A_621] : memref<512xi32, #tpu.memory_space<smem>>
      memref.store %parallel_loop3A_616, %arg9[%parallel_loop3A_621] : memref<512xi32, #tpu.memory_space<smem>>
      %parallel_loop3A_623 = arith.constant 15 : i32
      %parallel_loop3A_624 = vector.broadcast %parallel_loop3A_623 : i32 to vector<16xi32>
      %parallel_loop3A_625 = arith.cmpi eq, %iota3A, %parallel_loop3A_624 : vector<16xi32>
      %parallel_loop3A_626 = arith.constant 0 : i32
      %parallel_loop3A_627 = vector.broadcast %parallel_loop3A_626 : i32 to vector<16xi32>
      %parallel_loop3A_628 = arith.select %parallel_loop3A_625, %parallel_loop3A_82, %parallel_loop3A_627 : vector<16xi1>, vector<16xi32>
      %parallel_loop3A_629 = arith.constant true
      %parallel_loop3A_630 = vector.broadcast %parallel_loop3A_629 : i1 to vector<16xi1>
      %parallel_loop3A_631 = tpu.scan <sum>, %parallel_loop3A_628 masked %parallel_loop3A_630 : vector<16xi32>, vector<16xi1> -> vector<16xi32>
      %parallel_loop3A_632 = vector.extract %parallel_loop3A_631[15] : i32 from vector<16xi32>
      %parallel_loop3A_633 = arith.constant 12 : i32
      %parallel_loop3A_634 = arith.shrsi %parallel_loop3A_632, %parallel_loop3A_633 : i32
      %parallel_loop3A_635 = arith.constant 16 : i32
      %parallel_loop3A_636 = arith.muli %parallel_loop3A_78, %parallel_loop3A_635 : i32
      %parallel_loop3A_637 = arith.constant 15 : i32
      %parallel_loop3A_638 = arith.addi %parallel_loop3A_636, %parallel_loop3A_637 : i32
      %parallel_loop3A_639 = arith.index_cast %parallel_loop3A_638 : i32 to index
      %parallel_loop3A_640 = memref.load %arg7[%parallel_loop3A_639] : memref<512xi32, #tpu.memory_space<smem>>
      memref.store %parallel_loop3A_634, %arg7[%parallel_loop3A_639] : memref<512xi32, #tpu.memory_space<smem>>
      %parallel_loop3A_641 = arith.constant 6 : i32
      %parallel_loop3A_642 = arith.shrsi %parallel_loop3A_632, %parallel_loop3A_641 : i32
      %parallel_loop3A_643 = arith.constant 63 : i32
      %parallel_loop3A_644 = arith.andi %parallel_loop3A_642, %parallel_loop3A_643 : i32
      %parallel_loop3A_645 = arith.constant 16 : i32
      %parallel_loop3A_646 = arith.muli %parallel_loop3A_78, %parallel_loop3A_645 : i32
      %parallel_loop3A_647 = arith.constant 15 : i32
      %parallel_loop3A_648 = arith.addi %parallel_loop3A_646, %parallel_loop3A_647 : i32
      %parallel_loop3A_649 = arith.index_cast %parallel_loop3A_648 : i32 to index
      %parallel_loop3A_650 = memref.load %arg8[%parallel_loop3A_649] : memref<512xi32, #tpu.memory_space<smem>>
      memref.store %parallel_loop3A_644, %arg8[%parallel_loop3A_649] : memref<512xi32, #tpu.memory_space<smem>>
      %parallel_loop3A_651 = arith.constant 63 : i32
      %parallel_loop3A_652 = arith.andi %parallel_loop3A_632, %parallel_loop3A_651 : i32
      %parallel_loop3A_653 = arith.constant 16 : i32
      %parallel_loop3A_654 = arith.muli %parallel_loop3A_78, %parallel_loop3A_653 : i32
      %parallel_loop3A_655 = arith.constant 15 : i32
      %parallel_loop3A_656 = arith.addi %parallel_loop3A_654, %parallel_loop3A_655 : i32
      %parallel_loop3A_657 = arith.index_cast %parallel_loop3A_656 : i32 to index
      %parallel_loop3A_658 = memref.load %arg9[%parallel_loop3A_657] : memref<512xi32, #tpu.memory_space<smem>>
      memref.store %parallel_loop3A_652, %arg9[%parallel_loop3A_657] : memref<512xi32, #tpu.memory_space<smem>>
    } {sc.loop_unroll_factor = 2 : i64, sc.parallel_access}
    tpu.wait_dma2 semaphore(%arg18 : memref<!tpu.dma_semaphore, #tpu.memory_space<semaphore_mem>>) src(%arg3 : memref<5120xf32, #tpu.memory_space<hbm>>) dst(%arg11 : memref<5120xf32, #tpu.memory_space<vmem>>)
    tpu.wait_dma2 semaphore(%arg18 : memref<!tpu.dma_semaphore, #tpu.memory_space<semaphore_mem>>) src(%arg4 : memref<12800xf32, #tpu.memory_space<hbm>>) dst(%arg12 : memref<12800xf32, #tpu.memory_space<vmem>>)
    tpu.wait_dma2 semaphore(%arg18 : memref<!tpu.dma_semaphore, #tpu.memory_space<semaphore_mem>>) src(%arg5 : memref<12800xf32, #tpu.memory_space<hbm>>) dst(%arg13 : memref<12800xf32, #tpu.memory_space<vmem>>)
    %scan3A = arith.constant 0 : i32
    %scan3A_13 = arith.constant 0 : i32
    %scan3A_14 = arith.constant 16 : i32
    %scan3A_15 = arith.addi %scan3A_13, %scan3A_14 : i32
    %scan3A_16 = arith.constant 1 : i32
    scf.for %scan3A_78 = %scan3A_13 to %scan3A_15 step %scan3A_16  : i32 {
      %mul3A_79 = arith.constant 2 : i32
      %mul3A_80 = arith.muli %mul3A_79, %scan3A_78 : i32
      %add3A_81 = arith.constant 1 : i32
      %add3A_82 = arith.addi %mul3A_80, %add3A_81 : i32
      %gt3A = arith.constant 0 : i32
      %gt3A_83 = arith.cmpi sgt, %scan3A_78, %gt3A : i32
      %convert_element_type3A = arith.extui %gt3A_83 : i1 to i32
      %cond3A = arith.constant 0 : i32
      %cond3A_84 = arith.cmpi ne, %convert_element_type3A, %cond3A : i32
      scf.if %cond3A_84 {
        %sub3A = arith.constant 2 : i32
        %sub3A_160 = arith.subi %mul3A_80, %sub3A : i32
        %mul3A_161 = arith.constant 512 : i32
        %mul3A_162 = arith.muli %add3A, %mul3A_161 : i32
        %mul3A_163 = arith.constant 16 : i32
        %mul3A_164 = arith.muli %sub3A_160, %mul3A_163 : i32
        %add3A_165 = arith.addi %mul3A_162, %mul3A_164 : i32
        %dma_wait3A_166 = arith.constant 0 : i32
        %dma_wait3A_167 = arith.constant 0 : i32
        %dma_wait3A_168 = tpu.memref_slice %arg14[%dma_wait3A_166, %dma_wait3A_167] : memref<16x1536xf32, #tpu.memory_space<vmem>> -> memref<8x1536xf32, #tpu.memory_space<vmem>>
        %dma_wait3A_169 = arith.constant 0 : i32
        %dma_wait3A_170 = tpu.memref_slice %arg6[%add3A_165, %dma_wait3A_169] : memref<16384x1536xf32, #tpu.memory_space<hbm>> -> memref<8x1536xf32, #tpu.memory_space<hbm>>
        %dma_wait3A_171 = arith.constant 0 : i32
        %dma_wait3A_172 = tpu.memref_slice %arg6[%add3A_165, %dma_wait3A_171] : memref<16384x1536xf32, #tpu.memory_space<hbm>> -> memref<8x1536xf32, #tpu.memory_space<hbm>>
        %dma_wait3A_173 = arith.constant 0 : i32
        %dma_wait3A_174 = arith.constant 0 : i32
        %dma_wait3A_175 = tpu.memref_slice %arg14[%dma_wait3A_173, %dma_wait3A_174] : memref<16x1536xf32, #tpu.memory_space<vmem>> -> memref<8x1536xf32, #tpu.memory_space<vmem>>
        tpu.wait_dma2 semaphore(%arg16 : memref<!tpu.dma_semaphore, #tpu.memory_space<semaphore_mem>>) src(%dma_wait3A_175 : memref<8x1536xf32, #tpu.memory_space<vmem>>) dst(%dma_wait3A_172 : memref<8x1536xf32, #tpu.memory_space<hbm>>)
        %mul3A_176 = arith.constant 512 : i32
        %mul3A_177 = arith.muli %add3A, %mul3A_176 : i32
        %mul3A_178 = arith.constant 16 : i32
        %mul3A_179 = arith.muli %sub3A_160, %mul3A_178 : i32
        %add3A_180 = arith.addi %mul3A_177, %mul3A_179 : i32
        %add3A_181 = arith.constant 8 : i32
        %add3A_182 = arith.addi %add3A_180, %add3A_181 : i32
        %dma_wait3A_183 = arith.constant 8 : i32
        %dma_wait3A_184 = arith.constant 0 : i32
        %dma_wait3A_185 = tpu.memref_slice %arg14[%dma_wait3A_183, %dma_wait3A_184] : memref<16x1536xf32, #tpu.memory_space<vmem>> -> memref<8x1536xf32, #tpu.memory_space<vmem>>
        %dma_wait3A_186 = arith.constant 0 : i32
        %dma_wait3A_187 = tpu.memref_slice %arg6[%add3A_182, %dma_wait3A_186] : memref<16384x1536xf32, #tpu.memory_space<hbm>> -> memref<8x1536xf32, #tpu.memory_space<hbm>>
        %dma_wait3A_188 = arith.constant 0 : i32
        %dma_wait3A_189 = tpu.memref_slice %arg6[%add3A_182, %dma_wait3A_188] : memref<16384x1536xf32, #tpu.memory_space<hbm>> -> memref<8x1536xf32, #tpu.memory_space<hbm>>
        %dma_wait3A_190 = arith.constant 8 : i32
        %dma_wait3A_191 = arith.constant 0 : i32
        %dma_wait3A_192 = tpu.memref_slice %arg14[%dma_wait3A_190, %dma_wait3A_191] : memref<16x1536xf32, #tpu.memory_space<vmem>> -> memref<8x1536xf32, #tpu.memory_space<vmem>>
        tpu.wait_dma2 semaphore(%arg16 : memref<!tpu.dma_semaphore, #tpu.memory_space<semaphore_mem>>) src(%dma_wait3A_192 : memref<8x1536xf32, #tpu.memory_space<vmem>>) dst(%dma_wait3A_189 : memref<8x1536xf32, #tpu.memory_space<hbm>>)
      } else {
      }
      %parallel_loop3A_85 = arith.constant 0 : i32
      %parallel_loop3A_86 = arith.constant 16 : i32
      %parallel_loop3A_87 = arith.constant 1 : i32
      scf.for %parallel_loop3A_160 = %parallel_loop3A_85 to %parallel_loop3A_86 step %parallel_loop3A_87  : i32 {
        %parallel_loop3A_161 = arith.constant 16 : i32
        %parallel_loop3A_162 = arith.muli %mul3A_80, %parallel_loop3A_161 : i32
        %parallel_loop3A_163 = arith.addi %parallel_loop3A_162, %parallel_loop3A_160 : i32
        %parallel_loop3A_164 = arith.index_cast %parallel_loop3A_163 : i32 to index
        %parallel_loop3A_165 = memref.load %arg7[%parallel_loop3A_164] : memref<512xi32, #tpu.memory_space<smem>>
        %parallel_loop3A_166 = arith.constant 1024 : i32
        %parallel_loop3A_167 = arith.muli %parallel_loop3A_165, %parallel_loop3A_166 : i32
        %parallel_loop3A_168 = arith.index_cast %parallel_loop3A_163 : i32 to index
        %parallel_loop3A_169 = memref.load %arg8[%parallel_loop3A_168] : memref<512xi32, #tpu.memory_space<smem>>
        %parallel_loop3A_170 = arith.constant 256 : i32
        %parallel_loop3A_171 = arith.muli %parallel_loop3A_169, %parallel_loop3A_170 : i32
        %parallel_loop3A_172 = arith.index_cast %parallel_loop3A_163 : i32 to index
        %parallel_loop3A_173 = memref.load %arg9[%parallel_loop3A_172] : memref<512xi32, #tpu.memory_space<smem>>
        %parallel_loop3A_174 = arith.constant 256 : i32
        %parallel_loop3A_175 = arith.muli %parallel_loop3A_173, %parallel_loop3A_174 : i32
        %parallel_loop3A_176 = arith.constant 0 : i32
        %parallel_loop3A_177 = arith.addi %parallel_loop3A_167, %parallel_loop3A_176 : i32
        %parallel_loop3A_178 = arith.constant 16 : i32
        %parallel_loop3A_179 = arith.addi %parallel_loop3A_167, %parallel_loop3A_178 : i32
        %parallel_loop3A_180 = arith.constant 32 : i32
        %parallel_loop3A_181 = arith.addi %parallel_loop3A_167, %parallel_loop3A_180 : i32
        %parallel_loop3A_182 = arith.constant 48 : i32
        %parallel_loop3A_183 = arith.addi %parallel_loop3A_167, %parallel_loop3A_182 : i32
        %parallel_loop3A_184 = arith.constant 64 : i32
        %parallel_loop3A_185 = arith.addi %parallel_loop3A_167, %parallel_loop3A_184 : i32
        %parallel_loop3A_186 = arith.constant 80 : i32
        %parallel_loop3A_187 = arith.addi %parallel_loop3A_167, %parallel_loop3A_186 : i32
        %parallel_loop3A_188 = arith.constant 96 : i32
        %parallel_loop3A_189 = arith.addi %parallel_loop3A_167, %parallel_loop3A_188 : i32
        %parallel_loop3A_190 = arith.constant 112 : i32
        %parallel_loop3A_191 = arith.addi %parallel_loop3A_167, %parallel_loop3A_190 : i32
        %parallel_loop3A_192 = arith.constant 128 : i32
        %parallel_loop3A_193 = arith.addi %parallel_loop3A_167, %parallel_loop3A_192 : i32
        %parallel_loop3A_194 = arith.constant 144 : i32
        %parallel_loop3A_195 = arith.addi %parallel_loop3A_167, %parallel_loop3A_194 : i32
        %parallel_loop3A_196 = arith.constant 160 : i32
        %parallel_loop3A_197 = arith.addi %parallel_loop3A_167, %parallel_loop3A_196 : i32
        %parallel_loop3A_198 = arith.constant 176 : i32
        %parallel_loop3A_199 = arith.addi %parallel_loop3A_167, %parallel_loop3A_198 : i32
        %parallel_loop3A_200 = arith.constant 192 : i32
        %parallel_loop3A_201 = arith.addi %parallel_loop3A_167, %parallel_loop3A_200 : i32
        %parallel_loop3A_202 = arith.constant 208 : i32
        %parallel_loop3A_203 = arith.addi %parallel_loop3A_167, %parallel_loop3A_202 : i32
        %parallel_loop3A_204 = arith.constant 224 : i32
        %parallel_loop3A_205 = arith.addi %parallel_loop3A_167, %parallel_loop3A_204 : i32
        %parallel_loop3A_206 = arith.constant 240 : i32
        %parallel_loop3A_207 = arith.addi %parallel_loop3A_167, %parallel_loop3A_206 : i32
        %parallel_loop3A_208 = arith.constant 256 : i32
        %parallel_loop3A_209 = arith.addi %parallel_loop3A_167, %parallel_loop3A_208 : i32
        %parallel_loop3A_210 = arith.constant 272 : i32
        %parallel_loop3A_211 = arith.addi %parallel_loop3A_167, %parallel_loop3A_210 : i32
        %parallel_loop3A_212 = arith.constant 288 : i32
        %parallel_loop3A_213 = arith.addi %parallel_loop3A_167, %parallel_loop3A_212 : i32
        %parallel_loop3A_214 = arith.constant 304 : i32
        %parallel_loop3A_215 = arith.addi %parallel_loop3A_167, %parallel_loop3A_214 : i32
        %parallel_loop3A_216 = arith.constant 320 : i32
        %parallel_loop3A_217 = arith.addi %parallel_loop3A_167, %parallel_loop3A_216 : i32
        %parallel_loop3A_218 = arith.constant 336 : i32
        %parallel_loop3A_219 = arith.addi %parallel_loop3A_167, %parallel_loop3A_218 : i32
        %parallel_loop3A_220 = arith.constant 352 : i32
        %parallel_loop3A_221 = arith.addi %parallel_loop3A_167, %parallel_loop3A_220 : i32
        %parallel_loop3A_222 = arith.constant 368 : i32
        %parallel_loop3A_223 = arith.addi %parallel_loop3A_167, %parallel_loop3A_222 : i32
        %parallel_loop3A_224 = arith.constant 384 : i32
        %parallel_loop3A_225 = arith.addi %parallel_loop3A_167, %parallel_loop3A_224 : i32
        %parallel_loop3A_226 = arith.constant 400 : i32
        %parallel_loop3A_227 = arith.addi %parallel_loop3A_167, %parallel_loop3A_226 : i32
        %parallel_loop3A_228 = arith.constant 416 : i32
        %parallel_loop3A_229 = arith.addi %parallel_loop3A_167, %parallel_loop3A_228 : i32
        %parallel_loop3A_230 = arith.constant 432 : i32
        %parallel_loop3A_231 = arith.addi %parallel_loop3A_167, %parallel_loop3A_230 : i32
        %parallel_loop3A_232 = arith.constant 448 : i32
        %parallel_loop3A_233 = arith.addi %parallel_loop3A_167, %parallel_loop3A_232 : i32
        %parallel_loop3A_234 = arith.constant 464 : i32
        %parallel_loop3A_235 = arith.addi %parallel_loop3A_167, %parallel_loop3A_234 : i32
        %parallel_loop3A_236 = arith.constant 480 : i32
        %parallel_loop3A_237 = arith.addi %parallel_loop3A_167, %parallel_loop3A_236 : i32
        %parallel_loop3A_238 = arith.constant 496 : i32
        %parallel_loop3A_239 = arith.addi %parallel_loop3A_167, %parallel_loop3A_238 : i32
        %parallel_loop3A_240 = arith.constant 512 : i32
        %parallel_loop3A_241 = arith.addi %parallel_loop3A_167, %parallel_loop3A_240 : i32
        %parallel_loop3A_242 = arith.constant 528 : i32
        %parallel_loop3A_243 = arith.addi %parallel_loop3A_167, %parallel_loop3A_242 : i32
        %parallel_loop3A_244 = arith.constant 544 : i32
        %parallel_loop3A_245 = arith.addi %parallel_loop3A_167, %parallel_loop3A_244 : i32
        %parallel_loop3A_246 = arith.constant 560 : i32
        %parallel_loop3A_247 = arith.addi %parallel_loop3A_167, %parallel_loop3A_246 : i32
        %parallel_loop3A_248 = arith.constant 576 : i32
        %parallel_loop3A_249 = arith.addi %parallel_loop3A_167, %parallel_loop3A_248 : i32
        %parallel_loop3A_250 = arith.constant 592 : i32
        %parallel_loop3A_251 = arith.addi %parallel_loop3A_167, %parallel_loop3A_250 : i32
        %parallel_loop3A_252 = arith.constant 608 : i32
        %parallel_loop3A_253 = arith.addi %parallel_loop3A_167, %parallel_loop3A_252 : i32
        %parallel_loop3A_254 = arith.constant 624 : i32
        %parallel_loop3A_255 = arith.addi %parallel_loop3A_167, %parallel_loop3A_254 : i32
        %parallel_loop3A_256 = arith.constant 640 : i32
        %parallel_loop3A_257 = arith.addi %parallel_loop3A_167, %parallel_loop3A_256 : i32
        %parallel_loop3A_258 = arith.constant 656 : i32
        %parallel_loop3A_259 = arith.addi %parallel_loop3A_167, %parallel_loop3A_258 : i32
        %parallel_loop3A_260 = arith.constant 672 : i32
        %parallel_loop3A_261 = arith.addi %parallel_loop3A_167, %parallel_loop3A_260 : i32
        %parallel_loop3A_262 = arith.constant 688 : i32
        %parallel_loop3A_263 = arith.addi %parallel_loop3A_167, %parallel_loop3A_262 : i32
        %parallel_loop3A_264 = arith.constant 704 : i32
        %parallel_loop3A_265 = arith.addi %parallel_loop3A_167, %parallel_loop3A_264 : i32
        %parallel_loop3A_266 = arith.constant 720 : i32
        %parallel_loop3A_267 = arith.addi %parallel_loop3A_167, %parallel_loop3A_266 : i32
        %parallel_loop3A_268 = arith.constant 736 : i32
        %parallel_loop3A_269 = arith.addi %parallel_loop3A_167, %parallel_loop3A_268 : i32
        %parallel_loop3A_270 = arith.constant 752 : i32
        %parallel_loop3A_271 = arith.addi %parallel_loop3A_167, %parallel_loop3A_270 : i32
        %parallel_loop3A_272 = arith.constant 768 : i32
        %parallel_loop3A_273 = arith.addi %parallel_loop3A_167, %parallel_loop3A_272 : i32
        %parallel_loop3A_274 = arith.constant 784 : i32
        %parallel_loop3A_275 = arith.addi %parallel_loop3A_167, %parallel_loop3A_274 : i32
        %parallel_loop3A_276 = arith.constant 800 : i32
        %parallel_loop3A_277 = arith.addi %parallel_loop3A_167, %parallel_loop3A_276 : i32
        %parallel_loop3A_278 = arith.constant 816 : i32
        %parallel_loop3A_279 = arith.addi %parallel_loop3A_167, %parallel_loop3A_278 : i32
        %parallel_loop3A_280 = arith.constant 832 : i32
        %parallel_loop3A_281 = arith.addi %parallel_loop3A_167, %parallel_loop3A_280 : i32
        %parallel_loop3A_282 = arith.constant 848 : i32
        %parallel_loop3A_283 = arith.addi %parallel_loop3A_167, %parallel_loop3A_282 : i32
        %parallel_loop3A_284 = arith.constant 864 : i32
        %parallel_loop3A_285 = arith.addi %parallel_loop3A_167, %parallel_loop3A_284 : i32
        %parallel_loop3A_286 = arith.constant 880 : i32
        %parallel_loop3A_287 = arith.addi %parallel_loop3A_167, %parallel_loop3A_286 : i32
        %parallel_loop3A_288 = arith.constant 896 : i32
        %parallel_loop3A_289 = arith.addi %parallel_loop3A_167, %parallel_loop3A_288 : i32
        %parallel_loop3A_290 = arith.constant 912 : i32
        %parallel_loop3A_291 = arith.addi %parallel_loop3A_167, %parallel_loop3A_290 : i32
        %parallel_loop3A_292 = arith.constant 928 : i32
        %parallel_loop3A_293 = arith.addi %parallel_loop3A_167, %parallel_loop3A_292 : i32
        %parallel_loop3A_294 = arith.constant 944 : i32
        %parallel_loop3A_295 = arith.addi %parallel_loop3A_167, %parallel_loop3A_294 : i32
        %parallel_loop3A_296 = arith.constant 960 : i32
        %parallel_loop3A_297 = arith.addi %parallel_loop3A_167, %parallel_loop3A_296 : i32
        %parallel_loop3A_298 = arith.constant 976 : i32
        %parallel_loop3A_299 = arith.addi %parallel_loop3A_167, %parallel_loop3A_298 : i32
        %parallel_loop3A_300 = arith.constant 992 : i32
        %parallel_loop3A_301 = arith.addi %parallel_loop3A_167, %parallel_loop3A_300 : i32
        %parallel_loop3A_302 = arith.constant 1008 : i32
        %parallel_loop3A_303 = arith.addi %parallel_loop3A_167, %parallel_loop3A_302 : i32
        %parallel_loop3A_304 = arith.constant 0 : i32
        %parallel_loop3A_305 = arith.addi %parallel_loop3A_171, %parallel_loop3A_304 : i32
        %parallel_loop3A_306 = arith.constant 16 : i32
        %parallel_loop3A_307 = arith.addi %parallel_loop3A_171, %parallel_loop3A_306 : i32
        %parallel_loop3A_308 = arith.constant 32 : i32
        %parallel_loop3A_309 = arith.addi %parallel_loop3A_171, %parallel_loop3A_308 : i32
        %parallel_loop3A_310 = arith.constant 48 : i32
        %parallel_loop3A_311 = arith.addi %parallel_loop3A_171, %parallel_loop3A_310 : i32
        %parallel_loop3A_312 = arith.constant 64 : i32
        %parallel_loop3A_313 = arith.addi %parallel_loop3A_171, %parallel_loop3A_312 : i32
        %parallel_loop3A_314 = arith.constant 80 : i32
        %parallel_loop3A_315 = arith.addi %parallel_loop3A_171, %parallel_loop3A_314 : i32
        %parallel_loop3A_316 = arith.constant 96 : i32
        %parallel_loop3A_317 = arith.addi %parallel_loop3A_171, %parallel_loop3A_316 : i32
        %parallel_loop3A_318 = arith.constant 112 : i32
        %parallel_loop3A_319 = arith.addi %parallel_loop3A_171, %parallel_loop3A_318 : i32
        %parallel_loop3A_320 = arith.constant 128 : i32
        %parallel_loop3A_321 = arith.addi %parallel_loop3A_171, %parallel_loop3A_320 : i32
        %parallel_loop3A_322 = arith.constant 144 : i32
        %parallel_loop3A_323 = arith.addi %parallel_loop3A_171, %parallel_loop3A_322 : i32
        %parallel_loop3A_324 = arith.constant 160 : i32
        %parallel_loop3A_325 = arith.addi %parallel_loop3A_171, %parallel_loop3A_324 : i32
        %parallel_loop3A_326 = arith.constant 176 : i32
        %parallel_loop3A_327 = arith.addi %parallel_loop3A_171, %parallel_loop3A_326 : i32
        %parallel_loop3A_328 = arith.constant 192 : i32
        %parallel_loop3A_329 = arith.addi %parallel_loop3A_171, %parallel_loop3A_328 : i32
        %parallel_loop3A_330 = arith.constant 208 : i32
        %parallel_loop3A_331 = arith.addi %parallel_loop3A_171, %parallel_loop3A_330 : i32
        %parallel_loop3A_332 = arith.constant 224 : i32
        %parallel_loop3A_333 = arith.addi %parallel_loop3A_171, %parallel_loop3A_332 : i32
        %parallel_loop3A_334 = arith.constant 240 : i32
        %parallel_loop3A_335 = arith.addi %parallel_loop3A_171, %parallel_loop3A_334 : i32
        %parallel_loop3A_336 = arith.constant 0 : i32
        %parallel_loop3A_337 = arith.addi %parallel_loop3A_175, %parallel_loop3A_336 : i32
        %parallel_loop3A_338 = arith.constant 16 : i32
        %parallel_loop3A_339 = arith.addi %parallel_loop3A_175, %parallel_loop3A_338 : i32
        %parallel_loop3A_340 = arith.constant 32 : i32
        %parallel_loop3A_341 = arith.addi %parallel_loop3A_175, %parallel_loop3A_340 : i32
        %parallel_loop3A_342 = arith.constant 48 : i32
        %parallel_loop3A_343 = arith.addi %parallel_loop3A_175, %parallel_loop3A_342 : i32
        %parallel_loop3A_344 = arith.constant 64 : i32
        %parallel_loop3A_345 = arith.addi %parallel_loop3A_175, %parallel_loop3A_344 : i32
        %parallel_loop3A_346 = arith.constant 80 : i32
        %parallel_loop3A_347 = arith.addi %parallel_loop3A_175, %parallel_loop3A_346 : i32
        %parallel_loop3A_348 = arith.constant 96 : i32
        %parallel_loop3A_349 = arith.addi %parallel_loop3A_175, %parallel_loop3A_348 : i32
        %parallel_loop3A_350 = arith.constant 112 : i32
        %parallel_loop3A_351 = arith.addi %parallel_loop3A_175, %parallel_loop3A_350 : i32
        %parallel_loop3A_352 = arith.constant 128 : i32
        %parallel_loop3A_353 = arith.addi %parallel_loop3A_175, %parallel_loop3A_352 : i32
        %parallel_loop3A_354 = arith.constant 144 : i32
        %parallel_loop3A_355 = arith.addi %parallel_loop3A_175, %parallel_loop3A_354 : i32
        %parallel_loop3A_356 = arith.constant 160 : i32
        %parallel_loop3A_357 = arith.addi %parallel_loop3A_175, %parallel_loop3A_356 : i32
        %parallel_loop3A_358 = arith.constant 176 : i32
        %parallel_loop3A_359 = arith.addi %parallel_loop3A_175, %parallel_loop3A_358 : i32
        %parallel_loop3A_360 = arith.constant 192 : i32
        %parallel_loop3A_361 = arith.addi %parallel_loop3A_175, %parallel_loop3A_360 : i32
        %parallel_loop3A_362 = arith.constant 208 : i32
        %parallel_loop3A_363 = arith.addi %parallel_loop3A_175, %parallel_loop3A_362 : i32
        %parallel_loop3A_364 = arith.constant 224 : i32
        %parallel_loop3A_365 = arith.addi %parallel_loop3A_175, %parallel_loop3A_364 : i32
        %parallel_loop3A_366 = arith.constant 240 : i32
        %parallel_loop3A_367 = arith.addi %parallel_loop3A_175, %parallel_loop3A_366 : i32
        %parallel_loop3A_368 = arith.index_cast %parallel_loop3A_177 : i32 to index
        %parallel_loop3A_369 = tpu.vector_load %arg11[%parallel_loop3A_368] {strides = array<i32>} : memref<5120xf32, #tpu.memory_space<vmem>>, vector<16xf32>,
        %parallel_loop3A_370 = arith.index_cast %parallel_loop3A_179 : i32 to index
        %parallel_loop3A_371 = tpu.vector_load %arg11[%parallel_loop3A_370] {strides = array<i32>} : memref<5120xf32, #tpu.memory_space<vmem>>, vector<16xf32>,
        %parallel_loop3A_372 = arith.index_cast %parallel_loop3A_181 : i32 to index
        %parallel_loop3A_373 = tpu.vector_load %arg11[%parallel_loop3A_372] {strides = array<i32>} : memref<5120xf32, #tpu.memory_space<vmem>>, vector<16xf32>,
        %parallel_loop3A_374 = arith.index_cast %parallel_loop3A_183 : i32 to index
        %parallel_loop3A_375 = tpu.vector_load %arg11[%parallel_loop3A_374] {strides = array<i32>} : memref<5120xf32, #tpu.memory_space<vmem>>, vector<16xf32>,
        %parallel_loop3A_376 = arith.index_cast %parallel_loop3A_185 : i32 to index
        %parallel_loop3A_377 = tpu.vector_load %arg11[%parallel_loop3A_376] {strides = array<i32>} : memref<5120xf32, #tpu.memory_space<vmem>>, vector<16xf32>,
        %parallel_loop3A_378 = arith.index_cast %parallel_loop3A_187 : i32 to index
        %parallel_loop3A_379 = tpu.vector_load %arg11[%parallel_loop3A_378] {strides = array<i32>} : memref<5120xf32, #tpu.memory_space<vmem>>, vector<16xf32>,
        %parallel_loop3A_380 = arith.index_cast %parallel_loop3A_189 : i32 to index
        %parallel_loop3A_381 = tpu.vector_load %arg11[%parallel_loop3A_380] {strides = array<i32>} : memref<5120xf32, #tpu.memory_space<vmem>>, vector<16xf32>,
        %parallel_loop3A_382 = arith.index_cast %parallel_loop3A_191 : i32 to index
        %parallel_loop3A_383 = tpu.vector_load %arg11[%parallel_loop3A_382] {strides = array<i32>} : memref<5120xf32, #tpu.memory_space<vmem>>, vector<16xf32>,
        %parallel_loop3A_384 = arith.index_cast %parallel_loop3A_160 : i32 to index
        %parallel_loop3A_385 = arith.constant 0 : index
        %parallel_loop3A_386 = tpu.vector_load %arg14[%parallel_loop3A_384, %parallel_loop3A_385] {strides = array<i32>} : memref<16x1536xf32, #tpu.memory_space<vmem>>, vector<16xf32>,
        tpu.vector_store %arg14[%parallel_loop3A_384, %parallel_loop3A_385], %parallel_loop3A_369 {strides = array<i32>} : memref<16x1536xf32, #tpu.memory_space<vmem>>, vector<16xf32>,
        %parallel_loop3A_387 = arith.index_cast %parallel_loop3A_193 : i32 to index
        %parallel_loop3A_388 = tpu.vector_load %arg11[%parallel_loop3A_387] {strides = array<i32>} : memref<5120xf32, #tpu.memory_space<vmem>>, vector<16xf32>,
        %parallel_loop3A_389 = arith.index_cast %parallel_loop3A_160 : i32 to index
        %parallel_loop3A_390 = arith.constant 16 : index
        %parallel_loop3A_391 = tpu.vector_load %arg14[%parallel_loop3A_389, %parallel_loop3A_390] {strides = array<i32>} : memref<16x1536xf32, #tpu.memory_space<vmem>>, vector<16xf32>,
        tpu.vector_store %arg14[%parallel_loop3A_389, %parallel_loop3A_390], %parallel_loop3A_371 {strides = array<i32>} : memref<16x1536xf32, #tpu.memory_space<vmem>>, vector<16xf32>,
        %parallel_loop3A_392 = arith.index_cast %parallel_loop3A_195 : i32 to index
        %parallel_loop3A_393 = tpu.vector_load %arg11[%parallel_loop3A_392] {strides = array<i32>} : memref<5120xf32, #tpu.memory_space<vmem>>, vector<16xf32>,
        %parallel_loop3A_394 = arith.index_cast %parallel_loop3A_160 : i32 to index
        %parallel_loop3A_395 = arith.constant 32 : index
        %parallel_loop3A_396 = tpu.vector_load %arg14[%parallel_loop3A_394, %parallel_loop3A_395] {strides = array<i32>} : memref<16x1536xf32, #tpu.memory_space<vmem>>, vector<16xf32>,
        tpu.vector_store %arg14[%parallel_loop3A_394, %parallel_loop3A_395], %parallel_loop3A_373 {strides = array<i32>} : memref<16x1536xf32, #tpu.memory_space<vmem>>, vector<16xf32>,
        %parallel_loop3A_397 = arith.index_cast %parallel_loop3A_197 : i32 to index
        %parallel_loop3A_398 = tpu.vector_load %arg11[%parallel_loop3A_397] {strides = array<i32>} : memref<5120xf32, #tpu.memory_space<vmem>>, vector<16xf32>,
        %parallel_loop3A_399 = arith.index_cast %parallel_loop3A_160 : i32 to index
        %parallel_loop3A_400 = arith.constant 48 : index
        %parallel_loop3A_401 = tpu.vector_load %arg14[%parallel_loop3A_399, %parallel_loop3A_400] {strides = array<i32>} : memref<16x1536xf32, #tpu.memory_space<vmem>>, vector<16xf32>,
        tpu.vector_store %arg14[%parallel_loop3A_399, %parallel_loop3A_400], %parallel_loop3A_375 {strides = array<i32>} : memref<16x1536xf32, #tpu.memory_space<vmem>>, vector<16xf32>,
        %parallel_loop3A_402 = arith.index_cast %parallel_loop3A_199 : i32 to index
        %parallel_loop3A_403 = tpu.vector_load %arg11[%parallel_loop3A_402] {strides = array<i32>} : memref<5120xf32, #tpu.memory_space<vmem>>, vector<16xf32>,
        %parallel_loop3A_404 = arith.index_cast %parallel_loop3A_160 : i32 to index
        %parallel_loop3A_405 = arith.constant 64 : index
        %parallel_loop3A_406 = tpu.vector_load %arg14[%parallel_loop3A_404, %parallel_loop3A_405] {strides = array<i32>} : memref<16x1536xf32, #tpu.memory_space<vmem>>, vector<16xf32>,
        tpu.vector_store %arg14[%parallel_loop3A_404, %parallel_loop3A_405], %parallel_loop3A_377 {strides = array<i32>} : memref<16x1536xf32, #tpu.memory_space<vmem>>, vector<16xf32>,
        %parallel_loop3A_407 = arith.index_cast %parallel_loop3A_201 : i32 to index
        %parallel_loop3A_408 = tpu.vector_load %arg11[%parallel_loop3A_407] {strides = array<i32>} : memref<5120xf32, #tpu.memory_space<vmem>>, vector<16xf32>,
        %parallel_loop3A_409 = arith.index_cast %parallel_loop3A_160 : i32 to index
        %parallel_loop3A_410 = arith.constant 80 : index
        %parallel_loop3A_411 = tpu.vector_load %arg14[%parallel_loop3A_409, %parallel_loop3A_410] {strides = array<i32>} : memref<16x1536xf32, #tpu.memory_space<vmem>>, vector<16xf32>,
        tpu.vector_store %arg14[%parallel_loop3A_409, %parallel_loop3A_410], %parallel_loop3A_379 {strides = array<i32>} : memref<16x1536xf32, #tpu.memory_space<vmem>>, vector<16xf32>,
        %parallel_loop3A_412 = arith.index_cast %parallel_loop3A_203 : i32 to index
        %parallel_loop3A_413 = tpu.vector_load %arg11[%parallel_loop3A_412] {strides = array<i32>} : memref<5120xf32, #tpu.memory_space<vmem>>, vector<16xf32>,
        %parallel_loop3A_414 = arith.index_cast %parallel_loop3A_160 : i32 to index
        %parallel_loop3A_415 = arith.constant 96 : index
        %parallel_loop3A_416 = tpu.vector_load %arg14[%parallel_loop3A_414, %parallel_loop3A_415] {strides = array<i32>} : memref<16x1536xf32, #tpu.memory_space<vmem>>, vector<16xf32>,
        tpu.vector_store %arg14[%parallel_loop3A_414, %parallel_loop3A_415], %parallel_loop3A_381 {strides = array<i32>} : memref<16x1536xf32, #tpu.memory_space<vmem>>, vector<16xf32>,
        %parallel_loop3A_417 = arith.index_cast %parallel_loop3A_205 : i32 to index
        %parallel_loop3A_418 = tpu.vector_load %arg11[%parallel_loop3A_417] {strides = array<i32>} : memref<5120xf32, #tpu.memory_space<vmem>>, vector<16xf32>,
        %parallel_loop3A_419 = arith.index_cast %parallel_loop3A_160 : i32 to index
        %parallel_loop3A_420 = arith.constant 112 : index
        %parallel_loop3A_421 = tpu.vector_load %arg14[%parallel_loop3A_419, %parallel_loop3A_420] {strides = array<i32>} : memref<16x1536xf32, #tpu.memory_space<vmem>>, vector<16xf32>,
        tpu.vector_store %arg14[%parallel_loop3A_419, %parallel_loop3A_420], %parallel_loop3A_383 {strides = array<i32>} : memref<16x1536xf32, #tpu.memory_space<vmem>>, vector<16xf32>,
        %parallel_loop3A_422 = arith.index_cast %parallel_loop3A_207 : i32 to index
        %parallel_loop3A_423 = tpu.vector_load %arg11[%parallel_loop3A_422] {strides = array<i32>} : memref<5120xf32, #tpu.memory_space<vmem>>, vector<16xf32>,
        %parallel_loop3A_424 = arith.index_cast %parallel_loop3A_160 : i32 to index
        %parallel_loop3A_425 = arith.constant 128 : index
        %parallel_loop3A_426 = tpu.vector_load %arg14[%parallel_loop3A_424, %parallel_loop3A_425] {strides = array<i32>} : memref<16x1536xf32, #tpu.memory_space<vmem>>, vector<16xf32>,
        tpu.vector_store %arg14[%parallel_loop3A_424, %parallel_loop3A_425], %parallel_loop3A_388 {strides = array<i32>} : memref<16x1536xf32, #tpu.memory_space<vmem>>, vector<16xf32>,
        %parallel_loop3A_427 = arith.index_cast %parallel_loop3A_209 : i32 to index
        %parallel_loop3A_428 = tpu.vector_load %arg11[%parallel_loop3A_427] {strides = array<i32>} : memref<5120xf32, #tpu.memory_space<vmem>>, vector<16xf32>,
        %parallel_loop3A_429 = arith.index_cast %parallel_loop3A_160 : i32 to index
        %parallel_loop3A_430 = arith.constant 144 : index
        %parallel_loop3A_431 = tpu.vector_load %arg14[%parallel_loop3A_429, %parallel_loop3A_430] {strides = array<i32>} : memref<16x1536xf32, #tpu.memory_space<vmem>>, vector<16xf32>,
        tpu.vector_store %arg14[%parallel_loop3A_429, %parallel_loop3A_430], %parallel_loop3A_393 {strides = array<i32>} : memref<16x1536xf32, #tpu.memory_space<vmem>>, vector<16xf32>,
        %parallel_loop3A_432 = arith.index_cast %parallel_loop3A_211 : i32 to index
        %parallel_loop3A_433 = tpu.vector_load %arg11[%parallel_loop3A_432] {strides = array<i32>} : memref<5120xf32, #tpu.memory_space<vmem>>, vector<16xf32>,
        %parallel_loop3A_434 = arith.index_cast %parallel_loop3A_160 : i32 to index
        %parallel_loop3A_435 = arith.constant 160 : index
        %parallel_loop3A_436 = tpu.vector_load %arg14[%parallel_loop3A_434, %parallel_loop3A_435] {strides = array<i32>} : memref<16x1536xf32, #tpu.memory_space<vmem>>, vector<16xf32>,
        tpu.vector_store %arg14[%parallel_loop3A_434, %parallel_loop3A_435], %parallel_loop3A_398 {strides = array<i32>} : memref<16x1536xf32, #tpu.memory_space<vmem>>, vector<16xf32>,
        %parallel_loop3A_437 = arith.index_cast %parallel_loop3A_213 : i32 to index
        %parallel_loop3A_438 = tpu.vector_load %arg11[%parallel_loop3A_437] {strides = array<i32>} : memref<5120xf32, #tpu.memory_space<vmem>>, vector<16xf32>,
        %parallel_loop3A_439 = arith.index_cast %parallel_loop3A_160 : i32 to index
        %parallel_loop3A_440 = arith.constant 176 : index
        %parallel_loop3A_441 = tpu.vector_load %arg14[%parallel_loop3A_439, %parallel_loop3A_440] {strides = array<i32>} : memref<16x1536xf32, #tpu.memory_space<vmem>>, vector<16xf32>,
        tpu.vector_store %arg14[%parallel_loop3A_439, %parallel_loop3A_440], %parallel_loop3A_403 {strides = array<i32>} : memref<16x1536xf32, #tpu.memory_space<vmem>>, vector<16xf32>,
        %parallel_loop3A_442 = arith.index_cast %parallel_loop3A_215 : i32 to index
        %parallel_loop3A_443 = tpu.vector_load %arg11[%parallel_loop3A_442] {strides = array<i32>} : memref<5120xf32, #tpu.memory_space<vmem>>, vector<16xf32>,
        %parallel_loop3A_444 = arith.index_cast %parallel_loop3A_160 : i32 to index
        %parallel_loop3A_445 = arith.constant 192 : index
        %parallel_loop3A_446 = tpu.vector_load %arg14[%parallel_loop3A_444, %parallel_loop3A_445] {strides = array<i32>} : memref<16x1536xf32, #tpu.memory_space<vmem>>, vector<16xf32>,
        tpu.vector_store %arg14[%parallel_loop3A_444, %parallel_loop3A_445], %parallel_loop3A_408 {strides = array<i32>} : memref<16x1536xf32, #tpu.memory_space<vmem>>, vector<16xf32>,
        %parallel_loop3A_447 = arith.index_cast %parallel_loop3A_217 : i32 to index
        %parallel_loop3A_448 = tpu.vector_load %arg11[%parallel_loop3A_447] {strides = array<i32>} : memref<5120xf32, #tpu.memory_space<vmem>>, vector<16xf32>,
        %parallel_loop3A_449 = arith.index_cast %parallel_loop3A_160 : i32 to index
        %parallel_loop3A_450 = arith.constant 208 : index
        %parallel_loop3A_451 = tpu.vector_load %arg14[%parallel_loop3A_449, %parallel_loop3A_450] {strides = array<i32>} : memref<16x1536xf32, #tpu.memory_space<vmem>>, vector<16xf32>,
        tpu.vector_store %arg14[%parallel_loop3A_449, %parallel_loop3A_450], %parallel_loop3A_413 {strides = array<i32>} : memref<16x1536xf32, #tpu.memory_space<vmem>>, vector<16xf32>,
        %parallel_loop3A_452 = arith.index_cast %parallel_loop3A_219 : i32 to index
        %parallel_loop3A_453 = tpu.vector_load %arg11[%parallel_loop3A_452] {strides = array<i32>} : memref<5120xf32, #tpu.memory_space<vmem>>, vector<16xf32>,
        %parallel_loop3A_454 = arith.index_cast %parallel_loop3A_160 : i32 to index
        %parallel_loop3A_455 = arith.constant 224 : index
        %parallel_loop3A_456 = tpu.vector_load %arg14[%parallel_loop3A_454, %parallel_loop3A_455] {strides = array<i32>} : memref<16x1536xf32, #tpu.memory_space<vmem>>, vector<16xf32>,
        tpu.vector_store %arg14[%parallel_loop3A_454, %parallel_loop3A_455], %parallel_loop3A_418 {strides = array<i32>} : memref<16x1536xf32, #tpu.memory_space<vmem>>, vector<16xf32>,
        %parallel_loop3A_457 = arith.index_cast %parallel_loop3A_221 : i32 to index
        %parallel_loop3A_458 = tpu.vector_load %arg11[%parallel_loop3A_457] {strides = array<i32>} : memref<5120xf32, #tpu.memory_space<vmem>>, vector<16xf32>,
        %parallel_loop3A_459 = arith.index_cast %parallel_loop3A_160 : i32 to index
        %parallel_loop3A_460 = arith.constant 240 : index
        %parallel_loop3A_461 = tpu.vector_load %arg14[%parallel_loop3A_459, %parallel_loop3A_460] {strides = array<i32>} : memref<16x1536xf32, #tpu.memory_space<vmem>>, vector<16xf32>,
        tpu.vector_store %arg14[%parallel_loop3A_459, %parallel_loop3A_460], %parallel_loop3A_423 {strides = array<i32>} : memref<16x1536xf32, #tpu.memory_space<vmem>>, vector<16xf32>,
        %parallel_loop3A_462 = arith.index_cast %parallel_loop3A_223 : i32 to index
        %parallel_loop3A_463 = tpu.vector_load %arg11[%parallel_loop3A_462] {strides = array<i32>} : memref<5120xf32, #tpu.memory_space<vmem>>, vector<16xf32>,
        %parallel_loop3A_464 = arith.index_cast %parallel_loop3A_160 : i32 to index
        %parallel_loop3A_465 = arith.constant 256 : index
        %parallel_loop3A_466 = tpu.vector_load %arg14[%parallel_loop3A_464, %parallel_loop3A_465] {strides = array<i32>} : memref<16x1536xf32, #tpu.memory_space<vmem>>, vector<16xf32>,
        tpu.vector_store %arg14[%parallel_loop3A_464, %parallel_loop3A_465], %parallel_loop3A_428 {strides = array<i32>} : memref<16x1536xf32, #tpu.memory_space<vmem>>, vector<16xf32>,
        %parallel_loop3A_467 = arith.index_cast %parallel_loop3A_225 : i32 to index
        %parallel_loop3A_468 = tpu.vector_load %arg11[%parallel_loop3A_467] {strides = array<i32>} : memref<5120xf32, #tpu.memory_space<vmem>>, vector<16xf32>,
        %parallel_loop3A_469 = arith.index_cast %parallel_loop3A_160 : i32 to index
        %parallel_loop3A_470 = arith.constant 272 : index
        %parallel_loop3A_471 = tpu.vector_load %arg14[%parallel_loop3A_469, %parallel_loop3A_470] {strides = array<i32>} : memref<16x1536xf32, #tpu.memory_space<vmem>>, vector<16xf32>,
        tpu.vector_store %arg14[%parallel_loop3A_469, %parallel_loop3A_470], %parallel_loop3A_433 {strides = array<i32>} : memref<16x1536xf32, #tpu.memory_space<vmem>>, vector<16xf32>,
        %parallel_loop3A_472 = arith.index_cast %parallel_loop3A_227 : i32 to index
        %parallel_loop3A_473 = tpu.vector_load %arg11[%parallel_loop3A_472] {strides = array<i32>} : memref<5120xf32, #tpu.memory_space<vmem>>, vector<16xf32>,
        %parallel_loop3A_474 = arith.index_cast %parallel_loop3A_160 : i32 to index
        %parallel_loop3A_475 = arith.constant 288 : index
        %parallel_loop3A_476 = tpu.vector_load %arg14[%parallel_loop3A_474, %parallel_loop3A_475] {strides = array<i32>} : memref<16x1536xf32, #tpu.memory_space<vmem>>, vector<16xf32>,
        tpu.vector_store %arg14[%parallel_loop3A_474, %parallel_loop3A_475], %parallel_loop3A_438 {strides = array<i32>} : memref<16x1536xf32, #tpu.memory_space<vmem>>, vector<16xf32>,
        %parallel_loop3A_477 = arith.index_cast %parallel_loop3A_229 : i32 to index
        %parallel_loop3A_478 = tpu.vector_load %arg11[%parallel_loop3A_477] {strides = array<i32>} : memref<5120xf32, #tpu.memory_space<vmem>>, vector<16xf32>,
        %parallel_loop3A_479 = arith.index_cast %parallel_loop3A_160 : i32 to index
        %parallel_loop3A_480 = arith.constant 304 : index
        %parallel_loop3A_481 = tpu.vector_load %arg14[%parallel_loop3A_479, %parallel_loop3A_480] {strides = array<i32>} : memref<16x1536xf32, #tpu.memory_space<vmem>>, vector<16xf32>,
        tpu.vector_store %arg14[%parallel_loop3A_479, %parallel_loop3A_480], %parallel_loop3A_443 {strides = array<i32>} : memref<16x1536xf32, #tpu.memory_space<vmem>>, vector<16xf32>,
        %parallel_loop3A_482 = arith.index_cast %parallel_loop3A_231 : i32 to index
        %parallel_loop3A_483 = tpu.vector_load %arg11[%parallel_loop3A_482] {strides = array<i32>} : memref<5120xf32, #tpu.memory_space<vmem>>, vector<16xf32>,
        %parallel_loop3A_484 = arith.index_cast %parallel_loop3A_160 : i32 to index
        %parallel_loop3A_485 = arith.constant 320 : index
        %parallel_loop3A_486 = tpu.vector_load %arg14[%parallel_loop3A_484, %parallel_loop3A_485] {strides = array<i32>} : memref<16x1536xf32, #tpu.memory_space<vmem>>, vector<16xf32>,
        tpu.vector_store %arg14[%parallel_loop3A_484, %parallel_loop3A_485], %parallel_loop3A_448 {strides = array<i32>} : memref<16x1536xf32, #tpu.memory_space<vmem>>, vector<16xf32>,
        %parallel_loop3A_487 = arith.index_cast %parallel_loop3A_233 : i32 to index
        %parallel_loop3A_488 = tpu.vector_load %arg11[%parallel_loop3A_487] {strides = array<i32>} : memref<5120xf32, #tpu.memory_space<vmem>>, vector<16xf32>,
        %parallel_loop3A_489 = arith.index_cast %parallel_loop3A_160 : i32 to index
        %parallel_loop3A_490 = arith.constant 336 : index
        %parallel_loop3A_491 = tpu.vector_load %arg14[%parallel_loop3A_489, %parallel_loop3A_490] {strides = array<i32>} : memref<16x1536xf32, #tpu.memory_space<vmem>>, vector<16xf32>,
        tpu.vector_store %arg14[%parallel_loop3A_489, %parallel_loop3A_490], %parallel_loop3A_453 {strides = array<i32>} : memref<16x1536xf32, #tpu.memory_space<vmem>>, vector<16xf32>,
        %parallel_loop3A_492 = arith.index_cast %parallel_loop3A_235 : i32 to index
        %parallel_loop3A_493 = tpu.vector_load %arg11[%parallel_loop3A_492] {strides = array<i32>} : memref<5120xf32, #tpu.memory_space<vmem>>, vector<16xf32>,
        %parallel_loop3A_494 = arith.index_cast %parallel_loop3A_160 : i32 to index
        %parallel_loop3A_495 = arith.constant 352 : index
        %parallel_loop3A_496 = tpu.vector_load %arg14[%parallel_loop3A_494, %parallel_loop3A_495] {strides = array<i32>} : memref<16x1536xf32, #tpu.memory_space<vmem>>, vector<16xf32>,
        tpu.vector_store %arg14[%parallel_loop3A_494, %parallel_loop3A_495], %parallel_loop3A_458 {strides = array<i32>} : memref<16x1536xf32, #tpu.memory_space<vmem>>, vector<16xf32>,
        %parallel_loop3A_497 = arith.index_cast %parallel_loop3A_237 : i32 to index
        %parallel_loop3A_498 = tpu.vector_load %arg11[%parallel_loop3A_497] {strides = array<i32>} : memref<5120xf32, #tpu.memory_space<vmem>>, vector<16xf32>,
        %parallel_loop3A_499 = arith.index_cast %parallel_loop3A_160 : i32 to index
        %parallel_loop3A_500 = arith.constant 368 : index
        %parallel_loop3A_501 = tpu.vector_load %arg14[%parallel_loop3A_499, %parallel_loop3A_500] {strides = array<i32>} : memref<16x1536xf32, #tpu.memory_space<vmem>>, vector<16xf32>,
        tpu.vector_store %arg14[%parallel_loop3A_499, %parallel_loop3A_500], %parallel_loop3A_463 {strides = array<i32>} : memref<16x1536xf32, #tpu.memory_space<vmem>>, vector<16xf32>,
        %parallel_loop3A_502 = arith.index_cast %parallel_loop3A_239 : i32 to index
        %parallel_loop3A_503 = tpu.vector_load %arg11[%parallel_loop3A_502] {strides = array<i32>} : memref<5120xf32, #tpu.memory_space<vmem>>, vector<16xf32>,
        %parallel_loop3A_504 = arith.index_cast %parallel_loop3A_160 : i32 to index
        %parallel_loop3A_505 = arith.constant 384 : index
        %parallel_loop3A_506 = tpu.vector_load %arg14[%parallel_loop3A_504, %parallel_loop3A_505] {strides = array<i32>} : memref<16x1536xf32, #tpu.memory_space<vmem>>, vector<16xf32>,
        tpu.vector_store %arg14[%parallel_loop3A_504, %parallel_loop3A_505], %parallel_loop3A_468 {strides = array<i32>} : memref<16x1536xf32, #tpu.memory_space<vmem>>, vector<16xf32>,
        %parallel_loop3A_507 = arith.index_cast %parallel_loop3A_241 : i32 to index
        %parallel_loop3A_508 = tpu.vector_load %arg11[%parallel_loop3A_507] {strides = array<i32>} : memref<5120xf32, #tpu.memory_space<vmem>>, vector<16xf32>,
        %parallel_loop3A_509 = arith.index_cast %parallel_loop3A_160 : i32 to index
        %parallel_loop3A_510 = arith.constant 400 : index
        %parallel_loop3A_511 = tpu.vector_load %arg14[%parallel_loop3A_509, %parallel_loop3A_510] {strides = array<i32>} : memref<16x1536xf32, #tpu.memory_space<vmem>>, vector<16xf32>,
        tpu.vector_store %arg14[%parallel_loop3A_509, %parallel_loop3A_510], %parallel_loop3A_473 {strides = array<i32>} : memref<16x1536xf32, #tpu.memory_space<vmem>>, vector<16xf32>,
        %parallel_loop3A_512 = arith.index_cast %parallel_loop3A_243 : i32 to index
        %parallel_loop3A_513 = tpu.vector_load %arg11[%parallel_loop3A_512] {strides = array<i32>} : memref<5120xf32, #tpu.memory_space<vmem>>, vector<16xf32>,
        %parallel_loop3A_514 = arith.index_cast %parallel_loop3A_160 : i32 to index
        %parallel_loop3A_515 = arith.constant 416 : index
        %parallel_loop3A_516 = tpu.vector_load %arg14[%parallel_loop3A_514, %parallel_loop3A_515] {strides = array<i32>} : memref<16x1536xf32, #tpu.memory_space<vmem>>, vector<16xf32>,
        tpu.vector_store %arg14[%parallel_loop3A_514, %parallel_loop3A_515], %parallel_loop3A_478 {strides = array<i32>} : memref<16x1536xf32, #tpu.memory_space<vmem>>, vector<16xf32>,
        %parallel_loop3A_517 = arith.index_cast %parallel_loop3A_245 : i32 to index
        %parallel_loop3A_518 = tpu.vector_load %arg11[%parallel_loop3A_517] {strides = array<i32>} : memref<5120xf32, #tpu.memory_space<vmem>>, vector<16xf32>,
        %parallel_loop3A_519 = arith.index_cast %parallel_loop3A_160 : i32 to index
        %parallel_loop3A_520 = arith.constant 432 : index
        %parallel_loop3A_521 = tpu.vector_load %arg14[%parallel_loop3A_519, %parallel_loop3A_520] {strides = array<i32>} : memref<16x1536xf32, #tpu.memory_space<vmem>>, vector<16xf32>,
        tpu.vector_store %arg14[%parallel_loop3A_519, %parallel_loop3A_520], %parallel_loop3A_483 {strides = array<i32>} : memref<16x1536xf32, #tpu.memory_space<vmem>>, vector<16xf32>,
        %parallel_loop3A_522 = arith.index_cast %parallel_loop3A_247 : i32 to index
        %parallel_loop3A_523 = tpu.vector_load %arg11[%parallel_loop3A_522] {strides = array<i32>} : memref<5120xf32, #tpu.memory_space<vmem>>, vector<16xf32>,
        %parallel_loop3A_524 = arith.index_cast %parallel_loop3A_160 : i32 to index
        %parallel_loop3A_525 = arith.constant 448 : index
        %parallel_loop3A_526 = tpu.vector_load %arg14[%parallel_loop3A_524, %parallel_loop3A_525] {strides = array<i32>} : memref<16x1536xf32, #tpu.memory_space<vmem>>, vector<16xf32>,
        tpu.vector_store %arg14[%parallel_loop3A_524, %parallel_loop3A_525], %parallel_loop3A_488 {strides = array<i32>} : memref<16x1536xf32, #tpu.memory_space<vmem>>, vector<16xf32>,
        %parallel_loop3A_527 = arith.index_cast %parallel_loop3A_249 : i32 to index
        %parallel_loop3A_528 = tpu.vector_load %arg11[%parallel_loop3A_527] {strides = array<i32>} : memref<5120xf32, #tpu.memory_space<vmem>>, vector<16xf32>,
        %parallel_loop3A_529 = arith.index_cast %parallel_loop3A_160 : i32 to index
        %parallel_loop3A_530 = arith.constant 464 : index
        %parallel_loop3A_531 = tpu.vector_load %arg14[%parallel_loop3A_529, %parallel_loop3A_530] {strides = array<i32>} : memref<16x1536xf32, #tpu.memory_space<vmem>>, vector<16xf32>,
        tpu.vector_store %arg14[%parallel_loop3A_529, %parallel_loop3A_530], %parallel_loop3A_493 {strides = array<i32>} : memref<16x1536xf32, #tpu.memory_space<vmem>>, vector<16xf32>,
        %parallel_loop3A_532 = arith.index_cast %parallel_loop3A_251 : i32 to index
        %parallel_loop3A_533 = tpu.vector_load %arg11[%parallel_loop3A_532] {strides = array<i32>} : memref<5120xf32, #tpu.memory_space<vmem>>, vector<16xf32>,
        %parallel_loop3A_534 = arith.index_cast %parallel_loop3A_160 : i32 to index
        %parallel_loop3A_535 = arith.constant 480 : index
        %parallel_loop3A_536 = tpu.vector_load %arg14[%parallel_loop3A_534, %parallel_loop3A_535] {strides = array<i32>} : memref<16x1536xf32, #tpu.memory_space<vmem>>, vector<16xf32>,
        tpu.vector_store %arg14[%parallel_loop3A_534, %parallel_loop3A_535], %parallel_loop3A_498 {strides = array<i32>} : memref<16x1536xf32, #tpu.memory_space<vmem>>, vector<16xf32>,
        %parallel_loop3A_537 = arith.index_cast %parallel_loop3A_253 : i32 to index
        %parallel_loop3A_538 = tpu.vector_load %arg11[%parallel_loop3A_537] {strides = array<i32>} : memref<5120xf32, #tpu.memory_space<vmem>>, vector<16xf32>,
        %parallel_loop3A_539 = arith.index_cast %parallel_loop3A_160 : i32 to index
        %parallel_loop3A_540 = arith.constant 496 : index
        %parallel_loop3A_541 = tpu.vector_load %arg14[%parallel_loop3A_539, %parallel_loop3A_540] {strides = array<i32>} : memref<16x1536xf32, #tpu.memory_space<vmem>>, vector<16xf32>,
        tpu.vector_store %arg14[%parallel_loop3A_539, %parallel_loop3A_540], %parallel_loop3A_503 {strides = array<i32>} : memref<16x1536xf32, #tpu.memory_space<vmem>>, vector<16xf32>,
        %parallel_loop3A_542 = arith.index_cast %parallel_loop3A_255 : i32 to index
        %parallel_loop3A_543 = tpu.vector_load %arg11[%parallel_loop3A_542] {strides = array<i32>} : memref<5120xf32, #tpu.memory_space<vmem>>, vector<16xf32>,
        %parallel_loop3A_544 = arith.index_cast %parallel_loop3A_160 : i32 to index
        %parallel_loop3A_545 = arith.constant 512 : index
        %parallel_loop3A_546 = tpu.vector_load %arg14[%parallel_loop3A_544, %parallel_loop3A_545] {strides = array<i32>} : memref<16x1536xf32, #tpu.memory_space<vmem>>, vector<16xf32>,
        tpu.vector_store %arg14[%parallel_loop3A_544, %parallel_loop3A_545], %parallel_loop3A_508 {strides = array<i32>} : memref<16x1536xf32, #tpu.memory_space<vmem>>, vector<16xf32>,
        %parallel_loop3A_547 = arith.index_cast %parallel_loop3A_257 : i32 to index
        %parallel_loop3A_548 = tpu.vector_load %arg11[%parallel_loop3A_547] {strides = array<i32>} : memref<5120xf32, #tpu.memory_space<vmem>>, vector<16xf32>,
        %parallel_loop3A_549 = arith.index_cast %parallel_loop3A_160 : i32 to index
        %parallel_loop3A_550 = arith.constant 528 : index
        %parallel_loop3A_551 = tpu.vector_load %arg14[%parallel_loop3A_549, %parallel_loop3A_550] {strides = array<i32>} : memref<16x1536xf32, #tpu.memory_space<vmem>>, vector<16xf32>,
        tpu.vector_store %arg14[%parallel_loop3A_549, %parallel_loop3A_550], %parallel_loop3A_513 {strides = array<i32>} : memref<16x1536xf32, #tpu.memory_space<vmem>>, vector<16xf32>,
        %parallel_loop3A_552 = arith.index_cast %parallel_loop3A_259 : i32 to index
        %parallel_loop3A_553 = tpu.vector_load %arg11[%parallel_loop3A_552] {strides = array<i32>} : memref<5120xf32, #tpu.memory_space<vmem>>, vector<16xf32>,
        %parallel_loop3A_554 = arith.index_cast %parallel_loop3A_160 : i32 to index
        %parallel_loop3A_555 = arith.constant 544 : index
        %parallel_loop3A_556 = tpu.vector_load %arg14[%parallel_loop3A_554, %parallel_loop3A_555] {strides = array<i32>} : memref<16x1536xf32, #tpu.memory_space<vmem>>, vector<16xf32>,
        tpu.vector_store %arg14[%parallel_loop3A_554, %parallel_loop3A_555], %parallel_loop3A_518 {strides = array<i32>} : memref<16x1536xf32, #tpu.memory_space<vmem>>, vector<16xf32>,
        %parallel_loop3A_557 = arith.index_cast %parallel_loop3A_261 : i32 to index
        %parallel_loop3A_558 = tpu.vector_load %arg11[%parallel_loop3A_557] {strides = array<i32>} : memref<5120xf32, #tpu.memory_space<vmem>>, vector<16xf32>,
        %parallel_loop3A_559 = arith.index_cast %parallel_loop3A_160 : i32 to index
        %parallel_loop3A_560 = arith.constant 560 : index
        %parallel_loop3A_561 = tpu.vector_load %arg14[%parallel_loop3A_559, %parallel_loop3A_560] {strides = array<i32>} : memref<16x1536xf32, #tpu.memory_space<vmem>>, vector<16xf32>,
        tpu.vector_store %arg14[%parallel_loop3A_559, %parallel_loop3A_560], %parallel_loop3A_523 {strides = array<i32>} : memref<16x1536xf32, #tpu.memory_space<vmem>>, vector<16xf32>,
        %parallel_loop3A_562 = arith.index_cast %parallel_loop3A_263 : i32 to index
        %parallel_loop3A_563 = tpu.vector_load %arg11[%parallel_loop3A_562] {strides = array<i32>} : memref<5120xf32, #tpu.memory_space<vmem>>, vector<16xf32>,
        %parallel_loop3A_564 = arith.index_cast %parallel_loop3A_160 : i32 to index
        %parallel_loop3A_565 = arith.constant 576 : index
        %parallel_loop3A_566 = tpu.vector_load %arg14[%parallel_loop3A_564, %parallel_loop3A_565] {strides = array<i32>} : memref<16x1536xf32, #tpu.memory_space<vmem>>, vector<16xf32>,
        tpu.vector_store %arg14[%parallel_loop3A_564, %parallel_loop3A_565], %parallel_loop3A_528 {strides = array<i32>} : memref<16x1536xf32, #tpu.memory_space<vmem>>, vector<16xf32>,
        %parallel_loop3A_567 = arith.index_cast %parallel_loop3A_265 : i32 to index
        %parallel_loop3A_568 = tpu.vector_load %arg11[%parallel_loop3A_567] {strides = array<i32>} : memref<5120xf32, #tpu.memory_space<vmem>>, vector<16xf32>,
        %parallel_loop3A_569 = arith.index_cast %parallel_loop3A_160 : i32 to index
        %parallel_loop3A_570 = arith.constant 592 : index
        %parallel_loop3A_571 = tpu.vector_load %arg14[%parallel_loop3A_569, %parallel_loop3A_570] {strides = array<i32>} : memref<16x1536xf32, #tpu.memory_space<vmem>>, vector<16xf32>,
        tpu.vector_store %arg14[%parallel_loop3A_569, %parallel_loop3A_570], %parallel_loop3A_533 {strides = array<i32>} : memref<16x1536xf32, #tpu.memory_space<vmem>>, vector<16xf32>,
        %parallel_loop3A_572 = arith.index_cast %parallel_loop3A_267 : i32 to index
        %parallel_loop3A_573 = tpu.vector_load %arg11[%parallel_loop3A_572] {strides = array<i32>} : memref<5120xf32, #tpu.memory_space<vmem>>, vector<16xf32>,
        %parallel_loop3A_574 = arith.index_cast %parallel_loop3A_160 : i32 to index
        %parallel_loop3A_575 = arith.constant 608 : index
        %parallel_loop3A_576 = tpu.vector_load %arg14[%parallel_loop3A_574, %parallel_loop3A_575] {strides = array<i32>} : memref<16x1536xf32, #tpu.memory_space<vmem>>, vector<16xf32>,
        tpu.vector_store %arg14[%parallel_loop3A_574, %parallel_loop3A_575], %parallel_loop3A_538 {strides = array<i32>} : memref<16x1536xf32, #tpu.memory_space<vmem>>, vector<16xf32>,
        %parallel_loop3A_577 = arith.index_cast %parallel_loop3A_269 : i32 to index
        %parallel_loop3A_578 = tpu.vector_load %arg11[%parallel_loop3A_577] {strides = array<i32>} : memref<5120xf32, #tpu.memory_space<vmem>>, vector<16xf32>,
        %parallel_loop3A_579 = arith.index_cast %parallel_loop3A_160 : i32 to index
        %parallel_loop3A_580 = arith.constant 624 : index
        %parallel_loop3A_581 = tpu.vector_load %arg14[%parallel_loop3A_579, %parallel_loop3A_580] {strides = array<i32>} : memref<16x1536xf32, #tpu.memory_space<vmem>>, vector<16xf32>,
        tpu.vector_store %arg14[%parallel_loop3A_579, %parallel_loop3A_580], %parallel_loop3A_543 {strides = array<i32>} : memref<16x1536xf32, #tpu.memory_space<vmem>>, vector<16xf32>,
        %parallel_loop3A_582 = arith.index_cast %parallel_loop3A_271 : i32 to index
        %parallel_loop3A_583 = tpu.vector_load %arg11[%parallel_loop3A_582] {strides = array<i32>} : memref<5120xf32, #tpu.memory_space<vmem>>, vector<16xf32>,
        %parallel_loop3A_584 = arith.index_cast %parallel_loop3A_160 : i32 to index
        %parallel_loop3A_585 = arith.constant 640 : index
        %parallel_loop3A_586 = tpu.vector_load %arg14[%parallel_loop3A_584, %parallel_loop3A_585] {strides = array<i32>} : memref<16x1536xf32, #tpu.memory_space<vmem>>, vector<16xf32>,
        tpu.vector_store %arg14[%parallel_loop3A_584, %parallel_loop3A_585], %parallel_loop3A_548 {strides = array<i32>} : memref<16x1536xf32, #tpu.memory_space<vmem>>, vector<16xf32>,
        %parallel_loop3A_587 = arith.index_cast %parallel_loop3A_273 : i32 to index
        %parallel_loop3A_588 = tpu.vector_load %arg11[%parallel_loop3A_587] {strides = array<i32>} : memref<5120xf32, #tpu.memory_space<vmem>>, vector<16xf32>,
        %parallel_loop3A_589 = arith.index_cast %parallel_loop3A_160 : i32 to index
        %parallel_loop3A_590 = arith.constant 656 : index
        %parallel_loop3A_591 = tpu.vector_load %arg14[%parallel_loop3A_589, %parallel_loop3A_590] {strides = array<i32>} : memref<16x1536xf32, #tpu.memory_space<vmem>>, vector<16xf32>,
        tpu.vector_store %arg14[%parallel_loop3A_589, %parallel_loop3A_590], %parallel_loop3A_553 {strides = array<i32>} : memref<16x1536xf32, #tpu.memory_space<vmem>>, vector<16xf32>,
        %parallel_loop3A_592 = arith.index_cast %parallel_loop3A_275 : i32 to index
        %parallel_loop3A_593 = tpu.vector_load %arg11[%parallel_loop3A_592] {strides = array<i32>} : memref<5120xf32, #tpu.memory_space<vmem>>, vector<16xf32>,
        %parallel_loop3A_594 = arith.index_cast %parallel_loop3A_160 : i32 to index
        %parallel_loop3A_595 = arith.constant 672 : index
        %parallel_loop3A_596 = tpu.vector_load %arg14[%parallel_loop3A_594, %parallel_loop3A_595] {strides = array<i32>} : memref<16x1536xf32, #tpu.memory_space<vmem>>, vector<16xf32>,
        tpu.vector_store %arg14[%parallel_loop3A_594, %parallel_loop3A_595], %parallel_loop3A_558 {strides = array<i32>} : memref<16x1536xf32, #tpu.memory_space<vmem>>, vector<16xf32>,
        %parallel_loop3A_597 = arith.index_cast %parallel_loop3A_277 : i32 to index
        %parallel_loop3A_598 = tpu.vector_load %arg11[%parallel_loop3A_597] {strides = array<i32>} : memref<5120xf32, #tpu.memory_space<vmem>>, vector<16xf32>,
        %parallel_loop3A_599 = arith.index_cast %parallel_loop3A_160 : i32 to index
        %parallel_loop3A_600 = arith.constant 688 : index
        %parallel_loop3A_601 = tpu.vector_load %arg14[%parallel_loop3A_599, %parallel_loop3A_600] {strides = array<i32>} : memref<16x1536xf32, #tpu.memory_space<vmem>>, vector<16xf32>,
        tpu.vector_store %arg14[%parallel_loop3A_599, %parallel_loop3A_600], %parallel_loop3A_563 {strides = array<i32>} : memref<16x1536xf32, #tpu.memory_space<vmem>>, vector<16xf32>,
        %parallel_loop3A_602 = arith.index_cast %parallel_loop3A_279 : i32 to index
        %parallel_loop3A_603 = tpu.vector_load %arg11[%parallel_loop3A_602] {strides = array<i32>} : memref<5120xf32, #tpu.memory_space<vmem>>, vector<16xf32>,
        %parallel_loop3A_604 = arith.index_cast %parallel_loop3A_160 : i32 to index
        %parallel_loop3A_605 = arith.constant 704 : index
        %parallel_loop3A_606 = tpu.vector_load %arg14[%parallel_loop3A_604, %parallel_loop3A_605] {strides = array<i32>} : memref<16x1536xf32, #tpu.memory_space<vmem>>, vector<16xf32>,
        tpu.vector_store %arg14[%parallel_loop3A_604, %parallel_loop3A_605], %parallel_loop3A_568 {strides = array<i32>} : memref<16x1536xf32, #tpu.memory_space<vmem>>, vector<16xf32>,
        %parallel_loop3A_607 = arith.index_cast %parallel_loop3A_281 : i32 to index
        %parallel_loop3A_608 = tpu.vector_load %arg11[%parallel_loop3A_607] {strides = array<i32>} : memref<5120xf32, #tpu.memory_space<vmem>>, vector<16xf32>,
        %parallel_loop3A_609 = arith.index_cast %parallel_loop3A_160 : i32 to index
        %parallel_loop3A_610 = arith.constant 720 : index
        %parallel_loop3A_611 = tpu.vector_load %arg14[%parallel_loop3A_609, %parallel_loop3A_610] {strides = array<i32>} : memref<16x1536xf32, #tpu.memory_space<vmem>>, vector<16xf32>,
        tpu.vector_store %arg14[%parallel_loop3A_609, %parallel_loop3A_610], %parallel_loop3A_573 {strides = array<i32>} : memref<16x1536xf32, #tpu.memory_space<vmem>>, vector<16xf32>,
        %parallel_loop3A_612 = arith.index_cast %parallel_loop3A_283 : i32 to index
        %parallel_loop3A_613 = tpu.vector_load %arg11[%parallel_loop3A_612] {strides = array<i32>} : memref<5120xf32, #tpu.memory_space<vmem>>, vector<16xf32>,
        %parallel_loop3A_614 = arith.index_cast %parallel_loop3A_160 : i32 to index
        %parallel_loop3A_615 = arith.constant 736 : index
        %parallel_loop3A_616 = tpu.vector_load %arg14[%parallel_loop3A_614, %parallel_loop3A_615] {strides = array<i32>} : memref<16x1536xf32, #tpu.memory_space<vmem>>, vector<16xf32>,
        tpu.vector_store %arg14[%parallel_loop3A_614, %parallel_loop3A_615], %parallel_loop3A_578 {strides = array<i32>} : memref<16x1536xf32, #tpu.memory_space<vmem>>, vector<16xf32>,
        %parallel_loop3A_617 = arith.index_cast %parallel_loop3A_285 : i32 to index
        %parallel_loop3A_618 = tpu.vector_load %arg11[%parallel_loop3A_617] {strides = array<i32>} : memref<5120xf32, #tpu.memory_space<vmem>>, vector<16xf32>,
        %parallel_loop3A_619 = arith.index_cast %parallel_loop3A_160 : i32 to index
        %parallel_loop3A_620 = arith.constant 752 : index
        %parallel_loop3A_621 = tpu.vector_load %arg14[%parallel_loop3A_619, %parallel_loop3A_620] {strides = array<i32>} : memref<16x1536xf32, #tpu.memory_space<vmem>>, vector<16xf32>,
        tpu.vector_store %arg14[%parallel_loop3A_619, %parallel_loop3A_620], %parallel_loop3A_583 {strides = array<i32>} : memref<16x1536xf32, #tpu.memory_space<vmem>>, vector<16xf32>,
        %parallel_loop3A_622 = arith.index_cast %parallel_loop3A_287 : i32 to index
        %parallel_loop3A_623 = tpu.vector_load %arg11[%parallel_loop3A_622] {strides = array<i32>} : memref<5120xf32, #tpu.memory_space<vmem>>, vector<16xf32>,
        %parallel_loop3A_624 = arith.index_cast %parallel_loop3A_160 : i32 to index
        %parallel_loop3A_625 = arith.constant 768 : index
        %parallel_loop3A_626 = tpu.vector_load %arg14[%parallel_loop3A_624, %parallel_loop3A_625] {strides = array<i32>} : memref<16x1536xf32, #tpu.memory_space<vmem>>, vector<16xf32>,
        tpu.vector_store %arg14[%parallel_loop3A_624, %parallel_loop3A_625], %parallel_loop3A_588 {strides = array<i32>} : memref<16x1536xf32, #tpu.memory_space<vmem>>, vector<16xf32>,
        %parallel_loop3A_627 = arith.index_cast %parallel_loop3A_289 : i32 to index
        %parallel_loop3A_628 = tpu.vector_load %arg11[%parallel_loop3A_627] {strides = array<i32>} : memref<5120xf32, #tpu.memory_space<vmem>>, vector<16xf32>,
        %parallel_loop3A_629 = arith.index_cast %parallel_loop3A_160 : i32 to index
        %parallel_loop3A_630 = arith.constant 784 : index
        %parallel_loop3A_631 = tpu.vector_load %arg14[%parallel_loop3A_629, %parallel_loop3A_630] {strides = array<i32>} : memref<16x1536xf32, #tpu.memory_space<vmem>>, vector<16xf32>,
        tpu.vector_store %arg14[%parallel_loop3A_629, %parallel_loop3A_630], %parallel_loop3A_593 {strides = array<i32>} : memref<16x1536xf32, #tpu.memory_space<vmem>>, vector<16xf32>,
        %parallel_loop3A_632 = arith.index_cast %parallel_loop3A_291 : i32 to index
        %parallel_loop3A_633 = tpu.vector_load %arg11[%parallel_loop3A_632] {strides = array<i32>} : memref<5120xf32, #tpu.memory_space<vmem>>, vector<16xf32>,
        %parallel_loop3A_634 = arith.index_cast %parallel_loop3A_160 : i32 to index
        %parallel_loop3A_635 = arith.constant 800 : index
        %parallel_loop3A_636 = tpu.vector_load %arg14[%parallel_loop3A_634, %parallel_loop3A_635] {strides = array<i32>} : memref<16x1536xf32, #tpu.memory_space<vmem>>, vector<16xf32>,
        tpu.vector_store %arg14[%parallel_loop3A_634, %parallel_loop3A_635], %parallel_loop3A_598 {strides = array<i32>} : memref<16x1536xf32, #tpu.memory_space<vmem>>, vector<16xf32>,
        %parallel_loop3A_637 = arith.index_cast %parallel_loop3A_293 : i32 to index
        %parallel_loop3A_638 = tpu.vector_load %arg11[%parallel_loop3A_637] {strides = array<i32>} : memref<5120xf32, #tpu.memory_space<vmem>>, vector<16xf32>,
        %parallel_loop3A_639 = arith.index_cast %parallel_loop3A_160 : i32 to index
        %parallel_loop3A_640 = arith.constant 816 : index
        %parallel_loop3A_641 = tpu.vector_load %arg14[%parallel_loop3A_639, %parallel_loop3A_640] {strides = array<i32>} : memref<16x1536xf32, #tpu.memory_space<vmem>>, vector<16xf32>,
        tpu.vector_store %arg14[%parallel_loop3A_639, %parallel_loop3A_640], %parallel_loop3A_603 {strides = array<i32>} : memref<16x1536xf32, #tpu.memory_space<vmem>>, vector<16xf32>,
        %parallel_loop3A_642 = arith.index_cast %parallel_loop3A_295 : i32 to index
        %parallel_loop3A_643 = tpu.vector_load %arg11[%parallel_loop3A_642] {strides = array<i32>} : memref<5120xf32, #tpu.memory_space<vmem>>, vector<16xf32>,
        %parallel_loop3A_644 = arith.index_cast %parallel_loop3A_160 : i32 to index
        %parallel_loop3A_645 = arith.constant 832 : index
        %parallel_loop3A_646 = tpu.vector_load %arg14[%parallel_loop3A_644, %parallel_loop3A_645] {strides = array<i32>} : memref<16x1536xf32, #tpu.memory_space<vmem>>, vector<16xf32>,
        tpu.vector_store %arg14[%parallel_loop3A_644, %parallel_loop3A_645], %parallel_loop3A_608 {strides = array<i32>} : memref<16x1536xf32, #tpu.memory_space<vmem>>, vector<16xf32>,
        %parallel_loop3A_647 = arith.index_cast %parallel_loop3A_297 : i32 to index
        %parallel_loop3A_648 = tpu.vector_load %arg11[%parallel_loop3A_647] {strides = array<i32>} : memref<5120xf32, #tpu.memory_space<vmem>>, vector<16xf32>,
        %parallel_loop3A_649 = arith.index_cast %parallel_loop3A_160 : i32 to index
        %parallel_loop3A_650 = arith.constant 848 : index
        %parallel_loop3A_651 = tpu.vector_load %arg14[%parallel_loop3A_649, %parallel_loop3A_650] {strides = array<i32>} : memref<16x1536xf32, #tpu.memory_space<vmem>>, vector<16xf32>,
        tpu.vector_store %arg14[%parallel_loop3A_649, %parallel_loop3A_650], %parallel_loop3A_613 {strides = array<i32>} : memref<16x1536xf32, #tpu.memory_space<vmem>>, vector<16xf32>,
        %parallel_loop3A_652 = arith.index_cast %parallel_loop3A_299 : i32 to index
        %parallel_loop3A_653 = tpu.vector_load %arg11[%parallel_loop3A_652] {strides = array<i32>} : memref<5120xf32, #tpu.memory_space<vmem>>, vector<16xf32>,
        %parallel_loop3A_654 = arith.index_cast %parallel_loop3A_160 : i32 to index
        %parallel_loop3A_655 = arith.constant 864 : index
        %parallel_loop3A_656 = tpu.vector_load %arg14[%parallel_loop3A_654, %parallel_loop3A_655] {strides = array<i32>} : memref<16x1536xf32, #tpu.memory_space<vmem>>, vector<16xf32>,
        tpu.vector_store %arg14[%parallel_loop3A_654, %parallel_loop3A_655], %parallel_loop3A_618 {strides = array<i32>} : memref<16x1536xf32, #tpu.memory_space<vmem>>, vector<16xf32>,
        %parallel_loop3A_657 = arith.index_cast %parallel_loop3A_301 : i32 to index
        %parallel_loop3A_658 = tpu.vector_load %arg11[%parallel_loop3A_657] {strides = array<i32>} : memref<5120xf32, #tpu.memory_space<vmem>>, vector<16xf32>,
        %parallel_loop3A_659 = arith.index_cast %parallel_loop3A_160 : i32 to index
        %parallel_loop3A_660 = arith.constant 880 : index
        %parallel_loop3A_661 = tpu.vector_load %arg14[%parallel_loop3A_659, %parallel_loop3A_660] {strides = array<i32>} : memref<16x1536xf32, #tpu.memory_space<vmem>>, vector<16xf32>,
        tpu.vector_store %arg14[%parallel_loop3A_659, %parallel_loop3A_660], %parallel_loop3A_623 {strides = array<i32>} : memref<16x1536xf32, #tpu.memory_space<vmem>>, vector<16xf32>,
        %parallel_loop3A_662 = arith.index_cast %parallel_loop3A_303 : i32 to index
        %parallel_loop3A_663 = tpu.vector_load %arg11[%parallel_loop3A_662] {strides = array<i32>} : memref<5120xf32, #tpu.memory_space<vmem>>, vector<16xf32>,
        %parallel_loop3A_664 = arith.index_cast %parallel_loop3A_160 : i32 to index
        %parallel_loop3A_665 = arith.constant 896 : index
        %parallel_loop3A_666 = tpu.vector_load %arg14[%parallel_loop3A_664, %parallel_loop3A_665] {strides = array<i32>} : memref<16x1536xf32, #tpu.memory_space<vmem>>, vector<16xf32>,
        tpu.vector_store %arg14[%parallel_loop3A_664, %parallel_loop3A_665], %parallel_loop3A_628 {strides = array<i32>} : memref<16x1536xf32, #tpu.memory_space<vmem>>, vector<16xf32>,
        %parallel_loop3A_667 = arith.index_cast %parallel_loop3A_305 : i32 to index
        %parallel_loop3A_668 = tpu.vector_load %arg12[%parallel_loop3A_667] {strides = array<i32>} : memref<12800xf32, #tpu.memory_space<vmem>>, vector<16xf32>,
        %parallel_loop3A_669 = arith.index_cast %parallel_loop3A_160 : i32 to index
        %parallel_loop3A_670 = arith.constant 912 : index
        %parallel_loop3A_671 = tpu.vector_load %arg14[%parallel_loop3A_669, %parallel_loop3A_670] {strides = array<i32>} : memref<16x1536xf32, #tpu.memory_space<vmem>>, vector<16xf32>,
        tpu.vector_store %arg14[%parallel_loop3A_669, %parallel_loop3A_670], %parallel_loop3A_633 {strides = array<i32>} : memref<16x1536xf32, #tpu.memory_space<vmem>>, vector<16xf32>,
        %parallel_loop3A_672 = arith.index_cast %parallel_loop3A_307 : i32 to index
        %parallel_loop3A_673 = tpu.vector_load %arg12[%parallel_loop3A_672] {strides = array<i32>} : memref<12800xf32, #tpu.memory_space<vmem>>, vector<16xf32>,
        %parallel_loop3A_674 = arith.index_cast %parallel_loop3A_160 : i32 to index
        %parallel_loop3A_675 = arith.constant 928 : index
        %parallel_loop3A_676 = tpu.vector_load %arg14[%parallel_loop3A_674, %parallel_loop3A_675] {strides = array<i32>} : memref<16x1536xf32, #tpu.memory_space<vmem>>, vector<16xf32>,
        tpu.vector_store %arg14[%parallel_loop3A_674, %parallel_loop3A_675], %parallel_loop3A_638 {strides = array<i32>} : memref<16x1536xf32, #tpu.memory_space<vmem>>, vector<16xf32>,
        %parallel_loop3A_677 = arith.index_cast %parallel_loop3A_309 : i32 to index
        %parallel_loop3A_678 = tpu.vector_load %arg12[%parallel_loop3A_677] {strides = array<i32>} : memref<12800xf32, #tpu.memory_space<vmem>>, vector<16xf32>,
        %parallel_loop3A_679 = arith.index_cast %parallel_loop3A_160 : i32 to index
        %parallel_loop3A_680 = arith.constant 944 : index
        %parallel_loop3A_681 = tpu.vector_load %arg14[%parallel_loop3A_679, %parallel_loop3A_680] {strides = array<i32>} : memref<16x1536xf32, #tpu.memory_space<vmem>>, vector<16xf32>,
        tpu.vector_store %arg14[%parallel_loop3A_679, %parallel_loop3A_680], %parallel_loop3A_643 {strides = array<i32>} : memref<16x1536xf32, #tpu.memory_space<vmem>>, vector<16xf32>,
        %parallel_loop3A_682 = arith.index_cast %parallel_loop3A_311 : i32 to index
        %parallel_loop3A_683 = tpu.vector_load %arg12[%parallel_loop3A_682] {strides = array<i32>} : memref<12800xf32, #tpu.memory_space<vmem>>, vector<16xf32>,
        %parallel_loop3A_684 = arith.index_cast %parallel_loop3A_160 : i32 to index
        %parallel_loop3A_685 = arith.constant 960 : index
        %parallel_loop3A_686 = tpu.vector_load %arg14[%parallel_loop3A_684, %parallel_loop3A_685] {strides = array<i32>} : memref<16x1536xf32, #tpu.memory_space<vmem>>, vector<16xf32>,
        tpu.vector_store %arg14[%parallel_loop3A_684, %parallel_loop3A_685], %parallel_loop3A_648 {strides = array<i32>} : memref<16x1536xf32, #tpu.memory_space<vmem>>, vector<16xf32>,
        %parallel_loop3A_687 = arith.index_cast %parallel_loop3A_313 : i32 to index
        %parallel_loop3A_688 = tpu.vector_load %arg12[%parallel_loop3A_687] {strides = array<i32>} : memref<12800xf32, #tpu.memory_space<vmem>>, vector<16xf32>,
        %parallel_loop3A_689 = arith.index_cast %parallel_loop3A_160 : i32 to index
        %parallel_loop3A_690 = arith.constant 976 : index
        %parallel_loop3A_691 = tpu.vector_load %arg14[%parallel_loop3A_689, %parallel_loop3A_690] {strides = array<i32>} : memref<16x1536xf32, #tpu.memory_space<vmem>>, vector<16xf32>,
        tpu.vector_store %arg14[%parallel_loop3A_689, %parallel_loop3A_690], %parallel_loop3A_653 {strides = array<i32>} : memref<16x1536xf32, #tpu.memory_space<vmem>>, vector<16xf32>,
        %parallel_loop3A_692 = arith.index_cast %parallel_loop3A_315 : i32 to index
        %parallel_loop3A_693 = tpu.vector_load %arg12[%parallel_loop3A_692] {strides = array<i32>} : memref<12800xf32, #tpu.memory_space<vmem>>, vector<16xf32>,
        %parallel_loop3A_694 = arith.index_cast %parallel_loop3A_160 : i32 to index
        %parallel_loop3A_695 = arith.constant 992 : index
        %parallel_loop3A_696 = tpu.vector_load %arg14[%parallel_loop3A_694, %parallel_loop3A_695] {strides = array<i32>} : memref<16x1536xf32, #tpu.memory_space<vmem>>, vector<16xf32>,
        tpu.vector_store %arg14[%parallel_loop3A_694, %parallel_loop3A_695], %parallel_loop3A_658 {strides = array<i32>} : memref<16x1536xf32, #tpu.memory_space<vmem>>, vector<16xf32>,
        %parallel_loop3A_697 = arith.index_cast %parallel_loop3A_317 : i32 to index
        %parallel_loop3A_698 = tpu.vector_load %arg12[%parallel_loop3A_697] {strides = array<i32>} : memref<12800xf32, #tpu.memory_space<vmem>>, vector<16xf32>,
        %parallel_loop3A_699 = arith.index_cast %parallel_loop3A_160 : i32 to index
        %parallel_loop3A_700 = arith.constant 1008 : index
        %parallel_loop3A_701 = tpu.vector_load %arg14[%parallel_loop3A_699, %parallel_loop3A_700] {strides = array<i32>} : memref<16x1536xf32, #tpu.memory_space<vmem>>, vector<16xf32>,
        tpu.vector_store %arg14[%parallel_loop3A_699, %parallel_loop3A_700], %parallel_loop3A_663 {strides = array<i32>} : memref<16x1536xf32, #tpu.memory_space<vmem>>, vector<16xf32>,
        %parallel_loop3A_702 = arith.index_cast %parallel_loop3A_319 : i32 to index
        %parallel_loop3A_703 = tpu.vector_load %arg12[%parallel_loop3A_702] {strides = array<i32>} : memref<12800xf32, #tpu.memory_space<vmem>>, vector<16xf32>,
        %parallel_loop3A_704 = arith.index_cast %parallel_loop3A_160 : i32 to index
        %parallel_loop3A_705 = arith.constant 1024 : index
        %parallel_loop3A_706 = tpu.vector_load %arg14[%parallel_loop3A_704, %parallel_loop3A_705] {strides = array<i32>} : memref<16x1536xf32, #tpu.memory_space<vmem>>, vector<16xf32>,
        tpu.vector_store %arg14[%parallel_loop3A_704, %parallel_loop3A_705], %parallel_loop3A_668 {strides = array<i32>} : memref<16x1536xf32, #tpu.memory_space<vmem>>, vector<16xf32>,
        %parallel_loop3A_707 = arith.index_cast %parallel_loop3A_321 : i32 to index
        %parallel_loop3A_708 = tpu.vector_load %arg12[%parallel_loop3A_707] {strides = array<i32>} : memref<12800xf32, #tpu.memory_space<vmem>>, vector<16xf32>,
        %parallel_loop3A_709 = arith.index_cast %parallel_loop3A_160 : i32 to index
        %parallel_loop3A_710 = arith.constant 1040 : index
        %parallel_loop3A_711 = tpu.vector_load %arg14[%parallel_loop3A_709, %parallel_loop3A_710] {strides = array<i32>} : memref<16x1536xf32, #tpu.memory_space<vmem>>, vector<16xf32>,
        tpu.vector_store %arg14[%parallel_loop3A_709, %parallel_loop3A_710], %parallel_loop3A_673 {strides = array<i32>} : memref<16x1536xf32, #tpu.memory_space<vmem>>, vector<16xf32>,
        %parallel_loop3A_712 = arith.index_cast %parallel_loop3A_323 : i32 to index
        %parallel_loop3A_713 = tpu.vector_load %arg12[%parallel_loop3A_712] {strides = array<i32>} : memref<12800xf32, #tpu.memory_space<vmem>>, vector<16xf32>,
        %parallel_loop3A_714 = arith.index_cast %parallel_loop3A_160 : i32 to index
        %parallel_loop3A_715 = arith.constant 1056 : index
        %parallel_loop3A_716 = tpu.vector_load %arg14[%parallel_loop3A_714, %parallel_loop3A_715] {strides = array<i32>} : memref<16x1536xf32, #tpu.memory_space<vmem>>, vector<16xf32>,
        tpu.vector_store %arg14[%parallel_loop3A_714, %parallel_loop3A_715], %parallel_loop3A_678 {strides = array<i32>} : memref<16x1536xf32, #tpu.memory_space<vmem>>, vector<16xf32>,
        %parallel_loop3A_717 = arith.index_cast %parallel_loop3A_325 : i32 to index
        %parallel_loop3A_718 = tpu.vector_load %arg12[%parallel_loop3A_717] {strides = array<i32>} : memref<12800xf32, #tpu.memory_space<vmem>>, vector<16xf32>,
        %parallel_loop3A_719 = arith.index_cast %parallel_loop3A_160 : i32 to index
        %parallel_loop3A_720 = arith.constant 1072 : index
        %parallel_loop3A_721 = tpu.vector_load %arg14[%parallel_loop3A_719, %parallel_loop3A_720] {strides = array<i32>} : memref<16x1536xf32, #tpu.memory_space<vmem>>, vector<16xf32>,
        tpu.vector_store %arg14[%parallel_loop3A_719, %parallel_loop3A_720], %parallel_loop3A_683 {strides = array<i32>} : memref<16x1536xf32, #tpu.memory_space<vmem>>, vector<16xf32>,
        %parallel_loop3A_722 = arith.index_cast %parallel_loop3A_327 : i32 to index
        %parallel_loop3A_723 = tpu.vector_load %arg12[%parallel_loop3A_722] {strides = array<i32>} : memref<12800xf32, #tpu.memory_space<vmem>>, vector<16xf32>,
        %parallel_loop3A_724 = arith.index_cast %parallel_loop3A_160 : i32 to index
        %parallel_loop3A_725 = arith.constant 1088 : index
        %parallel_loop3A_726 = tpu.vector_load %arg14[%parallel_loop3A_724, %parallel_loop3A_725] {strides = array<i32>} : memref<16x1536xf32, #tpu.memory_space<vmem>>, vector<16xf32>,
        tpu.vector_store %arg14[%parallel_loop3A_724, %parallel_loop3A_725], %parallel_loop3A_688 {strides = array<i32>} : memref<16x1536xf32, #tpu.memory_space<vmem>>, vector<16xf32>,
        %parallel_loop3A_727 = arith.index_cast %parallel_loop3A_329 : i32 to index
        %parallel_loop3A_728 = tpu.vector_load %arg12[%parallel_loop3A_727] {strides = array<i32>} : memref<12800xf32, #tpu.memory_space<vmem>>, vector<16xf32>,
        %parallel_loop3A_729 = arith.index_cast %parallel_loop3A_160 : i32 to index
        %parallel_loop3A_730 = arith.constant 1104 : index
        %parallel_loop3A_731 = tpu.vector_load %arg14[%parallel_loop3A_729, %parallel_loop3A_730] {strides = array<i32>} : memref<16x1536xf32, #tpu.memory_space<vmem>>, vector<16xf32>,
        tpu.vector_store %arg14[%parallel_loop3A_729, %parallel_loop3A_730], %parallel_loop3A_693 {strides = array<i32>} : memref<16x1536xf32, #tpu.memory_space<vmem>>, vector<16xf32>,
        %parallel_loop3A_732 = arith.index_cast %parallel_loop3A_331 : i32 to index
        %parallel_loop3A_733 = tpu.vector_load %arg12[%parallel_loop3A_732] {strides = array<i32>} : memref<12800xf32, #tpu.memory_space<vmem>>, vector<16xf32>,
        %parallel_loop3A_734 = arith.index_cast %parallel_loop3A_160 : i32 to index
        %parallel_loop3A_735 = arith.constant 1120 : index
        %parallel_loop3A_736 = tpu.vector_load %arg14[%parallel_loop3A_734, %parallel_loop3A_735] {strides = array<i32>} : memref<16x1536xf32, #tpu.memory_space<vmem>>, vector<16xf32>,
        tpu.vector_store %arg14[%parallel_loop3A_734, %parallel_loop3A_735], %parallel_loop3A_698 {strides = array<i32>} : memref<16x1536xf32, #tpu.memory_space<vmem>>, vector<16xf32>,
        %parallel_loop3A_737 = arith.index_cast %parallel_loop3A_333 : i32 to index
        %parallel_loop3A_738 = tpu.vector_load %arg12[%parallel_loop3A_737] {strides = array<i32>} : memref<12800xf32, #tpu.memory_space<vmem>>, vector<16xf32>,
        %parallel_loop3A_739 = arith.index_cast %parallel_loop3A_160 : i32 to index
        %parallel_loop3A_740 = arith.constant 1136 : index
        %parallel_loop3A_741 = tpu.vector_load %arg14[%parallel_loop3A_739, %parallel_loop3A_740] {strides = array<i32>} : memref<16x1536xf32, #tpu.memory_space<vmem>>, vector<16xf32>,
        tpu.vector_store %arg14[%parallel_loop3A_739, %parallel_loop3A_740], %parallel_loop3A_703 {strides = array<i32>} : memref<16x1536xf32, #tpu.memory_space<vmem>>, vector<16xf32>,
        %parallel_loop3A_742 = arith.index_cast %parallel_loop3A_335 : i32 to index
        %parallel_loop3A_743 = tpu.vector_load %arg12[%parallel_loop3A_742] {strides = array<i32>} : memref<12800xf32, #tpu.memory_space<vmem>>, vector<16xf32>,
        %parallel_loop3A_744 = arith.index_cast %parallel_loop3A_160 : i32 to index
        %parallel_loop3A_745 = arith.constant 1152 : index
        %parallel_loop3A_746 = tpu.vector_load %arg14[%parallel_loop3A_744, %parallel_loop3A_745] {strides = array<i32>} : memref<16x1536xf32, #tpu.memory_space<vmem>>, vector<16xf32>,
        tpu.vector_store %arg14[%parallel_loop3A_744, %parallel_loop3A_745], %parallel_loop3A_708 {strides = array<i32>} : memref<16x1536xf32, #tpu.memory_space<vmem>>, vector<16xf32>,
        %parallel_loop3A_747 = arith.index_cast %parallel_loop3A_337 : i32 to index
        %parallel_loop3A_748 = tpu.vector_load %arg13[%parallel_loop3A_747] {strides = array<i32>} : memref<12800xf32, #tpu.memory_space<vmem>>, vector<16xf32>,
        %parallel_loop3A_749 = arith.index_cast %parallel_loop3A_160 : i32 to index
        %parallel_loop3A_750 = arith.constant 1168 : index
        %parallel_loop3A_751 = tpu.vector_load %arg14[%parallel_loop3A_749, %parallel_loop3A_750] {strides = array<i32>} : memref<16x1536xf32, #tpu.memory_space<vmem>>, vector<16xf32>,
        tpu.vector_store %arg14[%parallel_loop3A_749, %parallel_loop3A_750], %parallel_loop3A_713 {strides = array<i32>} : memref<16x1536xf32, #tpu.memory_space<vmem>>, vector<16xf32>,
        %parallel_loop3A_752 = arith.index_cast %parallel_loop3A_339 : i32 to index
        %parallel_loop3A_753 = tpu.vector_load %arg13[%parallel_loop3A_752] {strides = array<i32>} : memref<12800xf32, #tpu.memory_space<vmem>>, vector<16xf32>,
        %parallel_loop3A_754 = arith.index_cast %parallel_loop3A_160 : i32 to index
        %parallel_loop3A_755 = arith.constant 1184 : index
        %parallel_loop3A_756 = tpu.vector_load %arg14[%parallel_loop3A_754, %parallel_loop3A_755] {strides = array<i32>} : memref<16x1536xf32, #tpu.memory_space<vmem>>, vector<16xf32>,
        tpu.vector_store %arg14[%parallel_loop3A_754, %parallel_loop3A_755], %parallel_loop3A_718 {strides = array<i32>} : memref<16x1536xf32, #tpu.memory_space<vmem>>, vector<16xf32>,
        %parallel_loop3A_757 = arith.index_cast %parallel_loop3A_341 : i32 to index
        %parallel_loop3A_758 = tpu.vector_load %arg13[%parallel_loop3A_757] {strides = array<i32>} : memref<12800xf32, #tpu.memory_space<vmem>>, vector<16xf32>,
        %parallel_loop3A_759 = arith.index_cast %parallel_loop3A_160 : i32 to index
        %parallel_loop3A_760 = arith.constant 1200 : index
        %parallel_loop3A_761 = tpu.vector_load %arg14[%parallel_loop3A_759, %parallel_loop3A_760] {strides = array<i32>} : memref<16x1536xf32, #tpu.memory_space<vmem>>, vector<16xf32>,
        tpu.vector_store %arg14[%parallel_loop3A_759, %parallel_loop3A_760], %parallel_loop3A_723 {strides = array<i32>} : memref<16x1536xf32, #tpu.memory_space<vmem>>, vector<16xf32>,
        %parallel_loop3A_762 = arith.index_cast %parallel_loop3A_343 : i32 to index
        %parallel_loop3A_763 = tpu.vector_load %arg13[%parallel_loop3A_762] {strides = array<i32>} : memref<12800xf32, #tpu.memory_space<vmem>>, vector<16xf32>,
        %parallel_loop3A_764 = arith.index_cast %parallel_loop3A_160 : i32 to index
        %parallel_loop3A_765 = arith.constant 1216 : index
        %parallel_loop3A_766 = tpu.vector_load %arg14[%parallel_loop3A_764, %parallel_loop3A_765] {strides = array<i32>} : memref<16x1536xf32, #tpu.memory_space<vmem>>, vector<16xf32>,
        tpu.vector_store %arg14[%parallel_loop3A_764, %parallel_loop3A_765], %parallel_loop3A_728 {strides = array<i32>} : memref<16x1536xf32, #tpu.memory_space<vmem>>, vector<16xf32>,
        %parallel_loop3A_767 = arith.index_cast %parallel_loop3A_345 : i32 to index
        %parallel_loop3A_768 = tpu.vector_load %arg13[%parallel_loop3A_767] {strides = array<i32>} : memref<12800xf32, #tpu.memory_space<vmem>>, vector<16xf32>,
        %parallel_loop3A_769 = arith.index_cast %parallel_loop3A_160 : i32 to index
        %parallel_loop3A_770 = arith.constant 1232 : index
        %parallel_loop3A_771 = tpu.vector_load %arg14[%parallel_loop3A_769, %parallel_loop3A_770] {strides = array<i32>} : memref<16x1536xf32, #tpu.memory_space<vmem>>, vector<16xf32>,
        tpu.vector_store %arg14[%parallel_loop3A_769, %parallel_loop3A_770], %parallel_loop3A_733 {strides = array<i32>} : memref<16x1536xf32, #tpu.memory_space<vmem>>, vector<16xf32>,
        %parallel_loop3A_772 = arith.index_cast %parallel_loop3A_347 : i32 to index
        %parallel_loop3A_773 = tpu.vector_load %arg13[%parallel_loop3A_772] {strides = array<i32>} : memref<12800xf32, #tpu.memory_space<vmem>>, vector<16xf32>,
        %parallel_loop3A_774 = arith.index_cast %parallel_loop3A_160 : i32 to index
        %parallel_loop3A_775 = arith.constant 1248 : index
        %parallel_loop3A_776 = tpu.vector_load %arg14[%parallel_loop3A_774, %parallel_loop3A_775] {strides = array<i32>} : memref<16x1536xf32, #tpu.memory_space<vmem>>, vector<16xf32>,
        tpu.vector_store %arg14[%parallel_loop3A_774, %parallel_loop3A_775], %parallel_loop3A_738 {strides = array<i32>} : memref<16x1536xf32, #tpu.memory_space<vmem>>, vector<16xf32>,
        %parallel_loop3A_777 = arith.index_cast %parallel_loop3A_349 : i32 to index
        %parallel_loop3A_778 = tpu.vector_load %arg13[%parallel_loop3A_777] {strides = array<i32>} : memref<12800xf32, #tpu.memory_space<vmem>>, vector<16xf32>,
        %parallel_loop3A_779 = arith.index_cast %parallel_loop3A_160 : i32 to index
        %parallel_loop3A_780 = arith.constant 1264 : index
        %parallel_loop3A_781 = tpu.vector_load %arg14[%parallel_loop3A_779, %parallel_loop3A_780] {strides = array<i32>} : memref<16x1536xf32, #tpu.memory_space<vmem>>, vector<16xf32>,
        tpu.vector_store %arg14[%parallel_loop3A_779, %parallel_loop3A_780], %parallel_loop3A_743 {strides = array<i32>} : memref<16x1536xf32, #tpu.memory_space<vmem>>, vector<16xf32>,
        %parallel_loop3A_782 = arith.index_cast %parallel_loop3A_351 : i32 to index
        %parallel_loop3A_783 = tpu.vector_load %arg13[%parallel_loop3A_782] {strides = array<i32>} : memref<12800xf32, #tpu.memory_space<vmem>>, vector<16xf32>,
        %parallel_loop3A_784 = arith.index_cast %parallel_loop3A_160 : i32 to index
        %parallel_loop3A_785 = arith.constant 1280 : index
        %parallel_loop3A_786 = tpu.vector_load %arg14[%parallel_loop3A_784, %parallel_loop3A_785] {strides = array<i32>} : memref<16x1536xf32, #tpu.memory_space<vmem>>, vector<16xf32>,
        tpu.vector_store %arg14[%parallel_loop3A_784, %parallel_loop3A_785], %parallel_loop3A_748 {strides = array<i32>} : memref<16x1536xf32, #tpu.memory_space<vmem>>, vector<16xf32>,
        %parallel_loop3A_787 = arith.index_cast %parallel_loop3A_353 : i32 to index
        %parallel_loop3A_788 = tpu.vector_load %arg13[%parallel_loop3A_787] {strides = array<i32>} : memref<12800xf32, #tpu.memory_space<vmem>>, vector<16xf32>,
        %parallel_loop3A_789 = arith.index_cast %parallel_loop3A_160 : i32 to index
        %parallel_loop3A_790 = arith.constant 1296 : index
        %parallel_loop3A_791 = tpu.vector_load %arg14[%parallel_loop3A_789, %parallel_loop3A_790] {strides = array<i32>} : memref<16x1536xf32, #tpu.memory_space<vmem>>, vector<16xf32>,
        tpu.vector_store %arg14[%parallel_loop3A_789, %parallel_loop3A_790], %parallel_loop3A_753 {strides = array<i32>} : memref<16x1536xf32, #tpu.memory_space<vmem>>, vector<16xf32>,
        %parallel_loop3A_792 = arith.index_cast %parallel_loop3A_355 : i32 to index
        %parallel_loop3A_793 = tpu.vector_load %arg13[%parallel_loop3A_792] {strides = array<i32>} : memref<12800xf32, #tpu.memory_space<vmem>>, vector<16xf32>,
        %parallel_loop3A_794 = arith.index_cast %parallel_loop3A_160 : i32 to index
        %parallel_loop3A_795 = arith.constant 1312 : index
        %parallel_loop3A_796 = tpu.vector_load %arg14[%parallel_loop3A_794, %parallel_loop3A_795] {strides = array<i32>} : memref<16x1536xf32, #tpu.memory_space<vmem>>, vector<16xf32>,
        tpu.vector_store %arg14[%parallel_loop3A_794, %parallel_loop3A_795], %parallel_loop3A_758 {strides = array<i32>} : memref<16x1536xf32, #tpu.memory_space<vmem>>, vector<16xf32>,
        %parallel_loop3A_797 = arith.index_cast %parallel_loop3A_357 : i32 to index
        %parallel_loop3A_798 = tpu.vector_load %arg13[%parallel_loop3A_797] {strides = array<i32>} : memref<12800xf32, #tpu.memory_space<vmem>>, vector<16xf32>,
        %parallel_loop3A_799 = arith.index_cast %parallel_loop3A_160 : i32 to index
        %parallel_loop3A_800 = arith.constant 1328 : index
        %parallel_loop3A_801 = tpu.vector_load %arg14[%parallel_loop3A_799, %parallel_loop3A_800] {strides = array<i32>} : memref<16x1536xf32, #tpu.memory_space<vmem>>, vector<16xf32>,
        tpu.vector_store %arg14[%parallel_loop3A_799, %parallel_loop3A_800], %parallel_loop3A_763 {strides = array<i32>} : memref<16x1536xf32, #tpu.memory_space<vmem>>, vector<16xf32>,
        %parallel_loop3A_802 = arith.index_cast %parallel_loop3A_359 : i32 to index
        %parallel_loop3A_803 = tpu.vector_load %arg13[%parallel_loop3A_802] {strides = array<i32>} : memref<12800xf32, #tpu.memory_space<vmem>>, vector<16xf32>,
        %parallel_loop3A_804 = arith.index_cast %parallel_loop3A_160 : i32 to index
        %parallel_loop3A_805 = arith.constant 1344 : index
        %parallel_loop3A_806 = tpu.vector_load %arg14[%parallel_loop3A_804, %parallel_loop3A_805] {strides = array<i32>} : memref<16x1536xf32, #tpu.memory_space<vmem>>, vector<16xf32>,
        tpu.vector_store %arg14[%parallel_loop3A_804, %parallel_loop3A_805], %parallel_loop3A_768 {strides = array<i32>} : memref<16x1536xf32, #tpu.memory_space<vmem>>, vector<16xf32>,
        %parallel_loop3A_807 = arith.index_cast %parallel_loop3A_361 : i32 to index
        %parallel_loop3A_808 = tpu.vector_load %arg13[%parallel_loop3A_807] {strides = array<i32>} : memref<12800xf32, #tpu.memory_space<vmem>>, vector<16xf32>,
        %parallel_loop3A_809 = arith.index_cast %parallel_loop3A_160 : i32 to index
        %parallel_loop3A_810 = arith.constant 1360 : index
        %parallel_loop3A_811 = tpu.vector_load %arg14[%parallel_loop3A_809, %parallel_loop3A_810] {strides = array<i32>} : memref<16x1536xf32, #tpu.memory_space<vmem>>, vector<16xf32>,
        tpu.vector_store %arg14[%parallel_loop3A_809, %parallel_loop3A_810], %parallel_loop3A_773 {strides = array<i32>} : memref<16x1536xf32, #tpu.memory_space<vmem>>, vector<16xf32>,
        %parallel_loop3A_812 = arith.index_cast %parallel_loop3A_363 : i32 to index
        %parallel_loop3A_813 = tpu.vector_load %arg13[%parallel_loop3A_812] {strides = array<i32>} : memref<12800xf32, #tpu.memory_space<vmem>>, vector<16xf32>,
        %parallel_loop3A_814 = arith.index_cast %parallel_loop3A_160 : i32 to index
        %parallel_loop3A_815 = arith.constant 1376 : index
        %parallel_loop3A_816 = tpu.vector_load %arg14[%parallel_loop3A_814, %parallel_loop3A_815] {strides = array<i32>} : memref<16x1536xf32, #tpu.memory_space<vmem>>, vector<16xf32>,
        tpu.vector_store %arg14[%parallel_loop3A_814, %parallel_loop3A_815], %parallel_loop3A_778 {strides = array<i32>} : memref<16x1536xf32, #tpu.memory_space<vmem>>, vector<16xf32>,
        %parallel_loop3A_817 = arith.index_cast %parallel_loop3A_365 : i32 to index
        %parallel_loop3A_818 = tpu.vector_load %arg13[%parallel_loop3A_817] {strides = array<i32>} : memref<12800xf32, #tpu.memory_space<vmem>>, vector<16xf32>,
        %parallel_loop3A_819 = arith.index_cast %parallel_loop3A_160 : i32 to index
        %parallel_loop3A_820 = arith.constant 1392 : index
        %parallel_loop3A_821 = tpu.vector_load %arg14[%parallel_loop3A_819, %parallel_loop3A_820] {strides = array<i32>} : memref<16x1536xf32, #tpu.memory_space<vmem>>, vector<16xf32>,
        tpu.vector_store %arg14[%parallel_loop3A_819, %parallel_loop3A_820], %parallel_loop3A_783 {strides = array<i32>} : memref<16x1536xf32, #tpu.memory_space<vmem>>, vector<16xf32>,
        %parallel_loop3A_822 = arith.index_cast %parallel_loop3A_367 : i32 to index
        %parallel_loop3A_823 = tpu.vector_load %arg13[%parallel_loop3A_822] {strides = array<i32>} : memref<12800xf32, #tpu.memory_space<vmem>>, vector<16xf32>,
        %parallel_loop3A_824 = arith.index_cast %parallel_loop3A_160 : i32 to index
        %parallel_loop3A_825 = arith.constant 1408 : index
        %parallel_loop3A_826 = tpu.vector_load %arg14[%parallel_loop3A_824, %parallel_loop3A_825] {strides = array<i32>} : memref<16x1536xf32, #tpu.memory_space<vmem>>, vector<16xf32>,
        tpu.vector_store %arg14[%parallel_loop3A_824, %parallel_loop3A_825], %parallel_loop3A_788 {strides = array<i32>} : memref<16x1536xf32, #tpu.memory_space<vmem>>, vector<16xf32>,
        %parallel_loop3A_827 = arith.index_cast %parallel_loop3A_160 : i32 to index
        %parallel_loop3A_828 = arith.constant 1424 : index
        %parallel_loop3A_829 = tpu.vector_load %arg14[%parallel_loop3A_827, %parallel_loop3A_828] {strides = array<i32>} : memref<16x1536xf32, #tpu.memory_space<vmem>>, vector<16xf32>,
        tpu.vector_store %arg14[%parallel_loop3A_827, %parallel_loop3A_828], %parallel_loop3A_793 {strides = array<i32>} : memref<16x1536xf32, #tpu.memory_space<vmem>>, vector<16xf32>,
        %parallel_loop3A_830 = arith.index_cast %parallel_loop3A_160 : i32 to index
        %parallel_loop3A_831 = arith.constant 1440 : index
        %parallel_loop3A_832 = tpu.vector_load %arg14[%parallel_loop3A_830, %parallel_loop3A_831] {strides = array<i32>} : memref<16x1536xf32, #tpu.memory_space<vmem>>, vector<16xf32>,
        tpu.vector_store %arg14[%parallel_loop3A_830, %parallel_loop3A_831], %parallel_loop3A_798 {strides = array<i32>} : memref<16x1536xf32, #tpu.memory_space<vmem>>, vector<16xf32>,
        %parallel_loop3A_833 = arith.index_cast %parallel_loop3A_160 : i32 to index
        %parallel_loop3A_834 = arith.constant 1456 : index
        %parallel_loop3A_835 = tpu.vector_load %arg14[%parallel_loop3A_833, %parallel_loop3A_834] {strides = array<i32>} : memref<16x1536xf32, #tpu.memory_space<vmem>>, vector<16xf32>,
        tpu.vector_store %arg14[%parallel_loop3A_833, %parallel_loop3A_834], %parallel_loop3A_803 {strides = array<i32>} : memref<16x1536xf32, #tpu.memory_space<vmem>>, vector<16xf32>,
        %parallel_loop3A_836 = arith.index_cast %parallel_loop3A_160 : i32 to index
        %parallel_loop3A_837 = arith.constant 1472 : index
        %parallel_loop3A_838 = tpu.vector_load %arg14[%parallel_loop3A_836, %parallel_loop3A_837] {strides = array<i32>} : memref<16x1536xf32, #tpu.memory_space<vmem>>, vector<16xf32>,
        tpu.vector_store %arg14[%parallel_loop3A_836, %parallel_loop3A_837], %parallel_loop3A_808 {strides = array<i32>} : memref<16x1536xf32, #tpu.memory_space<vmem>>, vector<16xf32>,
        %parallel_loop3A_839 = arith.index_cast %parallel_loop3A_160 : i32 to index
        %parallel_loop3A_840 = arith.constant 1488 : index
        %parallel_loop3A_841 = tpu.vector_load %arg14[%parallel_loop3A_839, %parallel_loop3A_840] {strides = array<i32>} : memref<16x1536xf32, #tpu.memory_space<vmem>>, vector<16xf32>,
        tpu.vector_store %arg14[%parallel_loop3A_839, %parallel_loop3A_840], %parallel_loop3A_813 {strides = array<i32>} : memref<16x1536xf32, #tpu.memory_space<vmem>>, vector<16xf32>,
        %parallel_loop3A_842 = arith.index_cast %parallel_loop3A_160 : i32 to index
        %parallel_loop3A_843 = arith.constant 1504 : index
        %parallel_loop3A_844 = tpu.vector_load %arg14[%parallel_loop3A_842, %parallel_loop3A_843] {strides = array<i32>} : memref<16x1536xf32, #tpu.memory_space<vmem>>, vector<16xf32>,
        tpu.vector_store %arg14[%parallel_loop3A_842, %parallel_loop3A_843], %parallel_loop3A_818 {strides = array<i32>} : memref<16x1536xf32, #tpu.memory_space<vmem>>, vector<16xf32>,
        %parallel_loop3A_845 = arith.index_cast %parallel_loop3A_160 : i32 to index
        %parallel_loop3A_846 = arith.constant 1520 : index
        %parallel_loop3A_847 = tpu.vector_load %arg14[%parallel_loop3A_845, %parallel_loop3A_846] {strides = array<i32>} : memref<16x1536xf32, #tpu.memory_space<vmem>>, vector<16xf32>,
        tpu.vector_store %arg14[%parallel_loop3A_845, %parallel_loop3A_846], %parallel_loop3A_823 {strides = array<i32>} : memref<16x1536xf32, #tpu.memory_space<vmem>>, vector<16xf32>,
      } {sc.loop_unroll_factor = 1 : i64, sc.parallel_access}
      %mul3A_88 = arith.constant 512 : i32
      %mul3A_89 = arith.muli %add3A, %mul3A_88 : i32
      %mul3A_90 = arith.constant 16 : i32
      %mul3A_91 = arith.muli %mul3A_80, %mul3A_90 : i32
      %add3A_92 = arith.addi %mul3A_89, %mul3A_91 : i32
      %dma_start3A_93 = arith.constant 0 : i32
      %dma_start3A_94 = arith.constant 0 : i32
      %dma_start3A_95 = tpu.memref_slice %arg14[%dma_start3A_93, %dma_start3A_94] : memref<16x1536xf32, #tpu.memory_space<vmem>> -> memref<8x1536xf32, #tpu.memory_space<vmem>>
      %dma_start3A_96 = arith.constant 0 : i32
      %dma_start3A_97 = tpu.memref_slice %arg6[%add3A_92, %dma_start3A_96] : memref<16384x1536xf32, #tpu.memory_space<hbm>> -> memref<8x1536xf32, #tpu.memory_space<hbm>>
      %dma_start3A_98 = arith.constant 0 : i32
      %dma_start3A_99 = tpu.memref_slice %arg6[%add3A_92, %dma_start3A_98] : memref<16384x1536xf32, #tpu.memory_space<hbm>> -> memref<8x1536xf32, #tpu.memory_space<hbm>>
      %dma_start3A_100 = arith.constant 0 : i32
      %dma_start3A_101 = arith.constant 0 : i32
      %dma_start3A_102 = tpu.memref_slice %arg14[%dma_start3A_100, %dma_start3A_101] : memref<16x1536xf32, #tpu.memory_space<vmem>> -> memref<8x1536xf32, #tpu.memory_space<vmem>>
      tpu.enqueue_dma source(%dma_start3A_102 : memref<8x1536xf32, #tpu.memory_space<vmem>>) target(%dma_start3A_99 : memref<8x1536xf32, #tpu.memory_space<hbm>>) target_semaphore(%arg16 : memref<!tpu.dma_semaphore, #tpu.memory_space<semaphore_mem>>)
      %mul3A_103 = arith.constant 512 : i32
      %mul3A_104 = arith.muli %add3A, %mul3A_103 : i32
      %mul3A_105 = arith.constant 16 : i32
      %mul3A_106 = arith.muli %mul3A_80, %mul3A_105 : i32
      %add3A_107 = arith.addi %mul3A_104, %mul3A_106 : i32
      %add3A_108 = arith.constant 8 : i32
      %add3A_109 = arith.addi %add3A_107, %add3A_108 : i32
      %dma_start3A_110 = arith.constant 8 : i32
      %dma_start3A_111 = arith.constant 0 : i32
      %dma_start3A_112 = tpu.memref_slice %arg14[%dma_start3A_110, %dma_start3A_111] : memref<16x1536xf32, #tpu.memory_space<vmem>> -> memref<8x1536xf32, #tpu.memory_space<vmem>>
      %dma_start3A_113 = arith.constant 0 : i32
      %dma_start3A_114 = tpu.memref_slice %arg6[%add3A_109, %dma_start3A_113] : memref<16384x1536xf32, #tpu.memory_space<hbm>> -> memref<8x1536xf32, #tpu.memory_space<hbm>>
      %dma_start3A_115 = arith.constant 0 : i32
      %dma_start3A_116 = tpu.memref_slice %arg6[%add3A_109, %dma_start3A_115] : memref<16384x1536xf32, #tpu.memory_space<hbm>> -> memref<8x1536xf32, #tpu.memory_space<hbm>>
      %dma_start3A_117 = arith.constant 8 : i32
      %dma_start3A_118 = arith.constant 0 : i32
      %dma_start3A_119 = tpu.memref_slice %arg14[%dma_start3A_117, %dma_start3A_118] : memref<16x1536xf32, #tpu.memory_space<vmem>> -> memref<8x1536xf32, #tpu.memory_space<vmem>>
      tpu.enqueue_dma source(%dma_start3A_119 : memref<8x1536xf32, #tpu.memory_space<vmem>>) target(%dma_start3A_116 : memref<8x1536xf32, #tpu.memory_space<hbm>>) target_semaphore(%arg16 : memref<!tpu.dma_semaphore, #tpu.memory_space<semaphore_mem>>)
      %gt3A_120 = arith.constant 0 : i32
      %gt3A_121 = arith.cmpi sgt, %scan3A_78, %gt3A_120 : i32
      %convert_element_type3A_122 = arith.extui %gt3A_121 : i1 to i32
      %cond3A_123 = arith.constant 0 : i32
      %cond3A_124 = arith.cmpi ne, %convert_element_type3A_122, %cond3A_123 : i32
      scf.if %cond3A_124 {
        %sub3A = arith.constant 2 : i32
        %sub3A_160 = arith.subi %add3A_82, %sub3A : i32
        %mul3A_161 = arith.constant 512 : i32
        %mul3A_162 = arith.muli %add3A, %mul3A_161 : i32
        %mul3A_163 = arith.constant 16 : i32
        %mul3A_164 = arith.muli %sub3A_160, %mul3A_163 : i32
        %add3A_165 = arith.addi %mul3A_162, %mul3A_164 : i32
        %dma_wait3A_166 = arith.constant 0 : i32
        %dma_wait3A_167 = arith.constant 0 : i32
        %dma_wait3A_168 = tpu.memref_slice %arg15[%dma_wait3A_166, %dma_wait3A_167] : memref<16x1536xf32, #tpu.memory_space<vmem>> -> memref<8x1536xf32, #tpu.memory_space<vmem>>
        %dma_wait3A_169 = arith.constant 0 : i32
        %dma_wait3A_170 = tpu.memref_slice %arg6[%add3A_165, %dma_wait3A_169] : memref<16384x1536xf32, #tpu.memory_space<hbm>> -> memref<8x1536xf32, #tpu.memory_space<hbm>>
        %dma_wait3A_171 = arith.constant 0 : i32
        %dma_wait3A_172 = tpu.memref_slice %arg6[%add3A_165, %dma_wait3A_171] : memref<16384x1536xf32, #tpu.memory_space<hbm>> -> memref<8x1536xf32, #tpu.memory_space<hbm>>
        %dma_wait3A_173 = arith.constant 0 : i32
        %dma_wait3A_174 = arith.constant 0 : i32
        %dma_wait3A_175 = tpu.memref_slice %arg15[%dma_wait3A_173, %dma_wait3A_174] : memref<16x1536xf32, #tpu.memory_space<vmem>> -> memref<8x1536xf32, #tpu.memory_space<vmem>>
        tpu.wait_dma2 semaphore(%arg17 : memref<!tpu.dma_semaphore, #tpu.memory_space<semaphore_mem>>) src(%dma_wait3A_175 : memref<8x1536xf32, #tpu.memory_space<vmem>>) dst(%dma_wait3A_172 : memref<8x1536xf32, #tpu.memory_space<hbm>>)
        %mul3A_176 = arith.constant 512 : i32
        %mul3A_177 = arith.muli %add3A, %mul3A_176 : i32
        %mul3A_178 = arith.constant 16 : i32
        %mul3A_179 = arith.muli %sub3A_160, %mul3A_178 : i32
        %add3A_180 = arith.addi %mul3A_177, %mul3A_179 : i32
        %add3A_181 = arith.constant 8 : i32
        %add3A_182 = arith.addi %add3A_180, %add3A_181 : i32
        %dma_wait3A_183 = arith.constant 8 : i32
        %dma_wait3A_184 = arith.constant 0 : i32
        %dma_wait3A_185 = tpu.memref_slice %arg15[%dma_wait3A_183, %dma_wait3A_184] : memref<16x1536xf32, #tpu.memory_space<vmem>> -> memref<8x1536xf32, #tpu.memory_space<vmem>>
        %dma_wait3A_186 = arith.constant 0 : i32
        %dma_wait3A_187 = tpu.memref_slice %arg6[%add3A_182, %dma_wait3A_186] : memref<16384x1536xf32, #tpu.memory_space<hbm>> -> memref<8x1536xf32, #tpu.memory_space<hbm>>
        %dma_wait3A_188 = arith.constant 0 : i32
        %dma_wait3A_189 = tpu.memref_slice %arg6[%add3A_182, %dma_wait3A_188] : memref<16384x1536xf32, #tpu.memory_space<hbm>> -> memref<8x1536xf32, #tpu.memory_space<hbm>>
        %dma_wait3A_190 = arith.constant 8 : i32
        %dma_wait3A_191 = arith.constant 0 : i32
        %dma_wait3A_192 = tpu.memref_slice %arg15[%dma_wait3A_190, %dma_wait3A_191] : memref<16x1536xf32, #tpu.memory_space<vmem>> -> memref<8x1536xf32, #tpu.memory_space<vmem>>
        tpu.wait_dma2 semaphore(%arg17 : memref<!tpu.dma_semaphore, #tpu.memory_space<semaphore_mem>>) src(%dma_wait3A_192 : memref<8x1536xf32, #tpu.memory_space<vmem>>) dst(%dma_wait3A_189 : memref<8x1536xf32, #tpu.memory_space<hbm>>)
      } else {
      }
      %parallel_loop3A_125 = arith.constant 0 : i32
      %parallel_loop3A_126 = arith.constant 16 : i32
      %parallel_loop3A_127 = arith.constant 1 : i32
      scf.for %parallel_loop3A_160 = %parallel_loop3A_125 to %parallel_loop3A_126 step %parallel_loop3A_127  : i32 {
        %parallel_loop3A_161 = arith.constant 16 : i32
        %parallel_loop3A_162 = arith.muli %add3A_82, %parallel_loop3A_161 : i32
        %parallel_loop3A_163 = arith.addi %parallel_loop3A_162, %parallel_loop3A_160 : i32
        %parallel_loop3A_164 = arith.index_cast %parallel_loop3A_163 : i32 to index
        %parallel_loop3A_165 = memref.load %arg7[%parallel_loop3A_164] : memref<512xi32, #tpu.memory_space<smem>>
        %parallel_loop3A_166 = arith.constant 1024 : i32
        %parallel_loop3A_167 = arith.muli %parallel_loop3A_165, %parallel_loop3A_166 : i32
        %parallel_loop3A_168 = arith.index_cast %parallel_loop3A_163 : i32 to index
        %parallel_loop3A_169 = memref.load %arg8[%parallel_loop3A_168] : memref<512xi32, #tpu.memory_space<smem>>
        %parallel_loop3A_170 = arith.constant 256 : i32
        %parallel_loop3A_171 = arith.muli %parallel_loop3A_169, %parallel_loop3A_170 : i32
        %parallel_loop3A_172 = arith.index_cast %parallel_loop3A_163 : i32 to index
        %parallel_loop3A_173 = memref.load %arg9[%parallel_loop3A_172] : memref<512xi32, #tpu.memory_space<smem>>
        %parallel_loop3A_174 = arith.constant 256 : i32
        %parallel_loop3A_175 = arith.muli %parallel_loop3A_173, %parallel_loop3A_174 : i32
        %parallel_loop3A_176 = arith.constant 0 : i32
        %parallel_loop3A_177 = arith.addi %parallel_loop3A_167, %parallel_loop3A_176 : i32
        %parallel_loop3A_178 = arith.constant 16 : i32
        %parallel_loop3A_179 = arith.addi %parallel_loop3A_167, %parallel_loop3A_178 : i32
        %parallel_loop3A_180 = arith.constant 32 : i32
        %parallel_loop3A_181 = arith.addi %parallel_loop3A_167, %parallel_loop3A_180 : i32
        %parallel_loop3A_182 = arith.constant 48 : i32
        %parallel_loop3A_183 = arith.addi %parallel_loop3A_167, %parallel_loop3A_182 : i32
        %parallel_loop3A_184 = arith.constant 64 : i32
        %parallel_loop3A_185 = arith.addi %parallel_loop3A_167, %parallel_loop3A_184 : i32
        %parallel_loop3A_186 = arith.constant 80 : i32
        %parallel_loop3A_187 = arith.addi %parallel_loop3A_167, %parallel_loop3A_186 : i32
        %parallel_loop3A_188 = arith.constant 96 : i32
        %parallel_loop3A_189 = arith.addi %parallel_loop3A_167, %parallel_loop3A_188 : i32
        %parallel_loop3A_190 = arith.constant 112 : i32
        %parallel_loop3A_191 = arith.addi %parallel_loop3A_167, %parallel_loop3A_190 : i32
        %parallel_loop3A_192 = arith.constant 128 : i32
        %parallel_loop3A_193 = arith.addi %parallel_loop3A_167, %parallel_loop3A_192 : i32
        %parallel_loop3A_194 = arith.constant 144 : i32
        %parallel_loop3A_195 = arith.addi %parallel_loop3A_167, %parallel_loop3A_194 : i32
        %parallel_loop3A_196 = arith.constant 160 : i32
        %parallel_loop3A_197 = arith.addi %parallel_loop3A_167, %parallel_loop3A_196 : i32
        %parallel_loop3A_198 = arith.constant 176 : i32
        %parallel_loop3A_199 = arith.addi %parallel_loop3A_167, %parallel_loop3A_198 : i32
        %parallel_loop3A_200 = arith.constant 192 : i32
        %parallel_loop3A_201 = arith.addi %parallel_loop3A_167, %parallel_loop3A_200 : i32
        %parallel_loop3A_202 = arith.constant 208 : i32
        %parallel_loop3A_203 = arith.addi %parallel_loop3A_167, %parallel_loop3A_202 : i32
        %parallel_loop3A_204 = arith.constant 224 : i32
        %parallel_loop3A_205 = arith.addi %parallel_loop3A_167, %parallel_loop3A_204 : i32
        %parallel_loop3A_206 = arith.constant 240 : i32
        %parallel_loop3A_207 = arith.addi %parallel_loop3A_167, %parallel_loop3A_206 : i32
        %parallel_loop3A_208 = arith.constant 256 : i32
        %parallel_loop3A_209 = arith.addi %parallel_loop3A_167, %parallel_loop3A_208 : i32
        %parallel_loop3A_210 = arith.constant 272 : i32
        %parallel_loop3A_211 = arith.addi %parallel_loop3A_167, %parallel_loop3A_210 : i32
        %parallel_loop3A_212 = arith.constant 288 : i32
        %parallel_loop3A_213 = arith.addi %parallel_loop3A_167, %parallel_loop3A_212 : i32
        %parallel_loop3A_214 = arith.constant 304 : i32
        %parallel_loop3A_215 = arith.addi %parallel_loop3A_167, %parallel_loop3A_214 : i32
        %parallel_loop3A_216 = arith.constant 320 : i32
        %parallel_loop3A_217 = arith.addi %parallel_loop3A_167, %parallel_loop3A_216 : i32
        %parallel_loop3A_218 = arith.constant 336 : i32
        %parallel_loop3A_219 = arith.addi %parallel_loop3A_167, %parallel_loop3A_218 : i32
        %parallel_loop3A_220 = arith.constant 352 : i32
        %parallel_loop3A_221 = arith.addi %parallel_loop3A_167, %parallel_loop3A_220 : i32
        %parallel_loop3A_222 = arith.constant 368 : i32
        %parallel_loop3A_223 = arith.addi %parallel_loop3A_167, %parallel_loop3A_222 : i32
        %parallel_loop3A_224 = arith.constant 384 : i32
        %parallel_loop3A_225 = arith.addi %parallel_loop3A_167, %parallel_loop3A_224 : i32
        %parallel_loop3A_226 = arith.constant 400 : i32
        %parallel_loop3A_227 = arith.addi %parallel_loop3A_167, %parallel_loop3A_226 : i32
        %parallel_loop3A_228 = arith.constant 416 : i32
        %parallel_loop3A_229 = arith.addi %parallel_loop3A_167, %parallel_loop3A_228 : i32
        %parallel_loop3A_230 = arith.constant 432 : i32
        %parallel_loop3A_231 = arith.addi %parallel_loop3A_167, %parallel_loop3A_230 : i32
        %parallel_loop3A_232 = arith.constant 448 : i32
        %parallel_loop3A_233 = arith.addi %parallel_loop3A_167, %parallel_loop3A_232 : i32
        %parallel_loop3A_234 = arith.constant 464 : i32
        %parallel_loop3A_235 = arith.addi %parallel_loop3A_167, %parallel_loop3A_234 : i32
        %parallel_loop3A_236 = arith.constant 480 : i32
        %parallel_loop3A_237 = arith.addi %parallel_loop3A_167, %parallel_loop3A_236 : i32
        %parallel_loop3A_238 = arith.constant 496 : i32
        %parallel_loop3A_239 = arith.addi %parallel_loop3A_167, %parallel_loop3A_238 : i32
        %parallel_loop3A_240 = arith.constant 512 : i32
        %parallel_loop3A_241 = arith.addi %parallel_loop3A_167, %parallel_loop3A_240 : i32
        %parallel_loop3A_242 = arith.constant 528 : i32
        %parallel_loop3A_243 = arith.addi %parallel_loop3A_167, %parallel_loop3A_242 : i32
        %parallel_loop3A_244 = arith.constant 544 : i32
        %parallel_loop3A_245 = arith.addi %parallel_loop3A_167, %parallel_loop3A_244 : i32
        %parallel_loop3A_246 = arith.constant 560 : i32
        %parallel_loop3A_247 = arith.addi %parallel_loop3A_167, %parallel_loop3A_246 : i32
        %parallel_loop3A_248 = arith.constant 576 : i32
        %parallel_loop3A_249 = arith.addi %parallel_loop3A_167, %parallel_loop3A_248 : i32
        %parallel_loop3A_250 = arith.constant 592 : i32
        %parallel_loop3A_251 = arith.addi %parallel_loop3A_167, %parallel_loop3A_250 : i32
        %parallel_loop3A_252 = arith.constant 608 : i32
        %parallel_loop3A_253 = arith.addi %parallel_loop3A_167, %parallel_loop3A_252 : i32
        %parallel_loop3A_254 = arith.constant 624 : i32
        %parallel_loop3A_255 = arith.addi %parallel_loop3A_167, %parallel_loop3A_254 : i32
        %parallel_loop3A_256 = arith.constant 640 : i32
        %parallel_loop3A_257 = arith.addi %parallel_loop3A_167, %parallel_loop3A_256 : i32
        %parallel_loop3A_258 = arith.constant 656 : i32
        %parallel_loop3A_259 = arith.addi %parallel_loop3A_167, %parallel_loop3A_258 : i32
        %parallel_loop3A_260 = arith.constant 672 : i32
        %parallel_loop3A_261 = arith.addi %parallel_loop3A_167, %parallel_loop3A_260 : i32
        %parallel_loop3A_262 = arith.constant 688 : i32
        %parallel_loop3A_263 = arith.addi %parallel_loop3A_167, %parallel_loop3A_262 : i32
        %parallel_loop3A_264 = arith.constant 704 : i32
        %parallel_loop3A_265 = arith.addi %parallel_loop3A_167, %parallel_loop3A_264 : i32
        %parallel_loop3A_266 = arith.constant 720 : i32
        %parallel_loop3A_267 = arith.addi %parallel_loop3A_167, %parallel_loop3A_266 : i32
        %parallel_loop3A_268 = arith.constant 736 : i32
        %parallel_loop3A_269 = arith.addi %parallel_loop3A_167, %parallel_loop3A_268 : i32
        %parallel_loop3A_270 = arith.constant 752 : i32
        %parallel_loop3A_271 = arith.addi %parallel_loop3A_167, %parallel_loop3A_270 : i32
        %parallel_loop3A_272 = arith.constant 768 : i32
        %parallel_loop3A_273 = arith.addi %parallel_loop3A_167, %parallel_loop3A_272 : i32
        %parallel_loop3A_274 = arith.constant 784 : i32
        %parallel_loop3A_275 = arith.addi %parallel_loop3A_167, %parallel_loop3A_274 : i32
        %parallel_loop3A_276 = arith.constant 800 : i32
        %parallel_loop3A_277 = arith.addi %parallel_loop3A_167, %parallel_loop3A_276 : i32
        %parallel_loop3A_278 = arith.constant 816 : i32
        %parallel_loop3A_279 = arith.addi %parallel_loop3A_167, %parallel_loop3A_278 : i32
        %parallel_loop3A_280 = arith.constant 832 : i32
        %parallel_loop3A_281 = arith.addi %parallel_loop3A_167, %parallel_loop3A_280 : i32
        %parallel_loop3A_282 = arith.constant 848 : i32
        %parallel_loop3A_283 = arith.addi %parallel_loop3A_167, %parallel_loop3A_282 : i32
        %parallel_loop3A_284 = arith.constant 864 : i32
        %parallel_loop3A_285 = arith.addi %parallel_loop3A_167, %parallel_loop3A_284 : i32
        %parallel_loop3A_286 = arith.constant 880 : i32
        %parallel_loop3A_287 = arith.addi %parallel_loop3A_167, %parallel_loop3A_286 : i32
        %parallel_loop3A_288 = arith.constant 896 : i32
        %parallel_loop3A_289 = arith.addi %parallel_loop3A_167, %parallel_loop3A_288 : i32
        %parallel_loop3A_290 = arith.constant 912 : i32
        %parallel_loop3A_291 = arith.addi %parallel_loop3A_167, %parallel_loop3A_290 : i32
        %parallel_loop3A_292 = arith.constant 928 : i32
        %parallel_loop3A_293 = arith.addi %parallel_loop3A_167, %parallel_loop3A_292 : i32
        %parallel_loop3A_294 = arith.constant 944 : i32
        %parallel_loop3A_295 = arith.addi %parallel_loop3A_167, %parallel_loop3A_294 : i32
        %parallel_loop3A_296 = arith.constant 960 : i32
        %parallel_loop3A_297 = arith.addi %parallel_loop3A_167, %parallel_loop3A_296 : i32
        %parallel_loop3A_298 = arith.constant 976 : i32
        %parallel_loop3A_299 = arith.addi %parallel_loop3A_167, %parallel_loop3A_298 : i32
        %parallel_loop3A_300 = arith.constant 992 : i32
        %parallel_loop3A_301 = arith.addi %parallel_loop3A_167, %parallel_loop3A_300 : i32
        %parallel_loop3A_302 = arith.constant 1008 : i32
        %parallel_loop3A_303 = arith.addi %parallel_loop3A_167, %parallel_loop3A_302 : i32
        %parallel_loop3A_304 = arith.constant 0 : i32
        %parallel_loop3A_305 = arith.addi %parallel_loop3A_171, %parallel_loop3A_304 : i32
        %parallel_loop3A_306 = arith.constant 16 : i32
        %parallel_loop3A_307 = arith.addi %parallel_loop3A_171, %parallel_loop3A_306 : i32
        %parallel_loop3A_308 = arith.constant 32 : i32
        %parallel_loop3A_309 = arith.addi %parallel_loop3A_171, %parallel_loop3A_308 : i32
        %parallel_loop3A_310 = arith.constant 48 : i32
        %parallel_loop3A_311 = arith.addi %parallel_loop3A_171, %parallel_loop3A_310 : i32
        %parallel_loop3A_312 = arith.constant 64 : i32
        %parallel_loop3A_313 = arith.addi %parallel_loop3A_171, %parallel_loop3A_312 : i32
        %parallel_loop3A_314 = arith.constant 80 : i32
        %parallel_loop3A_315 = arith.addi %parallel_loop3A_171, %parallel_loop3A_314 : i32
        %parallel_loop3A_316 = arith.constant 96 : i32
        %parallel_loop3A_317 = arith.addi %parallel_loop3A_171, %parallel_loop3A_316 : i32
        %parallel_loop3A_318 = arith.constant 112 : i32
        %parallel_loop3A_319 = arith.addi %parallel_loop3A_171, %parallel_loop3A_318 : i32
        %parallel_loop3A_320 = arith.constant 128 : i32
        %parallel_loop3A_321 = arith.addi %parallel_loop3A_171, %parallel_loop3A_320 : i32
        %parallel_loop3A_322 = arith.constant 144 : i32
        %parallel_loop3A_323 = arith.addi %parallel_loop3A_171, %parallel_loop3A_322 : i32
        %parallel_loop3A_324 = arith.constant 160 : i32
        %parallel_loop3A_325 = arith.addi %parallel_loop3A_171, %parallel_loop3A_324 : i32
        %parallel_loop3A_326 = arith.constant 176 : i32
        %parallel_loop3A_327 = arith.addi %parallel_loop3A_171, %parallel_loop3A_326 : i32
        %parallel_loop3A_328 = arith.constant 192 : i32
        %parallel_loop3A_329 = arith.addi %parallel_loop3A_171, %parallel_loop3A_328 : i32
        %parallel_loop3A_330 = arith.constant 208 : i32
        %parallel_loop3A_331 = arith.addi %parallel_loop3A_171, %parallel_loop3A_330 : i32
        %parallel_loop3A_332 = arith.constant 224 : i32
        %parallel_loop3A_333 = arith.addi %parallel_loop3A_171, %parallel_loop3A_332 : i32
        %parallel_loop3A_334 = arith.constant 240 : i32
        %parallel_loop3A_335 = arith.addi %parallel_loop3A_171, %parallel_loop3A_334 : i32
        %parallel_loop3A_336 = arith.constant 0 : i32
        %parallel_loop3A_337 = arith.addi %parallel_loop3A_175, %parallel_loop3A_336 : i32
        %parallel_loop3A_338 = arith.constant 16 : i32
        %parallel_loop3A_339 = arith.addi %parallel_loop3A_175, %parallel_loop3A_338 : i32
        %parallel_loop3A_340 = arith.constant 32 : i32
        %parallel_loop3A_341 = arith.addi %parallel_loop3A_175, %parallel_loop3A_340 : i32
        %parallel_loop3A_342 = arith.constant 48 : i32
        %parallel_loop3A_343 = arith.addi %parallel_loop3A_175, %parallel_loop3A_342 : i32
        %parallel_loop3A_344 = arith.constant 64 : i32
        %parallel_loop3A_345 = arith.addi %parallel_loop3A_175, %parallel_loop3A_344 : i32
        %parallel_loop3A_346 = arith.constant 80 : i32
        %parallel_loop3A_347 = arith.addi %parallel_loop3A_175, %parallel_loop3A_346 : i32
        %parallel_loop3A_348 = arith.constant 96 : i32
        %parallel_loop3A_349 = arith.addi %parallel_loop3A_175, %parallel_loop3A_348 : i32
        %parallel_loop3A_350 = arith.constant 112 : i32
        %parallel_loop3A_351 = arith.addi %parallel_loop3A_175, %parallel_loop3A_350 : i32
        %parallel_loop3A_352 = arith.constant 128 : i32
        %parallel_loop3A_353 = arith.addi %parallel_loop3A_175, %parallel_loop3A_352 : i32
        %parallel_loop3A_354 = arith.constant 144 : i32
        %parallel_loop3A_355 = arith.addi %parallel_loop3A_175, %parallel_loop3A_354 : i32
        %parallel_loop3A_356 = arith.constant 160 : i32
        %parallel_loop3A_357 = arith.addi %parallel_loop3A_175, %parallel_loop3A_356 : i32
        %parallel_loop3A_358 = arith.constant 176 : i32
        %parallel_loop3A_359 = arith.addi %parallel_loop3A_175, %parallel_loop3A_358 : i32
        %parallel_loop3A_360 = arith.constant 192 : i32
        %parallel_loop3A_361 = arith.addi %parallel_loop3A_175, %parallel_loop3A_360 : i32
        %parallel_loop3A_362 = arith.constant 208 : i32
        %parallel_loop3A_363 = arith.addi %parallel_loop3A_175, %parallel_loop3A_362 : i32
        %parallel_loop3A_364 = arith.constant 224 : i32
        %parallel_loop3A_365 = arith.addi %parallel_loop3A_175, %parallel_loop3A_364 : i32
        %parallel_loop3A_366 = arith.constant 240 : i32
        %parallel_loop3A_367 = arith.addi %parallel_loop3A_175, %parallel_loop3A_366 : i32
        %parallel_loop3A_368 = arith.index_cast %parallel_loop3A_177 : i32 to index
        %parallel_loop3A_369 = tpu.vector_load %arg11[%parallel_loop3A_368] {strides = array<i32>} : memref<5120xf32, #tpu.memory_space<vmem>>, vector<16xf32>,
        %parallel_loop3A_370 = arith.index_cast %parallel_loop3A_179 : i32 to index
        %parallel_loop3A_371 = tpu.vector_load %arg11[%parallel_loop3A_370] {strides = array<i32>} : memref<5120xf32, #tpu.memory_space<vmem>>, vector<16xf32>,
        %parallel_loop3A_372 = arith.index_cast %parallel_loop3A_181 : i32 to index
        %parallel_loop3A_373 = tpu.vector_load %arg11[%parallel_loop3A_372] {strides = array<i32>} : memref<5120xf32, #tpu.memory_space<vmem>>, vector<16xf32>,
        %parallel_loop3A_374 = arith.index_cast %parallel_loop3A_183 : i32 to index
        %parallel_loop3A_375 = tpu.vector_load %arg11[%parallel_loop3A_374] {strides = array<i32>} : memref<5120xf32, #tpu.memory_space<vmem>>, vector<16xf32>,
        %parallel_loop3A_376 = arith.index_cast %parallel_loop3A_185 : i32 to index
        %parallel_loop3A_377 = tpu.vector_load %arg11[%parallel_loop3A_376] {strides = array<i32>} : memref<5120xf32, #tpu.memory_space<vmem>>, vector<16xf32>,
        %parallel_loop3A_378 = arith.index_cast %parallel_loop3A_187 : i32 to index
        %parallel_loop3A_379 = tpu.vector_load %arg11[%parallel_loop3A_378] {strides = array<i32>} : memref<5120xf32, #tpu.memory_space<vmem>>, vector<16xf32>,
        %parallel_loop3A_380 = arith.index_cast %parallel_loop3A_189 : i32 to index
        %parallel_loop3A_381 = tpu.vector_load %arg11[%parallel_loop3A_380] {strides = array<i32>} : memref<5120xf32, #tpu.memory_space<vmem>>, vector<16xf32>,
        %parallel_loop3A_382 = arith.index_cast %parallel_loop3A_191 : i32 to index
        %parallel_loop3A_383 = tpu.vector_load %arg11[%parallel_loop3A_382] {strides = array<i32>} : memref<5120xf32, #tpu.memory_space<vmem>>, vector<16xf32>,
        %parallel_loop3A_384 = arith.index_cast %parallel_loop3A_160 : i32 to index
        %parallel_loop3A_385 = arith.constant 0 : index
        %parallel_loop3A_386 = tpu.vector_load %arg15[%parallel_loop3A_384, %parallel_loop3A_385] {strides = array<i32>} : memref<16x1536xf32, #tpu.memory_space<vmem>>, vector<16xf32>,
        tpu.vector_store %arg15[%parallel_loop3A_384, %parallel_loop3A_385], %parallel_loop3A_369 {strides = array<i32>} : memref<16x1536xf32, #tpu.memory_space<vmem>>, vector<16xf32>,
        %parallel_loop3A_387 = arith.index_cast %parallel_loop3A_193 : i32 to index
        %parallel_loop3A_388 = tpu.vector_load %arg11[%parallel_loop3A_387] {strides = array<i32>} : memref<5120xf32, #tpu.memory_space<vmem>>, vector<16xf32>,
        %parallel_loop3A_389 = arith.index_cast %parallel_loop3A_160 : i32 to index
        %parallel_loop3A_390 = arith.constant 16 : index
        %parallel_loop3A_391 = tpu.vector_load %arg15[%parallel_loop3A_389, %parallel_loop3A_390] {strides = array<i32>} : memref<16x1536xf32, #tpu.memory_space<vmem>>, vector<16xf32>,
        tpu.vector_store %arg15[%parallel_loop3A_389, %parallel_loop3A_390], %parallel_loop3A_371 {strides = array<i32>} : memref<16x1536xf32, #tpu.memory_space<vmem>>, vector<16xf32>,
        %parallel_loop3A_392 = arith.index_cast %parallel_loop3A_195 : i32 to index
        %parallel_loop3A_393 = tpu.vector_load %arg11[%parallel_loop3A_392] {strides = array<i32>} : memref<5120xf32, #tpu.memory_space<vmem>>, vector<16xf32>,
        %parallel_loop3A_394 = arith.index_cast %parallel_loop3A_160 : i32 to index
        %parallel_loop3A_395 = arith.constant 32 : index
        %parallel_loop3A_396 = tpu.vector_load %arg15[%parallel_loop3A_394, %parallel_loop3A_395] {strides = array<i32>} : memref<16x1536xf32, #tpu.memory_space<vmem>>, vector<16xf32>,
        tpu.vector_store %arg15[%parallel_loop3A_394, %parallel_loop3A_395], %parallel_loop3A_373 {strides = array<i32>} : memref<16x1536xf32, #tpu.memory_space<vmem>>, vector<16xf32>,
        %parallel_loop3A_397 = arith.index_cast %parallel_loop3A_197 : i32 to index
        %parallel_loop3A_398 = tpu.vector_load %arg11[%parallel_loop3A_397] {strides = array<i32>} : memref<5120xf32, #tpu.memory_space<vmem>>, vector<16xf32>,
        %parallel_loop3A_399 = arith.index_cast %parallel_loop3A_160 : i32 to index
        %parallel_loop3A_400 = arith.constant 48 : index
        %parallel_loop3A_401 = tpu.vector_load %arg15[%parallel_loop3A_399, %parallel_loop3A_400] {strides = array<i32>} : memref<16x1536xf32, #tpu.memory_space<vmem>>, vector<16xf32>,
        tpu.vector_store %arg15[%parallel_loop3A_399, %parallel_loop3A_400], %parallel_loop3A_375 {strides = array<i32>} : memref<16x1536xf32, #tpu.memory_space<vmem>>, vector<16xf32>,
        %parallel_loop3A_402 = arith.index_cast %parallel_loop3A_199 : i32 to index
        %parallel_loop3A_403 = tpu.vector_load %arg11[%parallel_loop3A_402] {strides = array<i32>} : memref<5120xf32, #tpu.memory_space<vmem>>, vector<16xf32>,
        %parallel_loop3A_404 = arith.index_cast %parallel_loop3A_160 : i32 to index
        %parallel_loop3A_405 = arith.constant 64 : index
        %parallel_loop3A_406 = tpu.vector_load %arg15[%parallel_loop3A_404, %parallel_loop3A_405] {strides = array<i32>} : memref<16x1536xf32, #tpu.memory_space<vmem>>, vector<16xf32>,
        tpu.vector_store %arg15[%parallel_loop3A_404, %parallel_loop3A_405], %parallel_loop3A_377 {strides = array<i32>} : memref<16x1536xf32, #tpu.memory_space<vmem>>, vector<16xf32>,
        %parallel_loop3A_407 = arith.index_cast %parallel_loop3A_201 : i32 to index
        %parallel_loop3A_408 = tpu.vector_load %arg11[%parallel_loop3A_407] {strides = array<i32>} : memref<5120xf32, #tpu.memory_space<vmem>>, vector<16xf32>,
        %parallel_loop3A_409 = arith.index_cast %parallel_loop3A_160 : i32 to index
        %parallel_loop3A_410 = arith.constant 80 : index
        %parallel_loop3A_411 = tpu.vector_load %arg15[%parallel_loop3A_409, %parallel_loop3A_410] {strides = array<i32>} : memref<16x1536xf32, #tpu.memory_space<vmem>>, vector<16xf32>,
        tpu.vector_store %arg15[%parallel_loop3A_409, %parallel_loop3A_410], %parallel_loop3A_379 {strides = array<i32>} : memref<16x1536xf32, #tpu.memory_space<vmem>>, vector<16xf32>,
        %parallel_loop3A_412 = arith.index_cast %parallel_loop3A_203 : i32 to index
        %parallel_loop3A_413 = tpu.vector_load %arg11[%parallel_loop3A_412] {strides = array<i32>} : memref<5120xf32, #tpu.memory_space<vmem>>, vector<16xf32>,
        %parallel_loop3A_414 = arith.index_cast %parallel_loop3A_160 : i32 to index
        %parallel_loop3A_415 = arith.constant 96 : index
        %parallel_loop3A_416 = tpu.vector_load %arg15[%parallel_loop3A_414, %parallel_loop3A_415] {strides = array<i32>} : memref<16x1536xf32, #tpu.memory_space<vmem>>, vector<16xf32>,
        tpu.vector_store %arg15[%parallel_loop3A_414, %parallel_loop3A_415], %parallel_loop3A_381 {strides = array<i32>} : memref<16x1536xf32, #tpu.memory_space<vmem>>, vector<16xf32>,
        %parallel_loop3A_417 = arith.index_cast %parallel_loop3A_205 : i32 to index
        %parallel_loop3A_418 = tpu.vector_load %arg11[%parallel_loop3A_417] {strides = array<i32>} : memref<5120xf32, #tpu.memory_space<vmem>>, vector<16xf32>,
        %parallel_loop3A_419 = arith.index_cast %parallel_loop3A_160 : i32 to index
        %parallel_loop3A_420 = arith.constant 112 : index
        %parallel_loop3A_421 = tpu.vector_load %arg15[%parallel_loop3A_419, %parallel_loop3A_420] {strides = array<i32>} : memref<16x1536xf32, #tpu.memory_space<vmem>>, vector<16xf32>,
        tpu.vector_store %arg15[%parallel_loop3A_419, %parallel_loop3A_420], %parallel_loop3A_383 {strides = array<i32>} : memref<16x1536xf32, #tpu.memory_space<vmem>>, vector<16xf32>,
        %parallel_loop3A_422 = arith.index_cast %parallel_loop3A_207 : i32 to index
        %parallel_loop3A_423 = tpu.vector_load %arg11[%parallel_loop3A_422] {strides = array<i32>} : memref<5120xf32, #tpu.memory_space<vmem>>, vector<16xf32>,
        %parallel_loop3A_424 = arith.index_cast %parallel_loop3A_160 : i32 to index
        %parallel_loop3A_425 = arith.constant 128 : index
        %parallel_loop3A_426 = tpu.vector_load %arg15[%parallel_loop3A_424, %parallel_loop3A_425] {strides = array<i32>} : memref<16x1536xf32, #tpu.memory_space<vmem>>, vector<16xf32>,
        tpu.vector_store %arg15[%parallel_loop3A_424, %parallel_loop3A_425], %parallel_loop3A_388 {strides = array<i32>} : memref<16x1536xf32, #tpu.memory_space<vmem>>, vector<16xf32>,
        %parallel_loop3A_427 = arith.index_cast %parallel_loop3A_209 : i32 to index
        %parallel_loop3A_428 = tpu.vector_load %arg11[%parallel_loop3A_427] {strides = array<i32>} : memref<5120xf32, #tpu.memory_space<vmem>>, vector<16xf32>,
        %parallel_loop3A_429 = arith.index_cast %parallel_loop3A_160 : i32 to index
        %parallel_loop3A_430 = arith.constant 144 : index
        %parallel_loop3A_431 = tpu.vector_load %arg15[%parallel_loop3A_429, %parallel_loop3A_430] {strides = array<i32>} : memref<16x1536xf32, #tpu.memory_space<vmem>>, vector<16xf32>,
        tpu.vector_store %arg15[%parallel_loop3A_429, %parallel_loop3A_430], %parallel_loop3A_393 {strides = array<i32>} : memref<16x1536xf32, #tpu.memory_space<vmem>>, vector<16xf32>,
        %parallel_loop3A_432 = arith.index_cast %parallel_loop3A_211 : i32 to index
        %parallel_loop3A_433 = tpu.vector_load %arg11[%parallel_loop3A_432] {strides = array<i32>} : memref<5120xf32, #tpu.memory_space<vmem>>, vector<16xf32>,
        %parallel_loop3A_434 = arith.index_cast %parallel_loop3A_160 : i32 to index
        %parallel_loop3A_435 = arith.constant 160 : index
        %parallel_loop3A_436 = tpu.vector_load %arg15[%parallel_loop3A_434, %parallel_loop3A_435] {strides = array<i32>} : memref<16x1536xf32, #tpu.memory_space<vmem>>, vector<16xf32>,
        tpu.vector_store %arg15[%parallel_loop3A_434, %parallel_loop3A_435], %parallel_loop3A_398 {strides = array<i32>} : memref<16x1536xf32, #tpu.memory_space<vmem>>, vector<16xf32>,
        %parallel_loop3A_437 = arith.index_cast %parallel_loop3A_213 : i32 to index
        %parallel_loop3A_438 = tpu.vector_load %arg11[%parallel_loop3A_437] {strides = array<i32>} : memref<5120xf32, #tpu.memory_space<vmem>>, vector<16xf32>,
        %parallel_loop3A_439 = arith.index_cast %parallel_loop3A_160 : i32 to index
        %parallel_loop3A_440 = arith.constant 176 : index
        %parallel_loop3A_441 = tpu.vector_load %arg15[%parallel_loop3A_439, %parallel_loop3A_440] {strides = array<i32>} : memref<16x1536xf32, #tpu.memory_space<vmem>>, vector<16xf32>,
        tpu.vector_store %arg15[%parallel_loop3A_439, %parallel_loop3A_440], %parallel_loop3A_403 {strides = array<i32>} : memref<16x1536xf32, #tpu.memory_space<vmem>>, vector<16xf32>,
        %parallel_loop3A_442 = arith.index_cast %parallel_loop3A_215 : i32 to index
        %parallel_loop3A_443 = tpu.vector_load %arg11[%parallel_loop3A_442] {strides = array<i32>} : memref<5120xf32, #tpu.memory_space<vmem>>, vector<16xf32>,
        %parallel_loop3A_444 = arith.index_cast %parallel_loop3A_160 : i32 to index
        %parallel_loop3A_445 = arith.constant 192 : index
        %parallel_loop3A_446 = tpu.vector_load %arg15[%parallel_loop3A_444, %parallel_loop3A_445] {strides = array<i32>} : memref<16x1536xf32, #tpu.memory_space<vmem>>, vector<16xf32>,
        tpu.vector_store %arg15[%parallel_loop3A_444, %parallel_loop3A_445], %parallel_loop3A_408 {strides = array<i32>} : memref<16x1536xf32, #tpu.memory_space<vmem>>, vector<16xf32>,
        %parallel_loop3A_447 = arith.index_cast %parallel_loop3A_217 : i32 to index
        %parallel_loop3A_448 = tpu.vector_load %arg11[%parallel_loop3A_447] {strides = array<i32>} : memref<5120xf32, #tpu.memory_space<vmem>>, vector<16xf32>,
        %parallel_loop3A_449 = arith.index_cast %parallel_loop3A_160 : i32 to index
        %parallel_loop3A_450 = arith.constant 208 : index
        %parallel_loop3A_451 = tpu.vector_load %arg15[%parallel_loop3A_449, %parallel_loop3A_450] {strides = array<i32>} : memref<16x1536xf32, #tpu.memory_space<vmem>>, vector<16xf32>,
        tpu.vector_store %arg15[%parallel_loop3A_449, %parallel_loop3A_450], %parallel_loop3A_413 {strides = array<i32>} : memref<16x1536xf32, #tpu.memory_space<vmem>>, vector<16xf32>,
        %parallel_loop3A_452 = arith.index_cast %parallel_loop3A_219 : i32 to index
        %parallel_loop3A_453 = tpu.vector_load %arg11[%parallel_loop3A_452] {strides = array<i32>} : memref<5120xf32, #tpu.memory_space<vmem>>, vector<16xf32>,
        %parallel_loop3A_454 = arith.index_cast %parallel_loop3A_160 : i32 to index
        %parallel_loop3A_455 = arith.constant 224 : index
        %parallel_loop3A_456 = tpu.vector_load %arg15[%parallel_loop3A_454, %parallel_loop3A_455] {strides = array<i32>} : memref<16x1536xf32, #tpu.memory_space<vmem>>, vector<16xf32>,
        tpu.vector_store %arg15[%parallel_loop3A_454, %parallel_loop3A_455], %parallel_loop3A_418 {strides = array<i32>} : memref<16x1536xf32, #tpu.memory_space<vmem>>, vector<16xf32>,
        %parallel_loop3A_457 = arith.index_cast %parallel_loop3A_221 : i32 to index
        %parallel_loop3A_458 = tpu.vector_load %arg11[%parallel_loop3A_457] {strides = array<i32>} : memref<5120xf32, #tpu.memory_space<vmem>>, vector<16xf32>,
        %parallel_loop3A_459 = arith.index_cast %parallel_loop3A_160 : i32 to index
        %parallel_loop3A_460 = arith.constant 240 : index
        %parallel_loop3A_461 = tpu.vector_load %arg15[%parallel_loop3A_459, %parallel_loop3A_460] {strides = array<i32>} : memref<16x1536xf32, #tpu.memory_space<vmem>>, vector<16xf32>,
        tpu.vector_store %arg15[%parallel_loop3A_459, %parallel_loop3A_460], %parallel_loop3A_423 {strides = array<i32>} : memref<16x1536xf32, #tpu.memory_space<vmem>>, vector<16xf32>,
        %parallel_loop3A_462 = arith.index_cast %parallel_loop3A_223 : i32 to index
        %parallel_loop3A_463 = tpu.vector_load %arg11[%parallel_loop3A_462] {strides = array<i32>} : memref<5120xf32, #tpu.memory_space<vmem>>, vector<16xf32>,
        %parallel_loop3A_464 = arith.index_cast %parallel_loop3A_160 : i32 to index
        %parallel_loop3A_465 = arith.constant 256 : index
        %parallel_loop3A_466 = tpu.vector_load %arg15[%parallel_loop3A_464, %parallel_loop3A_465] {strides = array<i32>} : memref<16x1536xf32, #tpu.memory_space<vmem>>, vector<16xf32>,
        tpu.vector_store %arg15[%parallel_loop3A_464, %parallel_loop3A_465], %parallel_loop3A_428 {strides = array<i32>} : memref<16x1536xf32, #tpu.memory_space<vmem>>, vector<16xf32>,
        %parallel_loop3A_467 = arith.index_cast %parallel_loop3A_225 : i32 to index
        %parallel_loop3A_468 = tpu.vector_load %arg11[%parallel_loop3A_467] {strides = array<i32>} : memref<5120xf32, #tpu.memory_space<vmem>>, vector<16xf32>,
        %parallel_loop3A_469 = arith.index_cast %parallel_loop3A_160 : i32 to index
        %parallel_loop3A_470 = arith.constant 272 : index
        %parallel_loop3A_471 = tpu.vector_load %arg15[%parallel_loop3A_469, %parallel_loop3A_470] {strides = array<i32>} : memref<16x1536xf32, #tpu.memory_space<vmem>>, vector<16xf32>,
        tpu.vector_store %arg15[%parallel_loop3A_469, %parallel_loop3A_470], %parallel_loop3A_433 {strides = array<i32>} : memref<16x1536xf32, #tpu.memory_space<vmem>>, vector<16xf32>,
        %parallel_loop3A_472 = arith.index_cast %parallel_loop3A_227 : i32 to index
        %parallel_loop3A_473 = tpu.vector_load %arg11[%parallel_loop3A_472] {strides = array<i32>} : memref<5120xf32, #tpu.memory_space<vmem>>, vector<16xf32>,
        %parallel_loop3A_474 = arith.index_cast %parallel_loop3A_160 : i32 to index
        %parallel_loop3A_475 = arith.constant 288 : index
        %parallel_loop3A_476 = tpu.vector_load %arg15[%parallel_loop3A_474, %parallel_loop3A_475] {strides = array<i32>} : memref<16x1536xf32, #tpu.memory_space<vmem>>, vector<16xf32>,
        tpu.vector_store %arg15[%parallel_loop3A_474, %parallel_loop3A_475], %parallel_loop3A_438 {strides = array<i32>} : memref<16x1536xf32, #tpu.memory_space<vmem>>, vector<16xf32>,
        %parallel_loop3A_477 = arith.index_cast %parallel_loop3A_229 : i32 to index
        %parallel_loop3A_478 = tpu.vector_load %arg11[%parallel_loop3A_477] {strides = array<i32>} : memref<5120xf32, #tpu.memory_space<vmem>>, vector<16xf32>,
        %parallel_loop3A_479 = arith.index_cast %parallel_loop3A_160 : i32 to index
        %parallel_loop3A_480 = arith.constant 304 : index
        %parallel_loop3A_481 = tpu.vector_load %arg15[%parallel_loop3A_479, %parallel_loop3A_480] {strides = array<i32>} : memref<16x1536xf32, #tpu.memory_space<vmem>>, vector<16xf32>,
        tpu.vector_store %arg15[%parallel_loop3A_479, %parallel_loop3A_480], %parallel_loop3A_443 {strides = array<i32>} : memref<16x1536xf32, #tpu.memory_space<vmem>>, vector<16xf32>,
        %parallel_loop3A_482 = arith.index_cast %parallel_loop3A_231 : i32 to index
        %parallel_loop3A_483 = tpu.vector_load %arg11[%parallel_loop3A_482] {strides = array<i32>} : memref<5120xf32, #tpu.memory_space<vmem>>, vector<16xf32>,
        %parallel_loop3A_484 = arith.index_cast %parallel_loop3A_160 : i32 to index
        %parallel_loop3A_485 = arith.constant 320 : index
        %parallel_loop3A_486 = tpu.vector_load %arg15[%parallel_loop3A_484, %parallel_loop3A_485] {strides = array<i32>} : memref<16x1536xf32, #tpu.memory_space<vmem>>, vector<16xf32>,
        tpu.vector_store %arg15[%parallel_loop3A_484, %parallel_loop3A_485], %parallel_loop3A_448 {strides = array<i32>} : memref<16x1536xf32, #tpu.memory_space<vmem>>, vector<16xf32>,
        %parallel_loop3A_487 = arith.index_cast %parallel_loop3A_233 : i32 to index
        %parallel_loop3A_488 = tpu.vector_load %arg11[%parallel_loop3A_487] {strides = array<i32>} : memref<5120xf32, #tpu.memory_space<vmem>>, vector<16xf32>,
        %parallel_loop3A_489 = arith.index_cast %parallel_loop3A_160 : i32 to index
        %parallel_loop3A_490 = arith.constant 336 : index
        %parallel_loop3A_491 = tpu.vector_load %arg15[%parallel_loop3A_489, %parallel_loop3A_490] {strides = array<i32>} : memref<16x1536xf32, #tpu.memory_space<vmem>>, vector<16xf32>,
        tpu.vector_store %arg15[%parallel_loop3A_489, %parallel_loop3A_490], %parallel_loop3A_453 {strides = array<i32>} : memref<16x1536xf32, #tpu.memory_space<vmem>>, vector<16xf32>,
        %parallel_loop3A_492 = arith.index_cast %parallel_loop3A_235 : i32 to index
        %parallel_loop3A_493 = tpu.vector_load %arg11[%parallel_loop3A_492] {strides = array<i32>} : memref<5120xf32, #tpu.memory_space<vmem>>, vector<16xf32>,
        %parallel_loop3A_494 = arith.index_cast %parallel_loop3A_160 : i32 to index
        %parallel_loop3A_495 = arith.constant 352 : index
        %parallel_loop3A_496 = tpu.vector_load %arg15[%parallel_loop3A_494, %parallel_loop3A_495] {strides = array<i32>} : memref<16x1536xf32, #tpu.memory_space<vmem>>, vector<16xf32>,
        tpu.vector_store %arg15[%parallel_loop3A_494, %parallel_loop3A_495], %parallel_loop3A_458 {strides = array<i32>} : memref<16x1536xf32, #tpu.memory_space<vmem>>, vector<16xf32>,
        %parallel_loop3A_497 = arith.index_cast %parallel_loop3A_237 : i32 to index
        %parallel_loop3A_498 = tpu.vector_load %arg11[%parallel_loop3A_497] {strides = array<i32>} : memref<5120xf32, #tpu.memory_space<vmem>>, vector<16xf32>,
        %parallel_loop3A_499 = arith.index_cast %parallel_loop3A_160 : i32 to index
        %parallel_loop3A_500 = arith.constant 368 : index
        %parallel_loop3A_501 = tpu.vector_load %arg15[%parallel_loop3A_499, %parallel_loop3A_500] {strides = array<i32>} : memref<16x1536xf32, #tpu.memory_space<vmem>>, vector<16xf32>,
        tpu.vector_store %arg15[%parallel_loop3A_499, %parallel_loop3A_500], %parallel_loop3A_463 {strides = array<i32>} : memref<16x1536xf32, #tpu.memory_space<vmem>>, vector<16xf32>,
        %parallel_loop3A_502 = arith.index_cast %parallel_loop3A_239 : i32 to index
        %parallel_loop3A_503 = tpu.vector_load %arg11[%parallel_loop3A_502] {strides = array<i32>} : memref<5120xf32, #tpu.memory_space<vmem>>, vector<16xf32>,
        %parallel_loop3A_504 = arith.index_cast %parallel_loop3A_160 : i32 to index
        %parallel_loop3A_505 = arith.constant 384 : index
        %parallel_loop3A_506 = tpu.vector_load %arg15[%parallel_loop3A_504, %parallel_loop3A_505] {strides = array<i32>} : memref<16x1536xf32, #tpu.memory_space<vmem>>, vector<16xf32>,
        tpu.vector_store %arg15[%parallel_loop3A_504, %parallel_loop3A_505], %parallel_loop3A_468 {strides = array<i32>} : memref<16x1536xf32, #tpu.memory_space<vmem>>, vector<16xf32>,
        %parallel_loop3A_507 = arith.index_cast %parallel_loop3A_241 : i32 to index
        %parallel_loop3A_508 = tpu.vector_load %arg11[%parallel_loop3A_507] {strides = array<i32>} : memref<5120xf32, #tpu.memory_space<vmem>>, vector<16xf32>,
        %parallel_loop3A_509 = arith.index_cast %parallel_loop3A_160 : i32 to index
        %parallel_loop3A_510 = arith.constant 400 : index
        %parallel_loop3A_511 = tpu.vector_load %arg15[%parallel_loop3A_509, %parallel_loop3A_510] {strides = array<i32>} : memref<16x1536xf32, #tpu.memory_space<vmem>>, vector<16xf32>,
        tpu.vector_store %arg15[%parallel_loop3A_509, %parallel_loop3A_510], %parallel_loop3A_473 {strides = array<i32>} : memref<16x1536xf32, #tpu.memory_space<vmem>>, vector<16xf32>,
        %parallel_loop3A_512 = arith.index_cast %parallel_loop3A_243 : i32 to index
        %parallel_loop3A_513 = tpu.vector_load %arg11[%parallel_loop3A_512] {strides = array<i32>} : memref<5120xf32, #tpu.memory_space<vmem>>, vector<16xf32>,
        %parallel_loop3A_514 = arith.index_cast %parallel_loop3A_160 : i32 to index
        %parallel_loop3A_515 = arith.constant 416 : index
        %parallel_loop3A_516 = tpu.vector_load %arg15[%parallel_loop3A_514, %parallel_loop3A_515] {strides = array<i32>} : memref<16x1536xf32, #tpu.memory_space<vmem>>, vector<16xf32>,
        tpu.vector_store %arg15[%parallel_loop3A_514, %parallel_loop3A_515], %parallel_loop3A_478 {strides = array<i32>} : memref<16x1536xf32, #tpu.memory_space<vmem>>, vector<16xf32>,
        %parallel_loop3A_517 = arith.index_cast %parallel_loop3A_245 : i32 to index
        %parallel_loop3A_518 = tpu.vector_load %arg11[%parallel_loop3A_517] {strides = array<i32>} : memref<5120xf32, #tpu.memory_space<vmem>>, vector<16xf32>,
        %parallel_loop3A_519 = arith.index_cast %parallel_loop3A_160 : i32 to index
        %parallel_loop3A_520 = arith.constant 432 : index
        %parallel_loop3A_521 = tpu.vector_load %arg15[%parallel_loop3A_519, %parallel_loop3A_520] {strides = array<i32>} : memref<16x1536xf32, #tpu.memory_space<vmem>>, vector<16xf32>,
        tpu.vector_store %arg15[%parallel_loop3A_519, %parallel_loop3A_520], %parallel_loop3A_483 {strides = array<i32>} : memref<16x1536xf32, #tpu.memory_space<vmem>>, vector<16xf32>,
        %parallel_loop3A_522 = arith.index_cast %parallel_loop3A_247 : i32 to index
        %parallel_loop3A_523 = tpu.vector_load %arg11[%parallel_loop3A_522] {strides = array<i32>} : memref<5120xf32, #tpu.memory_space<vmem>>, vector<16xf32>,
        %parallel_loop3A_524 = arith.index_cast %parallel_loop3A_160 : i32 to index
        %parallel_loop3A_525 = arith.constant 448 : index
        %parallel_loop3A_526 = tpu.vector_load %arg15[%parallel_loop3A_524, %parallel_loop3A_525] {strides = array<i32>} : memref<16x1536xf32, #tpu.memory_space<vmem>>, vector<16xf32>,
        tpu.vector_store %arg15[%parallel_loop3A_524, %parallel_loop3A_525], %parallel_loop3A_488 {strides = array<i32>} : memref<16x1536xf32, #tpu.memory_space<vmem>>, vector<16xf32>,
        %parallel_loop3A_527 = arith.index_cast %parallel_loop3A_249 : i32 to index
        %parallel_loop3A_528 = tpu.vector_load %arg11[%parallel_loop3A_527] {strides = array<i32>} : memref<5120xf32, #tpu.memory_space<vmem>>, vector<16xf32>,
        %parallel_loop3A_529 = arith.index_cast %parallel_loop3A_160 : i32 to index
        %parallel_loop3A_530 = arith.constant 464 : index
        %parallel_loop3A_531 = tpu.vector_load %arg15[%parallel_loop3A_529, %parallel_loop3A_530] {strides = array<i32>} : memref<16x1536xf32, #tpu.memory_space<vmem>>, vector<16xf32>,
        tpu.vector_store %arg15[%parallel_loop3A_529, %parallel_loop3A_530], %parallel_loop3A_493 {strides = array<i32>} : memref<16x1536xf32, #tpu.memory_space<vmem>>, vector<16xf32>,
        %parallel_loop3A_532 = arith.index_cast %parallel_loop3A_251 : i32 to index
        %parallel_loop3A_533 = tpu.vector_load %arg11[%parallel_loop3A_532] {strides = array<i32>} : memref<5120xf32, #tpu.memory_space<vmem>>, vector<16xf32>,
        %parallel_loop3A_534 = arith.index_cast %parallel_loop3A_160 : i32 to index
        %parallel_loop3A_535 = arith.constant 480 : index
        %parallel_loop3A_536 = tpu.vector_load %arg15[%parallel_loop3A_534, %parallel_loop3A_535] {strides = array<i32>} : memref<16x1536xf32, #tpu.memory_space<vmem>>, vector<16xf32>,
        tpu.vector_store %arg15[%parallel_loop3A_534, %parallel_loop3A_535], %parallel_loop3A_498 {strides = array<i32>} : memref<16x1536xf32, #tpu.memory_space<vmem>>, vector<16xf32>,
        %parallel_loop3A_537 = arith.index_cast %parallel_loop3A_253 : i32 to index
        %parallel_loop3A_538 = tpu.vector_load %arg11[%parallel_loop3A_537] {strides = array<i32>} : memref<5120xf32, #tpu.memory_space<vmem>>, vector<16xf32>,
        %parallel_loop3A_539 = arith.index_cast %parallel_loop3A_160 : i32 to index
        %parallel_loop3A_540 = arith.constant 496 : index
        %parallel_loop3A_541 = tpu.vector_load %arg15[%parallel_loop3A_539, %parallel_loop3A_540] {strides = array<i32>} : memref<16x1536xf32, #tpu.memory_space<vmem>>, vector<16xf32>,
        tpu.vector_store %arg15[%parallel_loop3A_539, %parallel_loop3A_540], %parallel_loop3A_503 {strides = array<i32>} : memref<16x1536xf32, #tpu.memory_space<vmem>>, vector<16xf32>,
        %parallel_loop3A_542 = arith.index_cast %parallel_loop3A_255 : i32 to index
        %parallel_loop3A_543 = tpu.vector_load %arg11[%parallel_loop3A_542] {strides = array<i32>} : memref<5120xf32, #tpu.memory_space<vmem>>, vector<16xf32>,
        %parallel_loop3A_544 = arith.index_cast %parallel_loop3A_160 : i32 to index
        %parallel_loop3A_545 = arith.constant 512 : index
        %parallel_loop3A_546 = tpu.vector_load %arg15[%parallel_loop3A_544, %parallel_loop3A_545] {strides = array<i32>} : memref<16x1536xf32, #tpu.memory_space<vmem>>, vector<16xf32>,
        tpu.vector_store %arg15[%parallel_loop3A_544, %parallel_loop3A_545], %parallel_loop3A_508 {strides = array<i32>} : memref<16x1536xf32, #tpu.memory_space<vmem>>, vector<16xf32>,
        %parallel_loop3A_547 = arith.index_cast %parallel_loop3A_257 : i32 to index
        %parallel_loop3A_548 = tpu.vector_load %arg11[%parallel_loop3A_547] {strides = array<i32>} : memref<5120xf32, #tpu.memory_space<vmem>>, vector<16xf32>,
        %parallel_loop3A_549 = arith.index_cast %parallel_loop3A_160 : i32 to index
        %parallel_loop3A_550 = arith.constant 528 : index
        %parallel_loop3A_551 = tpu.vector_load %arg15[%parallel_loop3A_549, %parallel_loop3A_550] {strides = array<i32>} : memref<16x1536xf32, #tpu.memory_space<vmem>>, vector<16xf32>,
        tpu.vector_store %arg15[%parallel_loop3A_549, %parallel_loop3A_550], %parallel_loop3A_513 {strides = array<i32>} : memref<16x1536xf32, #tpu.memory_space<vmem>>, vector<16xf32>,
        %parallel_loop3A_552 = arith.index_cast %parallel_loop3A_259 : i32 to index
        %parallel_loop3A_553 = tpu.vector_load %arg11[%parallel_loop3A_552] {strides = array<i32>} : memref<5120xf32, #tpu.memory_space<vmem>>, vector<16xf32>,
        %parallel_loop3A_554 = arith.index_cast %parallel_loop3A_160 : i32 to index
        %parallel_loop3A_555 = arith.constant 544 : index
        %parallel_loop3A_556 = tpu.vector_load %arg15[%parallel_loop3A_554, %parallel_loop3A_555] {strides = array<i32>} : memref<16x1536xf32, #tpu.memory_space<vmem>>, vector<16xf32>,
        tpu.vector_store %arg15[%parallel_loop3A_554, %parallel_loop3A_555], %parallel_loop3A_518 {strides = array<i32>} : memref<16x1536xf32, #tpu.memory_space<vmem>>, vector<16xf32>,
        %parallel_loop3A_557 = arith.index_cast %parallel_loop3A_261 : i32 to index
        %parallel_loop3A_558 = tpu.vector_load %arg11[%parallel_loop3A_557] {strides = array<i32>} : memref<5120xf32, #tpu.memory_space<vmem>>, vector<16xf32>,
        %parallel_loop3A_559 = arith.index_cast %parallel_loop3A_160 : i32 to index
        %parallel_loop3A_560 = arith.constant 560 : index
        %parallel_loop3A_561 = tpu.vector_load %arg15[%parallel_loop3A_559, %parallel_loop3A_560] {strides = array<i32>} : memref<16x1536xf32, #tpu.memory_space<vmem>>, vector<16xf32>,
        tpu.vector_store %arg15[%parallel_loop3A_559, %parallel_loop3A_560], %parallel_loop3A_523 {strides = array<i32>} : memref<16x1536xf32, #tpu.memory_space<vmem>>, vector<16xf32>,
        %parallel_loop3A_562 = arith.index_cast %parallel_loop3A_263 : i32 to index
        %parallel_loop3A_563 = tpu.vector_load %arg11[%parallel_loop3A_562] {strides = array<i32>} : memref<5120xf32, #tpu.memory_space<vmem>>, vector<16xf32>,
        %parallel_loop3A_564 = arith.index_cast %parallel_loop3A_160 : i32 to index
        %parallel_loop3A_565 = arith.constant 576 : index
        %parallel_loop3A_566 = tpu.vector_load %arg15[%parallel_loop3A_564, %parallel_loop3A_565] {strides = array<i32>} : memref<16x1536xf32, #tpu.memory_space<vmem>>, vector<16xf32>,
        tpu.vector_store %arg15[%parallel_loop3A_564, %parallel_loop3A_565], %parallel_loop3A_528 {strides = array<i32>} : memref<16x1536xf32, #tpu.memory_space<vmem>>, vector<16xf32>,
        %parallel_loop3A_567 = arith.index_cast %parallel_loop3A_265 : i32 to index
        %parallel_loop3A_568 = tpu.vector_load %arg11[%parallel_loop3A_567] {strides = array<i32>} : memref<5120xf32, #tpu.memory_space<vmem>>, vector<16xf32>,
        %parallel_loop3A_569 = arith.index_cast %parallel_loop3A_160 : i32 to index
        %parallel_loop3A_570 = arith.constant 592 : index
        %parallel_loop3A_571 = tpu.vector_load %arg15[%parallel_loop3A_569, %parallel_loop3A_570] {strides = array<i32>} : memref<16x1536xf32, #tpu.memory_space<vmem>>, vector<16xf32>,
        tpu.vector_store %arg15[%parallel_loop3A_569, %parallel_loop3A_570], %parallel_loop3A_533 {strides = array<i32>} : memref<16x1536xf32, #tpu.memory_space<vmem>>, vector<16xf32>,
        %parallel_loop3A_572 = arith.index_cast %parallel_loop3A_267 : i32 to index
        %parallel_loop3A_573 = tpu.vector_load %arg11[%parallel_loop3A_572] {strides = array<i32>} : memref<5120xf32, #tpu.memory_space<vmem>>, vector<16xf32>,
        %parallel_loop3A_574 = arith.index_cast %parallel_loop3A_160 : i32 to index
        %parallel_loop3A_575 = arith.constant 608 : index
        %parallel_loop3A_576 = tpu.vector_load %arg15[%parallel_loop3A_574, %parallel_loop3A_575] {strides = array<i32>} : memref<16x1536xf32, #tpu.memory_space<vmem>>, vector<16xf32>,
        tpu.vector_store %arg15[%parallel_loop3A_574, %parallel_loop3A_575], %parallel_loop3A_538 {strides = array<i32>} : memref<16x1536xf32, #tpu.memory_space<vmem>>, vector<16xf32>,
        %parallel_loop3A_577 = arith.index_cast %parallel_loop3A_269 : i32 to index
        %parallel_loop3A_578 = tpu.vector_load %arg11[%parallel_loop3A_577] {strides = array<i32>} : memref<5120xf32, #tpu.memory_space<vmem>>, vector<16xf32>,
        %parallel_loop3A_579 = arith.index_cast %parallel_loop3A_160 : i32 to index
        %parallel_loop3A_580 = arith.constant 624 : index
        %parallel_loop3A_581 = tpu.vector_load %arg15[%parallel_loop3A_579, %parallel_loop3A_580] {strides = array<i32>} : memref<16x1536xf32, #tpu.memory_space<vmem>>, vector<16xf32>,
        tpu.vector_store %arg15[%parallel_loop3A_579, %parallel_loop3A_580], %parallel_loop3A_543 {strides = array<i32>} : memref<16x1536xf32, #tpu.memory_space<vmem>>, vector<16xf32>,
        %parallel_loop3A_582 = arith.index_cast %parallel_loop3A_271 : i32 to index
        %parallel_loop3A_583 = tpu.vector_load %arg11[%parallel_loop3A_582] {strides = array<i32>} : memref<5120xf32, #tpu.memory_space<vmem>>, vector<16xf32>,
        %parallel_loop3A_584 = arith.index_cast %parallel_loop3A_160 : i32 to index
        %parallel_loop3A_585 = arith.constant 640 : index
        %parallel_loop3A_586 = tpu.vector_load %arg15[%parallel_loop3A_584, %parallel_loop3A_585] {strides = array<i32>} : memref<16x1536xf32, #tpu.memory_space<vmem>>, vector<16xf32>,
        tpu.vector_store %arg15[%parallel_loop3A_584, %parallel_loop3A_585], %parallel_loop3A_548 {strides = array<i32>} : memref<16x1536xf32, #tpu.memory_space<vmem>>, vector<16xf32>,
        %parallel_loop3A_587 = arith.index_cast %parallel_loop3A_273 : i32 to index
        %parallel_loop3A_588 = tpu.vector_load %arg11[%parallel_loop3A_587] {strides = array<i32>} : memref<5120xf32, #tpu.memory_space<vmem>>, vector<16xf32>,
        %parallel_loop3A_589 = arith.index_cast %parallel_loop3A_160 : i32 to index
        %parallel_loop3A_590 = arith.constant 656 : index
        %parallel_loop3A_591 = tpu.vector_load %arg15[%parallel_loop3A_589, %parallel_loop3A_590] {strides = array<i32>} : memref<16x1536xf32, #tpu.memory_space<vmem>>, vector<16xf32>,
        tpu.vector_store %arg15[%parallel_loop3A_589, %parallel_loop3A_590], %parallel_loop3A_553 {strides = array<i32>} : memref<16x1536xf32, #tpu.memory_space<vmem>>, vector<16xf32>,
        %parallel_loop3A_592 = arith.index_cast %parallel_loop3A_275 : i32 to index
        %parallel_loop3A_593 = tpu.vector_load %arg11[%parallel_loop3A_592] {strides = array<i32>} : memref<5120xf32, #tpu.memory_space<vmem>>, vector<16xf32>,
        %parallel_loop3A_594 = arith.index_cast %parallel_loop3A_160 : i32 to index
        %parallel_loop3A_595 = arith.constant 672 : index
        %parallel_loop3A_596 = tpu.vector_load %arg15[%parallel_loop3A_594, %parallel_loop3A_595] {strides = array<i32>} : memref<16x1536xf32, #tpu.memory_space<vmem>>, vector<16xf32>,
        tpu.vector_store %arg15[%parallel_loop3A_594, %parallel_loop3A_595], %parallel_loop3A_558 {strides = array<i32>} : memref<16x1536xf32, #tpu.memory_space<vmem>>, vector<16xf32>,
        %parallel_loop3A_597 = arith.index_cast %parallel_loop3A_277 : i32 to index
        %parallel_loop3A_598 = tpu.vector_load %arg11[%parallel_loop3A_597] {strides = array<i32>} : memref<5120xf32, #tpu.memory_space<vmem>>, vector<16xf32>,
        %parallel_loop3A_599 = arith.index_cast %parallel_loop3A_160 : i32 to index
        %parallel_loop3A_600 = arith.constant 688 : index
        %parallel_loop3A_601 = tpu.vector_load %arg15[%parallel_loop3A_599, %parallel_loop3A_600] {strides = array<i32>} : memref<16x1536xf32, #tpu.memory_space<vmem>>, vector<16xf32>,
        tpu.vector_store %arg15[%parallel_loop3A_599, %parallel_loop3A_600], %parallel_loop3A_563 {strides = array<i32>} : memref<16x1536xf32, #tpu.memory_space<vmem>>, vector<16xf32>,
        %parallel_loop3A_602 = arith.index_cast %parallel_loop3A_279 : i32 to index
        %parallel_loop3A_603 = tpu.vector_load %arg11[%parallel_loop3A_602] {strides = array<i32>} : memref<5120xf32, #tpu.memory_space<vmem>>, vector<16xf32>,
        %parallel_loop3A_604 = arith.index_cast %parallel_loop3A_160 : i32 to index
        %parallel_loop3A_605 = arith.constant 704 : index
        %parallel_loop3A_606 = tpu.vector_load %arg15[%parallel_loop3A_604, %parallel_loop3A_605] {strides = array<i32>} : memref<16x1536xf32, #tpu.memory_space<vmem>>, vector<16xf32>,
        tpu.vector_store %arg15[%parallel_loop3A_604, %parallel_loop3A_605], %parallel_loop3A_568 {strides = array<i32>} : memref<16x1536xf32, #tpu.memory_space<vmem>>, vector<16xf32>,
        %parallel_loop3A_607 = arith.index_cast %parallel_loop3A_281 : i32 to index
        %parallel_loop3A_608 = tpu.vector_load %arg11[%parallel_loop3A_607] {strides = array<i32>} : memref<5120xf32, #tpu.memory_space<vmem>>, vector<16xf32>,
        %parallel_loop3A_609 = arith.index_cast %parallel_loop3A_160 : i32 to index
        %parallel_loop3A_610 = arith.constant 720 : index
        %parallel_loop3A_611 = tpu.vector_load %arg15[%parallel_loop3A_609, %parallel_loop3A_610] {strides = array<i32>} : memref<16x1536xf32, #tpu.memory_space<vmem>>, vector<16xf32>,
        tpu.vector_store %arg15[%parallel_loop3A_609, %parallel_loop3A_610], %parallel_loop3A_573 {strides = array<i32>} : memref<16x1536xf32, #tpu.memory_space<vmem>>, vector<16xf32>,
        %parallel_loop3A_612 = arith.index_cast %parallel_loop3A_283 : i32 to index
        %parallel_loop3A_613 = tpu.vector_load %arg11[%parallel_loop3A_612] {strides = array<i32>} : memref<5120xf32, #tpu.memory_space<vmem>>, vector<16xf32>,
        %parallel_loop3A_614 = arith.index_cast %parallel_loop3A_160 : i32 to index
        %parallel_loop3A_615 = arith.constant 736 : index
        %parallel_loop3A_616 = tpu.vector_load %arg15[%parallel_loop3A_614, %parallel_loop3A_615] {strides = array<i32>} : memref<16x1536xf32, #tpu.memory_space<vmem>>, vector<16xf32>,
        tpu.vector_store %arg15[%parallel_loop3A_614, %parallel_loop3A_615], %parallel_loop3A_578 {strides = array<i32>} : memref<16x1536xf32, #tpu.memory_space<vmem>>, vector<16xf32>,
        %parallel_loop3A_617 = arith.index_cast %parallel_loop3A_285 : i32 to index
        %parallel_loop3A_618 = tpu.vector_load %arg11[%parallel_loop3A_617] {strides = array<i32>} : memref<5120xf32, #tpu.memory_space<vmem>>, vector<16xf32>,
        %parallel_loop3A_619 = arith.index_cast %parallel_loop3A_160 : i32 to index
        %parallel_loop3A_620 = arith.constant 752 : index
        %parallel_loop3A_621 = tpu.vector_load %arg15[%parallel_loop3A_619, %parallel_loop3A_620] {strides = array<i32>} : memref<16x1536xf32, #tpu.memory_space<vmem>>, vector<16xf32>,
        tpu.vector_store %arg15[%parallel_loop3A_619, %parallel_loop3A_620], %parallel_loop3A_583 {strides = array<i32>} : memref<16x1536xf32, #tpu.memory_space<vmem>>, vector<16xf32>,
        %parallel_loop3A_622 = arith.index_cast %parallel_loop3A_287 : i32 to index
        %parallel_loop3A_623 = tpu.vector_load %arg11[%parallel_loop3A_622] {strides = array<i32>} : memref<5120xf32, #tpu.memory_space<vmem>>, vector<16xf32>,
        %parallel_loop3A_624 = arith.index_cast %parallel_loop3A_160 : i32 to index
        %parallel_loop3A_625 = arith.constant 768 : index
        %parallel_loop3A_626 = tpu.vector_load %arg15[%parallel_loop3A_624, %parallel_loop3A_625] {strides = array<i32>} : memref<16x1536xf32, #tpu.memory_space<vmem>>, vector<16xf32>,
        tpu.vector_store %arg15[%parallel_loop3A_624, %parallel_loop3A_625], %parallel_loop3A_588 {strides = array<i32>} : memref<16x1536xf32, #tpu.memory_space<vmem>>, vector<16xf32>,
        %parallel_loop3A_627 = arith.index_cast %parallel_loop3A_289 : i32 to index
        %parallel_loop3A_628 = tpu.vector_load %arg11[%parallel_loop3A_627] {strides = array<i32>} : memref<5120xf32, #tpu.memory_space<vmem>>, vector<16xf32>,
        %parallel_loop3A_629 = arith.index_cast %parallel_loop3A_160 : i32 to index
        %parallel_loop3A_630 = arith.constant 784 : index
        %parallel_loop3A_631 = tpu.vector_load %arg15[%parallel_loop3A_629, %parallel_loop3A_630] {strides = array<i32>} : memref<16x1536xf32, #tpu.memory_space<vmem>>, vector<16xf32>,
        tpu.vector_store %arg15[%parallel_loop3A_629, %parallel_loop3A_630], %parallel_loop3A_593 {strides = array<i32>} : memref<16x1536xf32, #tpu.memory_space<vmem>>, vector<16xf32>,
        %parallel_loop3A_632 = arith.index_cast %parallel_loop3A_291 : i32 to index
        %parallel_loop3A_633 = tpu.vector_load %arg11[%parallel_loop3A_632] {strides = array<i32>} : memref<5120xf32, #tpu.memory_space<vmem>>, vector<16xf32>,
        %parallel_loop3A_634 = arith.index_cast %parallel_loop3A_160 : i32 to index
        %parallel_loop3A_635 = arith.constant 800 : index
        %parallel_loop3A_636 = tpu.vector_load %arg15[%parallel_loop3A_634, %parallel_loop3A_635] {strides = array<i32>} : memref<16x1536xf32, #tpu.memory_space<vmem>>, vector<16xf32>,
        tpu.vector_store %arg15[%parallel_loop3A_634, %parallel_loop3A_635], %parallel_loop3A_598 {strides = array<i32>} : memref<16x1536xf32, #tpu.memory_space<vmem>>, vector<16xf32>,
        %parallel_loop3A_637 = arith.index_cast %parallel_loop3A_293 : i32 to index
        %parallel_loop3A_638 = tpu.vector_load %arg11[%parallel_loop3A_637] {strides = array<i32>} : memref<5120xf32, #tpu.memory_space<vmem>>, vector<16xf32>,
        %parallel_loop3A_639 = arith.index_cast %parallel_loop3A_160 : i32 to index
        %parallel_loop3A_640 = arith.constant 816 : index
        %parallel_loop3A_641 = tpu.vector_load %arg15[%parallel_loop3A_639, %parallel_loop3A_640] {strides = array<i32>} : memref<16x1536xf32, #tpu.memory_space<vmem>>, vector<16xf32>,
        tpu.vector_store %arg15[%parallel_loop3A_639, %parallel_loop3A_640], %parallel_loop3A_603 {strides = array<i32>} : memref<16x1536xf32, #tpu.memory_space<vmem>>, vector<16xf32>,
        %parallel_loop3A_642 = arith.index_cast %parallel_loop3A_295 : i32 to index
        %parallel_loop3A_643 = tpu.vector_load %arg11[%parallel_loop3A_642] {strides = array<i32>} : memref<5120xf32, #tpu.memory_space<vmem>>, vector<16xf32>,
        %parallel_loop3A_644 = arith.index_cast %parallel_loop3A_160 : i32 to index
        %parallel_loop3A_645 = arith.constant 832 : index
        %parallel_loop3A_646 = tpu.vector_load %arg15[%parallel_loop3A_644, %parallel_loop3A_645] {strides = array<i32>} : memref<16x1536xf32, #tpu.memory_space<vmem>>, vector<16xf32>,
        tpu.vector_store %arg15[%parallel_loop3A_644, %parallel_loop3A_645], %parallel_loop3A_608 {strides = array<i32>} : memref<16x1536xf32, #tpu.memory_space<vmem>>, vector<16xf32>,
        %parallel_loop3A_647 = arith.index_cast %parallel_loop3A_297 : i32 to index
        %parallel_loop3A_648 = tpu.vector_load %arg11[%parallel_loop3A_647] {strides = array<i32>} : memref<5120xf32, #tpu.memory_space<vmem>>, vector<16xf32>,
        %parallel_loop3A_649 = arith.index_cast %parallel_loop3A_160 : i32 to index
        %parallel_loop3A_650 = arith.constant 848 : index
        %parallel_loop3A_651 = tpu.vector_load %arg15[%parallel_loop3A_649, %parallel_loop3A_650] {strides = array<i32>} : memref<16x1536xf32, #tpu.memory_space<vmem>>, vector<16xf32>,
        tpu.vector_store %arg15[%parallel_loop3A_649, %parallel_loop3A_650], %parallel_loop3A_613 {strides = array<i32>} : memref<16x1536xf32, #tpu.memory_space<vmem>>, vector<16xf32>,
        %parallel_loop3A_652 = arith.index_cast %parallel_loop3A_299 : i32 to index
        %parallel_loop3A_653 = tpu.vector_load %arg11[%parallel_loop3A_652] {strides = array<i32>} : memref<5120xf32, #tpu.memory_space<vmem>>, vector<16xf32>,
        %parallel_loop3A_654 = arith.index_cast %parallel_loop3A_160 : i32 to index
        %parallel_loop3A_655 = arith.constant 864 : index
        %parallel_loop3A_656 = tpu.vector_load %arg15[%parallel_loop3A_654, %parallel_loop3A_655] {strides = array<i32>} : memref<16x1536xf32, #tpu.memory_space<vmem>>, vector<16xf32>,
        tpu.vector_store %arg15[%parallel_loop3A_654, %parallel_loop3A_655], %parallel_loop3A_618 {strides = array<i32>} : memref<16x1536xf32, #tpu.memory_space<vmem>>, vector<16xf32>,
        %parallel_loop3A_657 = arith.index_cast %parallel_loop3A_301 : i32 to index
        %parallel_loop3A_658 = tpu.vector_load %arg11[%parallel_loop3A_657] {strides = array<i32>} : memref<5120xf32, #tpu.memory_space<vmem>>, vector<16xf32>,
        %parallel_loop3A_659 = arith.index_cast %parallel_loop3A_160 : i32 to index
        %parallel_loop3A_660 = arith.constant 880 : index
        %parallel_loop3A_661 = tpu.vector_load %arg15[%parallel_loop3A_659, %parallel_loop3A_660] {strides = array<i32>} : memref<16x1536xf32, #tpu.memory_space<vmem>>, vector<16xf32>,
        tpu.vector_store %arg15[%parallel_loop3A_659, %parallel_loop3A_660], %parallel_loop3A_623 {strides = array<i32>} : memref<16x1536xf32, #tpu.memory_space<vmem>>, vector<16xf32>,
        %parallel_loop3A_662 = arith.index_cast %parallel_loop3A_303 : i32 to index
        %parallel_loop3A_663 = tpu.vector_load %arg11[%parallel_loop3A_662] {strides = array<i32>} : memref<5120xf32, #tpu.memory_space<vmem>>, vector<16xf32>,
        %parallel_loop3A_664 = arith.index_cast %parallel_loop3A_160 : i32 to index
        %parallel_loop3A_665 = arith.constant 896 : index
        %parallel_loop3A_666 = tpu.vector_load %arg15[%parallel_loop3A_664, %parallel_loop3A_665] {strides = array<i32>} : memref<16x1536xf32, #tpu.memory_space<vmem>>, vector<16xf32>,
        tpu.vector_store %arg15[%parallel_loop3A_664, %parallel_loop3A_665], %parallel_loop3A_628 {strides = array<i32>} : memref<16x1536xf32, #tpu.memory_space<vmem>>, vector<16xf32>,
        %parallel_loop3A_667 = arith.index_cast %parallel_loop3A_305 : i32 to index
        %parallel_loop3A_668 = tpu.vector_load %arg12[%parallel_loop3A_667] {strides = array<i32>} : memref<12800xf32, #tpu.memory_space<vmem>>, vector<16xf32>,
        %parallel_loop3A_669 = arith.index_cast %parallel_loop3A_160 : i32 to index
        %parallel_loop3A_670 = arith.constant 912 : index
        %parallel_loop3A_671 = tpu.vector_load %arg15[%parallel_loop3A_669, %parallel_loop3A_670] {strides = array<i32>} : memref<16x1536xf32, #tpu.memory_space<vmem>>, vector<16xf32>,
        tpu.vector_store %arg15[%parallel_loop3A_669, %parallel_loop3A_670], %parallel_loop3A_633 {strides = array<i32>} : memref<16x1536xf32, #tpu.memory_space<vmem>>, vector<16xf32>,
        %parallel_loop3A_672 = arith.index_cast %parallel_loop3A_307 : i32 to index
        %parallel_loop3A_673 = tpu.vector_load %arg12[%parallel_loop3A_672] {strides = array<i32>} : memref<12800xf32, #tpu.memory_space<vmem>>, vector<16xf32>,
        %parallel_loop3A_674 = arith.index_cast %parallel_loop3A_160 : i32 to index
        %parallel_loop3A_675 = arith.constant 928 : index
        %parallel_loop3A_676 = tpu.vector_load %arg15[%parallel_loop3A_674, %parallel_loop3A_675] {strides = array<i32>} : memref<16x1536xf32, #tpu.memory_space<vmem>>, vector<16xf32>,
        tpu.vector_store %arg15[%parallel_loop3A_674, %parallel_loop3A_675], %parallel_loop3A_638 {strides = array<i32>} : memref<16x1536xf32, #tpu.memory_space<vmem>>, vector<16xf32>,
        %parallel_loop3A_677 = arith.index_cast %parallel_loop3A_309 : i32 to index
        %parallel_loop3A_678 = tpu.vector_load %arg12[%parallel_loop3A_677] {strides = array<i32>} : memref<12800xf32, #tpu.memory_space<vmem>>, vector<16xf32>,
        %parallel_loop3A_679 = arith.index_cast %parallel_loop3A_160 : i32 to index
        %parallel_loop3A_680 = arith.constant 944 : index
        %parallel_loop3A_681 = tpu.vector_load %arg15[%parallel_loop3A_679, %parallel_loop3A_680] {strides = array<i32>} : memref<16x1536xf32, #tpu.memory_space<vmem>>, vector<16xf32>,
        tpu.vector_store %arg15[%parallel_loop3A_679, %parallel_loop3A_680], %parallel_loop3A_643 {strides = array<i32>} : memref<16x1536xf32, #tpu.memory_space<vmem>>, vector<16xf32>,
        %parallel_loop3A_682 = arith.index_cast %parallel_loop3A_311 : i32 to index
        %parallel_loop3A_683 = tpu.vector_load %arg12[%parallel_loop3A_682] {strides = array<i32>} : memref<12800xf32, #tpu.memory_space<vmem>>, vector<16xf32>,
        %parallel_loop3A_684 = arith.index_cast %parallel_loop3A_160 : i32 to index
        %parallel_loop3A_685 = arith.constant 960 : index
        %parallel_loop3A_686 = tpu.vector_load %arg15[%parallel_loop3A_684, %parallel_loop3A_685] {strides = array<i32>} : memref<16x1536xf32, #tpu.memory_space<vmem>>, vector<16xf32>,
        tpu.vector_store %arg15[%parallel_loop3A_684, %parallel_loop3A_685], %parallel_loop3A_648 {strides = array<i32>} : memref<16x1536xf32, #tpu.memory_space<vmem>>, vector<16xf32>,
        %parallel_loop3A_687 = arith.index_cast %parallel_loop3A_313 : i32 to index
        %parallel_loop3A_688 = tpu.vector_load %arg12[%parallel_loop3A_687] {strides = array<i32>} : memref<12800xf32, #tpu.memory_space<vmem>>, vector<16xf32>,
        %parallel_loop3A_689 = arith.index_cast %parallel_loop3A_160 : i32 to index
        %parallel_loop3A_690 = arith.constant 976 : index
        %parallel_loop3A_691 = tpu.vector_load %arg15[%parallel_loop3A_689, %parallel_loop3A_690] {strides = array<i32>} : memref<16x1536xf32, #tpu.memory_space<vmem>>, vector<16xf32>,
        tpu.vector_store %arg15[%parallel_loop3A_689, %parallel_loop3A_690], %parallel_loop3A_653 {strides = array<i32>} : memref<16x1536xf32, #tpu.memory_space<vmem>>, vector<16xf32>,
        %parallel_loop3A_692 = arith.index_cast %parallel_loop3A_315 : i32 to index
        %parallel_loop3A_693 = tpu.vector_load %arg12[%parallel_loop3A_692] {strides = array<i32>} : memref<12800xf32, #tpu.memory_space<vmem>>, vector<16xf32>,
        %parallel_loop3A_694 = arith.index_cast %parallel_loop3A_160 : i32 to index
        %parallel_loop3A_695 = arith.constant 992 : index
        %parallel_loop3A_696 = tpu.vector_load %arg15[%parallel_loop3A_694, %parallel_loop3A_695] {strides = array<i32>} : memref<16x1536xf32, #tpu.memory_space<vmem>>, vector<16xf32>,
        tpu.vector_store %arg15[%parallel_loop3A_694, %parallel_loop3A_695], %parallel_loop3A_658 {strides = array<i32>} : memref<16x1536xf32, #tpu.memory_space<vmem>>, vector<16xf32>,
        %parallel_loop3A_697 = arith.index_cast %parallel_loop3A_317 : i32 to index
        %parallel_loop3A_698 = tpu.vector_load %arg12[%parallel_loop3A_697] {strides = array<i32>} : memref<12800xf32, #tpu.memory_space<vmem>>, vector<16xf32>,
        %parallel_loop3A_699 = arith.index_cast %parallel_loop3A_160 : i32 to index
        %parallel_loop3A_700 = arith.constant 1008 : index
        %parallel_loop3A_701 = tpu.vector_load %arg15[%parallel_loop3A_699, %parallel_loop3A_700] {strides = array<i32>} : memref<16x1536xf32, #tpu.memory_space<vmem>>, vector<16xf32>,
        tpu.vector_store %arg15[%parallel_loop3A_699, %parallel_loop3A_700], %parallel_loop3A_663 {strides = array<i32>} : memref<16x1536xf32, #tpu.memory_space<vmem>>, vector<16xf32>,
        %parallel_loop3A_702 = arith.index_cast %parallel_loop3A_319 : i32 to index
        %parallel_loop3A_703 = tpu.vector_load %arg12[%parallel_loop3A_702] {strides = array<i32>} : memref<12800xf32, #tpu.memory_space<vmem>>, vector<16xf32>,
        %parallel_loop3A_704 = arith.index_cast %parallel_loop3A_160 : i32 to index
        %parallel_loop3A_705 = arith.constant 1024 : index
        %parallel_loop3A_706 = tpu.vector_load %arg15[%parallel_loop3A_704, %parallel_loop3A_705] {strides = array<i32>} : memref<16x1536xf32, #tpu.memory_space<vmem>>, vector<16xf32>,
        tpu.vector_store %arg15[%parallel_loop3A_704, %parallel_loop3A_705], %parallel_loop3A_668 {strides = array<i32>} : memref<16x1536xf32, #tpu.memory_space<vmem>>, vector<16xf32>,
        %parallel_loop3A_707 = arith.index_cast %parallel_loop3A_321 : i32 to index
        %parallel_loop3A_708 = tpu.vector_load %arg12[%parallel_loop3A_707] {strides = array<i32>} : memref<12800xf32, #tpu.memory_space<vmem>>, vector<16xf32>,
        %parallel_loop3A_709 = arith.index_cast %parallel_loop3A_160 : i32 to index
        %parallel_loop3A_710 = arith.constant 1040 : index
        %parallel_loop3A_711 = tpu.vector_load %arg15[%parallel_loop3A_709, %parallel_loop3A_710] {strides = array<i32>} : memref<16x1536xf32, #tpu.memory_space<vmem>>, vector<16xf32>,
        tpu.vector_store %arg15[%parallel_loop3A_709, %parallel_loop3A_710], %parallel_loop3A_673 {strides = array<i32>} : memref<16x1536xf32, #tpu.memory_space<vmem>>, vector<16xf32>,
        %parallel_loop3A_712 = arith.index_cast %parallel_loop3A_323 : i32 to index
        %parallel_loop3A_713 = tpu.vector_load %arg12[%parallel_loop3A_712] {strides = array<i32>} : memref<12800xf32, #tpu.memory_space<vmem>>, vector<16xf32>,
        %parallel_loop3A_714 = arith.index_cast %parallel_loop3A_160 : i32 to index
        %parallel_loop3A_715 = arith.constant 1056 : index
        %parallel_loop3A_716 = tpu.vector_load %arg15[%parallel_loop3A_714, %parallel_loop3A_715] {strides = array<i32>} : memref<16x1536xf32, #tpu.memory_space<vmem>>, vector<16xf32>,
        tpu.vector_store %arg15[%parallel_loop3A_714, %parallel_loop3A_715], %parallel_loop3A_678 {strides = array<i32>} : memref<16x1536xf32, #tpu.memory_space<vmem>>, vector<16xf32>,
        %parallel_loop3A_717 = arith.index_cast %parallel_loop3A_325 : i32 to index
        %parallel_loop3A_718 = tpu.vector_load %arg12[%parallel_loop3A_717] {strides = array<i32>} : memref<12800xf32, #tpu.memory_space<vmem>>, vector<16xf32>,
        %parallel_loop3A_719 = arith.index_cast %parallel_loop3A_160 : i32 to index
        %parallel_loop3A_720 = arith.constant 1072 : index
        %parallel_loop3A_721 = tpu.vector_load %arg15[%parallel_loop3A_719, %parallel_loop3A_720] {strides = array<i32>} : memref<16x1536xf32, #tpu.memory_space<vmem>>, vector<16xf32>,
        tpu.vector_store %arg15[%parallel_loop3A_719, %parallel_loop3A_720], %parallel_loop3A_683 {strides = array<i32>} : memref<16x1536xf32, #tpu.memory_space<vmem>>, vector<16xf32>,
        %parallel_loop3A_722 = arith.index_cast %parallel_loop3A_327 : i32 to index
        %parallel_loop3A_723 = tpu.vector_load %arg12[%parallel_loop3A_722] {strides = array<i32>} : memref<12800xf32, #tpu.memory_space<vmem>>, vector<16xf32>,
        %parallel_loop3A_724 = arith.index_cast %parallel_loop3A_160 : i32 to index
        %parallel_loop3A_725 = arith.constant 1088 : index
        %parallel_loop3A_726 = tpu.vector_load %arg15[%parallel_loop3A_724, %parallel_loop3A_725] {strides = array<i32>} : memref<16x1536xf32, #tpu.memory_space<vmem>>, vector<16xf32>,
        tpu.vector_store %arg15[%parallel_loop3A_724, %parallel_loop3A_725], %parallel_loop3A_688 {strides = array<i32>} : memref<16x1536xf32, #tpu.memory_space<vmem>>, vector<16xf32>,
        %parallel_loop3A_727 = arith.index_cast %parallel_loop3A_329 : i32 to index
        %parallel_loop3A_728 = tpu.vector_load %arg12[%parallel_loop3A_727] {strides = array<i32>} : memref<12800xf32, #tpu.memory_space<vmem>>, vector<16xf32>,
        %parallel_loop3A_729 = arith.index_cast %parallel_loop3A_160 : i32 to index
        %parallel_loop3A_730 = arith.constant 1104 : index
        %parallel_loop3A_731 = tpu.vector_load %arg15[%parallel_loop3A_729, %parallel_loop3A_730] {strides = array<i32>} : memref<16x1536xf32, #tpu.memory_space<vmem>>, vector<16xf32>,
        tpu.vector_store %arg15[%parallel_loop3A_729, %parallel_loop3A_730], %parallel_loop3A_693 {strides = array<i32>} : memref<16x1536xf32, #tpu.memory_space<vmem>>, vector<16xf32>,
        %parallel_loop3A_732 = arith.index_cast %parallel_loop3A_331 : i32 to index
        %parallel_loop3A_733 = tpu.vector_load %arg12[%parallel_loop3A_732] {strides = array<i32>} : memref<12800xf32, #tpu.memory_space<vmem>>, vector<16xf32>,
        %parallel_loop3A_734 = arith.index_cast %parallel_loop3A_160 : i32 to index
        %parallel_loop3A_735 = arith.constant 1120 : index
        %parallel_loop3A_736 = tpu.vector_load %arg15[%parallel_loop3A_734, %parallel_loop3A_735] {strides = array<i32>} : memref<16x1536xf32, #tpu.memory_space<vmem>>, vector<16xf32>,
        tpu.vector_store %arg15[%parallel_loop3A_734, %parallel_loop3A_735], %parallel_loop3A_698 {strides = array<i32>} : memref<16x1536xf32, #tpu.memory_space<vmem>>, vector<16xf32>,
        %parallel_loop3A_737 = arith.index_cast %parallel_loop3A_333 : i32 to index
        %parallel_loop3A_738 = tpu.vector_load %arg12[%parallel_loop3A_737] {strides = array<i32>} : memref<12800xf32, #tpu.memory_space<vmem>>, vector<16xf32>,
        %parallel_loop3A_739 = arith.index_cast %parallel_loop3A_160 : i32 to index
        %parallel_loop3A_740 = arith.constant 1136 : index
        %parallel_loop3A_741 = tpu.vector_load %arg15[%parallel_loop3A_739, %parallel_loop3A_740] {strides = array<i32>} : memref<16x1536xf32, #tpu.memory_space<vmem>>, vector<16xf32>,
        tpu.vector_store %arg15[%parallel_loop3A_739, %parallel_loop3A_740], %parallel_loop3A_703 {strides = array<i32>} : memref<16x1536xf32, #tpu.memory_space<vmem>>, vector<16xf32>,
        %parallel_loop3A_742 = arith.index_cast %parallel_loop3A_335 : i32 to index
        %parallel_loop3A_743 = tpu.vector_load %arg12[%parallel_loop3A_742] {strides = array<i32>} : memref<12800xf32, #tpu.memory_space<vmem>>, vector<16xf32>,
        %parallel_loop3A_744 = arith.index_cast %parallel_loop3A_160 : i32 to index
        %parallel_loop3A_745 = arith.constant 1152 : index
        %parallel_loop3A_746 = tpu.vector_load %arg15[%parallel_loop3A_744, %parallel_loop3A_745] {strides = array<i32>} : memref<16x1536xf32, #tpu.memory_space<vmem>>, vector<16xf32>,
        tpu.vector_store %arg15[%parallel_loop3A_744, %parallel_loop3A_745], %parallel_loop3A_708 {strides = array<i32>} : memref<16x1536xf32, #tpu.memory_space<vmem>>, vector<16xf32>,
        %parallel_loop3A_747 = arith.index_cast %parallel_loop3A_337 : i32 to index
        %parallel_loop3A_748 = tpu.vector_load %arg13[%parallel_loop3A_747] {strides = array<i32>} : memref<12800xf32, #tpu.memory_space<vmem>>, vector<16xf32>,
        %parallel_loop3A_749 = arith.index_cast %parallel_loop3A_160 : i32 to index
        %parallel_loop3A_750 = arith.constant 1168 : index
        %parallel_loop3A_751 = tpu.vector_load %arg15[%parallel_loop3A_749, %parallel_loop3A_750] {strides = array<i32>} : memref<16x1536xf32, #tpu.memory_space<vmem>>, vector<16xf32>,
        tpu.vector_store %arg15[%parallel_loop3A_749, %parallel_loop3A_750], %parallel_loop3A_713 {strides = array<i32>} : memref<16x1536xf32, #tpu.memory_space<vmem>>, vector<16xf32>,
        %parallel_loop3A_752 = arith.index_cast %parallel_loop3A_339 : i32 to index
        %parallel_loop3A_753 = tpu.vector_load %arg13[%parallel_loop3A_752] {strides = array<i32>} : memref<12800xf32, #tpu.memory_space<vmem>>, vector<16xf32>,
        %parallel_loop3A_754 = arith.index_cast %parallel_loop3A_160 : i32 to index
        %parallel_loop3A_755 = arith.constant 1184 : index
        %parallel_loop3A_756 = tpu.vector_load %arg15[%parallel_loop3A_754, %parallel_loop3A_755] {strides = array<i32>} : memref<16x1536xf32, #tpu.memory_space<vmem>>, vector<16xf32>,
        tpu.vector_store %arg15[%parallel_loop3A_754, %parallel_loop3A_755], %parallel_loop3A_718 {strides = array<i32>} : memref<16x1536xf32, #tpu.memory_space<vmem>>, vector<16xf32>,
        %parallel_loop3A_757 = arith.index_cast %parallel_loop3A_341 : i32 to index
        %parallel_loop3A_758 = tpu.vector_load %arg13[%parallel_loop3A_757] {strides = array<i32>} : memref<12800xf32, #tpu.memory_space<vmem>>, vector<16xf32>,
        %parallel_loop3A_759 = arith.index_cast %parallel_loop3A_160 : i32 to index
        %parallel_loop3A_760 = arith.constant 1200 : index
        %parallel_loop3A_761 = tpu.vector_load %arg15[%parallel_loop3A_759, %parallel_loop3A_760] {strides = array<i32>} : memref<16x1536xf32, #tpu.memory_space<vmem>>, vector<16xf32>,
        tpu.vector_store %arg15[%parallel_loop3A_759, %parallel_loop3A_760], %parallel_loop3A_723 {strides = array<i32>} : memref<16x1536xf32, #tpu.memory_space<vmem>>, vector<16xf32>,
        %parallel_loop3A_762 = arith.index_cast %parallel_loop3A_343 : i32 to index
        %parallel_loop3A_763 = tpu.vector_load %arg13[%parallel_loop3A_762] {strides = array<i32>} : memref<12800xf32, #tpu.memory_space<vmem>>, vector<16xf32>,
        %parallel_loop3A_764 = arith.index_cast %parallel_loop3A_160 : i32 to index
        %parallel_loop3A_765 = arith.constant 1216 : index
        %parallel_loop3A_766 = tpu.vector_load %arg15[%parallel_loop3A_764, %parallel_loop3A_765] {strides = array<i32>} : memref<16x1536xf32, #tpu.memory_space<vmem>>, vector<16xf32>,
        tpu.vector_store %arg15[%parallel_loop3A_764, %parallel_loop3A_765], %parallel_loop3A_728 {strides = array<i32>} : memref<16x1536xf32, #tpu.memory_space<vmem>>, vector<16xf32>,
        %parallel_loop3A_767 = arith.index_cast %parallel_loop3A_345 : i32 to index
        %parallel_loop3A_768 = tpu.vector_load %arg13[%parallel_loop3A_767] {strides = array<i32>} : memref<12800xf32, #tpu.memory_space<vmem>>, vector<16xf32>,
        %parallel_loop3A_769 = arith.index_cast %parallel_loop3A_160 : i32 to index
        %parallel_loop3A_770 = arith.constant 1232 : index
        %parallel_loop3A_771 = tpu.vector_load %arg15[%parallel_loop3A_769, %parallel_loop3A_770] {strides = array<i32>} : memref<16x1536xf32, #tpu.memory_space<vmem>>, vector<16xf32>,
        tpu.vector_store %arg15[%parallel_loop3A_769, %parallel_loop3A_770], %parallel_loop3A_733 {strides = array<i32>} : memref<16x1536xf32, #tpu.memory_space<vmem>>, vector<16xf32>,
        %parallel_loop3A_772 = arith.index_cast %parallel_loop3A_347 : i32 to index
        %parallel_loop3A_773 = tpu.vector_load %arg13[%parallel_loop3A_772] {strides = array<i32>} : memref<12800xf32, #tpu.memory_space<vmem>>, vector<16xf32>,
        %parallel_loop3A_774 = arith.index_cast %parallel_loop3A_160 : i32 to index
        %parallel_loop3A_775 = arith.constant 1248 : index
        %parallel_loop3A_776 = tpu.vector_load %arg15[%parallel_loop3A_774, %parallel_loop3A_775] {strides = array<i32>} : memref<16x1536xf32, #tpu.memory_space<vmem>>, vector<16xf32>,
        tpu.vector_store %arg15[%parallel_loop3A_774, %parallel_loop3A_775], %parallel_loop3A_738 {strides = array<i32>} : memref<16x1536xf32, #tpu.memory_space<vmem>>, vector<16xf32>,
        %parallel_loop3A_777 = arith.index_cast %parallel_loop3A_349 : i32 to index
        %parallel_loop3A_778 = tpu.vector_load %arg13[%parallel_loop3A_777] {strides = array<i32>} : memref<12800xf32, #tpu.memory_space<vmem>>, vector<16xf32>,
        %parallel_loop3A_779 = arith.index_cast %parallel_loop3A_160 : i32 to index
        %parallel_loop3A_780 = arith.constant 1264 : index
        %parallel_loop3A_781 = tpu.vector_load %arg15[%parallel_loop3A_779, %parallel_loop3A_780] {strides = array<i32>} : memref<16x1536xf32, #tpu.memory_space<vmem>>, vector<16xf32>,
        tpu.vector_store %arg15[%parallel_loop3A_779, %parallel_loop3A_780], %parallel_loop3A_743 {strides = array<i32>} : memref<16x1536xf32, #tpu.memory_space<vmem>>, vector<16xf32>,
        %parallel_loop3A_782 = arith.index_cast %parallel_loop3A_351 : i32 to index
        %parallel_loop3A_783 = tpu.vector_load %arg13[%parallel_loop3A_782] {strides = array<i32>} : memref<12800xf32, #tpu.memory_space<vmem>>, vector<16xf32>,
        %parallel_loop3A_784 = arith.index_cast %parallel_loop3A_160 : i32 to index
        %parallel_loop3A_785 = arith.constant 1280 : index
        %parallel_loop3A_786 = tpu.vector_load %arg15[%parallel_loop3A_784, %parallel_loop3A_785] {strides = array<i32>} : memref<16x1536xf32, #tpu.memory_space<vmem>>, vector<16xf32>,
        tpu.vector_store %arg15[%parallel_loop3A_784, %parallel_loop3A_785], %parallel_loop3A_748 {strides = array<i32>} : memref<16x1536xf32, #tpu.memory_space<vmem>>, vector<16xf32>,
        %parallel_loop3A_787 = arith.index_cast %parallel_loop3A_353 : i32 to index
        %parallel_loop3A_788 = tpu.vector_load %arg13[%parallel_loop3A_787] {strides = array<i32>} : memref<12800xf32, #tpu.memory_space<vmem>>, vector<16xf32>,
        %parallel_loop3A_789 = arith.index_cast %parallel_loop3A_160 : i32 to index
        %parallel_loop3A_790 = arith.constant 1296 : index
        %parallel_loop3A_791 = tpu.vector_load %arg15[%parallel_loop3A_789, %parallel_loop3A_790] {strides = array<i32>} : memref<16x1536xf32, #tpu.memory_space<vmem>>, vector<16xf32>,
        tpu.vector_store %arg15[%parallel_loop3A_789, %parallel_loop3A_790], %parallel_loop3A_753 {strides = array<i32>} : memref<16x1536xf32, #tpu.memory_space<vmem>>, vector<16xf32>,
        %parallel_loop3A_792 = arith.index_cast %parallel_loop3A_355 : i32 to index
        %parallel_loop3A_793 = tpu.vector_load %arg13[%parallel_loop3A_792] {strides = array<i32>} : memref<12800xf32, #tpu.memory_space<vmem>>, vector<16xf32>,
        %parallel_loop3A_794 = arith.index_cast %parallel_loop3A_160 : i32 to index
        %parallel_loop3A_795 = arith.constant 1312 : index
        %parallel_loop3A_796 = tpu.vector_load %arg15[%parallel_loop3A_794, %parallel_loop3A_795] {strides = array<i32>} : memref<16x1536xf32, #tpu.memory_space<vmem>>, vector<16xf32>,
        tpu.vector_store %arg15[%parallel_loop3A_794, %parallel_loop3A_795], %parallel_loop3A_758 {strides = array<i32>} : memref<16x1536xf32, #tpu.memory_space<vmem>>, vector<16xf32>,
        %parallel_loop3A_797 = arith.index_cast %parallel_loop3A_357 : i32 to index
        %parallel_loop3A_798 = tpu.vector_load %arg13[%parallel_loop3A_797] {strides = array<i32>} : memref<12800xf32, #tpu.memory_space<vmem>>, vector<16xf32>,
        %parallel_loop3A_799 = arith.index_cast %parallel_loop3A_160 : i32 to index
        %parallel_loop3A_800 = arith.constant 1328 : index
        %parallel_loop3A_801 = tpu.vector_load %arg15[%parallel_loop3A_799, %parallel_loop3A_800] {strides = array<i32>} : memref<16x1536xf32, #tpu.memory_space<vmem>>, vector<16xf32>,
        tpu.vector_store %arg15[%parallel_loop3A_799, %parallel_loop3A_800], %parallel_loop3A_763 {strides = array<i32>} : memref<16x1536xf32, #tpu.memory_space<vmem>>, vector<16xf32>,
        %parallel_loop3A_802 = arith.index_cast %parallel_loop3A_359 : i32 to index
        %parallel_loop3A_803 = tpu.vector_load %arg13[%parallel_loop3A_802] {strides = array<i32>} : memref<12800xf32, #tpu.memory_space<vmem>>, vector<16xf32>,
        %parallel_loop3A_804 = arith.index_cast %parallel_loop3A_160 : i32 to index
        %parallel_loop3A_805 = arith.constant 1344 : index
        %parallel_loop3A_806 = tpu.vector_load %arg15[%parallel_loop3A_804, %parallel_loop3A_805] {strides = array<i32>} : memref<16x1536xf32, #tpu.memory_space<vmem>>, vector<16xf32>,
        tpu.vector_store %arg15[%parallel_loop3A_804, %parallel_loop3A_805], %parallel_loop3A_768 {strides = array<i32>} : memref<16x1536xf32, #tpu.memory_space<vmem>>, vector<16xf32>,
        %parallel_loop3A_807 = arith.index_cast %parallel_loop3A_361 : i32 to index
        %parallel_loop3A_808 = tpu.vector_load %arg13[%parallel_loop3A_807] {strides = array<i32>} : memref<12800xf32, #tpu.memory_space<vmem>>, vector<16xf32>,
        %parallel_loop3A_809 = arith.index_cast %parallel_loop3A_160 : i32 to index
        %parallel_loop3A_810 = arith.constant 1360 : index
        %parallel_loop3A_811 = tpu.vector_load %arg15[%parallel_loop3A_809, %parallel_loop3A_810] {strides = array<i32>} : memref<16x1536xf32, #tpu.memory_space<vmem>>, vector<16xf32>,
        tpu.vector_store %arg15[%parallel_loop3A_809, %parallel_loop3A_810], %parallel_loop3A_773 {strides = array<i32>} : memref<16x1536xf32, #tpu.memory_space<vmem>>, vector<16xf32>,
        %parallel_loop3A_812 = arith.index_cast %parallel_loop3A_363 : i32 to index
        %parallel_loop3A_813 = tpu.vector_load %arg13[%parallel_loop3A_812] {strides = array<i32>} : memref<12800xf32, #tpu.memory_space<vmem>>, vector<16xf32>,
        %parallel_loop3A_814 = arith.index_cast %parallel_loop3A_160 : i32 to index
        %parallel_loop3A_815 = arith.constant 1376 : index
        %parallel_loop3A_816 = tpu.vector_load %arg15[%parallel_loop3A_814, %parallel_loop3A_815] {strides = array<i32>} : memref<16x1536xf32, #tpu.memory_space<vmem>>, vector<16xf32>,
        tpu.vector_store %arg15[%parallel_loop3A_814, %parallel_loop3A_815], %parallel_loop3A_778 {strides = array<i32>} : memref<16x1536xf32, #tpu.memory_space<vmem>>, vector<16xf32>,
        %parallel_loop3A_817 = arith.index_cast %parallel_loop3A_365 : i32 to index
        %parallel_loop3A_818 = tpu.vector_load %arg13[%parallel_loop3A_817] {strides = array<i32>} : memref<12800xf32, #tpu.memory_space<vmem>>, vector<16xf32>,
        %parallel_loop3A_819 = arith.index_cast %parallel_loop3A_160 : i32 to index
        %parallel_loop3A_820 = arith.constant 1392 : index
        %parallel_loop3A_821 = tpu.vector_load %arg15[%parallel_loop3A_819, %parallel_loop3A_820] {strides = array<i32>} : memref<16x1536xf32, #tpu.memory_space<vmem>>, vector<16xf32>,
        tpu.vector_store %arg15[%parallel_loop3A_819, %parallel_loop3A_820], %parallel_loop3A_783 {strides = array<i32>} : memref<16x1536xf32, #tpu.memory_space<vmem>>, vector<16xf32>,
        %parallel_loop3A_822 = arith.index_cast %parallel_loop3A_367 : i32 to index
        %parallel_loop3A_823 = tpu.vector_load %arg13[%parallel_loop3A_822] {strides = array<i32>} : memref<12800xf32, #tpu.memory_space<vmem>>, vector<16xf32>,
        %parallel_loop3A_824 = arith.index_cast %parallel_loop3A_160 : i32 to index
        %parallel_loop3A_825 = arith.constant 1408 : index
        %parallel_loop3A_826 = tpu.vector_load %arg15[%parallel_loop3A_824, %parallel_loop3A_825] {strides = array<i32>} : memref<16x1536xf32, #tpu.memory_space<vmem>>, vector<16xf32>,
        tpu.vector_store %arg15[%parallel_loop3A_824, %parallel_loop3A_825], %parallel_loop3A_788 {strides = array<i32>} : memref<16x1536xf32, #tpu.memory_space<vmem>>, vector<16xf32>,
        %parallel_loop3A_827 = arith.index_cast %parallel_loop3A_160 : i32 to index
        %parallel_loop3A_828 = arith.constant 1424 : index
        %parallel_loop3A_829 = tpu.vector_load %arg15[%parallel_loop3A_827, %parallel_loop3A_828] {strides = array<i32>} : memref<16x1536xf32, #tpu.memory_space<vmem>>, vector<16xf32>,
        tpu.vector_store %arg15[%parallel_loop3A_827, %parallel_loop3A_828], %parallel_loop3A_793 {strides = array<i32>} : memref<16x1536xf32, #tpu.memory_space<vmem>>, vector<16xf32>,
        %parallel_loop3A_830 = arith.index_cast %parallel_loop3A_160 : i32 to index
        %parallel_loop3A_831 = arith.constant 1440 : index
        %parallel_loop3A_832 = tpu.vector_load %arg15[%parallel_loop3A_830, %parallel_loop3A_831] {strides = array<i32>} : memref<16x1536xf32, #tpu.memory_space<vmem>>, vector<16xf32>,
        tpu.vector_store %arg15[%parallel_loop3A_830, %parallel_loop3A_831], %parallel_loop3A_798 {strides = array<i32>} : memref<16x1536xf32, #tpu.memory_space<vmem>>, vector<16xf32>,
        %parallel_loop3A_833 = arith.index_cast %parallel_loop3A_160 : i32 to index
        %parallel_loop3A_834 = arith.constant 1456 : index
        %parallel_loop3A_835 = tpu.vector_load %arg15[%parallel_loop3A_833, %parallel_loop3A_834] {strides = array<i32>} : memref<16x1536xf32, #tpu.memory_space<vmem>>, vector<16xf32>,
        tpu.vector_store %arg15[%parallel_loop3A_833, %parallel_loop3A_834], %parallel_loop3A_803 {strides = array<i32>} : memref<16x1536xf32, #tpu.memory_space<vmem>>, vector<16xf32>,
        %parallel_loop3A_836 = arith.index_cast %parallel_loop3A_160 : i32 to index
        %parallel_loop3A_837 = arith.constant 1472 : index
        %parallel_loop3A_838 = tpu.vector_load %arg15[%parallel_loop3A_836, %parallel_loop3A_837] {strides = array<i32>} : memref<16x1536xf32, #tpu.memory_space<vmem>>, vector<16xf32>,
        tpu.vector_store %arg15[%parallel_loop3A_836, %parallel_loop3A_837], %parallel_loop3A_808 {strides = array<i32>} : memref<16x1536xf32, #tpu.memory_space<vmem>>, vector<16xf32>,
        %parallel_loop3A_839 = arith.index_cast %parallel_loop3A_160 : i32 to index
        %parallel_loop3A_840 = arith.constant 1488 : index
        %parallel_loop3A_841 = tpu.vector_load %arg15[%parallel_loop3A_839, %parallel_loop3A_840] {strides = array<i32>} : memref<16x1536xf32, #tpu.memory_space<vmem>>, vector<16xf32>,
        tpu.vector_store %arg15[%parallel_loop3A_839, %parallel_loop3A_840], %parallel_loop3A_813 {strides = array<i32>} : memref<16x1536xf32, #tpu.memory_space<vmem>>, vector<16xf32>,
        %parallel_loop3A_842 = arith.index_cast %parallel_loop3A_160 : i32 to index
        %parallel_loop3A_843 = arith.constant 1504 : index
        %parallel_loop3A_844 = tpu.vector_load %arg15[%parallel_loop3A_842, %parallel_loop3A_843] {strides = array<i32>} : memref<16x1536xf32, #tpu.memory_space<vmem>>, vector<16xf32>,
        tpu.vector_store %arg15[%parallel_loop3A_842, %parallel_loop3A_843], %parallel_loop3A_818 {strides = array<i32>} : memref<16x1536xf32, #tpu.memory_space<vmem>>, vector<16xf32>,
        %parallel_loop3A_845 = arith.index_cast %parallel_loop3A_160 : i32 to index
        %parallel_loop3A_846 = arith.constant 1520 : index
        %parallel_loop3A_847 = tpu.vector_load %arg15[%parallel_loop3A_845, %parallel_loop3A_846] {strides = array<i32>} : memref<16x1536xf32, #tpu.memory_space<vmem>>, vector<16xf32>,
        tpu.vector_store %arg15[%parallel_loop3A_845, %parallel_loop3A_846], %parallel_loop3A_823 {strides = array<i32>} : memref<16x1536xf32, #tpu.memory_space<vmem>>, vector<16xf32>,
      } {sc.loop_unroll_factor = 1 : i64, sc.parallel_access}
      %mul3A_128 = arith.constant 512 : i32
      %mul3A_129 = arith.muli %add3A, %mul3A_128 : i32
      %mul3A_130 = arith.constant 16 : i32
      %mul3A_131 = arith.muli %add3A_82, %mul3A_130 : i32
      %add3A_132 = arith.addi %mul3A_129, %mul3A_131 : i32
      %dma_start3A_133 = arith.constant 0 : i32
      %dma_start3A_134 = arith.constant 0 : i32
      %dma_start3A_135 = tpu.memref_slice %arg15[%dma_start3A_133, %dma_start3A_134] : memref<16x1536xf32, #tpu.memory_space<vmem>> -> memref<8x1536xf32, #tpu.memory_space<vmem>>
      %dma_start3A_136 = arith.constant 0 : i32
      %dma_start3A_137 = tpu.memref_slice %arg6[%add3A_132, %dma_start3A_136] : memref<16384x1536xf32, #tpu.memory_space<hbm>> -> memref<8x1536xf32, #tpu.memory_space<hbm>>
      %dma_start3A_138 = arith.constant 0 : i32
      %dma_start3A_139 = tpu.memref_slice %arg6[%add3A_132, %dma_start3A_138] : memref<16384x1536xf32, #tpu.memory_space<hbm>> -> memref<8x1536xf32, #tpu.memory_space<hbm>>
      %dma_start3A_140 = arith.constant 0 : i32
      %dma_start3A_141 = arith.constant 0 : i32
      %dma_start3A_142 = tpu.memref_slice %arg15[%dma_start3A_140, %dma_start3A_141] : memref<16x1536xf32, #tpu.memory_space<vmem>> -> memref<8x1536xf32, #tpu.memory_space<vmem>>
      tpu.enqueue_dma source(%dma_start3A_142 : memref<8x1536xf32, #tpu.memory_space<vmem>>) target(%dma_start3A_139 : memref<8x1536xf32, #tpu.memory_space<hbm>>) target_semaphore(%arg17 : memref<!tpu.dma_semaphore, #tpu.memory_space<semaphore_mem>>)
      %mul3A_143 = arith.constant 512 : i32
      %mul3A_144 = arith.muli %add3A, %mul3A_143 : i32
      %mul3A_145 = arith.constant 16 : i32
      %mul3A_146 = arith.muli %add3A_82, %mul3A_145 : i32
      %add3A_147 = arith.addi %mul3A_144, %mul3A_146 : i32
      %add3A_148 = arith.constant 8 : i32
      %add3A_149 = arith.addi %add3A_147, %add3A_148 : i32
      %dma_start3A_150 = arith.constant 8 : i32
      %dma_start3A_151 = arith.constant 0 : i32
      %dma_start3A_152 = tpu.memref_slice %arg15[%dma_start3A_150, %dma_start3A_151] : memref<16x1536xf32, #tpu.memory_space<vmem>> -> memref<8x1536xf32, #tpu.memory_space<vmem>>
      %dma_start3A_153 = arith.constant 0 : i32
      %dma_start3A_154 = tpu.memref_slice %arg6[%add3A_149, %dma_start3A_153] : memref<16384x1536xf32, #tpu.memory_space<hbm>> -> memref<8x1536xf32, #tpu.memory_space<hbm>>
      %dma_start3A_155 = arith.constant 0 : i32
      %dma_start3A_156 = tpu.memref_slice %arg6[%add3A_149, %dma_start3A_155] : memref<16384x1536xf32, #tpu.memory_space<hbm>> -> memref<8x1536xf32, #tpu.memory_space<hbm>>
      %dma_start3A_157 = arith.constant 8 : i32
      %dma_start3A_158 = arith.constant 0 : i32
      %dma_start3A_159 = tpu.memref_slice %arg15[%dma_start3A_157, %dma_start3A_158] : memref<16x1536xf32, #tpu.memory_space<vmem>> -> memref<8x1536xf32, #tpu.memory_space<vmem>>
      tpu.enqueue_dma source(%dma_start3A_159 : memref<8x1536xf32, #tpu.memory_space<vmem>>) target(%dma_start3A_156 : memref<8x1536xf32, #tpu.memory_space<hbm>>) target_semaphore(%arg17 : memref<!tpu.dma_semaphore, #tpu.memory_space<semaphore_mem>>)
    }
    %scan3A_17 = arith.constant 16 : i32
    %mul3A_18 = arith.constant 512 : i32
    %mul3A_19 = arith.muli %add3A, %mul3A_18 : i32
    %add3A_20 = arith.constant 480 : i32
    %add3A_21 = arith.addi %mul3A_19, %add3A_20 : i32
    %dma_wait3A_22 = arith.constant 0 : i32
    %dma_wait3A_23 = arith.constant 0 : i32
    %dma_wait3A_24 = tpu.memref_slice %arg14[%dma_wait3A_22, %dma_wait3A_23] : memref<16x1536xf32, #tpu.memory_space<vmem>> -> memref<8x1536xf32, #tpu.memory_space<vmem>>
    %dma_wait3A_25 = arith.constant 0 : i32
    %dma_wait3A_26 = tpu.memref_slice %arg6[%add3A_21, %dma_wait3A_25] : memref<16384x1536xf32, #tpu.memory_space<hbm>> -> memref<8x1536xf32, #tpu.memory_space<hbm>>
    %dma_wait3A_27 = arith.constant 0 : i32
    %dma_wait3A_28 = tpu.memref_slice %arg6[%add3A_21, %dma_wait3A_27] : memref<16384x1536xf32, #tpu.memory_space<hbm>> -> memref<8x1536xf32, #tpu.memory_space<hbm>>
    %dma_wait3A_29 = arith.constant 0 : i32
    %dma_wait3A_30 = arith.constant 0 : i32
    %dma_wait3A_31 = tpu.memref_slice %arg14[%dma_wait3A_29, %dma_wait3A_30] : memref<16x1536xf32, #tpu.memory_space<vmem>> -> memref<8x1536xf32, #tpu.memory_space<vmem>>
    tpu.wait_dma2 semaphore(%arg16 : memref<!tpu.dma_semaphore, #tpu.memory_space<semaphore_mem>>) src(%dma_wait3A_31 : memref<8x1536xf32, #tpu.memory_space<vmem>>) dst(%dma_wait3A_28 : memref<8x1536xf32, #tpu.memory_space<hbm>>)
    %mul3A_32 = arith.constant 512 : i32
    %mul3A_33 = arith.muli %add3A, %mul3A_32 : i32
    %add3A_34 = arith.constant 480 : i32
    %add3A_35 = arith.addi %mul3A_33, %add3A_34 : i32
    %add3A_36 = arith.constant 8 : i32
    %add3A_37 = arith.addi %add3A_35, %add3A_36 : i32
    %dma_wait3A_38 = arith.constant 8 : i32
    %dma_wait3A_39 = arith.constant 0 : i32
    %dma_wait3A_40 = tpu.memref_slice %arg14[%dma_wait3A_38, %dma_wait3A_39] : memref<16x1536xf32, #tpu.memory_space<vmem>> -> memref<8x1536xf32, #tpu.memory_space<vmem>>
    %dma_wait3A_41 = arith.constant 0 : i32
    %dma_wait3A_42 = tpu.memref_slice %arg6[%add3A_37, %dma_wait3A_41] : memref<16384x1536xf32, #tpu.memory_space<hbm>> -> memref<8x1536xf32, #tpu.memory_space<hbm>>
    %dma_wait3A_43 = arith.constant 0 : i32
    %dma_wait3A_44 = tpu.memref_slice %arg6[%add3A_37, %dma_wait3A_43] : memref<16384x1536xf32, #tpu.memory_space<hbm>> -> memref<8x1536xf32, #tpu.memory_space<hbm>>
    %dma_wait3A_45 = arith.constant 8 : i32
    %dma_wait3A_46 = arith.constant 0 : i32
    %dma_wait3A_47 = tpu.memref_slice %arg14[%dma_wait3A_45, %dma_wait3A_46] : memref<16x1536xf32, #tpu.memory_space<vmem>> -> memref<8x1536xf32, #tpu.memory_space<vmem>>
    tpu.wait_dma2 semaphore(%arg16 : memref<!tpu.dma_semaphore, #tpu.memory_space<semaphore_mem>>) src(%dma_wait3A_47 : memref<8x1536xf32, #tpu.memory_space<vmem>>) dst(%dma_wait3A_44 : memref<8x1536xf32, #tpu.memory_space<hbm>>)
    %mul3A_48 = arith.constant 512 : i32
    %mul3A_49 = arith.muli %add3A, %mul3A_48 : i32
    %add3A_50 = arith.constant 496 : i32
    %add3A_51 = arith.addi %mul3A_49, %add3A_50 : i32
    %dma_wait3A_52 = arith.constant 0 : i32
    %dma_wait3A_53 = arith.constant 0 : i32
    %dma_wait3A_54 = tpu.memref_slice %arg15[%dma_wait3A_52, %dma_wait3A_53] : memref<16x1536xf32, #tpu.memory_space<vmem>> -> memref<8x1536xf32, #tpu.memory_space<vmem>>
    %dma_wait3A_55 = arith.constant 0 : i32
    %dma_wait3A_56 = tpu.memref_slice %arg6[%add3A_51, %dma_wait3A_55] : memref<16384x1536xf32, #tpu.memory_space<hbm>> -> memref<8x1536xf32, #tpu.memory_space<hbm>>
    %dma_wait3A_57 = arith.constant 0 : i32
    %dma_wait3A_58 = tpu.memref_slice %arg6[%add3A_51, %dma_wait3A_57] : memref<16384x1536xf32, #tpu.memory_space<hbm>> -> memref<8x1536xf32, #tpu.memory_space<hbm>>
    %dma_wait3A_59 = arith.constant 0 : i32
    %dma_wait3A_60 = arith.constant 0 : i32
    %dma_wait3A_61 = tpu.memref_slice %arg15[%dma_wait3A_59, %dma_wait3A_60] : memref<16x1536xf32, #tpu.memory_space<vmem>> -> memref<8x1536xf32, #tpu.memory_space<vmem>>
    tpu.wait_dma2 semaphore(%arg17 : memref<!tpu.dma_semaphore, #tpu.memory_space<semaphore_mem>>) src(%dma_wait3A_61 : memref<8x1536xf32, #tpu.memory_space<vmem>>) dst(%dma_wait3A_58 : memref<8x1536xf32, #tpu.memory_space<hbm>>)
    %mul3A_62 = arith.constant 512 : i32
    %mul3A_63 = arith.muli %add3A, %mul3A_62 : i32
    %add3A_64 = arith.constant 496 : i32
    %add3A_65 = arith.addi %mul3A_63, %add3A_64 : i32
    %add3A_66 = arith.constant 8 : i32
    %add3A_67 = arith.addi %add3A_65, %add3A_66 : i32
    %dma_wait3A_68 = arith.constant 8 : i32
    %dma_wait3A_69 = arith.constant 0 : i32
    %dma_wait3A_70 = tpu.memref_slice %arg15[%dma_wait3A_68, %dma_wait3A_69] : memref<16x1536xf32, #tpu.memory_space<vmem>> -> memref<8x1536xf32, #tpu.memory_space<vmem>>
    %dma_wait3A_71 = arith.constant 0 : i32
    %dma_wait3A_72 = tpu.memref_slice %arg6[%add3A_67, %dma_wait3A_71] : memref<16384x1536xf32, #tpu.memory_space<hbm>> -> memref<8x1536xf32, #tpu.memory_space<hbm>>
    %dma_wait3A_73 = arith.constant 0 : i32
    %dma_wait3A_74 = tpu.memref_slice %arg6[%add3A_67, %dma_wait3A_73] : memref<16384x1536xf32, #tpu.memory_space<hbm>> -> memref<8x1536xf32, #tpu.memory_space<hbm>>
    %dma_wait3A_75 = arith.constant 8 : i32
    %dma_wait3A_76 = arith.constant 0 : i32
    %dma_wait3A_77 = tpu.memref_slice %arg15[%dma_wait3A_75, %dma_wait3A_76] : memref<16x1536xf32, #tpu.memory_space<vmem>> -> memref<8x1536xf32, #tpu.memory_space<vmem>>
    tpu.wait_dma2 semaphore(%arg17 : memref<!tpu.dma_semaphore, #tpu.memory_space<semaphore_mem>>) src(%dma_wait3A_77 : memref<8x1536xf32, #tpu.memory_space<vmem>>) dst(%dma_wait3A_74 : memref<8x1536xf32, #tpu.memory_space<hbm>>)
    return
  }
}

</mosaic_0001>

<sc_bundles>
// kernel: kernel.3.cloned.1.call-start
scs
__scs_entry_jumppad:
0x0: {  	(pc) =	sbr.rel $0x88, $3  }
0x1: {  	(tag) =	ssettag $0x0;
	lr =	simm.s32 $0x1  }
0x2: {  	[smem:$0x3F9B] =	sst lr;
	_ =	strace $0xD0000000  }
0x3: {  	_ = 	snop  }
0x4: {  	_ = 	snop  }
0x5: {  	_ = 	snop  }
0x6: {  	_ = 	snop  }
0x7: {  	_ = 	snop  }
__scs_overlays_trampoline_lowered:
0x8: {  	[smem:$0x3FAA] =	sst s0  }
0x9: {  	[smem:$0x3FAB] =	sst s1  }
0xa: {  	[smem:$0x3FAC] =	sst s2  }
0xb: {  	[smem:$0x3FAD] =	sst s3  }
0xc: {  	[smem:$0x3FAE] =	sst s4  }
0xd: {  	[smem:$0x3FAF] =	sst s5  }
0xe: {  	[smem:$0x3FB0] =	sst s6  }
0xf: {  	[smem:$0x3FB1] =	sst s7  }
0x10: {  	[smem:$0x3FB2] =	sst s8  }
0x11: {  	[smem:$0x3FB3] =	sst s9;
	s0 =	simm.s32 @!p0 $0x0  }
0x12: {  	s1 =	sld [smem:$0x3F99];
	s0 =	simm.s32 @p0 $0x1  }
0x13: {  	[smem:$0x3FB4] =	sst s0;
	s0 =	simm.s32 @!p1 $0x0  }
0x14: {  	s2 =	sld [smem:$0x3F98];
	s0 =	simm.s32 @p1 $0x1  }
0x15: {  	[smem:$0x3FB5] =	sst s0;
	s0 =	simm.s32 @!p2 $0x0  }
0x16: {  	s3 =	sld [smem:$0x3FDB];
	s0 =	simm.s32 @p2 $0x1  }
0x17: {  	s4 =	simm.s32 $0x1BF5;
	[smem:$0x3FB7] =	sst s0  }
0x18: {  	s0 =	sld [smem:$0x3F9A];
	_ =	swait.ge [sflag:s4], $0x0  }
0x19: {  	s7 =	sld [smem:$0x3F9B]  }
0x1a: {  	s8 =	sadd.s32 $0xFFFFE003, lr  }
0x1b: {  	s9 =	sadd.s32 $0xFFFFFEF7, lr;
	s5 =	simm.s32 $0xFFFFFFFF;
	p2 =	slt.u32 s8, $0xFFFFF086  }
0x1c: {  	p1 =	slt.u32 s9, $0xF7A;
	s5 =	simm.s32 @!p2 $0x0  }
0x1d: {  	s5 =	simm.s32 @p1 $0x1;
	p0 =	seq.s32 s7, s2  }
0x1e: {  	s7 =	smul.u32 @!p0 $0xF7A, s2;
	p2 =	seq.s32 @!p0 s5, $0x0  }
0x1f: {  	s9 =	smul.u32 $0xF7A, s1;
	s8 =	simm.s32 @!p0 $0x1BF5;
	p2 =	por !p2, p0  }
0x20: {  	[sflag:s8] =	ssyncset.s32 @!p0 $0xFFFFF086;
	s6 =	sadd.s32 @!p0 s3, s7;
	s7 =	simm.s32 @!p0 $0x108  }
0x21: {  	s3 =	sadd.s32 s3, s9;
	s6 =	sadd.s32 @!p0 $0x88, s6;
	s7 =	simm.s32 @p2 $0x1082  }
0x22: {  	[simem:s7], [sflag:s8] =	dma.local @!p0 [hbm:s6], $0xF7A  }
0x23: {  	s9 =	sor.u32 $0xD0000000, s2;
	s6 =	simm.s32 $0x108;
	_ =	swait.ge @!p0 [sflag:s8], $0x0  }
0x24: {  	s3 =	sadd.s32 $0x88, s3;
	s6 =	simm.s32 @!p1 $0x1082;
	[sflag:s4] =	ssyncset.s32 $0xFFFFF086  }
0x25: {  	[simem:s6], [sflag:s4] =	dma.local [hbm:s3], $0xF7A  }
0x26: {  	[smem:$0x3F9B] =	sst s1;
	(tag) =	ssettag s2;
	_ =	strace s9  }
0x27: {  	s1 =	sld [smem:$0x3FAB]  }
0x28: {  	s2 =	sld [smem:$0x3FAC]  }
0x29: {  	s4 =	sld [smem:$0x3FAE]  }
0x2a: {  	p0 =	seq.s32 s5, $0x0;
	s5 =	sld [smem:$0x3FAF]  }
0x2b: {  	s6 =	sld [smem:$0x3FB0]  }
0x2c: {  	s7 =	sld [smem:$0x3FB1]  }
0x2d: {  	s3 =	simm.s32 $0x108;
	s8 =	sld [smem:$0x3FB2]  }
0x2e: {  	s3 =	simm.s32 @!p0 $0x1082;
	s9 =	sld [smem:$0x3FB3]  }
0x2f: {  	lr =	sadd.s32 s0, s3;
	s0 =	sld [smem:$0x3FAA]  }
0x30: {  	s3 =	sld [smem:$0x3FAD]  }
0x31: {  	[smem:$0x3FB6] =	sst s10  }
0x32: {  	s10 =	sld [smem:$0x3FB4];
	_ =	sdelay $0x3  }
0x33: {  	p0 =	seq.s32 s10, $0x1;
	s10 =	sld [smem:$0x3FB6];
	_ =	sdelay $0x3  }
0x34: {  	[smem:$0x3FB6] =	sst s10  }
0x35: {  	s10 =	sld [smem:$0x3FB5];
	_ =	sdelay $0x3  }
0x36: {  	p1 =	seq.s32 s10, $0x1;
	s10 =	sld [smem:$0x3FB6];
	_ =	sdelay $0x3  }
0x37: {  	[smem:$0x3FB6] =	sst s10  }
0x38: {  	s10 =	sld [smem:$0x3FB7]  }
0x39: {  	_ = 	snop;
	(pc) =	sbr.ind lr, $3  }
0x3a: {  	_ = 	snop  }
0x3b: {  	_ = 	snop  }
0x3c: {  	p2 =	seq.s32 s10, $0x1;
	s10 =	sld [smem:$0x3FB6]  }
0x3d: {  	_ =	shalt  }
0x3e: {  	_ =	shalt  }
0x3f: {  	_ =	shalt  }
0x40: {  	_ =	shalt  }
0x41: {  	_ =	shalt  }
0x42: {  	_ =	shalt  }
0x43: {  	_ =	shalt  }
0x44: {  	_ =	shalt  }
0x45: {  	_ =	shalt  }
0x46: {  	_ =	shalt  }
0x47: {  	_ =	shalt  }
0x48: {  	_ =	shalt  }
0x49: {  	_ =	shalt  }
0x4a: {  	_ =	shalt  }
0x4b: {  	_ =	shalt  }
0x4c: {  	_ =	shalt  }
0x4d: {  	_ =	shalt  }
0x4e: {  	_ =	shalt  }
0x4f: {  	_ =	shalt  }
0x50: {  	_ =	shalt  }
0x51: {  	_ =	shalt  }
0x52: {  	_ =	shalt  }
0x53: {  	_ =	shalt  }
0x54: {  	_ =	shalt  }
0x55: {  	_ =	shalt  }
0x56: {  	_ =	shalt  }
0x57: {  	_ =	shalt  }
0x58: {  	_ =	shalt  }
0x59: {  	_ =	shalt  }
0x5a: {  	_ =	shalt  }
0x5b: {  	_ =	shalt  }
0x5c: {  	_ =	shalt  }
0x5d: {  	_ =	shalt  }
0x5e: {  	_ =	shalt  }
0x5f: {  	_ =	shalt  }
0x60: {  	_ =	shalt  }
0x61: {  	_ =	shalt  }
0x62: {  	_ =	shalt  }
0x63: {  	_ =	shalt  }
0x64: {  	_ =	shalt  }
0x65: {  	_ =	shalt  }
0x66: {  	_ =	shalt  }
0x67: {  	_ =	shalt  }
0x68: {  	_ =	shalt  }
0x69: {  	_ =	shalt  }
0x6a: {  	_ =	shalt  }
0x6b: {  	_ =	shalt  }
0x6c: {  	_ =	shalt  }
0x6d: {  	_ =	shalt  }
0x6e: {  	_ =	shalt  }
0x6f: {  	_ =	shalt  }
0x70: {  	_ =	shalt  }
0x71: {  	_ =	shalt  }
0x72: {  	_ =	shalt  }
0x73: {  	_ =	shalt  }
0x74: {  	_ =	shalt  }
0x75: {  	_ =	shalt  }
0x76: {  	_ =	shalt  }
0x77: {  	_ =	shalt  }
0x78: {  	_ =	shalt  }
0x79: {  	_ =	shalt  }
0x7a: {  	_ =	shalt  }
0x7b: {  	_ =	shalt  }
0x7c: {  	_ =	shalt  }
0x7d: {  	_ =	shalt  }
0x7e: {  	_ =	shalt  }
0x7f: {  	_ =	shalt  }
0x80: {  	_ =	shalt  }
0x81: {  	_ =	shalt  }
0x82: {  	_ =	shalt  }
0x83: {  	_ =	shalt  }
0x84: {  	_ =	shalt  }
0x85: {  	_ =	shalt  }
0x86: {  	_ =	shalt  }
0x87: {  	_ =	shalt  }
.Lfunc_end0:
.L_simem_size_0:
called_computation_lowered:
.L_overlay_start_0:
0x88: {  	s2 =	sld [smem:$0x3FD9]  }
0x89: {  	s3 =	sld [smem:$0x3FFE];
	_ =	sdelay $0x1  }
0x8a: {  	s1 =	srdreg.scid  }
0x8b: {  	s0 =	sand.u32 $0x1, s1  }
0x8c: {  	s17 =	sshll.u32 s0, $0xA;
	s2 =	sadd.s32 s3, s2  }
0x8d: {  	s2 =	sadd.s32 s2, s17  }
0x8e: {  	[smem:$0x3FC2] =	sst s2  }
0x8f: {  	_ = 	snop  }
0x90: {  	s2 =	sld [smem:$0x3FD0];
	(tm) =	ssettm $0x1  }
0x91: {  	s18 =	sld [smem:$0x3FFB];
	_ =	sdelay $0x3  }
0x92: {  	_ =	strace s18  }
0x93: {  	s3 =	sld [smem:$0x3FFC];
	_ =	sdelay $0x3  }
0x94: {  	_ =	strace s3  }
0x95: {  	s3 =	sld [smem:$0x3FFD];
	_ =	sdelay $0x3  }
0x96: {  	_ =	strace s3  }
0x97: {  	_ =	strace $0x8FFFFFFF  }
0x98: {  	s19 =	sld [smem:$0x3FDB];
	_ =	sdelay $0x1  }
0x99: {  	s4 =	simm.s32 $_scs_section_size  }
0x9a: {  	s5 =	simm.s32 $_size__tile_overlayer_lowered;
	s6 =	simm.s32 $_tile_overlayer_lowered  }
0x9b: {  	s22 =	simm.s32 $0x1BFF;
	s21 =	sshll.u32 s6, $0x1;
	s3 =	sadd.s32 s4, s19  }
0x9c: {  	s7 =	simm.s32 $0x0;
	s20 =	sshll.u32 s5, $0x1;
	s5 =	sadd.s32 s21, s3  }
0x9d: {  	[timem:s7], [sflag:s22] =	dma.local [hbm:s5], s20  }
0x9e: {  	_ =	swait.ge [sflag:s22], s20  }
0x9f: {  	s4 =	ssub.s32 $0x0, s20;
	[sflag:s22] =	ssyncset.done $0x0  }
0xa0: {  	[sflag:s22] =	ssyncadd.s32 s4;
	_ =	sdelay $0x1  }
0xa1: {  	s23 =	simm.s32 $0x1B8B  }
0xa2: {  	_ =	swait.ge [sflag:s23], $0x1  }
0xa3: {  	[sflag:s23] =	ssyncset.done $0x0  }
0xa4: {  	s25 =	simm.s32 $0x1B8E;
	s24 =	sld [smem:$0x3FFE];
	[sflag:s23] =	ssyncadd.s32 $0xFFFFFFFF  }
0xa5: {  	s26 =	simm.s32 $execute0_lowered;
	[smem:$0x3FD2] =	sst s25  }
0xa6: {  	s5 =	sshll.u32 s26, $0x1;
	_ =	strace $0x80000046;
	[dreg:$0x1] =	wrdreg $0xFFFFFFFF  }
0xa7: {  	s28 =	simm.s32 $_size_execute0_lowered;
	s3 =	sadd.s32 s3, s5;
	[dreg:$0x0] =	wrdreg $0x0  }
0xa8: {  	s5 =	sshll.u32 s28, $0x1;
	[dreg:$0x2] =	wrdreg s3  }
0xa9: {  	[dreg:$0x3] =	wrdreg s5  }
0xaa: {  	[dreg:$0x4] =	wrdreg $0xC0  }
0xab: {  	_ =	task [dreg:s7], $0x5FFFF  }
0xac: {  	[dreg:$0x1] =	wrdreg $0xFFFFFFFF  }
0xad: {  	[dreg:$0x0] =	wrdreg $0x60  }
0xae: {  	[dreg:$0x2] =	wrdreg s24  }
0xaf: {  	[dreg:$0x3] =	wrdreg s2  }
0xb0: {  	[dreg:$0x4] =	wrdreg $0x9  }
0xb1: {  	_ =	task.clear_ibuf [dreg:s7], $0x5FFFF;
	_ =	strace $0x90000046  }
0xb2: {  	s29 =	simm.s32 $0x9;
	_ =	strace $0x80000048  }
0xb3: {  	_ =	swait.ge [sflag:s29], $0x1  }
0xb4: {  	[sflag:s29] =	ssyncadd.s32 $0xFFFFFFFF  }
0xb5: {  	_ =	strace $0x90000048  }
0xb6: {  	_ =	sfence  }
0xb7: {  	s30 =	sld [smem:$0x0];
	_ =	sdelay $0x2  }
0xb8: {  	s31 =	sshll.u32 s1, $0xD;
	s1 =	sshrl.u32 s1, $0x2  }
0xb9: {  	s3 =	sand.u32 $0x4000, s31;
	s1 =	sadd.s32 s1, s30  }
0xba: {  	s0 =	sor.u32 s3, s0;
	s1 =	sshll.u32 s1, $0x11  }
0xbb: {  	s0 =	sor.u32 s1, s0  }
0xbc: {  	s0 =	sadd.s32 $0x8F2B, s0  }
0xbd: {  	[sflag:s0] =	ssyncadd.remote.s32 $0x1  }
0xbe: {  	_ =	sfence.sel $0xFFFF  }
0xbf: {  	[dreg:$0x0] =	wrdreg $0xFFFFFFFF;
	(pc) =	sbr.abs _section_cstart, $3  }
0xc0: {  	[dreg:$0x1] =	wrdreg $0xFFFFFFFF  }
0xc1: {  	_ =	task.clear_ibuf [dreg:s7], $0x2FFFF;
	_ =	strace $0x9FFFFFFF  }
0xc2: {  	(tm) =	ssettm $0x7FFFFFFF  }
0xc3: {  	_ =	shalt  }
tec
execute0_lowered:
.L_overlay_start_1:
0x0: {  	(tag) =	ssettag $0x1  }
0x1: {  	s0 =	srdreg.scid  }
0x2: {  	s1 =	stileid.u32;
	s5 =	rddreg [dreg:$0x0]  }
0x3: {  	s3 =	rddreg [dreg:$0x1];
	s4 =	simm.s32 $0x0;
	s16 =	simm.s32 $0x3  }
0x4: {  	s17 =	simm.s32 $0x7A00;
	s18 =	simm.s32 $0xAA00;
	s19 =	simm.s32 $0xDA00  }
0x5: {  	s20 =	simm.s32 $0x10A00;
	s22 =	simm.s32 $0x2;
	s0 =	sand.u32 $0x1, s0  }
0x6: {  	s1 =	sshll.u32 s1, $0x1;
	[smem:$0x7FF] =	sst s4;
	s29 =	sadd.s32 $0x400, s5  }
0x7: {  	s30 =	sadd.s32 $0x800, s5;
	s1 =	sor.u32 s0, s1;
	_ =	strace $0x80000047  }
0x8: {  	s0 =	ssub.s32 $0x2, s0;
	s2 =	sshll.u32 s1, $0x9;
	s1 =	sshll.u32 s1, $0x7  }
0x9: {  	vm0 =	vmmov $0x1;
	s31 =	sshrl.u32 s0, $0x1;
	s6 =	sand.u32 $0x3000, s2;
	s1 =	sand.u32 $0x380, s1  }
0xa: {  	vm1 =	vcmask $0x308;
	vm2 =	vcmask $0x70C;
	vm3 =	vcmask $0xB10;
	[dreg:$0x3] =	wrdreg s29;
	s0 =	ssub.s32 s0, s31;
	s1 =	sor.u32 s1, s6  }
0xb: {  	vm4 =	vcmask $0xF14;
	vm5 =	vcmask $0x1318;
	vm6 =	vcmask $0x171C;
	[dreg:$0x4] =	wrdreg s30;
	s0 =	smax.u32 s0, $0x1;
	s1 =	sshrl.u32 s1, $0x3  }
0xc: {  	vm7 =	vcmask $0x1B20;
	vm8 =	vcmask $0x1F24;
	vm9 =	vcmask $0x2328;
	[dreg:$0x7] =	wrdreg s0;
	s1 =	sadd.s32 s1, s5;
	s5 =	sadd.s32 $0x1000, s5  }
0xd: {  	vm10 =	vcmask $0x272C;
	vm11 =	vcmask $0x2B30;
	vm12 =	vcmask $0x2F34;
	s23 =	simm.s32 $0x0;
	[dreg:$0x5] =	wrdreg s5;
	s1 =	sadd.s32 $0x1800, s1  }
0xe: {  	vm13 =	vcmask $0x3338;
	vm14 =	vcmask $0x373C;
	vm15 =	vmmov $0x7fff;
	s24 =	simm.s32 $0x0;
	s9 =	sadd.s32 $0x600, s3;
	[dreg:$0x6] =	wrdreg s1  }
.LBB2_1:
0xf: {  	s0 =	rddreg [dreg:$0x6];
	s1 =	simm.s32 $0x80;
	s5 =	simm.s32 $0x400  }
0x10: {  	[tilespmem:s4], [sflag:$0x3] =	stream.strided.gather [hbm4b:s0+s1], $0x200, s5, s1, $0x38;
	[tilespmem:$0x13A00] =	vst v63  }
0x11: {  	s30 =	rddreg [dreg:$0x3];
	s31 =	simm.s32 $0x200  }
0x12: {  	[tilespmem:s31], [sflag:$0x3] =	stream.linear.gather [hbm4b:s30+s4], $0x1400, $0x38;
	[tilespmem:$0x13A00] =	vst v63  }
0x13: {  	s6 =	simm.s32 $0x1600;
	s5 =	rddreg [dreg:$0x4]  }
0x14: {  	[tilespmem:s6], [sflag:$0x3] =	stream.linear.gather [hbm4b:s5+s4], $0x3200, $0x38;
	[tilespmem:$0x13A00] =	vst v63  }
0x15: {  	s7 =	rddreg [dreg:$0x5];
	s8 =	simm.s32 $0x4800  }
0x16: {  	[tilespmem:s8], [sflag:$0x3] =	stream.linear.gather [hbm4b:s7+s4], $0x3200, $0x38;
	[tilespmem:$0x13A00] =	vst v63  }
0x17: {  	_ =	swait.ge [sflag:s16], $0x200  }
0x18: {  	[sflag:s16] =	ssyncset.done $0x0  }
0x19: {  	s0 =	simm.s32 $0x10;
	[sflag:s16] =	ssyncadd.s32 $0xFFFFFE00  }
0x1a: {  	v1 =	vld [tilespmem:s0+$0xFFFFFFF0];
	_ =	sdelay $0x4  }
0x1b: {  	v0 =	vnsel vm0, $0x0, v1  }
0x1c: {  	(xrf0) =	vadd.scan.msk.s32 $0xffff, v0;
	_ =	sdelay $0x2  }
0x1d: {  	v0 =	vsel vm1, $0x0, v1  }
0x1e: {  	(xrf0) =	vadd.scan.msk.s32 $0xffff, v0;
	_ =	sdelay $0x1  }
0x1f: {  	v0, _, _ =	vpop (xrf0)  }
0x20: {  	(v2sf) =	vpush v0, $0xF;
	v0 =	vsel vm2, $0x0, v1  }
0x21: {  	(xrf0) =	vadd.scan.msk.s32 $0xffff, v0;
	_ =	sdelay $0x1  }
0x22: {  	v0, _, _ =	vpop (xrf0)  }
0x23: {  	(v2sf) =	vpush v0, $0xF;
	v0 =	vsel vm3, $0x0, v1  }
0x24: {  	(xrf0) =	vadd.scan.msk.s32 $0xffff, v0  }
0x25: {  	v0 =	vsel vm4, $0x0, v1  }
0x26: {  	(xrf0) =	vadd.scan.msk.s32 $0xffff, v0;
	v0 =	vsel vm5, $0x0, v1;
	v2, _, _ =	vpop (xrf0)  }
0x27: {  	(xrf0) =	vadd.scan.msk.s32 $0xffff, v0;
	v0 =	vsel vm6, $0x0, v1;
	(v2sf) =	vpush v2, $0xF;
	_ =	sdelay $0x2  }
0x28: {  	(xrf0) =	vadd.scan.msk.s32 $0xffff, v0;
	v0, _, _ =	vpop (xrf0)  }
0x29: {  	(v2sf) =	vpush v0, $0xF;
	_ =	sdelay $0x1  }
0x2a: {  	v0, _, _ =	vpop (xrf0)  }
0x2b: {  	(v2sf) =	vpush v0, $0xF;
	v0 =	vsel vm7, $0x0, v1;
	s10 =	spop (v2sf)  }
0x2c: {  	v2, _, _ =	vpop (xrf0);
	(xrf0) =	vadd.scan.msk.s32 $0xffff, v0;
	s11 =	sshra.s32 s10, $0xC;
	s6 =	sshrl.u32 s10, $0x6  }
0x2d: {  	(v2sf) =	vpush v2, $0xF;
	v0 =	vsel vm8, $0x0, v1;
	[smem:$0x0] =	sst s11;
	s12 =	sand.u32 $0x3F, s6  }
0x2e: {  	v2, _, _ =	vpop (xrf0);
	(xrf0) =	vadd.scan.msk.s32 $0xffff, v0;
	[smem:$0x200] =	sst s12  }
0x2f: {  	s1 =	sand.u32 $0x3F, s10;
	s5 =	spop (v2sf)  }
0x30: {  	(v2sf) =	vpush v2, $0xF;
	[smem:$0x400] =	sst s1;
	s13 =	sshra.s32 s5, $0xC;
	s14 =	sshrl.u32 s5, $0x6  }
0x31: {  	v0 =	vsel vm9, $0x0, v1;
	[smem:$0x1] =	sst s13;
	s15 =	sand.u32 $0x3F, s14  }
0x32: {  	v2, _, _ =	vpop (xrf0);
	(xrf0) =	vadd.scan.msk.s32 $0xffff, v0;
	[smem:$0x201] =	sst s15  }
0x33: {  	s21 =	sand.u32 $0x3F, s5;
	s25 =	spop (v2sf)  }
0x34: {  	(v2sf) =	vpush v2, $0xF;
	[smem:$0x401] =	sst s21;
	s26 =	sshra.s32 s25, $0xC;
	s28 =	sshrl.u32 s25, $0x6  }
0x35: {  	v0 =	vsel vm10, $0x0, v1;
	[smem:$0x2] =	sst s26;
	s29 =	sand.u32 $0x3F, s28  }
0x36: {  	v2, _, _ =	vpop (xrf0);
	(xrf0) =	vadd.scan.msk.s32 $0xffff, v0;
	[smem:$0x202] =	sst s29  }
0x37: {  	s30 =	sand.u32 $0x3F, s25;
	s31 =	spop (v2sf)  }
0x38: {  	(v2sf) =	vpush v2, $0xF;
	[smem:$0x402] =	sst s30;
	s7 =	sshra.s32 s31, $0xC;
	s8 =	sshrl.u32 s31, $0x6  }
0x39: {  	v0 =	vsel vm11, $0x0, v1;
	[smem:$0x3] =	sst s7;
	s10 =	sand.u32 $0x3F, s8  }
0x3a: {  	v2, _, _ =	vpop (xrf0);
	(xrf0) =	vadd.scan.msk.s32 $0xffff, v0;
	[smem:$0x203] =	sst s10  }
0x3b: {  	s11 =	sand.u32 $0x3F, s31;
	s12 =	spop (v2sf)  }
0x3c: {  	(v2sf) =	vpush v2, $0xF;
	[smem:$0x403] =	sst s11;
	s13 =	sshra.s32 s12, $0xC;
	s14 =	sshrl.u32 s12, $0x6  }
0x3d: {  	v0 =	vsel vm12, $0x0, v1;
	[smem:$0x4] =	sst s13;
	s15 =	sand.u32 $0x3F, s14  }
0x3e: {  	v2, _, _ =	vpop (xrf0);
	(xrf0) =	vadd.scan.msk.s32 $0xffff, v0;
	[smem:$0x204] =	sst s15  }
0x3f: {  	s21 =	sand.u32 $0x3F, s12;
	s25 =	spop (v2sf)  }
0x40: {  	(v2sf) =	vpush v2, $0xF;
	[smem:$0x404] =	sst s21;
	s26 =	sshra.s32 s25, $0xC;
	s28 =	sshrl.u32 s25, $0x6  }
0x41: {  	v0 =	vsel vm13, $0x0, v1;
	[smem:$0x5] =	sst s26;
	s29 =	sand.u32 $0x3F, s28  }
0x42: {  	v2, _, _ =	vpop (xrf0);
	(xrf0) =	vadd.scan.msk.s32 $0xffff, v0;
	[smem:$0x205] =	sst s29  }
0x43: {  	s30 =	sand.u32 $0x3F, s25;
	s31 =	spop (v2sf)  }
0x44: {  	(v2sf) =	vpush v2, $0xF;
	[smem:$0x405] =	sst s30;
	s7 =	sshra.s32 s31, $0xC;
	s8 =	sshrl.u32 s31, $0x6  }
0x45: {  	v2 =	vsel vm14, $0x0, v1;
	[smem:$0x6] =	sst s7;
	s10 =	sand.u32 $0x3F, s8  }
0x46: {  	v0 =	vld [tilespmem:s0+$0x0];
	v3, _, _ =	vpop (xrf0);
	(xrf0) =	vadd.scan.msk.s32 $0xffff, v2;
	[smem:$0x206] =	sst s10  }
0x47: {  	s11 =	sand.u32 $0x3F, s31;
	s12 =	spop (v2sf)  }
0x48: {  	(v2sf) =	vpush v3, $0xF;
	[smem:$0x406] =	sst s11;
	s13 =	sshra.s32 s12, $0xC;
	s14 =	sshrl.u32 s12, $0x6  }
0x49: {  	v1 =	vsel vm15, $0x0, v1;
	[smem:$0x7] =	sst s13;
	s15 =	sand.u32 $0x3F, s14  }
0x4a: {  	v2, _, _ =	vpop (xrf0);
	(xrf0) =	vadd.scan.msk.s32 $0xffff, v1;
	[smem:$0x207] =	sst s15  }
0x4b: {  	s21 =	sand.u32 $0x3F, s12;
	s25 =	spop (v2sf)  }
0x4c: {  	(v2sf) =	vpush v2, $0xF;
	[smem:$0x407] =	sst s21;
	s26 =	sshra.s32 s25, $0xC;
	s28 =	sshrl.u32 s25, $0x6  }
0x4d: {  	v1 =	vnsel vm0, $0x0, v0;
	[smem:$0x8] =	sst s26;
	s29 =	sand.u32 $0x3F, s28  }
0x4e: {  	v2, _, _ =	vpop (xrf0);
	(xrf0) =	vadd.scan.msk.s32 $0xffff, v1;
	[smem:$0x208] =	sst s29  }
0x4f: {  	s30 =	sand.u32 $0x3F, s25;
	s31 =	spop (v2sf)  }
0x50: {  	(v2sf) =	vpush v2, $0xF;
	[smem:$0x408] =	sst s30;
	s7 =	sshra.s32 s31, $0xC;
	s8 =	sshrl.u32 s31, $0x6  }
0x51: {  	v1 =	vsel vm1, $0x0, v0;
	[smem:$0x9] =	sst s7;
	s10 =	sand.u32 $0x3F, s8  }
0x52: {  	v2, _, _ =	vpop (xrf0);
	(xrf0) =	vadd.scan.msk.s32 $0xffff, v1;
	[smem:$0x209] =	sst s10  }
0x53: {  	s11 =	sand.u32 $0x3F, s31;
	s12 =	spop (v2sf)  }
0x54: {  	(v2sf) =	vpush v2, $0xF;
	[smem:$0x409] =	sst s11;
	s13 =	sshra.s32 s12, $0xC;
	s14 =	sshrl.u32 s12, $0x6  }
0x55: {  	v1 =	vsel vm2, $0x0, v0;
	[smem:$0xA] =	sst s13;
	s15 =	sand.u32 $0x3F, s14  }
0x56: {  	v2, _, _ =	vpop (xrf0);
	(xrf0) =	vadd.scan.msk.s32 $0xffff, v1;
	[smem:$0x20A] =	sst s15  }
0x57: {  	s21 =	sand.u32 $0x3F, s12;
	s25 =	spop (v2sf)  }
0x58: {  	(v2sf) =	vpush v2, $0xF;
	[smem:$0x40A] =	sst s21;
	s26 =	sshra.s32 s25, $0xC;
	s28 =	sshrl.u32 s25, $0x6  }
0x59: {  	v1 =	vsel vm3, $0x0, v0;
	[smem:$0xB] =	sst s26;
	s29 =	sand.u32 $0x3F, s28  }
0x5a: {  	v2, _, _ =	vpop (xrf0);
	(xrf0) =	vadd.scan.msk.s32 $0xffff, v1;
	[smem:$0x20B] =	sst s29  }
0x5b: {  	s30 =	sand.u32 $0x3F, s25;
	s31 =	spop (v2sf)  }
0x5c: {  	(v2sf) =	vpush v2, $0xF;
	[smem:$0x40B] =	sst s30;
	s7 =	sshra.s32 s31, $0xC;
	s8 =	sshrl.u32 s31, $0x6  }
0x5d: {  	v1 =	vsel vm4, $0x0, v0;
	[smem:$0xC] =	sst s7;
	s10 =	sand.u32 $0x3F, s8  }
0x5e: {  	v2, _, _ =	vpop (xrf0);
	(xrf0) =	vadd.scan.msk.s32 $0xffff, v1;
	[smem:$0x20C] =	sst s10  }
0x5f: {  	s11 =	sand.u32 $0x3F, s31;
	s12 =	spop (v2sf)  }
0x60: {  	v1 =	vsel vm5, $0x0, v0;
	(v2sf) =	vpush v2, $0xF;
	[smem:$0x40C] =	sst s11;
	s13 =	sshra.s32 s12, $0xC;
	s14 =	sshrl.u32 s12, $0x6  }
0x61: {  	(xrf0) =	vadd.scan.msk.s32 $0xffff, v1;
	v1 =	vsel vm6, $0x0, v0;
	[smem:$0xD] =	sst s13;
	s15 =	sand.u32 $0x3F, s14  }
0x62: {  	v2, _, _ =	vpop (xrf0);
	(xrf0) =	vadd.scan.msk.s32 $0xffff, v1;
	[smem:$0x20D] =	sst s15  }
0x63: {  	s21 =	sand.u32 $0x3F, s12;
	s25 =	spop (v2sf)  }
0x64: {  	(v2sf) =	vpush v2, $0xF;
	[smem:$0x40D] =	sst s21;
	s26 =	sshra.s32 s25, $0xC;
	s28 =	sshrl.u32 s25, $0x6  }
0x65: {  	[smem:$0xE] =	sst s26;
	s29 =	sand.u32 $0x3F, s28  }
0x66: {  	v1, _, _ =	vpop (xrf0);
	[smem:$0x20E] =	sst s29  }
0x67: {  	s30 =	sand.u32 $0x3F, s25;
	s31 =	spop (v2sf)  }
0x68: {  	(v2sf) =	vpush v1, $0xF;
	[smem:$0x40E] =	sst s30;
	s6 =	sshra.s32 s31, $0xC;
	s7 =	sshrl.u32 s31, $0x6  }
0x69: {  	v2 =	vsel vm7, $0x0, v0;
	v1, _, _ =	vpop (xrf0);
	[smem:$0xF] =	sst s6;
	s8 =	sand.u32 $0x3F, s7  }
0x6a: {  	(v2sf) =	vpush v1, $0xF;
	v1, _, _ =	vpop (xrf0);
	(xrf0) =	vadd.scan.msk.s32 $0xffff, v2;
	[smem:$0x20F] =	sst s8  }
0x6b: {  	s1 =	simm.s32 $0x410;
	s10 =	sand.u32 $0x3F, s31;
	s12 =	spop (v2sf)  }
0x6c: {  	(v2sf) =	vpush v1, $0xF;
	[smem:$0x40F] =	sst s10;
	s13 =	sshra.s32 s12, $0xC;
	s7 =	sshrl.u32 s12, $0x6  }
0x6d: {  	s11 =	simm.s32 $0x210;
	[smem:s0] =	sst s13;
	s14 =	sand.u32 $0x3F, s7  }
0x6e: {  	v1 =	vsel vm8, $0x0, v0;
	s5 =	sand.u32 $0x3F, s12;
	s15 =	spop (v2sf);
	[smem:s11] =	sst s14  }
0x6f: {  	(xrf0) =	vadd.scan.msk.s32 $0xffff, v1;
	s21 =	sshra.s32 s15, $0xC;
	s25 =	sshrl.u32 s15, $0x6;
	[smem:s1] =	sst s5  }
0x70: {  	v1 =	vsel vm9, $0x0, v0;
	s26 =	sand.u32 $0x3F, s25;
	[smem:$0x11] =	sst s21  }
0x71: {  	v2, _, _ =	vpop (xrf0);
	(xrf0) =	vadd.scan.msk.s32 $0xffff, v1;
	[smem:$0x211] =	sst s26  }
0x72: {  	s28 =	sand.u32 $0x3F, s15;
	s29 =	spop (v2sf)  }
0x73: {  	(v2sf) =	vpush v2, $0xF;
	[smem:$0x411] =	sst s28;
	s30 =	sshra.s32 s29, $0xC;
	s31 =	sshrl.u32 s29, $0x6  }
0x74: {  	v1 =	vsel vm10, $0x0, v0;
	[smem:$0x12] =	sst s30;
	s7 =	sand.u32 $0x3F, s31  }
0x75: {  	v2, _, _ =	vpop (xrf0);
	(xrf0) =	vadd.scan.msk.s32 $0xffff, v1;
	[smem:$0x212] =	sst s7  }
0x76: {  	s8 =	sand.u32 $0x3F, s29;
	s10 =	spop (v2sf)  }
0x77: {  	(v2sf) =	vpush v2, $0xF;
	[smem:$0x412] =	sst s8;
	s12 =	sshra.s32 s10, $0xC;
	s13 =	sshrl.u32 s10, $0x6  }
0x78: {  	v1 =	vsel vm11, $0x0, v0;
	[smem:$0x13] =	sst s12;
	s14 =	sand.u32 $0x3F, s13  }
0x79: {  	v2, _, _ =	vpop (xrf0);
	(xrf0) =	vadd.scan.msk.s32 $0xffff, v1;
	[smem:$0x213] =	sst s14  }
0x7a: {  	s15 =	sand.u32 $0x3F, s10;
	s21 =	spop (v2sf)  }
0x7b: {  	(v2sf) =	vpush v2, $0xF;
	[smem:$0x413] =	sst s15;
	s25 =	sshra.s32 s21, $0xC;
	s26 =	sshrl.u32 s21, $0x6  }
0x7c: {  	v1 =	vsel vm12, $0x0, v0;
	[smem:$0x14] =	sst s25;
	s28 =	sand.u32 $0x3F, s26  }
0x7d: {  	s29 =	spop (v2sf);
	v2, _, _ =	vpop (xrf0);
	(xrf0) =	vadd.scan.msk.s32 $0xffff, v1;
	[smem:$0x214] =	sst s28  }
0x7e: {  	s6 =	sand.u32 $0x3F, s21;
	s5 =	spop (v2sf)  }
0x7f: {  	(v2sf) =	vpush v2, $0xF;
	[smem:$0x414] =	sst s6;
	s30 =	sshra.s32 s29, $0xC;
	s8 =	sshrl.u32 s29, $0x6  }
0x80: {  	v1 =	vsel vm13, $0x0, v0;
	[smem:$0x15] =	sst s30;
	s31 =	sand.u32 $0x3F, s8  }
0x81: {  	s12 =	simm.s32 $0x10;
	s13 =	simm.s32 $0x210;
	v2, _, _ =	vpop (xrf0);
	(xrf0) =	vadd.scan.msk.s32 $0xffff, v1;
	[smem:$0x215] =	sst s31  }
0x82: {  	s14 =	simm.s32 $0x30;
	s15 =	simm.s32 $0x0;
	s7 =	sand.u32 $0x3F, s29;
	(v2sf) =	vpush v2, $0xF  }
0x83: {  	s6 =	sshra.s32 s5, $0xC;
	[smem:$0x415] =	sst s7;
	s7 =	sshrl.u32 s5, $0x6;
	v2 =	vsel vm14, $0x0, v0  }
.LBB2_2:
0x84: {  	v1 =	vld [tilespmem:s14+$0xFFFFFFF0];
	[smem:s0+$0x6] =	sst s6;
	s6 =	sand.u32 $0x3F, s7;
	v3, _, _ =	vpop (xrf0);
	(xrf0) =	vadd.scan.msk.s32 $0xffff, v2  }
0x85: {  	s5 =	sand.u32 $0x3F, s5;
	[smem:s11+$0x6] =	sst s6;
	s6 =	spop (v2sf);
	(v2sf) =	vpush v3, $0xF  }
0x86: {  	v0 =	vsel vm15, $0x0, v0;
	[smem:s1+$0x6] =	sst s5;
	s5 =	sshra.s32 s6, $0xC;
	s7 =	sshrl.u32 s6, $0x6  }
0x87: {  	[smem:s0+$0x7] =	sst s5;
	s5 =	sand.u32 $0x3F, s7;
	v2, _, _ =	vpop (xrf0);
	(xrf0) =	vadd.scan.msk.s32 $0xffff, v0  }
0x88: {  	[smem:s11+$0x7] =	sst s5;
	s5 =	sand.u32 $0x3F, s6;
	s6 =	spop (v2sf);
	(v2sf) =	vpush v2, $0xF  }
0x89: {  	v2 =	vnsel vm0, $0x0, v1;
	[smem:s1+$0x7] =	sst s5;
	s5 =	sshra.s32 s6, $0xC;
	s7 =	sshrl.u32 s6, $0x6  }
0x8a: {  	(xrf0) =	vadd.scan.msk.s32 $0xffff, v2;
	[smem:s0+$0x8] =	sst s5;
	s5 =	sand.u32 $0x3F, s7;
	v0, _, _ =	vpop (xrf0)  }
0x8b: {  	[smem:s11+$0x8] =	sst s5;
	s5 =	sand.u32 $0x3F, s6;
	s6 =	spop (v2sf);
	(v2sf) =	vpush v0, $0xF  }
0x8c: {  	v2 =	vsel vm1, $0x0, v1;
	[smem:s1+$0x8] =	sst s5;
	s5 =	sshra.s32 s6, $0xC;
	s7 =	sshrl.u32 s6, $0x6  }
0x8d: {  	(xrf0) =	vadd.scan.msk.s32 $0xffff, v2;
	[smem:s0+$0x9] =	sst s5;
	s5 =	sand.u32 $0x3F, s7;
	v0, _, _ =	vpop (xrf0)  }
0x8e: {  	[smem:s11+$0x9] =	sst s5;
	s5 =	sand.u32 $0x3F, s6;
	s6 =	spop (v2sf);
	(v2sf) =	vpush v0, $0xF  }
0x8f: {  	v0 =	vsel vm2, $0x0, v1;
	[smem:s1+$0x9] =	sst s5;
	s5 =	sshra.s32 s6, $0xC;
	s7 =	sshrl.u32 s6, $0x6  }
0x90: {  	v2, _, _ =	vpop (xrf0);
	(xrf0) =	vadd.scan.msk.s32 $0xffff, v0;
	[smem:s0+$0xA] =	sst s5;
	s5 =	sand.u32 $0x3F, s7  }
0x91: {  	(v2sf) =	vpush v2, $0xF;
	[smem:s11+$0xA] =	sst s5;
	s5 =	sand.u32 $0x3F, s6;
	s6 =	spop (v2sf)  }
0x92: {  	v0 =	vsel vm3, $0x0, v1;
	[smem:s1+$0xA] =	sst s5;
	s5 =	sshra.s32 s6, $0xC;
	s7 =	sshrl.u32 s6, $0x6  }
0x93: {  	v2, _, _ =	vpop (xrf0);
	(xrf0) =	vadd.scan.msk.s32 $0xffff, v0;
	[smem:s0+$0xB] =	sst s5;
	s5 =	sand.u32 $0x3F, s7  }
0x94: {  	(v2sf) =	vpush v2, $0xF;
	[smem:s11+$0xB] =	sst s5;
	s5 =	sand.u32 $0x3F, s6;
	s6 =	spop (v2sf)  }
0x95: {  	v0 =	vsel vm4, $0x0, v1;
	[smem:s1+$0xB] =	sst s5;
	s5 =	sshra.s32 s6, $0xC;
	s7 =	sshrl.u32 s6, $0x6  }
0x96: {  	v2, _, _ =	vpop (xrf0);
	(xrf0) =	vadd.scan.msk.s32 $0xffff, v0;
	[smem:s0+$0xC] =	sst s5;
	s5 =	sand.u32 $0x3F, s7  }
0x97: {  	(v2sf) =	vpush v2, $0xF;
	[smem:s11+$0xC] =	sst s5;
	s5 =	sand.u32 $0x3F, s6;
	s6 =	spop (v2sf)  }
0x98: {  	v0 =	vsel vm5, $0x0, v1;
	[smem:s1+$0xC] =	sst s5;
	s5 =	sshra.s32 s6, $0xC;
	s7 =	sshrl.u32 s6, $0x6  }
0x99: {  	v2, _, _ =	vpop (xrf0);
	(xrf0) =	vadd.scan.msk.s32 $0xffff, v0;
	[smem:s0+$0xD] =	sst s5;
	s5 =	sand.u32 $0x3F, s7  }
0x9a: {  	(v2sf) =	vpush v2, $0xF;
	[smem:s11+$0xD] =	sst s5;
	s5 =	sand.u32 $0x3F, s6;
	s6 =	spop (v2sf)  }
0x9b: {  	v0 =	vsel vm6, $0x0, v1;
	[smem:s1+$0xD] =	sst s5;
	s5 =	sshra.s32 s6, $0xC;
	s7 =	sshrl.u32 s6, $0x6  }
0x9c: {  	s0 =	sadd.s32 $0x20, s0;
	v2, _, _ =	vpop (xrf0);
	(xrf0) =	vadd.scan.msk.s32 $0xffff, v0;
	[smem:s12+$0xE] =	sst s5;
	s5 =	sand.u32 $0x3F, s7  }
0x9d: {  	(v2sf) =	vpush v2, $0xF;
	[smem:s11+$0xE] =	sst s5;
	s5 =	sand.u32 $0x3F, s6;
	s6 =	spop (v2sf)  }
0x9e: {  	v0 =	vsel vm7, $0x0, v1;
	[smem:s1+$0xE] =	sst s5;
	s5 =	sshra.s32 s6, $0xC;
	s7 =	sshrl.u32 s6, $0x6  }
0x9f: {  	s11 =	sadd.s32 $0x20, s11;
	v2, _, _ =	vpop (xrf0);
	(xrf0) =	vadd.scan.msk.s32 $0xffff, v0;
	[smem:s12+$0xF] =	sst s5;
	s5 =	sand.u32 $0x3F, s7  }
0xa0: {  	s7 =	spop (v2sf);
	(v2sf) =	vpush v2, $0xF;
	[smem:s13+$0xF] =	sst s5;
	s5 =	sand.u32 $0x3F, s6  }
0xa1: {  	v0 =	vsel vm8, $0x0, v1;
	s6 =	sshra.s32 s7, $0xC;
	s8 =	sshrl.u32 s7, $0x6;
	[smem:s1+$0xF] =	sst s5  }
0xa2: {  	s1 =	sadd.s32 $0x20, s1;
	[smem:s0+$0xFFFFFFF0] =	sst s6;
	s5 =	sand.u32 $0x3F, s8;
	v2, _, _ =	vpop (xrf0);
	(xrf0) =	vadd.scan.msk.s32 $0xffff, v0  }
0xa3: {  	[smem:s11+$0xFFFFFFF0] =	sst s5;
	s5 =	sand.u32 $0x3F, s7;
	s6 =	spop (v2sf);
	(v2sf) =	vpush v2, $0xF  }
0xa4: {  	v0 =	vsel vm9, $0x0, v1;
	[smem:s1+$0xFFFFFFF0] =	sst s5;
	s5 =	sshra.s32 s6, $0xC;
	s7 =	sshrl.u32 s6, $0x6  }
0xa5: {  	s12 =	smov.u32 s0;
	[smem:s0+$0xFFFFFFF1] =	sst s5;
	s5 =	sand.u32 $0x3F, s7;
	v2, _, _ =	vpop (xrf0);
	(xrf0) =	vadd.scan.msk.s32 $0xffff, v0  }
0xa6: {  	[smem:s11+$0xFFFFFFF1] =	sst s5;
	s5 =	sand.u32 $0x3F, s6;
	s6 =	spop (v2sf);
	(v2sf) =	vpush v2, $0xF  }
0xa7: {  	v0 =	vsel vm10, $0x0, v1;
	[smem:s1+$0xFFFFFFF1] =	sst s5;
	s5 =	sshra.s32 s6, $0xC;
	s7 =	sshrl.u32 s6, $0x6  }
0xa8: {  	s13 =	smov.u32 s11;
	[smem:s0+$0xFFFFFFF2] =	sst s5;
	s5 =	sand.u32 $0x3F, s7;
	v2, _, _ =	vpop (xrf0);
	(xrf0) =	vadd.scan.msk.s32 $0xffff, v0  }
0xa9: {  	[smem:s11+$0xFFFFFFF2] =	sst s5;
	s5 =	sand.u32 $0x3F, s6;
	s6 =	spop (v2sf);
	(v2sf) =	vpush v2, $0xF  }
0xaa: {  	v0 =	vsel vm11, $0x0, v1;
	[smem:s1+$0xFFFFFFF2] =	sst s5;
	s5 =	sshra.s32 s6, $0xC;
	s7 =	sshrl.u32 s6, $0x6  }
0xab: {  	[smem:s0+$0xFFFFFFF3] =	sst s5;
	s5 =	sand.u32 $0x3F, s7;
	v2, _, _ =	vpop (xrf0);
	(xrf0) =	vadd.scan.msk.s32 $0xffff, v0  }
0xac: {  	[smem:s11+$0xFFFFFFF3] =	sst s5;
	s5 =	sand.u32 $0x3F, s6;
	s6 =	spop (v2sf);
	(v2sf) =	vpush v2, $0xF  }
0xad: {  	v0 =	vsel vm12, $0x0, v1;
	[smem:s1+$0xFFFFFFF3] =	sst s5;
	s5 =	sshra.s32 s6, $0xC;
	s7 =	sshrl.u32 s6, $0x6  }
0xae: {  	[smem:s0+$0xFFFFFFF4] =	sst s5;
	s5 =	sand.u32 $0x3F, s7;
	v2, _, _ =	vpop (xrf0);
	(xrf0) =	vadd.scan.msk.s32 $0xffff, v0  }
0xaf: {  	[smem:s11+$0xFFFFFFF4] =	sst s5;
	s5 =	sand.u32 $0x3F, s6;
	s6 =	spop (v2sf);
	(v2sf) =	vpush v2, $0xF  }
0xb0: {  	v0 =	vsel vm13, $0x0, v1;
	[smem:s1+$0xFFFFFFF4] =	sst s5;
	s5 =	sshra.s32 s6, $0xC;
	s7 =	sshrl.u32 s6, $0x6  }
0xb1: {  	[smem:s0+$0xFFFFFFF5] =	sst s5;
	s5 =	sand.u32 $0x3F, s7;
	v2, _, _ =	vpop (xrf0);
	(xrf0) =	vadd.scan.msk.s32 $0xffff, v0  }
0xb2: {  	[smem:s11+$0xFFFFFFF5] =	sst s5;
	s5 =	sand.u32 $0x3F, s6;
	s6 =	spop (v2sf);
	(v2sf) =	vpush v2, $0xF  }
0xb3: {  	v2 =	vsel vm14, $0x0, v1;
	[smem:s1+$0xFFFFFFF5] =	sst s5;
	s5 =	sshra.s32 s6, $0xC;
	s7 =	sshrl.u32 s6, $0x6  }
0xb4: {  	[smem:s0+$0xFFFFFFF6] =	sst s5;
	s5 =	sand.u32 $0x3F, s7;
	v0 =	vld [tilespmem:s14+$0x0];
	v3, _, _ =	vpop (xrf0);
	(xrf0) =	vadd.scan.msk.s32 $0xffff, v2  }
0xb5: {  	[smem:s11+$0xFFFFFFF6] =	sst s5;
	s5 =	sand.u32 $0x3F, s6;
	s6 =	spop (v2sf);
	(v2sf) =	vpush v3, $0xF  }
0xb6: {  	v1 =	vsel vm15, $0x0, v1;
	[smem:s1+$0xFFFFFFF6] =	sst s5;
	s5 =	sshra.s32 s6, $0xC;
	s7 =	sshrl.u32 s6, $0x6  }
0xb7: {  	[smem:s0+$0xFFFFFFF7] =	sst s5;
	s5 =	sand.u32 $0x3F, s7;
	v2, _, _ =	vpop (xrf0);
	(xrf0) =	vadd.scan.msk.s32 $0xffff, v1  }
0xb8: {  	[smem:s11+$0xFFFFFFF7] =	sst s5;
	s5 =	sand.u32 $0x3F, s6;
	s6 =	spop (v2sf);
	(v2sf) =	vpush v2, $0xF  }
0xb9: {  	[smem:s1+$0xFFFFFFF7] =	sst s5;
	s5 =	sshra.s32 s6, $0xC;
	s7 =	sshrl.u32 s6, $0x6;
	v1 =	vnsel vm0, $0x0, v0  }
0xba: {  	[smem:s0+$0xFFFFFFF8] =	sst s5;
	s5 =	sand.u32 $0x3F, s7;
	v2, _, _ =	vpop (xrf0);
	(xrf0) =	vadd.scan.msk.s32 $0xffff, v1  }
0xbb: {  	[smem:s11+$0xFFFFFFF8] =	sst s5;
	s5 =	sand.u32 $0x3F, s6;
	s6 =	spop (v2sf);
	(v2sf) =	vpush v2, $0xF  }
0xbc: {  	v1 =	vsel vm1, $0x0, v0;
	[smem:s1+$0xFFFFFFF8] =	sst s5;
	s5 =	sshra.s32 s6, $0xC;
	s7 =	sshrl.u32 s6, $0x6  }
0xbd: {  	[smem:s0+$0xFFFFFFF9] =	sst s5;
	s5 =	sand.u32 $0x3F, s7;
	v2, _, _ =	vpop (xrf0);
	(xrf0) =	vadd.scan.msk.s32 $0xffff, v1  }
0xbe: {  	[smem:s11+$0xFFFFFFF9] =	sst s5;
	s5 =	sand.u32 $0x3F, s6;
	s6 =	spop (v2sf);
	(v2sf) =	vpush v2, $0xF  }
0xbf: {  	v1 =	vsel vm2, $0x0, v0;
	[smem:s1+$0xFFFFFFF9] =	sst s5;
	s5 =	sshra.s32 s6, $0xC;
	s7 =	sshrl.u32 s6, $0x6  }
0xc0: {  	[smem:s0+$0xFFFFFFFA] =	sst s5;
	s5 =	sand.u32 $0x3F, s7;
	v2, _, _ =	vpop (xrf0);
	(xrf0) =	vadd.scan.msk.s32 $0xffff, v1  }
0xc1: {  	[smem:s11+$0xFFFFFFFA] =	sst s5;
	s5 =	sand.u32 $0x3F, s6;
	s6 =	spop (v2sf);
	(v2sf) =	vpush v2, $0xF  }
0xc2: {  	v1 =	vsel vm3, $0x0, v0;
	[smem:s1+$0xFFFFFFFA] =	sst s5;
	s5 =	sshra.s32 s6, $0xC;
	s7 =	sshrl.u32 s6, $0x6  }
0xc3: {  	[smem:s0+$0xFFFFFFFB] =	sst s5;
	s5 =	sand.u32 $0x3F, s7;
	v2, _, _ =	vpop (xrf0);
	(xrf0) =	vadd.scan.msk.s32 $0xffff, v1  }
0xc4: {  	[smem:s11+$0xFFFFFFFB] =	sst s5;
	s5 =	sand.u32 $0x3F, s6;
	s6 =	spop (v2sf);
	(v2sf) =	vpush v2, $0xF  }
0xc5: {  	v1 =	vsel vm4, $0x0, v0;
	[smem:s1+$0xFFFFFFFB] =	sst s5;
	s5 =	sshra.s32 s6, $0xC;
	s7 =	sshrl.u32 s6, $0x6  }
0xc6: {  	[smem:s0+$0xFFFFFFFC] =	sst s5;
	s5 =	sand.u32 $0x3F, s7;
	v2, _, _ =	vpop (xrf0);
	(xrf0) =	vadd.scan.msk.s32 $0xffff, v1  }
0xc7: {  	v3 =	vsel vm5, $0x0, v0;
	[smem:s11+$0xFFFFFFFC] =	sst s5;
	s5 =	sand.u32 $0x3F, s6;
	s6 =	spop (v2sf);
	(v2sf) =	vpush v2, $0xF  }
0xc8: {  	v2 =	vsel vm6, $0x0, v0;
	[smem:s1+$0xFFFFFFFC] =	sst s5;
	s5 =	sshra.s32 s6, $0xC;
	s7 =	sshrl.u32 s6, $0x6;
	(xrf0) =	vadd.scan.msk.s32 $0xffff, v3  }
0xc9: {  	[smem:s0+$0xFFFFFFFD] =	sst s5;
	s5 =	sand.u32 $0x3F, s7;
	v1, _, _ =	vpop (xrf0);
	(xrf0) =	vadd.scan.msk.s32 $0xffff, v2  }
0xca: {  	[smem:s11+$0xFFFFFFFD] =	sst s5;
	s5 =	sand.u32 $0x3F, s6;
	s6 =	spop (v2sf);
	(v2sf) =	vpush v1, $0xF  }
0xcb: {  	[smem:s1+$0xFFFFFFFD] =	sst s5;
	s5 =	sshra.s32 s6, $0xC;
	s7 =	sshrl.u32 s6, $0x6  }
0xcc: {  	[smem:s0+$0xFFFFFFFE] =	sst s5;
	s5 =	sand.u32 $0x3F, s7;
	v1, _, _ =	vpop (xrf0)  }
0xcd: {  	[smem:s11+$0xFFFFFFFE] =	sst s5;
	s5 =	sand.u32 $0x3F, s6;
	s6 =	spop (v2sf);
	(v2sf) =	vpush v1, $0xF  }
0xce: {  	v1 =	vsel vm7, $0x0, v0;
	[smem:s1+$0xFFFFFFFE] =	sst s5;
	s5 =	sshra.s32 s6, $0xC;
	s7 =	sshrl.u32 s6, $0x6;
	v2, _, _ =	vpop (xrf0)  }
0xcf: {  	[smem:s0+$0xFFFFFFFF] =	sst s5;
	s5 =	sand.u32 $0x3F, s7;
	(v2sf) =	vpush v2, $0xF;
	v2, _, _ =	vpop (xrf0);
	(xrf0) =	vadd.scan.msk.s32 $0xffff, v1  }
0xd0: {  	[smem:s11+$0xFFFFFFFF] =	sst s5;
	s5 =	sand.u32 $0x3F, s6;
	s6 =	spop (v2sf);
	(v2sf) =	vpush v2, $0xF  }
0xd1: {  	v1 =	vsel vm8, $0x0, v0;
	[smem:s1+$0xFFFFFFFF] =	sst s5;
	s5 =	sshra.s32 s6, $0xC;
	s7 =	sshrl.u32 s6, $0x6  }
0xd2: {  	[smem:s0] =	sst s5;
	s5 =	sand.u32 $0x3F, s7;
	(xrf0) =	vadd.scan.msk.s32 $0xffff, v1  }
0xd3: {  	[smem:s11] =	sst s5;
	s5 =	sand.u32 $0x3F, s6;
	s6 =	spop (v2sf)  }
0xd4: {  	v1 =	vsel vm9, $0x0, v0;
	[smem:s1] =	sst s5;
	s5 =	sshra.s32 s6, $0xC;
	s7 =	sshrl.u32 s6, $0x6  }
0xd5: {  	[smem:s0+$0x1] =	sst s5;
	s5 =	sand.u32 $0x3F, s7;
	v2, _, _ =	vpop (xrf0);
	(xrf0) =	vadd.scan.msk.s32 $0xffff, v1  }
0xd6: {  	[smem:s11+$0x1] =	sst s5;
	s5 =	sand.u32 $0x3F, s6;
	s6 =	spop (v2sf);
	(v2sf) =	vpush v2, $0xF  }
0xd7: {  	v1 =	vsel vm10, $0x0, v0;
	[smem:s1+$0x1] =	sst s5;
	s5 =	sshra.s32 s6, $0xC;
	s7 =	sshrl.u32 s6, $0x6  }
0xd8: {  	s15 =	sadd.s32 $0x2, s15;
	[smem:s0+$0x2] =	sst s5;
	s5 =	sand.u32 $0x3F, s7;
	v2, _, _ =	vpop (xrf0);
	(xrf0) =	vadd.scan.msk.s32 $0xffff, v1  }
0xd9: {  	[smem:s11+$0x2] =	sst s5;
	s5 =	sand.u32 $0x3F, s6;
	s6 =	spop (v2sf);
	(v2sf) =	vpush v2, $0xF  }
0xda: {  	v1 =	vsel vm11, $0x0, v0;
	[smem:s1+$0x2] =	sst s5;
	s5 =	sshra.s32 s6, $0xC;
	s7 =	sshrl.u32 s6, $0x6  }
0xdb: {  	s14 =	sadd.s32 $0x20, s14;
	[smem:s0+$0x3] =	sst s5;
	s5 =	sand.u32 $0x3F, s7;
	v2, _, _ =	vpop (xrf0);
	(xrf0) =	vadd.scan.msk.s32 $0xffff, v1  }
0xdc: {  	[smem:s11+$0x3] =	sst s5;
	s5 =	sand.u32 $0x3F, s6;
	s6 =	spop (v2sf);
	(v2sf) =	vpush v2, $0xF  }
0xdd: {  	v1 =	vsel vm12, $0x0, v0;
	[smem:s1+$0x3] =	sst s5;
	s5 =	sshra.s32 s6, $0xC;
	s7 =	sshrl.u32 s6, $0x6  }
0xde: {  	[smem:s0+$0x4] =	sst s5;
	s5 =	sand.u32 $0x3F, s7;
	s7 =	spop (v2sf);
	v2, _, _ =	vpop (xrf0);
	(xrf0) =	vadd.scan.msk.s32 $0xffff, v1  }
0xdf: {  	p0 =	slt.u32 s15, $0x1E;
	[smem:s11+$0x4] =	sst s5  }
.Ltmp0:
0xe0: {  	s6 =	sand.u32 $0x3F, s6;
	s5 =	spop (v2sf);
	(v2sf) =	vpush v2, $0xF;
	(pc) =	sbr.rel @p0 .LBB2_2-.Ltmp0, $4  }
0xe1: {  	v1 =	vsel vm13, $0x0, v0;
	s8 =	sshrl.u32 s7, $0x6;
	[smem:s1+$0x4] =	sst s6;
	s6 =	sshra.s32 s7, $0xC  }
0xe2: {  	s7 =	sand.u32 $0x3F, s7;
	[smem:s0+$0x5] =	sst s6;
	s6 =	sand.u32 $0x3F, s8;
	v2, _, _ =	vpop (xrf0);
	(xrf0) =	vadd.scan.msk.s32 $0xffff, v1  }
0xe3: {  	[smem:s11+$0x5] =	sst s6;
	s6 =	sshra.s32 s5, $0xC;
	(v2sf) =	vpush v2, $0xF  }
0xe4: {  	v2 =	vsel vm14, $0x0, v0;
	[smem:s1+$0x5] =	sst s7;
	s7 =	sshrl.u32 s5, $0x6  }
0xe5: {  	[smem:s0+$0x6] =	sst s6;
	s8 =	sand.u32 $0x3F, s7;
	v1, _, _ =	vpop (xrf0);
	(xrf0) =	vadd.scan.msk.s32 $0xffff, v2  }
0xe6: {  	s5 =	sand.u32 $0x3F, s5;
	s10 =	spop (v2sf);
	[smem:s11+$0x6] =	sst s8;
	(v2sf) =	vpush v1, $0xF  }
0xe7: {  	v0 =	vsel vm15, $0x0, v0;
	s14 =	sshra.s32 s10, $0xC;
	s15 =	sshrl.u32 s10, $0x6;
	[smem:s1+$0x6] =	sst s5  }
0xe8: {  	s21 =	sand.u32 $0x3F, s15;
	[smem:s0+$0x7] =	sst s14;
	v61, _, _ =	vpop (xrf0);
	(xrf0) =	vadd.scan.msk.s32 $0xffff, v0  }
0xe9: {  	s25 =	sand.u32 $0x3F, s10;
	s26 =	spop (v2sf);
	[smem:s11+$0x7] =	sst s21;
	(v2sf) =	vpush v61, $0xF  }
0xea: {  	s8 =	sshra.s32 s26, $0xC;
	s10 =	sshrl.u32 s26, $0x6;
	[smem:s1+$0x7] =	sst s25  }
0xeb: {  	s14 =	sand.u32 $0x3F, s10;
	[smem:s0+$0x8] =	sst s8;
	v62, _, _ =	vpop (xrf0)  }
0xec: {  	s15 =	sand.u32 $0x3F, s26;
	s21 =	spop (v2sf);
	[smem:s11+$0x8] =	sst s14;
	(v2sf) =	vpush v62, $0xF  }
0xed: {  	s25 =	sshra.s32 s21, $0xC;
	s26 =	sshrl.u32 s21, $0x6;
	[smem:s1+$0x8] =	sst s15  }
0xee: {  	s7 =	sand.u32 $0x3F, s26;
	[smem:s0+$0x9] =	sst s25;
	v63, _, _ =	vpop (xrf0)  }
0xef: {  	s8 =	sand.u32 $0x3F, s21;
	[smem:s11+$0x9] =	sst s7;
	s10 =	spop (v2sf);
	(v2sf) =	vpush v63, $0xF  }
0xf0: {  	[smem:s1+$0x9] =	sst s8;
	s14 =	sshra.s32 s10, $0xC;
	s15 =	sshrl.u32 s10, $0x6  }
0xf1: {  	[smem:s0+$0xA] =	sst s14;
	s21 =	sand.u32 $0x3F, s15  }
0xf2: {  	s25 =	sand.u32 $0x3F, s10;
	[smem:s11+$0xA] =	sst s21;
	s26 =	spop (v2sf)  }
0xf3: {  	[smem:s1+$0xA] =	sst s25;
	s8 =	sshra.s32 s26, $0xC;
	s10 =	sshrl.u32 s26, $0x6  }
0xf4: {  	[smem:s0+$0xB] =	sst s8;
	s14 =	sand.u32 $0x3F, s10  }
0xf5: {  	s15 =	sand.u32 $0x3F, s26;
	[smem:s11+$0xB] =	sst s14;
	s21 =	spop (v2sf)  }
0xf6: {  	[smem:s1+$0xB] =	sst s15;
	s25 =	sshra.s32 s21, $0xC;
	s26 =	sshrl.u32 s21, $0x6  }
0xf7: {  	[smem:s0+$0xC] =	sst s25;
	s7 =	sand.u32 $0x3F, s26  }
0xf8: {  	s8 =	sand.u32 $0x3F, s21;
	[smem:s11+$0xC] =	sst s7;
	s10 =	spop (v2sf)  }
0xf9: {  	[smem:s1+$0xC] =	sst s8;
	s14 =	sshra.s32 s10, $0xC;
	s15 =	sshrl.u32 s10, $0x6  }
0xfa: {  	[smem:s0+$0xD] =	sst s14;
	s21 =	sand.u32 $0x3F, s15  }
0xfb: {  	s25 =	sand.u32 $0x3F, s10;
	[smem:s11+$0xD] =	sst s21;
	s26 =	spop (v2sf)  }
0xfc: {  	[smem:s1+$0xD] =	sst s25;
	s7 =	sshra.s32 s26, $0xC;
	s8 =	sshrl.u32 s26, $0x6  }
0xfd: {  	[smem:s12+$0xE] =	sst s7;
	s10 =	sand.u32 $0x3F, s8  }
0xfe: {  	[smem:s11+$0xE] =	sst s10;
	s11 =	sand.u32 $0x3F, s26;
	s14 =	spop (v2sf)  }
0xff: {  	[smem:s1+$0xE] =	sst s11;
	s15 =	sshra.s32 s14, $0xC;
	s21 =	sshrl.u32 s14, $0x6  }
0x100: {  	[smem:s12+$0xF] =	sst s15;
	s25 =	sand.u32 $0x3F, s21  }
0x101: {  	s26 =	sand.u32 $0x3F, s14;
	[smem:s13+$0xF] =	sst s25  }
0x102: {  	[smem:s1+$0xF] =	sst s26  }
0x103: {  	_ =	swait.ge [sflag:s16], $0x1400  }
0x104: {  	[sflag:s16] =	ssyncset.done $0x0  }
0x105: {  	[sflag:s16] =	ssyncadd.s32 $0xFFFFEC00  }
0x106: {  	_ =	swait.ge [sflag:s16], $0x3200  }
0x107: {  	[sflag:s16] =	ssyncset.done $0x0  }
0x108: {  	s28 =	simm.s32 $0x10;
	[sflag:s16] =	ssyncadd.s32 $0xFFFFCE00  }
0x109: {  	s29 =	simm.s32 $0x210;
	s30 =	simm.s32 $0x410;
	_ =	swait.ge [sflag:s16], $0x3200  }
0x10a: {  	s31 =	simm.s32 $0x0;
	s25 =	simm.s32 $0x200;
	[sflag:s16] =	ssyncset.done $0x0  }
0x10b: {  	s26 =	simm.s32 $0x400;
	s1 =	simm.s32 $0x0;
	[sflag:s16] =	ssyncadd.s32 $0xFFFFCE00  }
.LBB2_4:
0x10c: {  	p0 =	seq.s32 s1, $0x0  }
0x10d: {  	s0 =	simm.s32 @!p0 $0x1  }
0x10e: {  	_ =	swait.ge @!p0 [sflag:s0], $0x3000  }
0x10f: {  	[sflag:s0] =	ssyncset.done @!p0 $0x0  }
0x110: {  	[sflag:s0] =	ssyncadd.s32 @!p0 $0xFFFFD000  }
0x111: {  	_ =	swait.ge @!p0 [sflag:s0], $0x3000  }
0x112: {  	[sflag:s0] =	ssyncset.done @!p0 $0x0  }
0x113: {  	[sflag:s0] =	ssyncadd.s32 @!p0 $0xFFFFD000  }
0x114: {  	s0 =	sld [smem:s31+$0x0];
	_ =	sdelay $0x2  }
0x115: {  	s0 =	sshll.u32 s0, $0xC  }
0x116: {  	s0 =	sshra.s32 s0, $0x2  }
0x117: {  	v0 =	vld [tilespmem:s0+$0x250]  }
0x118: {  	v1 =	vld [tilespmem:s0+$0x260]  }
0x119: {  	s5 =	simm.s32 $0x0;
	v2 =	vld [tilespmem:s0+$0x200]  }
0x11a: {  	s5 =	smul.u32 $0xC000, s5;
	v3 =	vld [tilespmem:s0+$0x210]  }
0x11b: {  	v4 =	vld [tilespmem:s0+$0x220]  }
0x11c: {  	s6 =	sand.u32 $0x380, s24;
	s5 =	sshra.s32 s5, $0x2;
	v5 =	vld [tilespmem:s0+$0x230]  }
0x11d: {  	s11 =	sor.u32 s6, s5;
	v6 =	vld [tilespmem:s0+$0x240]  }
0x11e: {  	v7 =	vld [tilespmem:s0+$0x270];
	[tilespmem:s11+$0x7A00] =	vst v2  }
0x11f: {  	v2 =	vld [tilespmem:s0+$0x280];
	[tilespmem:s11+$0x7A10] =	vst v3  }
0x120: {  	v3 =	vld [tilespmem:s0+$0x290];
	[tilespmem:s11+$0x7A20] =	vst v4  }
0x121: {  	v4 =	vld [tilespmem:s0+$0x2A0];
	[tilespmem:s11+$0x7A30] =	vst v5  }
0x122: {  	v5 =	vld [tilespmem:s0+$0x2B0];
	[tilespmem:s11+$0x7A40] =	vst v6  }
0x123: {  	v6 =	vld [tilespmem:s0+$0x2C0];
	[tilespmem:s11+$0x7A50] =	vst v0  }
0x124: {  	v0 =	vld [tilespmem:s0+$0x2D0];
	[tilespmem:s11+$0x7A60] =	vst v1  }
0x125: {  	v1 =	vld [tilespmem:s0+$0x2E0];
	[tilespmem:s11+$0x7A70] =	vst v7  }
0x126: {  	v7 =	vld [tilespmem:s0+$0x2F0];
	[tilespmem:s11+$0x7E00] =	vst v2  }
0x127: {  	v2 =	vld [tilespmem:s0+$0x300];
	[tilespmem:s11+$0x7E10] =	vst v3  }
0x128: {  	v3 =	vld [tilespmem:s0+$0x310];
	[tilespmem:s11+$0x7E20] =	vst v4  }
0x129: {  	v4 =	vld [tilespmem:s0+$0x320];
	[tilespmem:s11+$0x7E30] =	vst v5  }
0x12a: {  	v5 =	vld [tilespmem:s0+$0x330];
	[tilespmem:s11+$0x7E40] =	vst v6  }
0x12b: {  	v6 =	vld [tilespmem:s0+$0x340];
	[tilespmem:s11+$0x7E50] =	vst v0  }
0x12c: {  	v0 =	vld [tilespmem:s0+$0x350];
	[tilespmem:s11+$0x7E60] =	vst v1  }
0x12d: {  	v1 =	vld [tilespmem:s0+$0x360];
	[tilespmem:s11+$0x7E70] =	vst v7  }
0x12e: {  	v7 =	vld [tilespmem:s0+$0x370];
	[tilespmem:s11+$0x8200] =	vst v2  }
0x12f: {  	v2 =	vld [tilespmem:s0+$0x380];
	[tilespmem:s11+$0x8210] =	vst v3  }
0x130: {  	v3 =	vld [tilespmem:s0+$0x390];
	[tilespmem:s11+$0x8220] =	vst v4  }
0x131: {  	v4 =	vld [tilespmem:s0+$0x3A0];
	[tilespmem:s11+$0x8230] =	vst v5  }
0x132: {  	v5 =	vld [tilespmem:s0+$0x3B0];
	[tilespmem:s11+$0x8240] =	vst v6  }
0x133: {  	v6 =	vld [tilespmem:s0+$0x3C0];
	[tilespmem:s11+$0x8250] =	vst v0  }
0x134: {  	v0 =	vld [tilespmem:s0+$0x3D0];
	[tilespmem:s11+$0x8260] =	vst v1  }
0x135: {  	v1 =	vld [tilespmem:s0+$0x3E0];
	[tilespmem:s11+$0x8270] =	vst v7  }
0x136: {  	v7 =	vld [tilespmem:s0+$0x3F0];
	[tilespmem:s11+$0x8600] =	vst v2  }
0x137: {  	v2 =	vld [tilespmem:s0+$0x400];
	[tilespmem:s11+$0x8610] =	vst v3  }
0x138: {  	v3 =	vld [tilespmem:s0+$0x410];
	[tilespmem:s11+$0x8620] =	vst v4  }
0x139: {  	v4 =	vld [tilespmem:s0+$0x420];
	[tilespmem:s11+$0x8630] =	vst v5  }
0x13a: {  	v5 =	vld [tilespmem:s0+$0x430];
	[tilespmem:s11+$0x8640] =	vst v6  }
0x13b: {  	v6 =	vld [tilespmem:s0+$0x440];
	[tilespmem:s11+$0x8650] =	vst v0  }
0x13c: {  	v0 =	vld [tilespmem:s0+$0x450];
	[tilespmem:s11+$0x8660] =	vst v1  }
0x13d: {  	v1 =	vld [tilespmem:s0+$0x460];
	[tilespmem:s11+$0x8670] =	vst v7  }
0x13e: {  	v7 =	vld [tilespmem:s0+$0x470];
	[tilespmem:s11+$0x8A00] =	vst v2  }
0x13f: {  	v2 =	vld [tilespmem:s0+$0x480];
	[tilespmem:s11+$0x8A10] =	vst v3  }
0x140: {  	v3 =	vld [tilespmem:s0+$0x490];
	[tilespmem:s11+$0x8A20] =	vst v4  }
0x141: {  	v4 =	vld [tilespmem:s0+$0x4A0];
	[tilespmem:s11+$0x8A30] =	vst v5  }
0x142: {  	v5 =	vld [tilespmem:s0+$0x4B0];
	[tilespmem:s11+$0x8A40] =	vst v6  }
0x143: {  	v6 =	vld [tilespmem:s0+$0x4C0];
	[tilespmem:s11+$0x8A50] =	vst v0  }
0x144: {  	v0 =	vld [tilespmem:s0+$0x4D0];
	[tilespmem:s11+$0x8A60] =	vst v1  }
0x145: {  	v1 =	vld [tilespmem:s0+$0x4E0];
	[tilespmem:s11+$0x8A70] =	vst v7  }
0x146: {  	v7 =	vld [tilespmem:s0+$0x4F0];
	[tilespmem:s11+$0x8E00] =	vst v2  }
0x147: {  	v2 =	vld [tilespmem:s0+$0x500];
	[tilespmem:s11+$0x8E10] =	vst v3  }
0x148: {  	v3 =	vld [tilespmem:s0+$0x510];
	[tilespmem:s11+$0x8E20] =	vst v4  }
0x149: {  	v4 =	vld [tilespmem:s0+$0x520];
	[tilespmem:s11+$0x8E30] =	vst v5  }
0x14a: {  	v5 =	vld [tilespmem:s0+$0x530];
	[tilespmem:s11+$0x8E40] =	vst v6  }
0x14b: {  	v6 =	vld [tilespmem:s0+$0x540];
	[tilespmem:s11+$0x8E50] =	vst v0  }
0x14c: {  	v0 =	vld [tilespmem:s0+$0x550];
	[tilespmem:s11+$0x8E60] =	vst v1  }
0x14d: {  	v1 =	vld [tilespmem:s0+$0x560];
	[tilespmem:s11+$0x8E70] =	vst v7  }
0x14e: {  	v7 =	vld [tilespmem:s0+$0x570];
	[tilespmem:s11+$0x9200] =	vst v2  }
0x14f: {  	v2 =	vld [tilespmem:s0+$0x580];
	[tilespmem:s11+$0x9210] =	vst v3  }
0x150: {  	v3 =	vld [tilespmem:s0+$0x590];
	[tilespmem:s11+$0x9220] =	vst v4  }
0x151: {  	v4 =	vld [tilespmem:s0+$0x5A0];
	[tilespmem:s11+$0x9230] =	vst v5  }
0x152: {  	s14 =	sld [smem:s25+$0x0];
	v5 =	vld [tilespmem:s0+$0x5B0];
	[tilespmem:s11+$0x9240] =	vst v6  }
0x153: {  	v6 =	vld [tilespmem:s0+$0x5C0];
	[tilespmem:s11+$0x9250] =	vst v0  }
0x154: {  	v0 =	vld [tilespmem:s0+$0x5D0];
	[tilespmem:s11+$0x9260] =	vst v1  }
0x155: {  	v1 =	vld [tilespmem:s0+$0x5E0];
	[tilespmem:s11+$0x9270] =	vst v7;
	s5 =	sshll.u32 s14, $0xA  }
0x156: {  	v7 =	vld [tilespmem:s0+$0x5F0];
	[tilespmem:s11+$0x9600] =	vst v2;
	s15 =	sshra.s32 s5, $0x2  }
0x157: {  	v2 =	vld [tilespmem:s15+$0x1600];
	[tilespmem:s11+$0x9610] =	vst v3  }
0x158: {  	v3 =	vld [tilespmem:s15+$0x1610];
	[tilespmem:s11+$0x9620] =	vst v4  }
0x159: {  	v4 =	vld [tilespmem:s15+$0x1620];
	[tilespmem:s11+$0x9630] =	vst v5  }
0x15a: {  	v5 =	vld [tilespmem:s15+$0x1630];
	[tilespmem:s11+$0x9640] =	vst v6  }
0x15b: {  	v6 =	vld [tilespmem:s15+$0x1640];
	[tilespmem:s11+$0x9650] =	vst v0  }
0x15c: {  	v0 =	vld [tilespmem:s15+$0x1650];
	[tilespmem:s11+$0x9660] =	vst v1  }
0x15d: {  	v1 =	vld [tilespmem:s15+$0x1660];
	[tilespmem:s11+$0x9670] =	vst v7  }
0x15e: {  	v7 =	vld [tilespmem:s15+$0x1670];
	[tilespmem:s11+$0x9A00] =	vst v2  }
0x15f: {  	v2 =	vld [tilespmem:s15+$0x1680];
	[tilespmem:s11+$0x9A10] =	vst v3  }
0x160: {  	v3 =	vld [tilespmem:s15+$0x1690];
	[tilespmem:s11+$0x9A20] =	vst v4  }
0x161: {  	v4 =	vld [tilespmem:s15+$0x16A0];
	[tilespmem:s11+$0x9A30] =	vst v5  }
0x162: {  	s21 =	sld [smem:s26+$0x0];
	v5 =	vld [tilespmem:s15+$0x16B0];
	[tilespmem:s11+$0x9A40] =	vst v6  }
0x163: {  	v6 =	vld [tilespmem:s15+$0x16C0];
	[tilespmem:s11+$0x9A50] =	vst v0  }
0x164: {  	v0 =	vld [tilespmem:s15+$0x16D0];
	[tilespmem:s11+$0x9A60] =	vst v1  }
0x165: {  	v1 =	vld [tilespmem:s15+$0x16E0];
	[tilespmem:s11+$0x9A70] =	vst v7;
	s5 =	sshll.u32 s21, $0xA  }
0x166: {  	v7 =	vld [tilespmem:s15+$0x16F0];
	[tilespmem:s11+$0x9E00] =	vst v2;
	s10 =	sshra.s32 s5, $0x2  }
0x167: {  	v2 =	vld [tilespmem:s10+$0x4800];
	[tilespmem:s11+$0x9E10] =	vst v3  }
0x168: {  	v8 =	vld [tilespmem:s10+$0x4810];
	[tilespmem:s11+$0x9E20] =	vst v4  }
0x169: {  	v4 =	vld [tilespmem:s10+$0x4820];
	[tilespmem:s11+$0x9E30] =	vst v5  }
0x16a: {  	v5 =	vld [tilespmem:s10+$0x4830];
	[tilespmem:s11+$0x9E40] =	vst v6  }
0x16b: {  	v6 =	vld [tilespmem:s10+$0x4840];
	[tilespmem:s11+$0x9E50] =	vst v0  }
0x16c: {  	v9 =	vld [tilespmem:s10+$0x4850];
	[tilespmem:s11+$0x9E60] =	vst v1  }
0x16d: {  	v10 =	vld [tilespmem:s10+$0x4860];
	[tilespmem:s11+$0x9E70] =	vst v7  }
0x16e: {  	v3 =	vld [tilespmem:s10+$0x4870];
	[tilespmem:s11+$0xA200] =	vst v2  }
0x16f: {  	v2 =	vld [tilespmem:s10+$0x4880];
	[tilespmem:s11+$0xA210] =	vst v8  }
0x170: {  	v1 =	vld [tilespmem:s10+$0x4890];
	[tilespmem:s11+$0xA220] =	vst v4  }
0x171: {  	s6 =	sadd.s32 $0x1, s31;
	v0 =	vld [tilespmem:s10+$0x48A0];
	[tilespmem:s11+$0xA230] =	vst v5  }
0x172: {  	s12 =	sshll.u32 s1, $0x5;
	s8 =	sld [smem:s6+$0x0];
	v5 =	vld [tilespmem:s10+$0x48B0];
	[tilespmem:s11+$0xA240] =	vst v6  }
0x173: {  	s7 =	simm.s32 $0x2;
	s13 =	smov.u32 s26;
	s14 =	smov.u32 s25;
	v4 =	vld [tilespmem:s10+$0x48C0];
	[tilespmem:s11+$0xA250] =	vst v9  }
0x174: {  	s0 =	sor.u32 $0x10, s12;
	s5 =	simm.s32 $0x1;
	s15 =	simm.s32 $0x0;
	v6 =	vld [tilespmem:s10+$0x48D0];
	[tilespmem:s11+$0xA260] =	vst v10  }
.LBB2_5:
0x175: {  	p1 =	sne.s32 s7, $0xF;
	s8 =	sshll.u32 s8, $0xC;
	v7 =	vld [tilespmem:s10+$0x48E0];
	[tilespmem:s11+$0xA270] =	vst v3  }
0x176: {  	s8 =	sshra.s32 s8, $0x2;
	v3 =	vld [tilespmem:s10+$0x48F0];
	[tilespmem:s11+$0xA600] =	vst v2  }
0x177: {  	v2 =	vld [tilespmem:s8+$0x250];
	[tilespmem:s11+$0xA630] =	vst v5  }
0x178: {  	v5 =	vld [tilespmem:s8+$0x260];
	[tilespmem:s11+$0xA640] =	vst v4  }
0x179: {  	s10 =	sshrl.u32 s5, $0x3;
	s5 =	smov.u32 s7;
	v4 =	vld [tilespmem:s8+$0x200];
	[tilespmem:s11+$0xA650] =	vst v6  }
0x17a: {  	s10 =	smul.u32 $0xC000, s10;
	v6 =	vld [tilespmem:s8+$0x210];
	[tilespmem:s11+$0xA660] =	vst v7  }
0x17b: {  	s15 =	sadd.s32 $0x80, s15;
	v7 =	vld [tilespmem:s8+$0x220];
	[tilespmem:s11+$0xA670] =	vst v3  }
0x17c: {  	s21 =	sand.u32 $0x380, s15;
	s10 =	sshra.s32 s10, $0x2;
	v3 =	vld [tilespmem:s8+$0x230];
	[tilespmem:s11+$0xA610] =	vst v1  }
0x17d: {  	v1 =	vld [tilespmem:s8+$0x240];
	[tilespmem:s11+$0xA620] =	vst v0;
	s11 =	sor.u32 s21, s10  }
0x17e: {  	v0 =	vld [tilespmem:s8+$0x270];
	[tilespmem:s11+$0x7A00] =	vst v4  }
0x17f: {  	v4 =	vld [tilespmem:s8+$0x280];
	[tilespmem:s11+$0x7A10] =	vst v6  }
0x180: {  	v6 =	vld [tilespmem:s8+$0x290];
	[tilespmem:s11+$0x7A20] =	vst v7  }
0x181: {  	v7 =	vld [tilespmem:s8+$0x2A0];
	[tilespmem:s11+$0x7A30] =	vst v3  }
0x182: {  	v3 =	vld [tilespmem:s8+$0x2B0];
	[tilespmem:s11+$0x7A40] =	vst v1  }
0x183: {  	v1 =	vld [tilespmem:s8+$0x2C0];
	[tilespmem:s11+$0x7A50] =	vst v2  }
0x184: {  	v2 =	vld [tilespmem:s8+$0x2D0];
	[tilespmem:s11+$0x7A60] =	vst v5  }
0x185: {  	v5 =	vld [tilespmem:s8+$0x2E0];
	[tilespmem:s11+$0x7A70] =	vst v0  }
0x186: {  	v0 =	vld [tilespmem:s8+$0x2F0];
	[tilespmem:s11+$0x7E00] =	vst v4  }
0x187: {  	v4 =	vld [tilespmem:s8+$0x300];
	[tilespmem:s11+$0x7E10] =	vst v6  }
0x188: {  	v6 =	vld [tilespmem:s8+$0x310];
	[tilespmem:s11+$0x7E20] =	vst v7  }
0x189: {  	v7 =	vld [tilespmem:s8+$0x320];
	[tilespmem:s11+$0x7E30] =	vst v3  }
0x18a: {  	v3 =	vld [tilespmem:s8+$0x330];
	[tilespmem:s11+$0x7E40] =	vst v1  }
0x18b: {  	v1 =	vld [tilespmem:s8+$0x340];
	[tilespmem:s11+$0x7E50] =	vst v2  }
0x18c: {  	v2 =	vld [tilespmem:s8+$0x350];
	[tilespmem:s11+$0x7E60] =	vst v5  }
0x18d: {  	v5 =	vld [tilespmem:s8+$0x360];
	[tilespmem:s11+$0x7E70] =	vst v0  }
0x18e: {  	v0 =	vld [tilespmem:s8+$0x370];
	[tilespmem:s11+$0x8200] =	vst v4  }
0x18f: {  	v4 =	vld [tilespmem:s8+$0x380];
	[tilespmem:s11+$0x8210] =	vst v6  }
0x190: {  	v6 =	vld [tilespmem:s8+$0x390];
	[tilespmem:s11+$0x8220] =	vst v7  }
0x191: {  	v7 =	vld [tilespmem:s8+$0x3A0];
	[tilespmem:s11+$0x8230] =	vst v3  }
0x192: {  	v3 =	vld [tilespmem:s8+$0x3B0];
	[tilespmem:s11+$0x8240] =	vst v1  }
0x193: {  	v1 =	vld [tilespmem:s8+$0x3C0];
	[tilespmem:s11+$0x8250] =	vst v2  }
0x194: {  	v2 =	vld [tilespmem:s8+$0x3D0];
	[tilespmem:s11+$0x8260] =	vst v5  }
0x195: {  	v5 =	vld [tilespmem:s8+$0x3E0];
	[tilespmem:s11+$0x8270] =	vst v0  }
0x196: {  	v0 =	vld [tilespmem:s8+$0x3F0];
	[tilespmem:s11+$0x8600] =	vst v4  }
0x197: {  	v4 =	vld [tilespmem:s8+$0x400];
	[tilespmem:s11+$0x8610] =	vst v6  }
0x198: {  	v6 =	vld [tilespmem:s8+$0x410];
	[tilespmem:s11+$0x8620] =	vst v7  }
0x199: {  	v7 =	vld [tilespmem:s8+$0x420];
	[tilespmem:s11+$0x8630] =	vst v3  }
0x19a: {  	v3 =	vld [tilespmem:s8+$0x430];
	[tilespmem:s11+$0x8640] =	vst v1  }
0x19b: {  	v1 =	vld [tilespmem:s8+$0x440];
	[tilespmem:s11+$0x8650] =	vst v2  }
0x19c: {  	v2 =	vld [tilespmem:s8+$0x450];
	[tilespmem:s11+$0x8660] =	vst v5  }
0x19d: {  	v5 =	vld [tilespmem:s8+$0x460];
	[tilespmem:s11+$0x8670] =	vst v0  }
0x19e: {  	v0 =	vld [tilespmem:s8+$0x470];
	[tilespmem:s11+$0x8A00] =	vst v4  }
0x19f: {  	v4 =	vld [tilespmem:s8+$0x480];
	[tilespmem:s11+$0x8A10] =	vst v6  }
0x1a0: {  	v6 =	vld [tilespmem:s8+$0x490];
	[tilespmem:s11+$0x8A20] =	vst v7  }
0x1a1: {  	v7 =	vld [tilespmem:s8+$0x4A0];
	[tilespmem:s11+$0x8A30] =	vst v3  }
0x1a2: {  	v3 =	vld [tilespmem:s8+$0x4B0];
	[tilespmem:s11+$0x8A40] =	vst v1  }
0x1a3: {  	v1 =	vld [tilespmem:s8+$0x4C0];
	[tilespmem:s11+$0x8A50] =	vst v2  }
0x1a4: {  	v2 =	vld [tilespmem:s8+$0x4D0];
	[tilespmem:s11+$0x8A60] =	vst v5  }
0x1a5: {  	v5 =	vld [tilespmem:s8+$0x4E0];
	[tilespmem:s11+$0x8A70] =	vst v0  }
0x1a6: {  	v0 =	vld [tilespmem:s8+$0x4F0];
	[tilespmem:s11+$0x8E00] =	vst v4  }
0x1a7: {  	v4 =	vld [tilespmem:s8+$0x500];
	[tilespmem:s11+$0x8E10] =	vst v6  }
0x1a8: {  	v6 =	vld [tilespmem:s8+$0x510];
	[tilespmem:s11+$0x8E20] =	vst v7  }
0x1a9: {  	v7 =	vld [tilespmem:s8+$0x520];
	[tilespmem:s11+$0x8E30] =	vst v3  }
0x1aa: {  	v3 =	vld [tilespmem:s8+$0x530];
	[tilespmem:s11+$0x8E40] =	vst v1  }
0x1ab: {  	v1 =	vld [tilespmem:s8+$0x540];
	[tilespmem:s11+$0x8E50] =	vst v2  }
0x1ac: {  	v2 =	vld [tilespmem:s8+$0x550];
	[tilespmem:s11+$0x8E60] =	vst v5  }
0x1ad: {  	v5 =	vld [tilespmem:s8+$0x560];
	[tilespmem:s11+$0x8E70] =	vst v0  }
0x1ae: {  	v0 =	vld [tilespmem:s8+$0x570];
	[tilespmem:s11+$0x9200] =	vst v4  }
0x1af: {  	v4 =	vld [tilespmem:s8+$0x580];
	[tilespmem:s11+$0x9210] =	vst v6  }
0x1b0: {  	v6 =	vld [tilespmem:s8+$0x590];
	[tilespmem:s11+$0x9220] =	vst v7  }
0x1b1: {  	s14 =	sadd.s32 $0x1, s14;
	v7 =	vld [tilespmem:s8+$0x5A0];
	[tilespmem:s11+$0x9230] =	vst v3  }
0x1b2: {  	s10 =	sld [smem:s14+$0x0];
	v3 =	vld [tilespmem:s8+$0x5B0];
	[tilespmem:s11+$0x9240] =	vst v1  }
0x1b3: {  	v1 =	vld [tilespmem:s8+$0x5C0];
	[tilespmem:s11+$0x9250] =	vst v2  }
0x1b4: {  	v2 =	vld [tilespmem:s8+$0x5D0];
	[tilespmem:s11+$0x9260] =	vst v5  }
0x1b5: {  	v5 =	vld [tilespmem:s8+$0x5E0];
	[tilespmem:s11+$0x9270] =	vst v0;
	s10 =	sshll.u32 s10, $0xA  }
0x1b6: {  	v0 =	vld [tilespmem:s8+$0x5F0];
	[tilespmem:s11+$0x9600] =	vst v4;
	s8 =	sshra.s32 s10, $0x2  }
0x1b7: {  	v4 =	vld [tilespmem:s8+$0x1600];
	[tilespmem:s11+$0x9610] =	vst v6  }
0x1b8: {  	v6 =	vld [tilespmem:s8+$0x1610];
	[tilespmem:s11+$0x9620] =	vst v7  }
0x1b9: {  	v7 =	vld [tilespmem:s8+$0x1620];
	[tilespmem:s11+$0x9630] =	vst v3  }
0x1ba: {  	v3 =	vld [tilespmem:s8+$0x1630];
	[tilespmem:s11+$0x9640] =	vst v1  }
0x1bb: {  	v1 =	vld [tilespmem:s8+$0x1640];
	[tilespmem:s11+$0x9650] =	vst v2  }
0x1bc: {  	v2 =	vld [tilespmem:s8+$0x1650];
	[tilespmem:s11+$0x9660] =	vst v5  }
0x1bd: {  	v5 =	vld [tilespmem:s8+$0x1660];
	[tilespmem:s11+$0x9670] =	vst v0  }
0x1be: {  	v0 =	vld [tilespmem:s8+$0x1670];
	[tilespmem:s11+$0x9A00] =	vst v4  }
0x1bf: {  	v4 =	vld [tilespmem:s8+$0x1680];
	[tilespmem:s11+$0x9A10] =	vst v6  }
0x1c0: {  	v6 =	vld [tilespmem:s8+$0x1690];
	[tilespmem:s11+$0x9A20] =	vst v7  }
0x1c1: {  	s13 =	sadd.s32 $0x1, s13;
	v7 =	vld [tilespmem:s8+$0x16A0];
	[tilespmem:s11+$0x9A30] =	vst v3  }
0x1c2: {  	s10 =	sld [smem:s13+$0x0];
	v3 =	vld [tilespmem:s8+$0x16B0];
	[tilespmem:s11+$0x9A40] =	vst v1  }
0x1c3: {  	v1 =	vld [tilespmem:s8+$0x16C0];
	[tilespmem:s11+$0x9A50] =	vst v2  }
0x1c4: {  	v2 =	vld [tilespmem:s8+$0x16D0];
	[tilespmem:s11+$0x9A60] =	vst v5  }
0x1c5: {  	v5 =	vld [tilespmem:s8+$0x16E0];
	[tilespmem:s11+$0x9A70] =	vst v0;
	s10 =	sshll.u32 s10, $0xA  }
0x1c6: {  	v0 =	vld [tilespmem:s8+$0x16F0];
	[tilespmem:s11+$0x9E00] =	vst v4;
	s10 =	sshra.s32 s10, $0x2  }
0x1c7: {  	v4 =	vld [tilespmem:s10+$0x4800];
	[tilespmem:s11+$0x9E10] =	vst v6  }
0x1c8: {  	v6 =	vld [tilespmem:s10+$0x4810];
	[tilespmem:s11+$0x9E20] =	vst v7  }
0x1c9: {  	v7 =	vld [tilespmem:s10+$0x4820];
	[tilespmem:s11+$0x9E30] =	vst v3  }
0x1ca: {  	v8 =	vld [tilespmem:s10+$0x4830];
	[tilespmem:s11+$0x9E40] =	vst v1  }
0x1cb: {  	v9 =	vld [tilespmem:s10+$0x4840];
	[tilespmem:s11+$0x9E50] =	vst v2  }
0x1cc: {  	v10 =	vld [tilespmem:s10+$0x4850];
	[tilespmem:s11+$0x9E60] =	vst v5  }
0x1cd: {  	v11 =	vld [tilespmem:s10+$0x4860];
	[tilespmem:s11+$0x9E70] =	vst v0  }
0x1ce: {  	v3 =	vld [tilespmem:s10+$0x4870];
	[tilespmem:s11+$0xA200] =	vst v4  }
0x1cf: {  	v2 =	vld [tilespmem:s10+$0x4880];
	[tilespmem:s11+$0xA210] =	vst v6  }
.Ltmp1:
0x1d0: {  	v1 =	vld [tilespmem:s10+$0x4890];
	[tilespmem:s11+$0xA220] =	vst v7;
	(pc) =	sbr.rel @p1 .LBB2_5-.Ltmp1, $4  }
0x1d1: {  	s6 =	sadd.s32 $0x1, s6;
	v0 =	vld [tilespmem:s10+$0x48A0];
	[tilespmem:s11+$0xA230] =	vst v8  }
0x1d2: {  	s8 =	sld [smem:s6+$0x0];
	v5 =	vld [tilespmem:s10+$0x48B0];
	[tilespmem:s11+$0xA240] =	vst v9  }
0x1d3: {  	v4 =	vld [tilespmem:s10+$0x48C0];
	[tilespmem:s11+$0xA250] =	vst v10  }
0x1d4: {  	s7 =	sadd.s32 $0x1, s7;
	v6 =	vld [tilespmem:s10+$0x48D0];
	[tilespmem:s11+$0xA260] =	vst v11  }
0x1d5: {  	s6 =	sshll.u32 s8, $0xC  }
0x1d6: {  	v15 =	vld [tilespmem:s10+$0x48E0];
	s6 =	sshra.s32 s6, $0x2  }
0x1d7: {  	v7 =	vld [tilespmem:s6+$0x250]  }
0x1d8: {  	v8 =	vld [tilespmem:s6+$0x260]  }
0x1d9: {  	s5 =	sshrl.u32 s5, $0x3;
	v9 =	vld [tilespmem:s6+$0x200]  }
0x1da: {  	s5 =	smul.u32 $0xC000, s5;
	v10 =	vld [tilespmem:s6+$0x210]  }
0x1db: {  	s7 =	sadd.s32 $0x80, s15;
	v11 =	vld [tilespmem:s6+$0x220]  }
0x1dc: {  	s7 =	sand.u32 $0x380, s7;
	v12 =	vld [tilespmem:s6+$0x230];
	s5 =	sshra.s32 s5, $0x2  }
0x1dd: {  	[tilespmem:s11+$0xA270] =	vst v3;
	v13 =	vld [tilespmem:s6+$0x240];
	s5 =	sor.u32 s7, s5  }
0x1de: {  	v14 =	vld [tilespmem:s6+$0x270];
	[tilespmem:s5+$0x7A00] =	vst v9  }
0x1df: {  	v9 =	vld [tilespmem:s6+$0x280];
	[tilespmem:s5+$0x7A10] =	vst v10  }
0x1e0: {  	v10 =	vld [tilespmem:s6+$0x290];
	[tilespmem:s5+$0x7A20] =	vst v11  }
0x1e1: {  	v11 =	vld [tilespmem:s6+$0x2A0];
	[tilespmem:s5+$0x7A30] =	vst v12  }
0x1e2: {  	v12 =	vld [tilespmem:s6+$0x2B0];
	[tilespmem:s5+$0x7A40] =	vst v13  }
0x1e3: {  	v13 =	vld [tilespmem:s6+$0x2C0];
	[tilespmem:s5+$0x7A50] =	vst v7  }
0x1e4: {  	v7 =	vld [tilespmem:s6+$0x2D0];
	[tilespmem:s5+$0x7A60] =	vst v8  }
0x1e5: {  	v8 =	vld [tilespmem:s6+$0x2E0];
	[tilespmem:s5+$0x7A70] =	vst v14  }
0x1e6: {  	v14 =	vld [tilespmem:s6+$0x2F0];
	[tilespmem:s5+$0x7E00] =	vst v9  }
0x1e7: {  	v9 =	vld [tilespmem:s6+$0x300];
	[tilespmem:s5+$0x7E10] =	vst v10  }
0x1e8: {  	v10 =	vld [tilespmem:s6+$0x310];
	[tilespmem:s5+$0x7E20] =	vst v11  }
0x1e9: {  	v11 =	vld [tilespmem:s6+$0x320];
	[tilespmem:s5+$0x7E30] =	vst v12  }
0x1ea: {  	v12 =	vld [tilespmem:s6+$0x330];
	[tilespmem:s5+$0x7E40] =	vst v13  }
0x1eb: {  	v13 =	vld [tilespmem:s6+$0x340];
	[tilespmem:s5+$0x7E50] =	vst v7  }
0x1ec: {  	v7 =	vld [tilespmem:s6+$0x350];
	[tilespmem:s5+$0x7E60] =	vst v8  }
0x1ed: {  	v8 =	vld [tilespmem:s6+$0x360];
	[tilespmem:s5+$0x7E70] =	vst v14  }
0x1ee: {  	v14 =	vld [tilespmem:s6+$0x370];
	[tilespmem:s5+$0x8200] =	vst v9  }
0x1ef: {  	v9 =	vld [tilespmem:s6+$0x380];
	[tilespmem:s5+$0x8210] =	vst v10  }
0x1f0: {  	v10 =	vld [tilespmem:s6+$0x390];
	[tilespmem:s5+$0x8220] =	vst v11  }
0x1f1: {  	v11 =	vld [tilespmem:s6+$0x3A0];
	[tilespmem:s5+$0x8230] =	vst v12  }
0x1f2: {  	v12 =	vld [tilespmem:s6+$0x3B0];
	[tilespmem:s5+$0x8240] =	vst v13  }
0x1f3: {  	v13 =	vld [tilespmem:s6+$0x3C0];
	[tilespmem:s5+$0x8250] =	vst v7  }
0x1f4: {  	v7 =	vld [tilespmem:s6+$0x3D0];
	[tilespmem:s5+$0x8260] =	vst v8  }
0x1f5: {  	v8 =	vld [tilespmem:s6+$0x3E0];
	[tilespmem:s5+$0x8270] =	vst v14  }
0x1f6: {  	v14 =	vld [tilespmem:s6+$0x3F0];
	[tilespmem:s5+$0x8600] =	vst v9  }
0x1f7: {  	v9 =	vld [tilespmem:s6+$0x400];
	[tilespmem:s5+$0x8610] =	vst v10  }
0x1f8: {  	v10 =	vld [tilespmem:s10+$0x48F0];
	[tilespmem:s11+$0xA600] =	vst v2  }
0x1f9: {  	[tilespmem:s11+$0xA630] =	vst v5  }
0x1fa: {  	[tilespmem:s11+$0xA640] =	vst v4  }
0x1fb: {  	[tilespmem:s11+$0xA650] =	vst v6  }
0x1fc: {  	[tilespmem:s11+$0xA660] =	vst v15  }
0x1fd: {  	[tilespmem:s11+$0xA610] =	vst v1  }
0x1fe: {  	[tilespmem:s11+$0xA620] =	vst v0  }
0x1ff: {  	v3 =	vld [tilespmem:s6+$0x410];
	[tilespmem:s5+$0x8620] =	vst v11  }
0x200: {  	v2 =	vld [tilespmem:s6+$0x420];
	[tilespmem:s5+$0x8630] =	vst v12  }
0x201: {  	v5 =	vld [tilespmem:s6+$0x430];
	[tilespmem:s5+$0x8640] =	vst v13  }
0x202: {  	v4 =	vld [tilespmem:s6+$0x440];
	[tilespmem:s5+$0x8650] =	vst v7  }
0x203: {  	v6 =	vld [tilespmem:s6+$0x450];
	[tilespmem:s5+$0x8660] =	vst v8  }
0x204: {  	[tilespmem:s11+$0xA670] =	vst v10  }
0x205: {  	v7 =	vld [tilespmem:s6+$0x460];
	[tilespmem:s5+$0x8670] =	vst v14  }
0x206: {  	v8 =	vld [tilespmem:s6+$0x470];
	[tilespmem:s5+$0x8A00] =	vst v9  }
0x207: {  	v1 =	vld [tilespmem:s6+$0x480];
	[tilespmem:s5+$0x8A10] =	vst v3  }
0x208: {  	v0 =	vld [tilespmem:s6+$0x490];
	[tilespmem:s5+$0x8A20] =	vst v2  }
0x209: {  	v2 =	vld [tilespmem:s6+$0x4A0];
	[tilespmem:s5+$0x8A30] =	vst v5  }
0x20a: {  	v3 =	vld [tilespmem:s6+$0x4B0];
	[tilespmem:s5+$0x8A40] =	vst v4  }
0x20b: {  	v4 =	vld [tilespmem:s6+$0x4C0];
	[tilespmem:s5+$0x8A50] =	vst v6  }
0x20c: {  	v5 =	vld [tilespmem:s6+$0x4D0];
	[tilespmem:s5+$0x8A60] =	vst v7  }
0x20d: {  	v6 =	vld [tilespmem:s6+$0x4E0];
	[tilespmem:s5+$0x8A70] =	vst v8  }
0x20e: {  	v7 =	vld [tilespmem:s6+$0x4F0];
	[tilespmem:s5+$0x8E00] =	vst v1  }
0x20f: {  	v1 =	vld [tilespmem:s6+$0x500];
	[tilespmem:s5+$0x8E10] =	vst v0  }
0x210: {  	v0 =	vld [tilespmem:s6+$0x510];
	[tilespmem:s5+$0x8E20] =	vst v2  }
0x211: {  	v2 =	vld [tilespmem:s6+$0x520];
	[tilespmem:s5+$0x8E30] =	vst v3  }
0x212: {  	v3 =	vld [tilespmem:s6+$0x530];
	[tilespmem:s5+$0x8E40] =	vst v4  }
0x213: {  	v4 =	vld [tilespmem:s6+$0x540];
	[tilespmem:s5+$0x8E50] =	vst v5  }
0x214: {  	v5 =	vld [tilespmem:s6+$0x550];
	[tilespmem:s5+$0x8E60] =	vst v6  }
0x215: {  	v6 =	vld [tilespmem:s6+$0x560];
	[tilespmem:s5+$0x8E70] =	vst v7  }
0x216: {  	v7 =	vld [tilespmem:s6+$0x570];
	[tilespmem:s5+$0x9200] =	vst v1  }
0x217: {  	v1 =	vld [tilespmem:s6+$0x580];
	[tilespmem:s5+$0x9210] =	vst v0  }
0x218: {  	v0 =	vld [tilespmem:s6+$0x590];
	[tilespmem:s5+$0x9220] =	vst v2  }
0x219: {  	s10 =	sadd.s32 $0x1, s14;
	v2 =	vld [tilespmem:s6+$0x5A0];
	[tilespmem:s5+$0x9230] =	vst v3  }
0x21a: {  	s7 =	sld [smem:s10+$0x0];
	v3 =	vld [tilespmem:s6+$0x5B0];
	[tilespmem:s5+$0x9240] =	vst v4  }
0x21b: {  	v4 =	vld [tilespmem:s6+$0x5C0];
	[tilespmem:s5+$0x9250] =	vst v5  }
0x21c: {  	v5 =	vld [tilespmem:s6+$0x5D0];
	[tilespmem:s5+$0x9260] =	vst v6  }
0x21d: {  	v6 =	vld [tilespmem:s6+$0x5E0];
	[tilespmem:s5+$0x9270] =	vst v7;
	s7 =	sshll.u32 s7, $0xA  }
0x21e: {  	v7 =	vld [tilespmem:s6+$0x5F0];
	[tilespmem:s5+$0x9600] =	vst v1;
	s11 =	sshra.s32 s7, $0x2  }
0x21f: {  	v1 =	vld [tilespmem:s11+$0x1600];
	[tilespmem:s5+$0x9610] =	vst v0  }
0x220: {  	v0 =	vld [tilespmem:s11+$0x1610];
	[tilespmem:s5+$0x9620] =	vst v2  }
0x221: {  	v2 =	vld [tilespmem:s11+$0x1620];
	[tilespmem:s5+$0x9630] =	vst v3  }
0x222: {  	v3 =	vld [tilespmem:s11+$0x1630];
	[tilespmem:s5+$0x9640] =	vst v4  }
0x223: {  	v4 =	vld [tilespmem:s11+$0x1640];
	[tilespmem:s5+$0x9650] =	vst v5  }
0x224: {  	v5 =	vld [tilespmem:s11+$0x1650];
	[tilespmem:s5+$0x9660] =	vst v6  }
0x225: {  	v6 =	vld [tilespmem:s11+$0x1660];
	[tilespmem:s5+$0x9670] =	vst v7  }
0x226: {  	v7 =	vld [tilespmem:s11+$0x1670];
	[tilespmem:s5+$0x9A00] =	vst v1  }
0x227: {  	v1 =	vld [tilespmem:s11+$0x1680];
	[tilespmem:s5+$0x9A10] =	vst v0  }
0x228: {  	v0 =	vld [tilespmem:s11+$0x1690];
	[tilespmem:s5+$0x9A20] =	vst v2  }
0x229: {  	s14 =	sadd.s32 $0x1, s13;
	v2 =	vld [tilespmem:s11+$0x16A0];
	[tilespmem:s5+$0x9A30] =	vst v3  }
0x22a: {  	s7 =	sld [smem:s14+$0x0];
	v3 =	vld [tilespmem:s11+$0x16B0];
	[tilespmem:s5+$0x9A40] =	vst v4  }
0x22b: {  	v4 =	vld [tilespmem:s11+$0x16C0];
	[tilespmem:s5+$0x9A50] =	vst v5  }
0x22c: {  	v5 =	vld [tilespmem:s11+$0x16D0];
	[tilespmem:s5+$0x9A60] =	vst v6  }
0x22d: {  	v6 =	vld [tilespmem:s11+$0x16E0];
	[tilespmem:s5+$0x9A70] =	vst v7;
	s7 =	sshll.u32 s7, $0xA  }
0x22e: {  	v7 =	vld [tilespmem:s11+$0x16F0];
	[tilespmem:s5+$0x9E00] =	vst v1;
	s15 =	sshra.s32 s7, $0x2  }
0x22f: {  	v1 =	vld [tilespmem:s15+$0x4800];
	[tilespmem:s5+$0x9E10] =	vst v0  }
0x230: {  	v0 =	vld [tilespmem:s15+$0x4810];
	[tilespmem:s5+$0x9E20] =	vst v2  }
0x231: {  	v2 =	vld [tilespmem:s15+$0x4820];
	[tilespmem:s5+$0x9E30] =	vst v3  }
0x232: {  	v3 =	vld [tilespmem:s15+$0x4830];
	[tilespmem:s5+$0x9E40] =	vst v4  }
0x233: {  	v4 =	vld [tilespmem:s15+$0x4840];
	[tilespmem:s5+$0x9E50] =	vst v5  }
0x234: {  	v5 =	vld [tilespmem:s15+$0x4850];
	[tilespmem:s5+$0x9E60] =	vst v6  }
0x235: {  	v6 =	vld [tilespmem:s15+$0x4860];
	[tilespmem:s5+$0x9E70] =	vst v7  }
0x236: {  	v7 =	vld [tilespmem:s15+$0x4870];
	[tilespmem:s5+$0xA200] =	vst v1  }
0x237: {  	v1 =	vld [tilespmem:s15+$0x4880];
	[tilespmem:s5+$0xA210] =	vst v0  }
0x238: {  	v0 =	vld [tilespmem:s15+$0x4890];
	[tilespmem:s5+$0xA220] =	vst v2  }
0x239: {  	v2 =	vld [tilespmem:s15+$0x48A0];
	[tilespmem:s5+$0xA230] =	vst v3  }
0x23a: {  	v3 =	vld [tilespmem:s15+$0x48B0];
	[tilespmem:s5+$0xA240] =	vst v4  }
0x23b: {  	v4 =	vld [tilespmem:s15+$0x48C0];
	[tilespmem:s5+$0xA250] =	vst v5  }
0x23c: {  	v5 =	vld [tilespmem:s15+$0x48D0];
	[tilespmem:s5+$0xA260] =	vst v6  }
0x23d: {  	v6 =	vld [tilespmem:s15+$0x48E0];
	[tilespmem:s5+$0xA270] =	vst v7  }
0x23e: {  	v7 =	vld [tilespmem:s15+$0x48F0];
	[tilespmem:s5+$0xA600] =	vst v1  }
0x23f: {  	[tilespmem:s5+$0xA610] =	vst v0  }
0x240: {  	[tilespmem:s5+$0xA620] =	vst v2  }
0x241: {  	s21 =	sadd.s32 s2, s12;
	[tilespmem:s5+$0xA630] =	vst v3  }
0x242: {  	s6 =	sshrl.u32 s21, $0x3;
	[tilespmem:s5+$0xA640] =	vst v4  }
0x243: {  	s6 =	smul.u32 $0x600, s6;
	[tilespmem:s5+$0xA650] =	vst v5  }
0x244: {  	[tilespmem:s5+$0xA660] =	vst v6  }
0x245: {  	s7 =	sadd.s32 s3, s6;
	[tilespmem:s5+$0xA670] =	vst v7  }
0x246: {  	[hbm4b:s7+s4] =	stream.linear.scatter [tilespmem:s17], [sflag:$0x1], $0x3000, $0x38;
	[tilespmem:$0x13A00] =	vst v63  }
0x247: {  	s8 =	sadd.s32 s6, s9;
	s5 =	simm.s32 @!p0 $0x2  }
0x248: {  	[hbm4b:s8+s4] =	stream.linear.scatter [tilespmem:s18], [sflag:$0x1], $0x3000, $0x38;
	[tilespmem:$0x13A00] =	vst v63  }
0x249: {  	_ =	swait.ge @!p0 [sflag:s5], $0x3000  }
0x24a: {  	[sflag:s5] =	ssyncset.done @!p0 $0x0  }
0x24b: {  	[sflag:s5] =	ssyncadd.s32 @!p0 $0xFFFFD000  }
0x24c: {  	_ =	swait.ge @!p0 [sflag:s5], $0x3000  }
0x24d: {  	[sflag:s5] =	ssyncset.done @!p0 $0x0  }
0x24e: {  	[sflag:s5] =	ssyncadd.s32 @!p0 $0xFFFFD000  }
0x24f: {  	s5 =	sld [smem:s28+$0x0];
	_ =	sdelay $0x2  }
0x250: {  	s5 =	sshll.u32 s5, $0xC  }
0x251: {  	s7 =	sshra.s32 s5, $0x2  }
0x252: {  	v0 =	vld [tilespmem:s7+$0x250]  }
0x253: {  	s10 =	simm.s32 $0x0;
	v1 =	vld [tilespmem:s7+$0x260]  }
0x254: {  	s5 =	smul.u32 $0xC000, s10;
	v2 =	vld [tilespmem:s7+$0x200]  }
0x255: {  	s11 =	simm.s32 $0x0;
	v3 =	vld [tilespmem:s7+$0x210]  }
0x256: {  	s6 =	sand.u32 $0x380, s11;
	v4 =	vld [tilespmem:s7+$0x220];
	s5 =	sshra.s32 s5, $0x2  }
0x257: {  	v5 =	vld [tilespmem:s7+$0x230];
	s15 =	sor.u32 s6, s5;
	s5 =	sadd.s32 $0x1, s28  }
0x258: {  	v6 =	vld [tilespmem:s7+$0x240];
	s12 =	sld [smem:s5+$0x0]  }
0x259: {  	v7 =	vld [tilespmem:s7+$0x270];
	[tilespmem:s15+$0xDA00] =	vst v2  }
0x25a: {  	v2 =	vld [tilespmem:s7+$0x280];
	[tilespmem:s15+$0xDA10] =	vst v3  }
0x25b: {  	s6 =	sshll.u32 s12, $0xC;
	v3 =	vld [tilespmem:s7+$0x290];
	[tilespmem:s15+$0xDA20] =	vst v4  }
0x25c: {  	s6 =	sshra.s32 s6, $0x2;
	v4 =	vld [tilespmem:s7+$0x2A0]  }
0x25d: {  	v8 =	vld [tilespmem:s6+$0x250]  }
0x25e: {  	v9 =	vld [tilespmem:s6+$0x260]  }
0x25f: {  	v10 =	vld [tilespmem:s6+$0x200]  }
0x260: {  	v11 =	vld [tilespmem:s6+$0x210]  }
0x261: {  	v52 =	vld [tilespmem:s6+$0x220]  }
0x262: {  	v53 =	vld [tilespmem:s6+$0x230]  }
0x263: {  	s13 =	simm.s32 $0x0;
	[tilespmem:s15+$0xDA30] =	vst v5;
	v54 =	vld [tilespmem:s6+$0x240]  }
0x264: {  	s8 =	smul.u32 $0xC000, s13;
	v5 =	vld [tilespmem:s7+$0x2B0];
	[tilespmem:s15+$0xDA40] =	vst v6  }
0x265: {  	s12 =	simm.s32 $0x80;
	v6 =	vld [tilespmem:s7+$0x2C0];
	[tilespmem:s15+$0xDA50] =	vst v0  }
0x266: {  	s8 =	sshra.s32 s8, $0x2;
	s14 =	sand.u32 $0x380, s12;
	v0 =	vld [tilespmem:s7+$0x2D0];
	[tilespmem:s15+$0xDA60] =	vst v1  }
0x267: {  	s11 =	sor.u32 s14, s8;
	v55 =	vld [tilespmem:s7+$0x2E0];
	[tilespmem:s15+$0xDA70] =	vst v7  }
0x268: {  	v1 =	vld [tilespmem:s6+$0x270];
	[tilespmem:s11+$0xDA00] =	vst v10  }
0x269: {  	v10 =	vld [tilespmem:s7+$0x2F0];
	[tilespmem:s15+$0xDE00] =	vst v2  }
0x26a: {  	v7 =	vld [tilespmem:s6+$0x280];
	[tilespmem:s11+$0xDA10] =	vst v11  }
0x26b: {  	v11 =	vld [tilespmem:s7+$0x300];
	[tilespmem:s15+$0xDE10] =	vst v3  }
0x26c: {  	v2 =	vld [tilespmem:s6+$0x290];
	[tilespmem:s11+$0xDA20] =	vst v52  }
0x26d: {  	v56 =	vld [tilespmem:s7+$0x310];
	[tilespmem:s15+$0xDE20] =	vst v4  }
0x26e: {  	v3 =	vld [tilespmem:s6+$0x2A0];
	[tilespmem:s11+$0xDA30] =	vst v53  }
0x26f: {  	v57 =	vld [tilespmem:s7+$0x320];
	[tilespmem:s15+$0xDE30] =	vst v5  }
0x270: {  	v4 =	vld [tilespmem:s6+$0x2B0];
	[tilespmem:s11+$0xDA40] =	vst v54  }
0x271: {  	v58 =	vld [tilespmem:s7+$0x330];
	[tilespmem:s15+$0xDE40] =	vst v6  }
0x272: {  	v5 =	vld [tilespmem:s6+$0x2C0];
	[tilespmem:s11+$0xDA50] =	vst v8  }
0x273: {  	v8 =	vld [tilespmem:s7+$0x340];
	[tilespmem:s15+$0xDE50] =	vst v0  }
0x274: {  	v6 =	vld [tilespmem:s6+$0x2D0];
	[tilespmem:s11+$0xDA60] =	vst v9  }
0x275: {  	v9 =	vld [tilespmem:s7+$0x350];
	[tilespmem:s15+$0xDE60] =	vst v55  }
0x276: {  	v0 =	vld [tilespmem:s6+$0x2E0];
	[tilespmem:s11+$0xDA70] =	vst v1  }
0x277: {  	v15 =	vld [tilespmem:s7+$0x360];
	[tilespmem:s15+$0xDE70] =	vst v10  }
0x278: {  	v1 =	vld [tilespmem:s6+$0x2F0];
	[tilespmem:s11+$0xDE00] =	vst v7  }
0x279: {  	v10 =	vld [tilespmem:s7+$0x370];
	[tilespmem:s15+$0xE200] =	vst v11  }
0x27a: {  	v7 =	vld [tilespmem:s6+$0x300];
	[tilespmem:s11+$0xDE10] =	vst v2  }
0x27b: {  	v11 =	vld [tilespmem:s7+$0x380];
	[tilespmem:s15+$0xE210] =	vst v56  }
0x27c: {  	v2 =	vld [tilespmem:s6+$0x310];
	[tilespmem:s11+$0xDE20] =	vst v3  }
0x27d: {  	v12 =	vld [tilespmem:s7+$0x390];
	[tilespmem:s15+$0xE220] =	vst v57  }
0x27e: {  	v3 =	vld [tilespmem:s6+$0x320];
	[tilespmem:s11+$0xDE30] =	vst v4  }
0x27f: {  	v13 =	vld [tilespmem:s7+$0x3A0];
	[tilespmem:s15+$0xE230] =	vst v58  }
0x280: {  	v4 =	vld [tilespmem:s6+$0x330];
	[tilespmem:s11+$0xDE40] =	vst v5  }
0x281: {  	v14 =	vld [tilespmem:s7+$0x3B0];
	[tilespmem:s15+$0xE240] =	vst v8  }
0x282: {  	v5 =	vld [tilespmem:s6+$0x340];
	[tilespmem:s11+$0xDE50] =	vst v6  }
0x283: {  	v8 =	vld [tilespmem:s7+$0x3C0];
	[tilespmem:s15+$0xE250] =	vst v9  }
0x284: {  	v6 =	vld [tilespmem:s6+$0x350];
	[tilespmem:s11+$0xDE60] =	vst v0  }
0x285: {  	v9 =	vld [tilespmem:s7+$0x3D0];
	[tilespmem:s15+$0xE260] =	vst v15  }
0x286: {  	v0 =	vld [tilespmem:s6+$0x360];
	[tilespmem:s11+$0xDE70] =	vst v1  }
0x287: {  	v15 =	vld [tilespmem:s7+$0x3E0];
	[tilespmem:s15+$0xE270] =	vst v10  }
0x288: {  	v1 =	vld [tilespmem:s6+$0x370];
	[tilespmem:s11+$0xE200] =	vst v7  }
0x289: {  	v10 =	vld [tilespmem:s7+$0x3F0];
	[tilespmem:s15+$0xE600] =	vst v11  }
0x28a: {  	v7 =	vld [tilespmem:s6+$0x380];
	[tilespmem:s11+$0xE210] =	vst v2  }
0x28b: {  	v11 =	vld [tilespmem:s7+$0x400];
	[tilespmem:s15+$0xE610] =	vst v12  }
0x28c: {  	v2 =	vld [tilespmem:s6+$0x390];
	[tilespmem:s11+$0xE220] =	vst v3  }
0x28d: {  	v12 =	vld [tilespmem:s7+$0x410];
	[tilespmem:s15+$0xE620] =	vst v13  }
0x28e: {  	v3 =	vld [tilespmem:s6+$0x3A0];
	[tilespmem:s11+$0xE230] =	vst v4  }
0x28f: {  	v13 =	vld [tilespmem:s7+$0x420];
	[tilespmem:s15+$0xE630] =	vst v14  }
0x290: {  	v4 =	vld [tilespmem:s6+$0x3B0];
	[tilespmem:s11+$0xE240] =	vst v5  }
0x291: {  	v14 =	vld [tilespmem:s7+$0x430];
	[tilespmem:s15+$0xE640] =	vst v8  }
0x292: {  	v5 =	vld [tilespmem:s6+$0x3C0];
	[tilespmem:s11+$0xE250] =	vst v6  }
0x293: {  	v8 =	vld [tilespmem:s7+$0x440];
	[tilespmem:s15+$0xE650] =	vst v9  }
0x294: {  	v6 =	vld [tilespmem:s6+$0x3D0];
	[tilespmem:s11+$0xE260] =	vst v0  }
0x295: {  	v9 =	vld [tilespmem:s7+$0x450];
	[tilespmem:s15+$0xE660] =	vst v15  }
0x296: {  	v0 =	vld [tilespmem:s6+$0x3E0];
	[tilespmem:s11+$0xE270] =	vst v1  }
0x297: {  	v15 =	vld [tilespmem:s7+$0x460];
	[tilespmem:s15+$0xE670] =	vst v10  }
0x298: {  	v1 =	vld [tilespmem:s6+$0x3F0];
	[tilespmem:s11+$0xE600] =	vst v7  }
0x299: {  	v10 =	vld [tilespmem:s7+$0x470];
	[tilespmem:s15+$0xEA00] =	vst v11  }
0x29a: {  	v7 =	vld [tilespmem:s6+$0x400];
	[tilespmem:s11+$0xE610] =	vst v2  }
0x29b: {  	v11 =	vld [tilespmem:s7+$0x480];
	[tilespmem:s15+$0xEA10] =	vst v12  }
0x29c: {  	v2 =	vld [tilespmem:s6+$0x410];
	[tilespmem:s11+$0xE620] =	vst v3  }
0x29d: {  	v12 =	vld [tilespmem:s7+$0x490];
	[tilespmem:s15+$0xEA20] =	vst v13  }
0x29e: {  	v3 =	vld [tilespmem:s6+$0x420];
	[tilespmem:s11+$0xE630] =	vst v4  }
0x29f: {  	v13 =	vld [tilespmem:s7+$0x4A0];
	[tilespmem:s15+$0xEA30] =	vst v14  }
0x2a0: {  	v4 =	vld [tilespmem:s6+$0x430];
	[tilespmem:s11+$0xE640] =	vst v5  }
0x2a1: {  	v14 =	vld [tilespmem:s7+$0x4B0];
	[tilespmem:s15+$0xEA40] =	vst v8  }
0x2a2: {  	v5 =	vld [tilespmem:s6+$0x440];
	[tilespmem:s11+$0xE650] =	vst v6  }
0x2a3: {  	v8 =	vld [tilespmem:s7+$0x4C0];
	[tilespmem:s15+$0xEA50] =	vst v9  }
0x2a4: {  	v6 =	vld [tilespmem:s6+$0x450];
	[tilespmem:s11+$0xE660] =	vst v0  }
0x2a5: {  	v9 =	vld [tilespmem:s7+$0x4D0];
	[tilespmem:s15+$0xEA60] =	vst v15  }
0x2a6: {  	v0 =	vld [tilespmem:s6+$0x460];
	[tilespmem:s11+$0xE670] =	vst v1  }
0x2a7: {  	v15 =	vld [tilespmem:s7+$0x4E0];
	[tilespmem:s15+$0xEA70] =	vst v10  }
0x2a8: {  	v1 =	vld [tilespmem:s6+$0x470];
	[tilespmem:s11+$0xEA00] =	vst v7  }
0x2a9: {  	v10 =	vld [tilespmem:s7+$0x4F0];
	[tilespmem:s15+$0xEE00] =	vst v11  }
0x2aa: {  	v7 =	vld [tilespmem:s6+$0x480];
	[tilespmem:s11+$0xEA10] =	vst v2  }
0x2ab: {  	v11 =	vld [tilespmem:s7+$0x500];
	[tilespmem:s15+$0xEE10] =	vst v12  }
0x2ac: {  	v2 =	vld [tilespmem:s6+$0x490];
	[tilespmem:s11+$0xEA20] =	vst v3  }
0x2ad: {  	v12 =	vld [tilespmem:s7+$0x510];
	[tilespmem:s15+$0xEE20] =	vst v13  }
0x2ae: {  	v3 =	vld [tilespmem:s6+$0x4A0];
	[tilespmem:s11+$0xEA30] =	vst v4  }
0x2af: {  	v13 =	vld [tilespmem:s7+$0x520];
	[tilespmem:s15+$0xEE30] =	vst v14  }
0x2b0: {  	v4 =	vld [tilespmem:s6+$0x4B0];
	[tilespmem:s11+$0xEA40] =	vst v5  }
0x2b1: {  	v14 =	vld [tilespmem:s7+$0x530];
	[tilespmem:s15+$0xEE40] =	vst v8  }
0x2b2: {  	v5 =	vld [tilespmem:s6+$0x4C0];
	[tilespmem:s11+$0xEA50] =	vst v6  }
0x2b3: {  	v8 =	vld [tilespmem:s7+$0x540];
	[tilespmem:s15+$0xEE50] =	vst v9  }
0x2b4: {  	v6 =	vld [tilespmem:s6+$0x4D0];
	[tilespmem:s11+$0xEA60] =	vst v0  }
0x2b5: {  	v9 =	vld [tilespmem:s7+$0x550];
	[tilespmem:s15+$0xEE60] =	vst v15  }
0x2b6: {  	v0 =	vld [tilespmem:s6+$0x4E0];
	[tilespmem:s11+$0xEA70] =	vst v1  }
0x2b7: {  	v15 =	vld [tilespmem:s7+$0x560];
	[tilespmem:s15+$0xEE70] =	vst v10  }
0x2b8: {  	v1 =	vld [tilespmem:s6+$0x4F0];
	[tilespmem:s11+$0xEE00] =	vst v7  }
0x2b9: {  	v10 =	vld [tilespmem:s7+$0x570];
	[tilespmem:s15+$0xF200] =	vst v11  }
0x2ba: {  	v7 =	vld [tilespmem:s6+$0x500];
	[tilespmem:s11+$0xEE10] =	vst v2  }
0x2bb: {  	v11 =	vld [tilespmem:s7+$0x580];
	[tilespmem:s15+$0xF210] =	vst v12  }
0x2bc: {  	v2 =	vld [tilespmem:s6+$0x510];
	[tilespmem:s11+$0xEE20] =	vst v3  }
0x2bd: {  	v12 =	vld [tilespmem:s7+$0x590];
	[tilespmem:s15+$0xF220] =	vst v13  }
0x2be: {  	v3 =	vld [tilespmem:s6+$0x520];
	[tilespmem:s11+$0xEE30] =	vst v4  }
0x2bf: {  	v13 =	vld [tilespmem:s7+$0x5A0];
	[tilespmem:s15+$0xF230] =	vst v14  }
0x2c0: {  	v4 =	vld [tilespmem:s6+$0x530];
	[tilespmem:s11+$0xEE40] =	vst v5  }
0x2c1: {  	s21 =	sld [smem:s29+$0x0];
	v14 =	vld [tilespmem:s7+$0x5B0];
	[tilespmem:s15+$0xF240] =	vst v8  }
0x2c2: {  	v5 =	vld [tilespmem:s6+$0x540];
	[tilespmem:s11+$0xEE50] =	vst v6  }
0x2c3: {  	v8 =	vld [tilespmem:s7+$0x5C0];
	[tilespmem:s15+$0xF250] =	vst v9  }
0x2c4: {  	v6 =	vld [tilespmem:s6+$0x550];
	[tilespmem:s11+$0xEE60] =	vst v0  }
0x2c5: {  	v9 =	vld [tilespmem:s7+$0x5D0];
	[tilespmem:s15+$0xF260] =	vst v15  }
0x2c6: {  	v0 =	vld [tilespmem:s6+$0x560];
	[tilespmem:s11+$0xEE70] =	vst v1  }
0x2c7: {  	v15 =	vld [tilespmem:s7+$0x5E0];
	[tilespmem:s15+$0xF270] =	vst v10  }
0x2c8: {  	v1 =	vld [tilespmem:s6+$0x570];
	[tilespmem:s11+$0xF200] =	vst v7  }
0x2c9: {  	s8 =	sshll.u32 s21, $0xA;
	v10 =	vld [tilespmem:s7+$0x5F0];
	[tilespmem:s15+$0xF600] =	vst v11  }
0x2ca: {  	s10 =	sshra.s32 s8, $0x2;
	v7 =	vld [tilespmem:s6+$0x580];
	[tilespmem:s11+$0xF210] =	vst v2  }
0x2cb: {  	v11 =	vld [tilespmem:s10+$0x1600];
	[tilespmem:s15+$0xF610] =	vst v12  }
0x2cc: {  	v2 =	vld [tilespmem:s6+$0x590];
	[tilespmem:s11+$0xF220] =	vst v3  }
0x2cd: {  	v12 =	vld [tilespmem:s10+$0x1610];
	[tilespmem:s15+$0xF620] =	vst v13  }
0x2ce: {  	v3 =	vld [tilespmem:s6+$0x5A0];
	[tilespmem:s11+$0xF230] =	vst v4  }
0x2cf: {  	s13 =	sadd.s32 $0x1, s29;
	v13 =	vld [tilespmem:s10+$0x1620];
	[tilespmem:s15+$0xF630] =	vst v14  }
0x2d0: {  	s14 =	sld [smem:s13+$0x0];
	v4 =	vld [tilespmem:s6+$0x5B0];
	[tilespmem:s11+$0xF240] =	vst v5  }
0x2d1: {  	v14 =	vld [tilespmem:s10+$0x1630];
	[tilespmem:s15+$0xF640] =	vst v8  }
0x2d2: {  	v5 =	vld [tilespmem:s6+$0x5C0];
	[tilespmem:s11+$0xF250] =	vst v6  }
0x2d3: {  	v8 =	vld [tilespmem:s10+$0x1640];
	[tilespmem:s15+$0xF650] =	vst v9  }
0x2d4: {  	v6 =	vld [tilespmem:s6+$0x5D0];
	[tilespmem:s11+$0xF260] =	vst v0  }
0x2d5: {  	v9 =	vld [tilespmem:s10+$0x1650];
	[tilespmem:s15+$0xF660] =	vst v15  }
0x2d6: {  	v0 =	vld [tilespmem:s6+$0x5E0];
	[tilespmem:s11+$0xF270] =	vst v1  }
0x2d7: {  	v15 =	vld [tilespmem:s10+$0x1660];
	[tilespmem:s15+$0xF670] =	vst v10  }
0x2d8: {  	s8 =	sshll.u32 s14, $0xA;
	v1 =	vld [tilespmem:s6+$0x5F0];
	[tilespmem:s11+$0xF600] =	vst v7  }
0x2d9: {  	s8 =	sshra.s32 s8, $0x2;
	v10 =	vld [tilespmem:s10+$0x1670];
	[tilespmem:s15+$0xFA00] =	vst v11  }
0x2da: {  	v7 =	vld [tilespmem:s8+$0x1600];
	[tilespmem:s11+$0xF610] =	vst v2  }
0x2db: {  	v11 =	vld [tilespmem:s10+$0x1680];
	[tilespmem:s15+$0xFA10] =	vst v12  }
0x2dc: {  	v2 =	vld [tilespmem:s8+$0x1610];
	[tilespmem:s11+$0xF620] =	vst v3  }
0x2dd: {  	v12 =	vld [tilespmem:s10+$0x1690];
	[tilespmem:s15+$0xFA20] =	vst v13  }
0x2de: {  	v3 =	vld [tilespmem:s8+$0x1620];
	[tilespmem:s11+$0xF630] =	vst v4  }
0x2df: {  	v13 =	vld [tilespmem:s10+$0x16A0];
	[tilespmem:s15+$0xFA30] =	vst v14  }
0x2e0: {  	v4 =	vld [tilespmem:s8+$0x1630];
	[tilespmem:s11+$0xF640] =	vst v5  }
0x2e1: {  	s21 =	sld [smem:s30+$0x0];
	v14 =	vld [tilespmem:s10+$0x16B0];
	[tilespmem:s15+$0xFA40] =	vst v8  }
0x2e2: {  	v5 =	vld [tilespmem:s8+$0x1640];
	[tilespmem:s11+$0xF650] =	vst v6  }
0x2e3: {  	v8 =	vld [tilespmem:s10+$0x16C0];
	[tilespmem:s15+$0xFA50] =	vst v9  }
0x2e4: {  	v6 =	vld [tilespmem:s8+$0x1650];
	[tilespmem:s11+$0xF660] =	vst v0  }
0x2e5: {  	v9 =	vld [tilespmem:s10+$0x16D0];
	[tilespmem:s15+$0xFA60] =	vst v15  }
0x2e6: {  	v0 =	vld [tilespmem:s8+$0x1660];
	[tilespmem:s11+$0xF670] =	vst v1  }
0x2e7: {  	v15 =	vld [tilespmem:s10+$0x16E0];
	[tilespmem:s15+$0xFA70] =	vst v10  }
0x2e8: {  	v1 =	vld [tilespmem:s8+$0x1670];
	[tilespmem:s11+$0xFA00] =	vst v7  }
0x2e9: {  	s6 =	sshll.u32 s21, $0xA;
	v10 =	vld [tilespmem:s10+$0x16F0];
	[tilespmem:s15+$0xFE00] =	vst v11  }
0x2ea: {  	s6 =	sshra.s32 s6, $0x2;
	v7 =	vld [tilespmem:s8+$0x1680];
	[tilespmem:s11+$0xFA10] =	vst v2  }
0x2eb: {  	v11 =	vld [tilespmem:s6+$0x4800];
	[tilespmem:s15+$0xFE10] =	vst v12  }
0x2ec: {  	v2 =	vld [tilespmem:s8+$0x1690];
	[tilespmem:s11+$0xFA20] =	vst v3  }
0x2ed: {  	v12 =	vld [tilespmem:s6+$0x4810];
	[tilespmem:s15+$0xFE20] =	vst v13  }
0x2ee: {  	v3 =	vld [tilespmem:s8+$0x16A0];
	[tilespmem:s11+$0xFA30] =	vst v4  }
0x2ef: {  	s14 =	sadd.s32 $0x1, s30;
	v13 =	vld [tilespmem:s6+$0x4820];
	[tilespmem:s15+$0xFE30] =	vst v14  }
0x2f0: {  	s10 =	sld [smem:s14+$0x0];
	v4 =	vld [tilespmem:s8+$0x16B0];
	[tilespmem:s11+$0xFA40] =	vst v5  }
0x2f1: {  	v14 =	vld [tilespmem:s6+$0x4830];
	[tilespmem:s15+$0xFE40] =	vst v8  }
0x2f2: {  	v5 =	vld [tilespmem:s8+$0x16C0];
	[tilespmem:s11+$0xFA50] =	vst v6  }
0x2f3: {  	v8 =	vld [tilespmem:s6+$0x4840];
	[tilespmem:s15+$0xFE50] =	vst v9  }
0x2f4: {  	v6 =	vld [tilespmem:s8+$0x16D0];
	[tilespmem:s11+$0xFA60] =	vst v0  }
0x2f5: {  	v16 =	vld [tilespmem:s6+$0x4850];
	[tilespmem:s15+$0xFE60] =	vst v15  }
0x2f6: {  	v9 =	vld [tilespmem:s8+$0x16E0];
	[tilespmem:s11+$0xFA70] =	vst v1  }
0x2f7: {  	v17 =	vld [tilespmem:s6+$0x4860];
	[tilespmem:s15+$0xFE70] =	vst v10  }
0x2f8: {  	s7 =	sshll.u32 s10, $0xA;
	v59 =	vld [tilespmem:s8+$0x16F0];
	[tilespmem:s11+$0xFE00] =	vst v7  }
0x2f9: {  	s8 =	sshra.s32 s7, $0x2;
	v18 =	vld [tilespmem:s6+$0x4870];
	[tilespmem:s15+$0x10200] =	vst v11  }
0x2fa: {  	s21 =	sadd.s32 $0x10200, s15;
	v7 =	vld [tilespmem:s8+$0x4800];
	[tilespmem:s11+$0xFE10] =	vst v2  }
0x2fb: {  	v19 =	vld [tilespmem:s6+$0x4880];
	[tilespmem:s21+$0x10] =	vst v12  }
0x2fc: {  	v11 =	vld [tilespmem:s8+$0x4810];
	[tilespmem:s11+$0xFE20] =	vst v3  }
0x2fd: {  	v0 =	vld [tilespmem:s6+$0x4890];
	[tilespmem:s21+$0x20] =	vst v13  }
0x2fe: {  	v60 =	vld [tilespmem:s8+$0x4820];
	[tilespmem:s11+$0xFE30] =	vst v4  }
0x2ff: {  	v1 =	vld [tilespmem:s6+$0x48A0];
	[tilespmem:s21+$0x30] =	vst v14  }
0x300: {  	v61 =	vld [tilespmem:s8+$0x4830];
	[tilespmem:s11+$0xFE40] =	vst v5  }
0x301: {  	v2 =	vld [tilespmem:s6+$0x48B0];
	[tilespmem:s21+$0x40] =	vst v8  }
0x302: {  	v62 =	vld [tilespmem:s8+$0x4840];
	[tilespmem:s11+$0xFE50] =	vst v6  }
0x303: {  	v3 =	vld [tilespmem:s6+$0x48C0];
	[tilespmem:s21+$0x50] =	vst v16  }
0x304: {  	v6 =	vld [tilespmem:s8+$0x4850];
	[tilespmem:s11+$0xFE60] =	vst v9  }
0x305: {  	v20 =	vld [tilespmem:s6+$0x48D0];
	[tilespmem:s21+$0x60] =	vst v17  }
0x306: {  	v63 =	vld [tilespmem:s8+$0x4860];
	[tilespmem:s11+$0xFE70] =	vst v59  }
0x307: {  	v8 =	vld [tilespmem:s6+$0x48E0];
	[tilespmem:s21+$0x70] =	vst v18  }
0x308: {  	v10 =	vld [tilespmem:s8+$0x4870];
	[tilespmem:s11+$0x10200] =	vst v7  }
0x309: {  	s10 =	sadd.s32 $0x10200, s11;
	v7 =	vld [tilespmem:s6+$0x48F0];
	[tilespmem:s15+$0x10600] =	vst v19  }
0x30a: {  	v9 =	vld [tilespmem:s8+$0x4880];
	[tilespmem:s10+$0x10] =	vst v11  }
0x30b: {  	v5 =	vld [tilespmem:s8+$0x4890];
	[tilespmem:s10+$0x20] =	vst v60  }
0x30c: {  	s15 =	sadd.s32 $0x10600, s15;
	v4 =	vld [tilespmem:s8+$0x48A0];
	[tilespmem:s10+$0x30] =	vst v61  }
0x30d: {  	[tilespmem:s15+$0x50] =	vst v20  }
0x30e: {  	[tilespmem:s15+$0x60] =	vst v8  }
0x30f: {  	s6 =	sadd.s32 $0x1, s5;
	[tilespmem:s15+$0x70] =	vst v7  }
0x310: {  	s21 =	sld [smem:s6+$0x0];
	v7 =	vld [tilespmem:s8+$0x48B0];
	[tilespmem:s10+$0x40] =	vst v62  }
0x311: {  	v8 =	vld [tilespmem:s8+$0x48C0];
	[tilespmem:s10+$0x50] =	vst v6  }
0x312: {  	s7 =	simm.s32 $0x3;
	s5 =	simm.s32 $0x2;
	v6 =	vld [tilespmem:s8+$0x48D0];
	[tilespmem:s10+$0x60] =	vst v63  }
.LBB2_7:
0x313: {  	p0 =	sne.s32 s7, $0xF;
	s21 =	sshll.u32 s21, $0xC;
	v11 =	vld [tilespmem:s8+$0x48E0];
	[tilespmem:s10+$0x70] =	vst v10  }
0x314: {  	s10 =	sshra.s32 s21, $0x2;
	v10 =	vld [tilespmem:s8+$0x48F0];
	[tilespmem:s15+$0x40] =	vst v3  }
0x315: {  	v12 =	vld [tilespmem:s10+$0x250];
	[tilespmem:s11+$0x10600] =	vst v9  }
0x316: {  	v9 =	vld [tilespmem:s10+$0x260];
	[tilespmem:s15+$0x30] =	vst v2;
	v2 =	vmov v7;
	v3 =	vmov v8  }
0x317: {  	s8 =	sshrl.u32 s5, $0x3;
	s5 =	smov.u32 s7;
	v7 =	vld [tilespmem:s10+$0x200];
	[tilespmem:s15+$0x10] =	vst v0;
	v0 =	vmov v5  }
0x318: {  	s8 =	smul.u32 $0xC000, s8;
	v5 =	vld [tilespmem:s10+$0x210];
	[tilespmem:s15+$0x20] =	vst v1;
	s15 =	sadd.s32 $0x10600, s11;
	v1 =	vmov v4  }
0x319: {  	s12 =	sadd.s32 $0x80, s12;
	v4 =	vld [tilespmem:s10+$0x220];
	[tilespmem:s15+$0x70] =	vst v10  }
0x31a: {  	s8 =	sshra.s32 s8, $0x2;
	s11 =	sand.u32 $0x380, s12;
	v8 =	vld [tilespmem:s10+$0x230];
	[tilespmem:s15+$0x60] =	vst v11  }
0x31b: {  	s11 =	sor.u32 s11, s8;
	v10 =	vld [tilespmem:s10+$0x240];
	[tilespmem:s15+$0x50] =	vst v6  }
0x31c: {  	v6 =	vld [tilespmem:s10+$0x270];
	[tilespmem:s11+$0xDA00] =	vst v7  }
0x31d: {  	v7 =	vld [tilespmem:s10+$0x280];
	[tilespmem:s11+$0xDA10] =	vst v5  }
0x31e: {  	v5 =	vld [tilespmem:s10+$0x290];
	[tilespmem:s11+$0xDA20] =	vst v4  }
0x31f: {  	v4 =	vld [tilespmem:s10+$0x2A0];
	[tilespmem:s11+$0xDA30] =	vst v8  }
0x320: {  	v8 =	vld [tilespmem:s10+$0x2B0];
	[tilespmem:s11+$0xDA40] =	vst v10  }
0x321: {  	v10 =	vld [tilespmem:s10+$0x2C0];
	[tilespmem:s11+$0xDA50] =	vst v12  }
0x322: {  	v11 =	vld [tilespmem:s10+$0x2D0];
	[tilespmem:s11+$0xDA60] =	vst v9  }
0x323: {  	v9 =	vld [tilespmem:s10+$0x2E0];
	[tilespmem:s11+$0xDA70] =	vst v6  }
0x324: {  	v6 =	vld [tilespmem:s10+$0x2F0];
	[tilespmem:s11+$0xDE00] =	vst v7  }
0x325: {  	v7 =	vld [tilespmem:s10+$0x300];
	[tilespmem:s11+$0xDE10] =	vst v5  }
0x326: {  	v5 =	vld [tilespmem:s10+$0x310];
	[tilespmem:s11+$0xDE20] =	vst v4  }
0x327: {  	v4 =	vld [tilespmem:s10+$0x320];
	[tilespmem:s11+$0xDE30] =	vst v8  }
0x328: {  	v8 =	vld [tilespmem:s10+$0x330];
	[tilespmem:s11+$0xDE40] =	vst v10  }
0x329: {  	v10 =	vld [tilespmem:s10+$0x340];
	[tilespmem:s11+$0xDE50] =	vst v11  }
0x32a: {  	v11 =	vld [tilespmem:s10+$0x350];
	[tilespmem:s11+$0xDE60] =	vst v9  }
0x32b: {  	v9 =	vld [tilespmem:s10+$0x360];
	[tilespmem:s11+$0xDE70] =	vst v6  }
0x32c: {  	v6 =	vld [tilespmem:s10+$0x370];
	[tilespmem:s11+$0xE200] =	vst v7  }
0x32d: {  	v7 =	vld [tilespmem:s10+$0x380];
	[tilespmem:s11+$0xE210] =	vst v5  }
0x32e: {  	v5 =	vld [tilespmem:s10+$0x390];
	[tilespmem:s11+$0xE220] =	vst v4  }
0x32f: {  	v4 =	vld [tilespmem:s10+$0x3A0];
	[tilespmem:s11+$0xE230] =	vst v8  }
0x330: {  	v8 =	vld [tilespmem:s10+$0x3B0];
	[tilespmem:s11+$0xE240] =	vst v10  }
0x331: {  	v10 =	vld [tilespmem:s10+$0x3C0];
	[tilespmem:s11+$0xE250] =	vst v11  }
0x332: {  	v11 =	vld [tilespmem:s10+$0x3D0];
	[tilespmem:s11+$0xE260] =	vst v9  }
0x333: {  	v9 =	vld [tilespmem:s10+$0x3E0];
	[tilespmem:s11+$0xE270] =	vst v6  }
0x334: {  	v6 =	vld [tilespmem:s10+$0x3F0];
	[tilespmem:s11+$0xE600] =	vst v7  }
0x335: {  	v7 =	vld [tilespmem:s10+$0x400];
	[tilespmem:s11+$0xE610] =	vst v5  }
0x336: {  	v5 =	vld [tilespmem:s10+$0x410];
	[tilespmem:s11+$0xE620] =	vst v4  }
0x337: {  	v4 =	vld [tilespmem:s10+$0x420];
	[tilespmem:s11+$0xE630] =	vst v8  }
0x338: {  	v8 =	vld [tilespmem:s10+$0x430];
	[tilespmem:s11+$0xE640] =	vst v10  }
0x339: {  	v10 =	vld [tilespmem:s10+$0x440];
	[tilespmem:s11+$0xE650] =	vst v11  }
0x33a: {  	v11 =	vld [tilespmem:s10+$0x450];
	[tilespmem:s11+$0xE660] =	vst v9  }
0x33b: {  	v9 =	vld [tilespmem:s10+$0x460];
	[tilespmem:s11+$0xE670] =	vst v6  }
0x33c: {  	v6 =	vld [tilespmem:s10+$0x470];
	[tilespmem:s11+$0xEA00] =	vst v7  }
0x33d: {  	v7 =	vld [tilespmem:s10+$0x480];
	[tilespmem:s11+$0xEA10] =	vst v5  }
0x33e: {  	v5 =	vld [tilespmem:s10+$0x490];
	[tilespmem:s11+$0xEA20] =	vst v4  }
0x33f: {  	v4 =	vld [tilespmem:s10+$0x4A0];
	[tilespmem:s11+$0xEA30] =	vst v8  }
0x340: {  	v8 =	vld [tilespmem:s10+$0x4B0];
	[tilespmem:s11+$0xEA40] =	vst v10  }
0x341: {  	v10 =	vld [tilespmem:s10+$0x4C0];
	[tilespmem:s11+$0xEA50] =	vst v11  }
0x342: {  	v11 =	vld [tilespmem:s10+$0x4D0];
	[tilespmem:s11+$0xEA60] =	vst v9  }
0x343: {  	v9 =	vld [tilespmem:s10+$0x4E0];
	[tilespmem:s11+$0xEA70] =	vst v6  }
0x344: {  	v6 =	vld [tilespmem:s10+$0x4F0];
	[tilespmem:s11+$0xEE00] =	vst v7  }
0x345: {  	v7 =	vld [tilespmem:s10+$0x500];
	[tilespmem:s11+$0xEE10] =	vst v5  }
0x346: {  	v5 =	vld [tilespmem:s10+$0x510];
	[tilespmem:s11+$0xEE20] =	vst v4  }
0x347: {  	v4 =	vld [tilespmem:s10+$0x520];
	[tilespmem:s11+$0xEE30] =	vst v8  }
0x348: {  	v8 =	vld [tilespmem:s10+$0x530];
	[tilespmem:s11+$0xEE40] =	vst v10  }
0x349: {  	v10 =	vld [tilespmem:s10+$0x540];
	[tilespmem:s11+$0xEE50] =	vst v11  }
0x34a: {  	v11 =	vld [tilespmem:s10+$0x550];
	[tilespmem:s11+$0xEE60] =	vst v9  }
0x34b: {  	v9 =	vld [tilespmem:s10+$0x560];
	[tilespmem:s11+$0xEE70] =	vst v6  }
0x34c: {  	v6 =	vld [tilespmem:s10+$0x570];
	[tilespmem:s11+$0xF200] =	vst v7  }
0x34d: {  	v7 =	vld [tilespmem:s10+$0x580];
	[tilespmem:s11+$0xF210] =	vst v5  }
0x34e: {  	v5 =	vld [tilespmem:s10+$0x590];
	[tilespmem:s11+$0xF220] =	vst v4  }
0x34f: {  	s13 =	sadd.s32 $0x1, s13;
	v4 =	vld [tilespmem:s10+$0x5A0];
	[tilespmem:s11+$0xF230] =	vst v8  }
0x350: {  	s8 =	sld [smem:s13+$0x0];
	v8 =	vld [tilespmem:s10+$0x5B0];
	[tilespmem:s11+$0xF240] =	vst v10  }
0x351: {  	v10 =	vld [tilespmem:s10+$0x5C0];
	[tilespmem:s11+$0xF250] =	vst v11  }
0x352: {  	v11 =	vld [tilespmem:s10+$0x5D0];
	[tilespmem:s11+$0xF260] =	vst v9  }
0x353: {  	v9 =	vld [tilespmem:s10+$0x5E0];
	[tilespmem:s11+$0xF270] =	vst v6;
	s8 =	sshll.u32 s8, $0xA  }
0x354: {  	v6 =	vld [tilespmem:s10+$0x5F0];
	[tilespmem:s11+$0xF600] =	vst v7;
	s8 =	sshra.s32 s8, $0x2  }
0x355: {  	v7 =	vld [tilespmem:s8+$0x1600];
	[tilespmem:s11+$0xF610] =	vst v5  }
0x356: {  	v5 =	vld [tilespmem:s8+$0x1610];
	[tilespmem:s11+$0xF620] =	vst v4  }
0x357: {  	v4 =	vld [tilespmem:s8+$0x1620];
	[tilespmem:s11+$0xF630] =	vst v8  }
0x358: {  	v8 =	vld [tilespmem:s8+$0x1630];
	[tilespmem:s11+$0xF640] =	vst v10  }
0x359: {  	v10 =	vld [tilespmem:s8+$0x1640];
	[tilespmem:s11+$0xF650] =	vst v11  }
0x35a: {  	v11 =	vld [tilespmem:s8+$0x1650];
	[tilespmem:s11+$0xF660] =	vst v9  }
0x35b: {  	v9 =	vld [tilespmem:s8+$0x1660];
	[tilespmem:s11+$0xF670] =	vst v6  }
0x35c: {  	v6 =	vld [tilespmem:s8+$0x1670];
	[tilespmem:s11+$0xFA00] =	vst v7  }
0x35d: {  	v7 =	vld [tilespmem:s8+$0x1680];
	[tilespmem:s11+$0xFA10] =	vst v5  }
0x35e: {  	v5 =	vld [tilespmem:s8+$0x1690];
	[tilespmem:s11+$0xFA20] =	vst v4  }
0x35f: {  	s14 =	sadd.s32 $0x1, s14;
	v4 =	vld [tilespmem:s8+$0x16A0];
	[tilespmem:s11+$0xFA30] =	vst v8  }
0x360: {  	s10 =	sld [smem:s14+$0x0];
	v8 =	vld [tilespmem:s8+$0x16B0];
	[tilespmem:s11+$0xFA40] =	vst v10  }
0x361: {  	v10 =	vld [tilespmem:s8+$0x16C0];
	[tilespmem:s11+$0xFA50] =	vst v11  }
0x362: {  	v11 =	vld [tilespmem:s8+$0x16D0];
	[tilespmem:s11+$0xFA60] =	vst v9  }
0x363: {  	v9 =	vld [tilespmem:s8+$0x16E0];
	[tilespmem:s11+$0xFA70] =	vst v6;
	s10 =	sshll.u32 s10, $0xA  }
0x364: {  	v6 =	vld [tilespmem:s8+$0x16F0];
	[tilespmem:s11+$0xFE00] =	vst v7;
	s8 =	sshra.s32 s10, $0x2  }
0x365: {  	v7 =	vld [tilespmem:s8+$0x4800];
	[tilespmem:s11+$0xFE10] =	vst v5  }
0x366: {  	v5 =	vld [tilespmem:s8+$0x4810];
	[tilespmem:s11+$0xFE20] =	vst v4  }
0x367: {  	v4 =	vld [tilespmem:s8+$0x4820];
	[tilespmem:s11+$0xFE30] =	vst v8  }
0x368: {  	v8 =	vld [tilespmem:s8+$0x4830];
	[tilespmem:s11+$0xFE40] =	vst v10  }
0x369: {  	v12 =	vld [tilespmem:s8+$0x4840];
	[tilespmem:s11+$0xFE50] =	vst v11  }
0x36a: {  	v11 =	vld [tilespmem:s8+$0x4850];
	[tilespmem:s11+$0xFE60] =	vst v9  }
0x36b: {  	v13 =	vld [tilespmem:s8+$0x4860];
	[tilespmem:s11+$0xFE70] =	vst v6  }
0x36c: {  	s10 =	sadd.s32 $0x10200, s11;
	v10 =	vld [tilespmem:s8+$0x4870];
	[tilespmem:s11+$0x10200] =	vst v7  }
0x36d: {  	v9 =	vld [tilespmem:s8+$0x4880];
	[tilespmem:s10+$0x10] =	vst v5  }
.Ltmp2:
0x36e: {  	v5 =	vld [tilespmem:s8+$0x4890];
	[tilespmem:s10+$0x20] =	vst v4;
	(pc) =	sbr.rel @p0 .LBB2_7-.Ltmp2, $4  }
0x36f: {  	s6 =	sadd.s32 $0x1, s6;
	v4 =	vld [tilespmem:s8+$0x48A0];
	[tilespmem:s10+$0x30] =	vst v8  }
0x370: {  	s21 =	sld [smem:s6+$0x0];
	v7 =	vld [tilespmem:s8+$0x48B0];
	[tilespmem:s10+$0x40] =	vst v12  }
0x371: {  	v8 =	vld [tilespmem:s8+$0x48C0];
	[tilespmem:s10+$0x50] =	vst v11  }
0x372: {  	s7 =	sadd.s32 $0x1, s7;
	v6 =	vld [tilespmem:s8+$0x48D0];
	[tilespmem:s10+$0x60] =	vst v13  }
0x373: {  	v54 =	vld [tilespmem:s8+$0x48E0];
	[tilespmem:s10+$0x70] =	vst v10  }
0x374: {  	[tilespmem:s15+$0x40] =	vst v3  }
0x375: {  	[tilespmem:s15+$0x30] =	vst v2  }
0x376: {  	[tilespmem:s15+$0x10] =	vst v0  }
0x377: {  	s6 =	sshll.u32 s21, $0xC;
	[tilespmem:s15+$0x20] =	vst v1  }
0x378: {  	s21 =	sadd.s32 $0x1, s14;
	s14 =	sadd.s32 $0x10600, s11;
	s6 =	sshra.s32 s6, $0x2;
	v57 =	vld [tilespmem:s8+$0x48F0];
	[tilespmem:s11+$0x10600] =	vst v9  }
0x379: {  	v11 =	vld [tilespmem:s6+$0x250];
	[tilespmem:s14+$0x30] =	vst v7  }
0x37a: {  	v12 =	vld [tilespmem:s6+$0x260];
	[tilespmem:s14+$0x10] =	vst v5  }
0x37b: {  	s5 =	sshrl.u32 s5, $0x3;
	v13 =	vld [tilespmem:s6+$0x200];
	[tilespmem:s14+$0x20] =	vst v4  }
0x37c: {  	s5 =	smul.u32 $0xC000, s5;
	v14 =	vld [tilespmem:s6+$0x210];
	[tilespmem:s14+$0x40] =	vst v8  }
0x37d: {  	s7 =	sadd.s32 $0x80, s12;
	v15 =	vld [tilespmem:s6+$0x220];
	[tilespmem:s14+$0x50] =	vst v6  }
0x37e: {  	s7 =	sand.u32 $0x380, s7;
	v16 =	vld [tilespmem:s6+$0x230];
	s5 =	sshra.s32 s5, $0x2;
	[tilespmem:s14+$0x60] =	vst v54  }
0x37f: {  	v17 =	vld [tilespmem:s6+$0x240];
	s5 =	sor.u32 s7, s5;
	[tilespmem:s14+$0x70] =	vst v57  }
0x380: {  	v18 =	vld [tilespmem:s6+$0x270];
	[tilespmem:s5+$0xDA00] =	vst v13  }
0x381: {  	v13 =	vld [tilespmem:s6+$0x280];
	[tilespmem:s5+$0xDA10] =	vst v14  }
0x382: {  	v14 =	vld [tilespmem:s6+$0x290];
	[tilespmem:s5+$0xDA20] =	vst v15  }
0x383: {  	v15 =	vld [tilespmem:s6+$0x2A0];
	[tilespmem:s5+$0xDA30] =	vst v16  }
0x384: {  	v16 =	vld [tilespmem:s6+$0x2B0];
	[tilespmem:s5+$0xDA40] =	vst v17  }
0x385: {  	v17 =	vld [tilespmem:s6+$0x2C0];
	[tilespmem:s5+$0xDA50] =	vst v11  }
0x386: {  	v11 =	vld [tilespmem:s6+$0x2D0];
	[tilespmem:s5+$0xDA60] =	vst v12  }
0x387: {  	v12 =	vld [tilespmem:s6+$0x2E0];
	[tilespmem:s5+$0xDA70] =	vst v18  }
0x388: {  	v18 =	vld [tilespmem:s6+$0x2F0];
	[tilespmem:s5+$0xDE00] =	vst v13  }
0x389: {  	v13 =	vld [tilespmem:s6+$0x300];
	[tilespmem:s5+$0xDE10] =	vst v14  }
0x38a: {  	v14 =	vld [tilespmem:s6+$0x310];
	[tilespmem:s5+$0xDE20] =	vst v15  }
0x38b: {  	v15 =	vld [tilespmem:s6+$0x320];
	[tilespmem:s5+$0xDE30] =	vst v16  }
0x38c: {  	v16 =	vld [tilespmem:s6+$0x330];
	[tilespmem:s5+$0xDE40] =	vst v17  }
0x38d: {  	v17 =	vld [tilespmem:s6+$0x340];
	[tilespmem:s5+$0xDE50] =	vst v11  }
0x38e: {  	v11 =	vld [tilespmem:s6+$0x350];
	[tilespmem:s5+$0xDE60] =	vst v12  }
0x38f: {  	v12 =	vld [tilespmem:s6+$0x360];
	[tilespmem:s5+$0xDE70] =	vst v18  }
0x390: {  	v18 =	vld [tilespmem:s6+$0x370];
	[tilespmem:s5+$0xE200] =	vst v13  }
0x391: {  	v13 =	vld [tilespmem:s6+$0x380];
	[tilespmem:s5+$0xE210] =	vst v14  }
0x392: {  	v14 =	vld [tilespmem:s6+$0x390];
	[tilespmem:s5+$0xE220] =	vst v15  }
0x393: {  	v15 =	vld [tilespmem:s6+$0x3A0];
	[tilespmem:s5+$0xE230] =	vst v16  }
0x394: {  	v16 =	vld [tilespmem:s6+$0x3B0];
	[tilespmem:s5+$0xE240] =	vst v17  }
0x395: {  	v17 =	vld [tilespmem:s6+$0x3C0];
	[tilespmem:s5+$0xE250] =	vst v11  }
0x396: {  	v11 =	vld [tilespmem:s6+$0x3D0];
	[tilespmem:s5+$0xE260] =	vst v12  }
0x397: {  	v12 =	vld [tilespmem:s6+$0x3E0];
	[tilespmem:s5+$0xE270] =	vst v18  }
0x398: {  	v18 =	vld [tilespmem:s6+$0x3F0];
	[tilespmem:s5+$0xE600] =	vst v13  }
0x399: {  	v13 =	vld [tilespmem:s6+$0x400];
	[tilespmem:s5+$0xE610] =	vst v14  }
0x39a: {  	v14 =	vld [tilespmem:s6+$0x410];
	[tilespmem:s5+$0xE620] =	vst v15  }
0x39b: {  	v15 =	vld [tilespmem:s6+$0x420];
	[tilespmem:s5+$0xE630] =	vst v16  }
0x39c: {  	v16 =	vld [tilespmem:s6+$0x430];
	[tilespmem:s5+$0xE640] =	vst v17  }
0x39d: {  	v17 =	vld [tilespmem:s6+$0x440];
	[tilespmem:s5+$0xE650] =	vst v11  }
0x39e: {  	v11 =	vld [tilespmem:s6+$0x450];
	[tilespmem:s5+$0xE660] =	vst v12  }
0x39f: {  	v12 =	vld [tilespmem:s6+$0x460];
	[tilespmem:s5+$0xE670] =	vst v18  }
0x3a0: {  	v18 =	vld [tilespmem:s6+$0x470];
	[tilespmem:s5+$0xEA00] =	vst v13  }
0x3a1: {  	v13 =	vld [tilespmem:s6+$0x480];
	[tilespmem:s5+$0xEA10] =	vst v14  }
0x3a2: {  	v14 =	vld [tilespmem:s6+$0x490];
	[tilespmem:s5+$0xEA20] =	vst v15  }
0x3a3: {  	v15 =	vld [tilespmem:s6+$0x4A0];
	[tilespmem:s5+$0xEA30] =	vst v16  }
0x3a4: {  	v16 =	vld [tilespmem:s6+$0x4B0];
	[tilespmem:s5+$0xEA40] =	vst v17  }
0x3a5: {  	v17 =	vld [tilespmem:s6+$0x4C0];
	[tilespmem:s5+$0xEA50] =	vst v11  }
0x3a6: {  	v11 =	vld [tilespmem:s6+$0x4D0];
	[tilespmem:s5+$0xEA60] =	vst v12  }
0x3a7: {  	v12 =	vld [tilespmem:s6+$0x4E0];
	[tilespmem:s5+$0xEA70] =	vst v18  }
0x3a8: {  	v18 =	vld [tilespmem:s6+$0x4F0];
	[tilespmem:s5+$0xEE00] =	vst v13  }
0x3a9: {  	v13 =	vld [tilespmem:s6+$0x500];
	[tilespmem:s5+$0xEE10] =	vst v14  }
0x3aa: {  	v14 =	vld [tilespmem:s6+$0x510];
	[tilespmem:s5+$0xEE20] =	vst v15  }
0x3ab: {  	v15 =	vld [tilespmem:s6+$0x520];
	[tilespmem:s5+$0xEE30] =	vst v16  }
0x3ac: {  	v16 =	vld [tilespmem:s6+$0x530];
	[tilespmem:s5+$0xEE40] =	vst v17  }
0x3ad: {  	v17 =	vld [tilespmem:s6+$0x540];
	[tilespmem:s5+$0xEE50] =	vst v11  }
0x3ae: {  	v11 =	vld [tilespmem:s6+$0x550];
	[tilespmem:s5+$0xEE60] =	vst v12  }
0x3af: {  	v12 =	vld [tilespmem:s6+$0x560];
	[tilespmem:s5+$0xEE70] =	vst v18  }
0x3b0: {  	v18 =	vld [tilespmem:s6+$0x570];
	[tilespmem:s5+$0xF200] =	vst v13  }
0x3b1: {  	v13 =	vld [tilespmem:s6+$0x580];
	[tilespmem:s5+$0xF210] =	vst v14  }
0x3b2: {  	v14 =	vld [tilespmem:s6+$0x590];
	[tilespmem:s5+$0xF220] =	vst v15  }
0x3b3: {  	s12 =	sadd.s32 $0x1, s13;
	v15 =	vld [tilespmem:s6+$0x5A0];
	[tilespmem:s5+$0xF230] =	vst v16  }
0x3b4: {  	s7 =	sld [smem:s12+$0x0];
	v16 =	vld [tilespmem:s6+$0x5B0];
	[tilespmem:s5+$0xF240] =	vst v17  }
0x3b5: {  	v17 =	vld [tilespmem:s6+$0x5C0];
	[tilespmem:s5+$0xF250] =	vst v11  }
0x3b6: {  	v11 =	vld [tilespmem:s6+$0x5D0];
	[tilespmem:s5+$0xF260] =	vst v12  }
0x3b7: {  	v12 =	vld [tilespmem:s6+$0x5E0];
	[tilespmem:s5+$0xF270] =	vst v18;
	s7 =	sshll.u32 s7, $0xA  }
0x3b8: {  	v18 =	vld [tilespmem:s6+$0x5F0];
	[tilespmem:s5+$0xF600] =	vst v13;
	s13 =	sshra.s32 s7, $0x2  }
0x3b9: {  	v13 =	vld [tilespmem:s13+$0x1600];
	[tilespmem:s5+$0xF610] =	vst v14  }
0x3ba: {  	v14 =	vld [tilespmem:s13+$0x1610];
	[tilespmem:s5+$0xF620] =	vst v15  }
0x3bb: {  	v15 =	vld [tilespmem:s13+$0x1620];
	[tilespmem:s5+$0xF630] =	vst v16  }
0x3bc: {  	v16 =	vld [tilespmem:s13+$0x1630];
	[tilespmem:s5+$0xF640] =	vst v17  }
0x3bd: {  	v17 =	vld [tilespmem:s13+$0x1640];
	[tilespmem:s5+$0xF650] =	vst v11  }
0x3be: {  	v11 =	vld [tilespmem:s13+$0x1650];
	[tilespmem:s5+$0xF660] =	vst v12  }
0x3bf: {  	v12 =	vld [tilespmem:s13+$0x1660];
	[tilespmem:s5+$0xF670] =	vst v18  }
0x3c0: {  	v18 =	vld [tilespmem:s13+$0x1670];
	[tilespmem:s5+$0xFA00] =	vst v13  }
0x3c1: {  	v13 =	vld [tilespmem:s13+$0x1680];
	[tilespmem:s5+$0xFA10] =	vst v14  }
0x3c2: {  	v14 =	vld [tilespmem:s13+$0x1690];
	[tilespmem:s5+$0xFA20] =	vst v15  }
0x3c3: {  	v15 =	vld [tilespmem:s13+$0x16A0];
	[tilespmem:s5+$0xFA30] =	vst v16  }
0x3c4: {  	s7 =	sld [smem:s21+$0x0];
	v16 =	vld [tilespmem:s13+$0x16B0];
	[tilespmem:s5+$0xFA40] =	vst v17  }
0x3c5: {  	v17 =	vld [tilespmem:s13+$0x16C0];
	[tilespmem:s5+$0xFA50] =	vst v11  }
0x3c6: {  	v11 =	vld [tilespmem:s13+$0x16D0];
	[tilespmem:s5+$0xFA60] =	vst v12  }
0x3c7: {  	v12 =	vld [tilespmem:s13+$0x16E0];
	[tilespmem:s5+$0xFA70] =	vst v18;
	s7 =	sshll.u32 s7, $0xA  }
0x3c8: {  	v18 =	vld [tilespmem:s13+$0x16F0];
	[tilespmem:s5+$0xFE00] =	vst v13;
	s12 =	sshra.s32 s7, $0x2  }
0x3c9: {  	v13 =	vld [tilespmem:s12+$0x4800];
	[tilespmem:s5+$0xFE10] =	vst v14  }
0x3ca: {  	v14 =	vld [tilespmem:s12+$0x4810];
	[tilespmem:s5+$0xFE20] =	vst v15  }
0x3cb: {  	v15 =	vld [tilespmem:s12+$0x4820];
	[tilespmem:s5+$0xFE30] =	vst v16  }
0x3cc: {  	v16 =	vld [tilespmem:s12+$0x4830];
	[tilespmem:s5+$0xFE40] =	vst v17  }
0x3cd: {  	v17 =	vld [tilespmem:s12+$0x4840];
	[tilespmem:s5+$0xFE50] =	vst v11  }
0x3ce: {  	v11 =	vld [tilespmem:s12+$0x4850];
	[tilespmem:s5+$0xFE60] =	vst v12  }
0x3cf: {  	v55 =	vld [tilespmem:s12+$0x4860];
	[tilespmem:s5+$0xFE70] =	vst v18  }
0x3d0: {  	s13 =	sadd.s32 $0x10200, s5;
	v56 =	vld [tilespmem:s12+$0x4870];
	[tilespmem:s5+$0x10200] =	vst v13  }
0x3d1: {  	v58 =	vld [tilespmem:s12+$0x4880];
	[tilespmem:s13+$0x10] =	vst v14  }
0x3d2: {  	v59 =	vld [tilespmem:s12+$0x4890];
	[tilespmem:s13+$0x20] =	vst v15  }
0x3d3: {  	v60 =	vld [tilespmem:s12+$0x48A0];
	[tilespmem:s13+$0x30] =	vst v16  }
0x3d4: {  	v61 =	vld [tilespmem:s12+$0x48B0];
	[tilespmem:s13+$0x40] =	vst v17  }
0x3d5: {  	v62 =	vld [tilespmem:s12+$0x48C0];
	[tilespmem:s13+$0x50] =	vst v11  }
0x3d6: {  	v11 =	vld [tilespmem:s12+$0x48D0];
	[tilespmem:s13+$0x60] =	vst v55  }
0x3d7: {  	v63 =	vld [tilespmem:s12+$0x48E0];
	[tilespmem:s13+$0x70] =	vst v56  }
0x3d8: {  	v3 =	vld [tilespmem:s12+$0x48F0];
	[tilespmem:s5+$0x10600] =	vst v58;
	s5 =	sadd.s32 $0x10600, s5  }
0x3d9: {  	s0 =	sadd.s32 s2, s0;
	[tilespmem:s5+$0x30] =	vst v61  }
0x3da: {  	s0 =	sshrl.u32 s0, $0x3;
	[tilespmem:s5+$0x10] =	vst v59  }
0x3db: {  	s15 =	smul.u32 $0x600, s0;
	[tilespmem:s5+$0x20] =	vst v60  }
0x3dc: {  	s1 =	sadd.s32 $0x1, s1;
	s0 =	smul.u32 $0x3000, s0;
	[tilespmem:s5+$0x40] =	vst v62  }
0x3dd: {  	s31 =	sadd.s32 $0x20, s31;
	s25 =	sadd.s32 $0x20, s25;
	p0 =	sne.s32 s1, $0x10;
	[tilespmem:s5+$0x50] =	vst v11  }
.Ltmp3:
0x3de: {  	s26 =	sadd.s32 $0x20, s26;
	s0 =	sshrl.u32 s0, $0x3;
	[tilespmem:s5+$0x60] =	vst v63;
	(pc) =	sbr.rel @p0 .LBB2_4-.Ltmp3, $4  }
0x3df: {  	s28 =	sadd.s32 $0x20, s28;
	s0 =	sadd.s32 s3, s0;
	s21 =	sadd.s32 s3, s15;
	[tilespmem:s5+$0x70] =	vst v3  }
0x3e0: {  	[hbm4b:s21+s4] =	stream.linear.scatter [tilespmem:s19], [sflag:$0x2], $0x3000, $0x38;
	[tilespmem:$0x13A00] =	vst v63  }
0x3e1: {  	s29 =	sadd.s32 $0x20, s29;
	s30 =	sadd.s32 $0x20, s30;
	s0 =	sadd.s32 $0x600, s0  }
0x3e2: {  	[hbm4b:s0+s4] =	stream.linear.scatter [tilespmem:s20], [sflag:$0x2], $0x3000, $0x38;
	[tilespmem:$0x13A00] =	vst v63  }
0x3e3: {  	s0 =	simm.s32 $0x1  }
0x3e4: {  	_ =	swait.ge [sflag:s0], $0x3000  }
0x3e5: {  	[sflag:s0] =	ssyncset.done $0x0  }
0x3e6: {  	[sflag:s0] =	ssyncadd.s32 $0xFFFFD000  }
0x3e7: {  	_ =	swait.ge [sflag:s0], $0x3000  }
0x3e8: {  	[sflag:s0] =	ssyncset.done $0x0  }
0x3e9: {  	[sflag:s0] =	ssyncadd.s32 $0xFFFFD000  }
0x3ea: {  	_ =	swait.ge [sflag:s22], $0x3000  }
0x3eb: {  	[sflag:s22] =	ssyncset.done $0x0  }
0x3ec: {  	[sflag:s22] =	ssyncadd.s32 $0xFFFFD000  }
0x3ed: {  	_ =	swait.ge [sflag:s22], $0x3000  }
0x3ee: {  	s23 =	sadd.s32 $0x1, s23;
	s31 =	rddreg [dreg:$0x7]  }
0x3ef: {  	p0 =	sne.s32 s23, s31  }
.Ltmp4:
0x3f0: {  	_ = 	snop;
	(pc) =	sbr.rel @p0 .LBB2_1-.Ltmp4, $3  }
0x3f1: {  	_ =	sdelay $0x1  }
0x3f2: {  	[sflag:s22] =	ssyncset.done $0x0  }
0x3f3: {  	[sflag:s22] =	ssyncadd.s32 $0xFFFFD000  }
0x3f4: {  	_ =	sfence.sel $0x180000  }
0x3f5: {  	[bflag:$0x0] =	sbarrier.arrive $0xFFFF  }
0x3f6: {  	_ =	strace $0x90000047  }
0x3f7: {  	s0 =	stileid.u32;
	[bflag:$0x2] =	sbarrier.arrive $0xFFFF  }
0x3f8: {  	p0 =	sne.s32 s0, $0x0;
	s0 =	rddreg [dreg:$0x2]  }
0x3f9: {  	s0 =	sadd.s32 @!p0 $0x100000, s0  }
0x3fa: {  	[sflag:s0] =	ssyncadd.tile.s32 @!p0 $0x1;
	_ =	shalt  }
.Lfunc_end2:
_tile_overlayer_lowered:
.L_overlay_start_2:
0x3fb: {  	(tag) =	ssettag $0x2  }
0x3fc: {  	s0 =	rddreg [dreg:$0x0];
	s2 =	stileid.u32  }
0x3fd: {  	s1 =	rddreg [dreg:$0x1];
	p0 =	sne.s32 s2, $0x0  }
0x3fe: {  	s3 =	rddreg [dreg:$0x2];
	[bflag:$0x3] =	sbarrier.arrive $0xFFFF;
	s2 =	simm.s32 @!p0 $0x1C04  }
0x3ff: {  	[timem:s3], [sflag:s2] =	dma.local @!p0 [hbm:s0], s1  }
0x400: {  	s0 =	simm.s32 @!p0 $0x4  }
0x401: {  	_ =	swait.ge @!p0 [sflag:s0], s1  }
0x402: {  	s1 =	ssub.s32 @!p0 $0x0, s1;
	[sflag:s0] =	ssyncset.done @!p0 $0x0  }
0x403: {  	[sflag:s0] =	ssyncadd.s32 @!p0 s1  }
0x404: {  	[bflag:$0x3] =	sbarrier.arrive $0xFFFF  }
0x405: {  	_ =	shalt  }

</sc_bundles>
